<compile_context>
chip_gen: v7x
topology: tpu7x:2x2x1
jax: 0.10.2.dev20260603
libtpu: 0.0.44.dev20260713+nightly
codegen_flags: <defaults>
</compile_context>

<pallas_src>
import functools

import jax
import jax.numpy as jnp
from jax import lax
from jax.experimental import pallas as pl
from jax.experimental.pallas import tpu as pltpu
from jax.experimental.pallas import tpu_sc as plsc

N_U = 5000
N_I = 5000
D = 128
E = 320000
B = 4096
TEMP = 0.2
LAMBDA_1 = 0.2
LAMBDA_2 = 1e-07

NP = 5120
D2 = 256
BA = 1024
NBLK = NP // BA

_CH = 320
_NCHUNK = NP // _CH
_CHW = _CH * NP
_EPT = E // 16
_ESUB = 2000
_NSUB = _EPT // _ESUB
_ZB = 3200
_STRIPE = _CHW // 16
_DUMP = _CHW
_RPT = _CH // 16


def _densify(rows, cols, vals):
    mesh = plsc.VectorSubcoreMesh(core_axis_name="c", subcore_axis_name="s")

    @functools.partial(
        pl.kernel,
        out_type=jax.ShapeDtypeStruct((NP, NP), jnp.float32),
        mesh=mesh,
        scratch_types=[
            [pltpu.VMEM((_ESUB,), jnp.int32)] * 3,
            [pltpu.VMEM((_ESUB,), jnp.int32)] * 3,
            [pltpu.VMEM((_ESUB,), jnp.float32)] * 3,
            [pltpu.VMEM((_ESUB,), jnp.int32)] * 3,
            pltpu.VMEM((_ZB,), jnp.float32),
            pltpu.VMEM_SHARED((_CHW + 1024,), jnp.float32),
            pltpu.SemaphoreType.DMA,
            pltpu.SemaphoreType.DMA,
            pltpu.SemaphoreType.DMA,
        ],
    )
    def k(rows_hbm, cols_hbm, vals_hbm, a_hbm, r_v, c_v, v_v, i_v, z_v, s_sh,
          sem_e, sem_s, sem_z):
        cid = lax.axis_index("c")
        sid = lax.axis_index("s")

        def zfill(t, _):
            z_v[pl.ds(t * 16, 16)] = jnp.zeros((16,), jnp.float32)
            return _
        lax.fori_loop(0, _ZB // 16, zfill, 0)

        def load_edges(s):
            b = s % 3
            ebase = sid * _EPT + s * _ESUB
            return (pltpu.async_copy(rows_hbm.at[pl.ds(ebase, _ESUB)],
                                     r_v[b], sem_e),
                    pltpu.async_copy(cols_hbm.at[pl.ds(ebase, _ESUB)],
                                     c_v[b], sem_e),
                    pltpu.async_copy(vals_hbm.at[pl.ds(ebase, _ESUB)],
                                     v_v[b], sem_e))

        def chunk_body(kk, _):
            chunk = 2 * kk + cid
            lo = chunk * _CH
            hi = lo + _CH
            eh = load_edges(0)
            zh = [pltpu.async_copy(
                      z_v, s_sh.at[pl.ds(sid * _STRIPE + t * _ZB, _ZB)],
                      sem_z)
                  for t in range(_STRIPE // _ZB)]
            for h in zh:
                h.wait()
            plsc.subcore_barrier()

            sh = [None, None, None]
            for s in range(_NSUB):
                b = s % 3
                for h in eh:
                    h.wait()
                if s + 1 < _NSUB:
                    nb = (s + 1) % 3
                    if sh[nb] is not None:
                        sh[nb].wait()
                        sh[nb] = None
                    eh = load_edges(s + 1)

                def mkidx(t, __):
                    r = r_v[b][pl.ds(t * 16, 16)]
                    c = c_v[b][pl.ds(t * 16, 16)]
                    inr = (r >= lo) & (r < hi)
                    flat = jnp.where(inr, (r - lo) * NP + c,
                                     _DUMP + (c & 1023))
                    i_v[b][pl.ds(t * 16, 16)] = flat
                    return __
                lax.fori_loop(0, _ESUB // 16, mkidx, 0, unroll=2)
                sh[b] = pltpu.async_copy(v_v[b], s_sh.at[i_v[b]], sem_s,
                                         add=True)
            for h in sh:
                if h is not None:
                    h.wait()
            plsc.subcore_barrier()
            oh = [pltpu.async_copy(
                      s_sh.at[pl.ds((sid * _RPT + rr) * NP, NP)],
                      a_hbm.at[chunk * _CH + sid * _RPT + rr], sem_z)
                  for rr in range(_RPT)]
            for h in oh:
                h.wait()
            plsc.subcore_barrier()
            return _
        lax.fori_loop(0, _NCHUNK // 2, chunk_body, 0)

    return k(rows, cols, vals)


def _gather6(egn, edn, egs, eds, uids, iids, pos, neg):
    mesh = plsc.VectorSubcoreMesh(core_axis_name="c", subcore_axis_name="s")
    bpw = B // 32
    out_sd = jax.ShapeDtypeStruct((B, D), jnp.float32)

    @functools.partial(
        pl.kernel,
        out_type=(out_sd,) * 6,
        mesh=mesh,
        scratch_types=[
            pltpu.VMEM((bpw,), jnp.int32),
            pltpu.VMEM((bpw, D), jnp.float32),
            pltpu.SemaphoreType.DMA,
        ],
    )
    def k(egn_h, edn_h, egs_h, eds_h, u_h, i_h, p_h, n_h,
          o_egnu, o_ednp, o_ednn, o_egsu, o_edsi, o_edni,
          idx_v, rows_v, sem):
        wid = lax.axis_index("s") * 2 + lax.axis_index("c")
        base = wid * bpw
        for tab, ih, out in ((egn_h, u_h, o_egnu), (edn_h, p_h, o_ednp),
                             (edn_h, n_h, o_ednn), (egs_h, u_h, o_egsu),
                             (eds_h, i_h, o_edsi), (edn_h, i_h, o_edni)):
            pltpu.sync_copy(ih.at[pl.ds(base, bpw)], idx_v)
            pltpu.async_copy(tab.at[idx_v], rows_v, sem).wait()
            pltpu.sync_copy(rows_v, out.at[pl.ds(base, bpw)])

    return k(egn, edn, egs, eds, uids, iids, pos, neg)


def _prop_body(a_ref, u0_ref, v0_ref, usum_ref, vsum_ref, psum_ref,
               up, vp, uc, vc):
    l = pl.program_id(0)
    i = pl.program_id(1)
    j = pl.program_id(2)

    @pl.when((l == 0) & (i == 0) & (j == 0))
    def _init():
        up[...] = u0_ref[...]
        vp[...] = v0_ref[...]
        usum_ref[...] = u0_ref[...]
        vsum_ref[...] = v0_ref[...]
        uc[...] = jnp.zeros_like(uc)
        vc[...] = jnp.zeros_like(vc)
        u0 = u0_ref[...]
        v0 = v0_ref[...]
        psum_ref[0, 0] = jnp.sum(u0 * u0) + jnp.sum(v0 * v0)

    @pl.when((l == 1) & (i == 0) & (j == 0))
    def _rotate():
        usum_ref[...] += uc[...]
        vsum_ref[...] += vc[...]
        up[...] = uc[...]
        vp[...] = vc[...]
        uc[...] = jnp.zeros_like(uc)
        vc[...] = jnp.zeros_like(vc)

    a = a_ref[...].astype(jnp.bfloat16)
    vblk = vp[pl.ds(j * BA, BA), :].astype(jnp.bfloat16)
    ublk = up[pl.ds(i * BA, BA), :].astype(jnp.bfloat16)
    uc[pl.ds(i * BA, BA), :] += lax.dot_general(
        a, vblk, (((1,), (0,)), ((), ())), preferred_element_type=jnp.float32)
    vc[pl.ds(j * BA, BA), :] += lax.dot_general(
        a, ublk, (((0,), (0,)), ((), ())), preferred_element_type=jnp.float32)

    @pl.when((l == 1) & (i == NBLK - 1) & (j == NBLK - 1))
    def _fin():
        usum_ref[...] += uc[...]
        vsum_ref[...] += vc[...]


def _propagate(ad, u0p, v0p):
    sd = jax.ShapeDtypeStruct((NP, D2), jnp.float32)
    return pl.pallas_call(
        _prop_body,
        grid=(2, NBLK, NBLK),
        in_specs=[
            pl.BlockSpec((BA, BA), lambda l, i, j: (i, j)),
            pl.BlockSpec((NP, D2), lambda l, i, j: (0, 0)),
            pl.BlockSpec((NP, D2), lambda l, i, j: (0, 0)),
        ],
        out_specs=[
            pl.BlockSpec((NP, D2), lambda l, i, j: (0, 0)),
            pl.BlockSpec((NP, D2), lambda l, i, j: (0, 0)),
            pl.BlockSpec(memory_space=pltpu.SMEM),
        ],
        out_shape=(sd, sd, jax.ShapeDtypeStruct((1, 1), jnp.float32)),
        scratch_shapes=[pltpu.VMEM((NP, D2), jnp.float32)] * 4,
        compiler_params=pltpu.CompilerParams(vmem_limit_bytes=100 * 2**20),
    )(ad, u0p, v0p)


def _dot_t(x, w):
    return lax.dot_general(x, w, (((1,), (1,)), ((), ())),
                           preferred_element_type=jnp.float32)


def _softplus(x):
    return jnp.maximum(x, 0.0) + jnp.log1p(jnp.exp(-jnp.abs(x)))


def _cons_body(egs_ref, egn_ref, wq1, bq1, wq2, bq2, wk1, bk1, wk2, bk2,
               out_ref):
    q = jnp.maximum(_dot_t(egs_ref[...], wq1[...]) + bq1[...], 0.0)
    q = _dot_t(q, wq2[...]) + bq2[...]
    k = jnp.maximum(_dot_t(egn_ref[...], wk1[...]) + bk1[...], 0.0)
    k = _dot_t(k, wk2[...]) + bk2[...]
    qn = jnp.sqrt(jnp.sum(q * q, axis=1, keepdims=True))
    kn = jnp.sqrt(jnp.sum(k * k, axis=1, keepdims=True))
    q = q / jnp.maximum(qn, 1e-12)
    k = k / jnp.maximum(kn, 1e-12)
    d = jnp.sum(q * k, axis=1)
    out_ref[0, 0] = jnp.sum((d - 1.0) ** 2) / N_U
    out_ref[0, 1] = sum(jnp.sum(w[...] * w[...])
                        for w in (wq1, bq1, wq2, bq2, wk1, bk1, wk2, bk2))


def _consistency(egs, egn, qmlp, kmlp):
    args = [egs, egn,
            qmlp[0]["W"], qmlp[0]["b"][None, :], qmlp[1]["W"], qmlp[1]["b"][None, :],
            kmlp[0]["W"], kmlp[0]["b"][None, :], kmlp[1]["W"], kmlp[1]["b"][None, :]]
    out = pl.pallas_call(
        _cons_body,
        out_specs=pl.BlockSpec(memory_space=pltpu.SMEM),
        out_shape=jax.ShapeDtypeStruct((1, 2), jnp.float32),
    )(*args)
    return out[0, 0], out[0, 1]


def _bpr_body(u_ref, p_ref, n_ref, w1u, w1p, b1, w2, b2, w3, b3, out_ref):
    def score(e_ref):
        h = jnp.maximum(_dot_t(u_ref[...], w1u[...]) +
                        _dot_t(e_ref[...], w1p[...]) + b1[...], 0.0)
        h = jnp.maximum(_dot_t(h, w2[...]) + b2[...], 0.0)
        return jnp.sum(h * w3[...], axis=1) + b3[0, 0]
    sp = score(p_ref)
    sn = score(n_ref)
    lr = (jnp.sum(_softplus(-sp)) + jnp.sum(_softplus(sn)) +
          jnp.sum(_softplus(-(sp - sn)))) / B
    out_ref[0, 0] = lr
    out_ref[0, 1] = sum(jnp.sum(w[...] * w[...])
                        for w in (w1u, w1p, b1, w2, b2, w3, b3))


def _bpr(u_emb, pos_emb, neg_emb, cmlp):
    w1 = cmlp[0]["W"]
    args = [u_emb, pos_emb, neg_emb,
            w1[:, :D], w1[:, D:], cmlp[0]["b"][None, :],
            cmlp[1]["W"], cmlp[1]["b"][None, :],
            cmlp[2]["W"], cmlp[2]["b"][None, :]]
    out = pl.pallas_call(
        _bpr_body,
        out_specs=pl.BlockSpec(memory_space=pltpu.SMEM),
        out_shape=jax.ShapeDtypeStruct((1, 2), jnp.float32),
    )(*args)
    return out[0, 0], out[0, 1]


_CB = 512


def _contr_body(gsu_ref, egn_ref, dsi_ref, edn_ref, egnu_ref, edni_ref,
                out_ref):
    b = pl.program_id(0)

    @pl.when(b == 0)
    def _():
        out_ref[0, 0] = 0.0
        out_ref[0, 1] = 0.0

    lu = _dot_t(gsu_ref[...], egn_ref[...]) * (1.0 / TEMP)
    su = jnp.sum(jnp.exp(lu), axis=1)
    li = _dot_t(dsi_ref[...], edn_ref[...]) * (1.0 / TEMP)
    si = jnp.sum(jnp.exp(li), axis=1)
    neg = jnp.sum(jnp.log(su + 1e-8)) + jnp.sum(jnp.log(si + 1e-8))
    pu = jnp.clip(jnp.sum(gsu_ref[...] * egnu_ref[...], axis=1) * (1.0 / TEMP),
                  -5.0, 5.0)
    pi = jnp.clip(jnp.sum(dsi_ref[...] * edni_ref[...], axis=1) * (1.0 / TEMP),
                  -5.0, 5.0)
    out_ref[0, 0] += neg
    out_ref[0, 1] += jnp.sum(pu) + jnp.sum(pi)


def _contrastive(egs_u, egn, eds_i, edn, egn_u, edn_i):
    blk = lambda b: (b, 0)
    full = lambda b: (0, 0)
    out = pl.pallas_call(
        _contr_body,
        grid=(B // _CB,),
        in_specs=[
            pl.BlockSpec((_CB, D), blk),
            pl.BlockSpec((N_U, D), full),
            pl.BlockSpec((_CB, D), blk),
            pl.BlockSpec((N_I, D), full),
            pl.BlockSpec((_CB, D), blk),
            pl.BlockSpec((_CB, D), blk),
        ],
        out_specs=pl.BlockSpec(memory_space=pltpu.SMEM),
        out_shape=jax.ShapeDtypeStruct((1, 2), jnp.float32),
        compiler_params=pltpu.CompilerParams(vmem_limit_bytes=100 * 2**20),
    )(egs_u, egn, eds_i, edn, egn_u, edn_i)
    neg_sum, pos_sum = out[0, 0], out[0, 1]
    return -pos_sum / B + neg_sum / B


def _sumsq_body(*refs):
    out_ref = refs[-1]
    acc = jnp.float32(0.0)
    for r in refs[:-1]:
        x = r[...]
        acc += jnp.sum(x * x)
    out_ref[0, 0] = acc


def _sumsq(leaves):
    args = [p.reshape(1, -1) if p.ndim < 2 else p for p in leaves]
    return pl.pallas_call(
        _sumsq_body,
        out_specs=pl.BlockSpec(memory_space=pltpu.SMEM),
        out_shape=jax.ShapeDtypeStruct((1, 1), jnp.float32),
        compiler_params=pltpu.CompilerParams(vmem_limit_bytes=100 * 2**20),
    )(*args)[0, 0]


def kernel(uids, iids, pos, neg, adj_indices, adj_values, params):
    rows = adj_indices[0]
    cols = adj_indices[1]

    ad = _densify(rows, cols, adj_values)

    u0 = jnp.concatenate([params["E_g_GNN_0"], params["E_g_SVD_0"]], axis=1)
    v0 = jnp.concatenate([params["E_d_GNN_0"], params["E_d_SVD_0"]], axis=1)
    u0p = jnp.pad(u0, ((0, NP - N_U), (0, 0)))
    v0p = jnp.pad(v0, ((0, NP - N_I), (0, 0)))

    usum, vsum, psumsq = _propagate(ad, u0p, v0p)
    egn = usum[:N_U, :D]
    egs = usum[:N_U, D:]
    edn = vsum[:N_I, :D]
    eds = vsum[:N_I, D:]

    egn_u, edn_p, edn_n, egs_u, eds_i, edn_i = _gather6(
        egn, edn, egs, eds, uids, iids, pos, neg)

    cons, csumsq = _consistency(egs, egn, params["query_mlp"], params["key_mlp"])
    loss_r, bsumsq = _bpr(egn_u, edn_p, edn_n, params["concat_mlp"])
    loss_s = _contrastive(egs_u, egn, eds_i, edn, egn_u, edn_i)

    rest = []
    for name in ("mlp1", "mlp2", "diffusion", "decoder_g", "decoder_d"):
        for layer in params[name]:
            rest.extend([layer["W"], layer["b"]])
    rest.extend([params["codebook_g"], params["codebook_d"]])
    loss_reg = (_sumsq(rest) + psumsq[0, 0] + csumsq + bsumsq) * LAMBDA_2

    ls = LAMBDA_1 * loss_s
    loss = loss_reg + ls + cons + loss_r
    return (loss, loss_r, ls)

# --- scband reference (transcript-rebuilt; emitter-appended) ---
"""Pipeline reference for scband-sgcldga-81423989997960 (READ-ONLY COPY).

The authoritative reference and input builder live on the scoring server;
editing this copy changes nothing except your own understanding.
"""

import jax, jax.numpy as jnp
import numpy as np

N_U = 5000
N_I = 5000
D = 128
E = 320000
B = 4096
L = 2
TEMP = 0.2
LAMBDA_1 = 0.2
LAMBDA_2 = 1e-07


def _xavier(key, shape):
    bound = float(np.sqrt(6.0 / (shape[0] + shape[1])))
    return jax.random.uniform(key, shape, minval=-bound, maxval=bound, dtype=jnp.float32)


def _linear_init(key, fan_in, fan_out):
    k1, k2 = jax.random.split(key)
    bound = float(1.0 / np.sqrt(fan_in))
    return {"W": jax.random.uniform(k1, (fan_out, fan_in), minval=-bound, maxval=bound, dtype=jnp.float32),
            "b": jax.random.uniform(k2, (fan_out,), minval=-bound, maxval=bound, dtype=jnp.float32)}


def _mlp_init(key, dims):
    keys = jax.random.split(key, len(dims) - 1)
    return [_linear_init(keys[i], dims[i], dims[i + 1]) for i in range(len(dims) - 1)]


def _linear(p, x):
    return x @ p["W"].T + p["b"]


def _mlp(ps, x):
    for i, p in enumerate(ps):
        x = _linear(p, x)
        if i < len(ps) - 1:
            x = jax.nn.relu(x)
    return x


def _normalize(x):
    n = jnp.linalg.norm(x, axis=-1, keepdims=True)
    return x / jnp.maximum(n, 1e-12)


def setup_inputs(seed: int = 0):
    key = jax.random.key(seed)
    ks = jax.random.split(key, 32)
    uids = jax.random.randint(ks[0], (B,), 0, N_U, dtype=jnp.int32)
    iids = jax.random.randint(ks[1], (B,), 0, N_I, dtype=jnp.int32)
    pos = jax.random.randint(ks[2], (B,), 0, N_I, dtype=jnp.int32)
    neg = jax.random.randint(ks[3], (B,), 0, N_I, dtype=jnp.int32)
    rows = jax.random.randint(ks[21], (E,), 0, N_U, dtype=jnp.int32)
    cols = jax.random.randint(ks[22], (E,), 0, N_I, dtype=jnp.int32)
    adj_indices = jnp.stack([rows, cols])
    adj_values = jax.random.uniform(ks[23], (E,), dtype=jnp.float32) * (1.0 / 16.0)
    params = {
        "E_g_GNN_0": _xavier(ks[4], (N_U, D)),
        "E_d_GNN_0": _xavier(ks[5], (N_I, D)),
        "E_g_SVD_0": _xavier(ks[6], (N_U, D)),
        "E_d_SVD_0": _xavier(ks[7], (N_I, D)),
        "mlp1": _mlp_init(ks[8], [639, 1280, 1280, D]),
        "mlp2": _mlp_init(ks[9], [120, 256, 256, D]),
        "query_mlp": _mlp_init(ks[10], [D, 128, 32]),
        "key_mlp": _mlp_init(ks[11], [D, 128, 32]),
        "query_mlp1": _mlp_init(ks[12], [D, 128, 32]),
        "key_mlp1": _mlp_init(ks[13], [D, 128, 32]),
        "decoder_g": _mlp_init(ks[14], [D, D, D]),
        "decoder_d": _mlp_init(ks[15], [D, D, D]),
        "diffusion": _mlp_init(ks[16], [D + 1, 256, 256, D]),
        "concat_mlp": _mlp_init(ks[17], [2 * D, D, D, 1]),
        "concat_mlp1": _mlp_init(ks[18], [2 * D, D, D, 1]),
        "codebook_g": _xavier(ks[19], (128, D)),
        "codebook_d": _xavier(ks[20], (128, D)),
    }
    return {"uids": uids, "iids": iids, "pos": pos, "neg": neg,
            "adj_indices": adj_indices, "adj_values": adj_values, "params": params}


def reference(uids, iids, pos, neg, adj_indices, adj_values, params):
    rows = adj_indices[0]
    cols = adj_indices[1]

    def spmm(r, c, vals, mat, n_rows):
        return jax.ops.segment_sum(mat[c] * vals[:, None], r, num_segments=n_rows)

    Eg = [params["E_g_GNN_0"]]
    Ed = [params["E_d_GNN_0"]]
    Gs = [params["E_g_SVD_0"]]
    Ds = [params["E_d_SVD_0"]]
    for layer in range(1, L + 1):
        Eg.append(spmm(rows, cols, adj_values, Ed[layer - 1], N_U))
        Ed.append(spmm(cols, rows, adj_values, Eg[layer - 1], N_I))
        Gs.append(spmm(rows, cols, adj_values, Ds[layer - 1], N_U))
        Ds.append(spmm(cols, rows, adj_values, Gs[layer - 1], N_I))
    E_g_SVD = sum(Gs)
    E_d_SVD = sum(Ds)
    E_g_GNN = sum(Eg)
    E_d_GNN = sum(Ed)

    Q = _normalize(_mlp(params["query_mlp"], E_g_SVD))
    K = _normalize(_mlp(params["key_mlp"], E_g_GNN))
    A = Q @ K.T
    A_diag = jnp.diagonal(A)
    consistency_loss = jnp.mean((A_diag - 1.0) ** 2)

    u_emb = E_g_GNN[uids]
    pos_emb = E_d_GNN[pos]
    neg_emb = E_d_GNN[neg]
    u_pos_concat = jnp.concatenate([u_emb, pos_emb], axis=-1)
    u_neg_concat = jnp.concatenate([u_emb, neg_emb], axis=-1)
    pos_scores = _mlp(params["concat_mlp"], u_pos_concat)[:, 0]
    neg_scores = _mlp(params["concat_mlp"], u_neg_concat)[:, 0]
    loss_pos = jnp.mean(jax.nn.softplus(-pos_scores))
    loss_neg = jnp.mean(jax.nn.softplus(neg_scores))
    loss_r = loss_pos + loss_neg
    loss_r = -jnp.mean(jnp.log(jax.nn.sigmoid(pos_scores - neg_scores))) + loss_r

    neg_score = jnp.mean(jnp.log(jnp.sum(jnp.exp(E_g_SVD[uids] @ E_g_GNN.T / TEMP), axis=1) + 1e-08))
    neg_score = neg_score + jnp.mean(jnp.log(jnp.sum(jnp.exp(E_d_SVD[iids] @ E_d_GNN.T / TEMP), axis=1) + 1e-08))
    pos_score = jnp.mean(jnp.clip(jnp.sum(E_g_SVD[uids] * E_g_GNN[uids], axis=1) / TEMP, -5.0, 5.0)) \
        + jnp.mean(jnp.clip(jnp.sum(E_d_SVD[iids] * E_d_GNN[iids], axis=1) / TEMP, -5.0, 5.0))
    loss_s = -pos_score + neg_score

    loss_reg = sum(jnp.sum(p ** 2) for p in jax.tree_util.tree_leaves(params)) * LAMBDA_2

    loss = loss_reg + LAMBDA_1 * loss_s + consistency_loss + loss_r
    return (loss, loss_r, LAMBDA_1 * loss_s)

if __name__ == "__main__":
    import jax
    _d = setup_inputs()
    print(jax.jit(kernel)(*tuple(_d.values())))

</pallas_src>

<mosaic_0001>
#map = affine_map<(d0, d1) -> (0)>
#map1 = affine_map<(d0, d1) -> (0, 0)>
module attributes {stable_mosaic.version = 14 : i64} {
  func.func @k(%arg0: i32, %arg1: i32, %arg2: memref<320000xi32, #tpu.memory_space<hbm>>, %arg3: memref<320000xi32, #tpu.memory_space<hbm>>, %arg4: memref<320000xf32, #tpu.memory_space<hbm>>, %arg5: memref<5120x5120xf32, #tpu.memory_space<hbm>>, %arg6: memref<2000xi32, #tpu.memory_space<vmem>>, %arg7: memref<2000xi32, #tpu.memory_space<vmem>>, %arg8: memref<2000xi32, #tpu.memory_space<vmem>>, %arg9: memref<2000xi32, #tpu.memory_space<vmem>>, %arg10: memref<2000xi32, #tpu.memory_space<vmem>>, %arg11: memref<2000xi32, #tpu.memory_space<vmem>>, %arg12: memref<2000xf32, #tpu.memory_space<vmem>>, %arg13: memref<2000xf32, #tpu.memory_space<vmem>>, %arg14: memref<2000xf32, #tpu.memory_space<vmem>>, %arg15: memref<2000xi32, #tpu.memory_space<vmem>>, %arg16: memref<2000xi32, #tpu.memory_space<vmem>>, %arg17: memref<2000xi32, #tpu.memory_space<vmem>>, %arg18: memref<3200xf32, #tpu.memory_space<vmem>>, %arg19: memref<1639424xf32, #tpu.memory_space<vmem_shared>>, %arg20: memref<!tpu.dma_semaphore, #tpu.memory_space<semaphore_mem>>, %arg21: memref<!tpu.dma_semaphore, #tpu.memory_space<semaphore_mem>>, %arg22: memref<!tpu.dma_semaphore, #tpu.memory_space<semaphore_mem>>) attributes {dimension_semantics = [#tpu.dimension_semantics<core_parallel>, #tpu.dimension_semantics<subcore_parallel>], iteration_bounds = array<i64: 2, 16>, scalar_prefetch = 0 : i64, scratch_operands = 17 : i64, tpu.core_type = #tpu.core_type<sc_vector_subcore>, window_params = [{transform_indices = #map}, {transform_indices = #map}, {transform_indices = #map}, {transform_indices = #map1}]} {
    %scan3A = arith.constant 0 : i32
    %scan3A_0 = arith.constant 0 : i32
    %scan3A_1 = arith.constant 200 : i32
    %scan3A_2 = arith.addi %scan3A_0, %scan3A_1 : i32
    %scan3A_3 = arith.constant 1 : i32
    scf.for %scan3A_11 = %scan3A_0 to %scan3A_2 step %scan3A_3  : i32 {
      %broadcast_in_dim3A = arith.constant 0.000000e+00 : f32
      %broadcast_in_dim3A_12 = vector.broadcast %broadcast_in_dim3A : f32 to vector<16xf32>
      %mul3A = arith.constant 16 : i32
      %mul3A_13 = arith.muli %scan3A_11, %mul3A : i32
      %swap3A = arith.index_cast %mul3A_13 : i32 to index
      %swap3A_14 = tpu.vector_load %arg18[%swap3A] {strides = array<i32>} : memref<3200xf32, #tpu.memory_space<vmem>>, vector<16xf32>,
      %swap3A_15 = vector.shape_cast %swap3A_14 : vector<16xf32> to vector<16xf32>
      %swap3A_16 = vector.shape_cast %broadcast_in_dim3A_12 : vector<16xf32> to vector<16xf32>
      tpu.vector_store %arg18[%swap3A], %swap3A_16 {strides = array<i32>} : memref<3200xf32, #tpu.memory_space<vmem>>, vector<16xf32>,
    }
    %scan3A_4 = arith.constant 200 : i32
    %scan3A_5 = arith.constant 0 : i32
    %scan3A_6 = arith.constant 0 : i32
    %scan3A_7 = arith.constant 8 : i32
    %scan3A_8 = arith.addi %scan3A_6, %scan3A_7 : i32
    %scan3A_9 = arith.constant 1 : i32
    scf.for %scan3A_11 = %scan3A_6 to %scan3A_8 step %scan3A_9  : i32 {
      %mul3A = arith.constant 2 : i32
      %mul3A_12 = arith.muli %mul3A, %scan3A_11 : i32
      %add3A = arith.addi %mul3A_12, %arg0 : i32
      %mul3A_13 = arith.constant 320 : i32
      %mul3A_14 = arith.muli %add3A, %mul3A_13 : i32
      %add3A_15 = arith.constant 320 : i32
      %add3A_16 = arith.addi %mul3A_14, %add3A_15 : i32
      %mul3A_17 = arith.constant 20000 : i32
      %mul3A_18 = arith.muli %arg1, %mul3A_17 : i32
      %add3A_19 = arith.constant 0 : i32
      %add3A_20 = arith.addi %mul3A_18, %add3A_19 : i32
      %dma_start3A = tpu.memref_slice %arg2[%add3A_20] : memref<320000xi32, #tpu.memory_space<hbm>> -> memref<2000xi32, #tpu.memory_space<hbm>>
      %dma_start3A_21 = tpu.memref_slice %arg2[%add3A_20] : memref<320000xi32, #tpu.memory_space<hbm>> -> memref<2000xi32, #tpu.memory_space<hbm>>
      tpu.enqueue_dma source(%dma_start3A_21 : memref<2000xi32, #tpu.memory_space<hbm>>) target(%arg6 : memref<2000xi32, #tpu.memory_space<vmem>>) target_semaphore(%arg20 : memref<!tpu.dma_semaphore, #tpu.memory_space<semaphore_mem>>)
      %dma_start3A_22 = tpu.memref_slice %arg3[%add3A_20] : memref<320000xi32, #tpu.memory_space<hbm>> -> memref<2000xi32, #tpu.memory_space<hbm>>
      %dma_start3A_23 = tpu.memref_slice %arg3[%add3A_20] : memref<320000xi32, #tpu.memory_space<hbm>> -> memref<2000xi32, #tpu.memory_space<hbm>>
      tpu.enqueue_dma source(%dma_start3A_23 : memref<2000xi32, #tpu.memory_space<hbm>>) target(%arg9 : memref<2000xi32, #tpu.memory_space<vmem>>) target_semaphore(%arg20 : memref<!tpu.dma_semaphore, #tpu.memory_space<semaphore_mem>>)
      %dma_start3A_24 = tpu.memref_slice %arg4[%add3A_20] : memref<320000xf32, #tpu.memory_space<hbm>> -> memref<2000xf32, #tpu.memory_space<hbm>>
      %dma_start3A_25 = tpu.memref_slice %arg4[%add3A_20] : memref<320000xf32, #tpu.memory_space<hbm>> -> memref<2000xf32, #tpu.memory_space<hbm>>
      tpu.enqueue_dma source(%dma_start3A_25 : memref<2000xf32, #tpu.memory_space<hbm>>) target(%arg12 : memref<2000xf32, #tpu.memory_space<vmem>>) target_semaphore(%arg20 : memref<!tpu.dma_semaphore, #tpu.memory_space<semaphore_mem>>)
      %mul3A_26 = arith.constant 102400 : i32
      %mul3A_27 = arith.muli %arg1, %mul3A_26 : i32
      %add3A_28 = arith.constant 0 : i32
      %add3A_29 = arith.addi %mul3A_27, %add3A_28 : i32
      %dma_start3A_30 = tpu.memref_slice %arg19[%add3A_29] : memref<1639424xf32, #tpu.memory_space<vmem_shared>> -> memref<3200xf32, #tpu.memory_space<vmem_shared>>
      %dma_start3A_31 = tpu.memref_slice %arg19[%add3A_29] : memref<1639424xf32, #tpu.memory_space<vmem_shared>> -> memref<3200xf32, #tpu.memory_space<vmem_shared>>
      tpu.enqueue_dma source(%arg18 : memref<3200xf32, #tpu.memory_space<vmem>>) target(%dma_start3A_31 : memref<3200xf32, #tpu.memory_space<vmem_shared>>) target_semaphore(%arg22 : memref<!tpu.dma_semaphore, #tpu.memory_space<semaphore_mem>>)
      %mul3A_32 = arith.constant 102400 : i32
      %mul3A_33 = arith.muli %arg1, %mul3A_32 : i32
      %add3A_34 = arith.constant 3200 : i32
      %add3A_35 = arith.addi %mul3A_33, %add3A_34 : i32
      %dma_start3A_36 = tpu.memref_slice %arg19[%add3A_35] : memref<1639424xf32, #tpu.memory_space<vmem_shared>> -> memref<3200xf32, #tpu.memory_space<vmem_shared>>
      %dma_start3A_37 = tpu.memref_slice %arg19[%add3A_35] : memref<1639424xf32, #tpu.memory_space<vmem_shared>> -> memref<3200xf32, #tpu.memory_space<vmem_shared>>
      tpu.enqueue_dma source(%arg18 : memref<3200xf32, #tpu.memory_space<vmem>>) target(%dma_start3A_37 : memref<3200xf32, #tpu.memory_space<vmem_shared>>) target_semaphore(%arg22 : memref<!tpu.dma_semaphore, #tpu.memory_space<semaphore_mem>>)
      %mul3A_38 = arith.constant 102400 : i32
      %mul3A_39 = arith.muli %arg1, %mul3A_38 : i32
      %add3A_40 = arith.constant 6400 : i32
      %add3A_41 = arith.addi %mul3A_39, %add3A_40 : i32
      %dma_start3A_42 = tpu.memref_slice %arg19[%add3A_41] : memref<1639424xf32, #tpu.memory_space<vmem_shared>> -> memref<3200xf32, #tpu.memory_space<vmem_shared>>
      %dma_start3A_43 = tpu.memref_slice %arg19[%add3A_41] : memref<1639424xf32, #tpu.memory_space<vmem_shared>> -> memref<3200xf32, #tpu.memory_space<vmem_shared>>
      tpu.enqueue_dma source(%arg18 : memref<3200xf32, #tpu.memory_space<vmem>>) target(%dma_start3A_43 : memref<3200xf32, #tpu.memory_space<vmem_shared>>) target_semaphore(%arg22 : memref<!tpu.dma_semaphore, #tpu.memory_space<semaphore_mem>>)
      %mul3A_44 = arith.constant 102400 : i32
      %mul3A_45 = arith.muli %arg1, %mul3A_44 : i32
      %add3A_46 = arith.constant 9600 : i32
      %add3A_47 = arith.addi %mul3A_45, %add3A_46 : i32
      %dma_start3A_48 = tpu.memref_slice %arg19[%add3A_47] : memref<1639424xf32, #tpu.memory_space<vmem_shared>> -> memref<3200xf32, #tpu.memory_space<vmem_shared>>
      %dma_start3A_49 = tpu.memref_slice %arg19[%add3A_47] : memref<1639424xf32, #tpu.memory_space<vmem_shared>> -> memref<3200xf32, #tpu.memory_space<vmem_shared>>
      tpu.enqueue_dma source(%arg18 : memref<3200xf32, #tpu.memory_space<vmem>>) target(%dma_start3A_49 : memref<3200xf32, #tpu.memory_space<vmem_shared>>) target_semaphore(%arg22 : memref<!tpu.dma_semaphore, #tpu.memory_space<semaphore_mem>>)
      %mul3A_50 = arith.constant 102400 : i32
      %mul3A_51 = arith.muli %arg1, %mul3A_50 : i32
      %add3A_52 = arith.constant 12800 : i32
      %add3A_53 = arith.addi %mul3A_51, %add3A_52 : i32
      %dma_start3A_54 = tpu.memref_slice %arg19[%add3A_53] : memref<1639424xf32, #tpu.memory_space<vmem_shared>> -> memref<3200xf32, #tpu.memory_space<vmem_shared>>
      %dma_start3A_55 = tpu.memref_slice %arg19[%add3A_53] : memref<1639424xf32, #tpu.memory_space<vmem_shared>> -> memref<3200xf32, #tpu.memory_space<vmem_shared>>
      tpu.enqueue_dma source(%arg18 : memref<3200xf32, #tpu.memory_space<vmem>>) target(%dma_start3A_55 : memref<3200xf32, #tpu.memory_space<vmem_shared>>) target_semaphore(%arg22 : memref<!tpu.dma_semaphore, #tpu.memory_space<semaphore_mem>>)
      %mul3A_56 = arith.constant 102400 : i32
      %mul3A_57 = arith.muli %arg1, %mul3A_56 : i32
      %add3A_58 = arith.constant 16000 : i32
      %add3A_59 = arith.addi %mul3A_57, %add3A_58 : i32
      %dma_start3A_60 = tpu.memref_slice %arg19[%add3A_59] : memref<1639424xf32, #tpu.memory_space<vmem_shared>> -> memref<3200xf32, #tpu.memory_space<vmem_shared>>
      %dma_start3A_61 = tpu.memref_slice %arg19[%add3A_59] : memref<1639424xf32, #tpu.memory_space<vmem_shared>> -> memref<3200xf32, #tpu.memory_space<vmem_shared>>
      tpu.enqueue_dma source(%arg18 : memref<3200xf32, #tpu.memory_space<vmem>>) target(%dma_start3A_61 : memref<3200xf32, #tpu.memory_space<vmem_shared>>) target_semaphore(%arg22 : memref<!tpu.dma_semaphore, #tpu.memory_space<semaphore_mem>>)
      %mul3A_62 = arith.constant 102400 : i32
      %mul3A_63 = arith.muli %arg1, %mul3A_62 : i32
      %add3A_64 = arith.constant 19200 : i32
      %add3A_65 = arith.addi %mul3A_63, %add3A_64 : i32
      %dma_start3A_66 = tpu.memref_slice %arg19[%add3A_65] : memref<1639424xf32, #tpu.memory_space<vmem_shared>> -> memref<3200xf32, #tpu.memory_space<vmem_shared>>
      %dma_start3A_67 = tpu.memref_slice %arg19[%add3A_65] : memref<1639424xf32, #tpu.memory_space<vmem_shared>> -> memref<3200xf32, #tpu.memory_space<vmem_shared>>
      tpu.enqueue_dma source(%arg18 : memref<3200xf32, #tpu.memory_space<vmem>>) target(%dma_start3A_67 : memref<3200xf32, #tpu.memory_space<vmem_shared>>) target_semaphore(%arg22 : memref<!tpu.dma_semaphore, #tpu.memory_space<semaphore_mem>>)
      %mul3A_68 = arith.constant 102400 : i32
      %mul3A_69 = arith.muli %arg1, %mul3A_68 : i32
      %add3A_70 = arith.constant 22400 : i32
      %add3A_71 = arith.addi %mul3A_69, %add3A_70 : i32
      %dma_start3A_72 = tpu.memref_slice %arg19[%add3A_71] : memref<1639424xf32, #tpu.memory_space<vmem_shared>> -> memref<3200xf32, #tpu.memory_space<vmem_shared>>
      %dma_start3A_73 = tpu.memref_slice %arg19[%add3A_71] : memref<1639424xf32, #tpu.memory_space<vmem_shared>> -> memref<3200xf32, #tpu.memory_space<vmem_shared>>
      tpu.enqueue_dma source(%arg18 : memref<3200xf32, #tpu.memory_space<vmem>>) target(%dma_start3A_73 : memref<3200xf32, #tpu.memory_space<vmem_shared>>) target_semaphore(%arg22 : memref<!tpu.dma_semaphore, #tpu.memory_space<semaphore_mem>>)
      %mul3A_74 = arith.constant 102400 : i32
      %mul3A_75 = arith.muli %arg1, %mul3A_74 : i32
      %add3A_76 = arith.constant 25600 : i32
      %add3A_77 = arith.addi %mul3A_75, %add3A_76 : i32
      %dma_start3A_78 = tpu.memref_slice %arg19[%add3A_77] : memref<1639424xf32, #tpu.memory_space<vmem_shared>> -> memref<3200xf32, #tpu.memory_space<vmem_shared>>
      %dma_start3A_79 = tpu.memref_slice %arg19[%add3A_77] : memref<1639424xf32, #tpu.memory_space<vmem_shared>> -> memref<3200xf32, #tpu.memory_space<vmem_shared>>
      tpu.enqueue_dma source(%arg18 : memref<3200xf32, #tpu.memory_space<vmem>>) target(%dma_start3A_79 : memref<3200xf32, #tpu.memory_space<vmem_shared>>) target_semaphore(%arg22 : memref<!tpu.dma_semaphore, #tpu.memory_space<semaphore_mem>>)
      %mul3A_80 = arith.constant 102400 : i32
      %mul3A_81 = arith.muli %arg1, %mul3A_80 : i32
      %add3A_82 = arith.constant 28800 : i32
      %add3A_83 = arith.addi %mul3A_81, %add3A_82 : i32
      %dma_start3A_84 = tpu.memref_slice %arg19[%add3A_83] : memref<1639424xf32, #tpu.memory_space<vmem_shared>> -> memref<3200xf32, #tpu.memory_space<vmem_shared>>
      %dma_start3A_85 = tpu.memref_slice %arg19[%add3A_83] : memref<1639424xf32, #tpu.memory_space<vmem_shared>> -> memref<3200xf32, #tpu.memory_space<vmem_shared>>
      tpu.enqueue_dma source(%arg18 : memref<3200xf32, #tpu.memory_space<vmem>>) target(%dma_start3A_85 : memref<3200xf32, #tpu.memory_space<vmem_shared>>) target_semaphore(%arg22 : memref<!tpu.dma_semaphore, #tpu.memory_space<semaphore_mem>>)
      %mul3A_86 = arith.constant 102400 : i32
      %mul3A_87 = arith.muli %arg1, %mul3A_86 : i32
      %add3A_88 = arith.constant 32000 : i32
      %add3A_89 = arith.addi %mul3A_87, %add3A_88 : i32
      %dma_start3A_90 = tpu.memref_slice %arg19[%add3A_89] : memref<1639424xf32, #tpu.memory_space<vmem_shared>> -> memref<3200xf32, #tpu.memory_space<vmem_shared>>
      %dma_start3A_91 = tpu.memref_slice %arg19[%add3A_89] : memref<1639424xf32, #tpu.memory_space<vmem_shared>> -> memref<3200xf32, #tpu.memory_space<vmem_shared>>
      tpu.enqueue_dma source(%arg18 : memref<3200xf32, #tpu.memory_space<vmem>>) target(%dma_start3A_91 : memref<3200xf32, #tpu.memory_space<vmem_shared>>) target_semaphore(%arg22 : memref<!tpu.dma_semaphore, #tpu.memory_space<semaphore_mem>>)
      %mul3A_92 = arith.constant 102400 : i32
      %mul3A_93 = arith.muli %arg1, %mul3A_92 : i32
      %add3A_94 = arith.constant 35200 : i32
      %add3A_95 = arith.addi %mul3A_93, %add3A_94 : i32
      %dma_start3A_96 = tpu.memref_slice %arg19[%add3A_95] : memref<1639424xf32, #tpu.memory_space<vmem_shared>> -> memref<3200xf32, #tpu.memory_space<vmem_shared>>
      %dma_start3A_97 = tpu.memref_slice %arg19[%add3A_95] : memref<1639424xf32, #tpu.memory_space<vmem_shared>> -> memref<3200xf32, #tpu.memory_space<vmem_shared>>
      tpu.enqueue_dma source(%arg18 : memref<3200xf32, #tpu.memory_space<vmem>>) target(%dma_start3A_97 : memref<3200xf32, #tpu.memory_space<vmem_shared>>) target_semaphore(%arg22 : memref<!tpu.dma_semaphore, #tpu.memory_space<semaphore_mem>>)
      %mul3A_98 = arith.constant 102400 : i32
      %mul3A_99 = arith.muli %arg1, %mul3A_98 : i32
      %add3A_100 = arith.constant 38400 : i32
      %add3A_101 = arith.addi %mul3A_99, %add3A_100 : i32
      %dma_start3A_102 = tpu.memref_slice %arg19[%add3A_101] : memref<1639424xf32, #tpu.memory_space<vmem_shared>> -> memref<3200xf32, #tpu.memory_space<vmem_shared>>
      %dma_start3A_103 = tpu.memref_slice %arg19[%add3A_101] : memref<1639424xf32, #tpu.memory_space<vmem_shared>> -> memref<3200xf32, #tpu.memory_space<vmem_shared>>
      tpu.enqueue_dma source(%arg18 : memref<3200xf32, #tpu.memory_space<vmem>>) target(%dma_start3A_103 : memref<3200xf32, #tpu.memory_space<vmem_shared>>) target_semaphore(%arg22 : memref<!tpu.dma_semaphore, #tpu.memory_space<semaphore_mem>>)
      %mul3A_104 = arith.constant 102400 : i32
      %mul3A_105 = arith.muli %arg1, %mul3A_104 : i32
      %add3A_106 = arith.constant 41600 : i32
      %add3A_107 = arith.addi %mul3A_105, %add3A_106 : i32
      %dma_start3A_108 = tpu.memref_slice %arg19[%add3A_107] : memref<1639424xf32, #tpu.memory_space<vmem_shared>> -> memref<3200xf32, #tpu.memory_space<vmem_shared>>
      %dma_start3A_109 = tpu.memref_slice %arg19[%add3A_107] : memref<1639424xf32, #tpu.memory_space<vmem_shared>> -> memref<3200xf32, #tpu.memory_space<vmem_shared>>
      tpu.enqueue_dma source(%arg18 : memref<3200xf32, #tpu.memory_space<vmem>>) target(%dma_start3A_109 : memref<3200xf32, #tpu.memory_space<vmem_shared>>) target_semaphore(%arg22 : memref<!tpu.dma_semaphore, #tpu.memory_space<semaphore_mem>>)
      %mul3A_110 = arith.constant 102400 : i32
      %mul3A_111 = arith.muli %arg1, %mul3A_110 : i32
      %add3A_112 = arith.constant 44800 : i32
      %add3A_113 = arith.addi %mul3A_111, %add3A_112 : i32
      %dma_start3A_114 = tpu.memref_slice %arg19[%add3A_113] : memref<1639424xf32, #tpu.memory_space<vmem_shared>> -> memref<3200xf32, #tpu.memory_space<vmem_shared>>
      %dma_start3A_115 = tpu.memref_slice %arg19[%add3A_113] : memref<1639424xf32, #tpu.memory_space<vmem_shared>> -> memref<3200xf32, #tpu.memory_space<vmem_shared>>
      tpu.enqueue_dma source(%arg18 : memref<3200xf32, #tpu.memory_space<vmem>>) target(%dma_start3A_115 : memref<3200xf32, #tpu.memory_space<vmem_shared>>) target_semaphore(%arg22 : memref<!tpu.dma_semaphore, #tpu.memory_space<semaphore_mem>>)
      %mul3A_116 = arith.constant 102400 : i32
      %mul3A_117 = arith.muli %arg1, %mul3A_116 : i32
      %add3A_118 = arith.constant 48000 : i32
      %add3A_119 = arith.addi %mul3A_117, %add3A_118 : i32
      %dma_start3A_120 = tpu.memref_slice %arg19[%add3A_119] : memref<1639424xf32, #tpu.memory_space<vmem_shared>> -> memref<3200xf32, #tpu.memory_space<vmem_shared>>
      %dma_start3A_121 = tpu.memref_slice %arg19[%add3A_119] : memref<1639424xf32, #tpu.memory_space<vmem_shared>> -> memref<3200xf32, #tpu.memory_space<vmem_shared>>
      tpu.enqueue_dma source(%arg18 : memref<3200xf32, #tpu.memory_space<vmem>>) target(%dma_start3A_121 : memref<3200xf32, #tpu.memory_space<vmem_shared>>) target_semaphore(%arg22 : memref<!tpu.dma_semaphore, #tpu.memory_space<semaphore_mem>>)
      %mul3A_122 = arith.constant 102400 : i32
      %mul3A_123 = arith.muli %arg1, %mul3A_122 : i32
      %add3A_124 = arith.constant 51200 : i32
      %add3A_125 = arith.addi %mul3A_123, %add3A_124 : i32
      %dma_start3A_126 = tpu.memref_slice %arg19[%add3A_125] : memref<1639424xf32, #tpu.memory_space<vmem_shared>> -> memref<3200xf32, #tpu.memory_space<vmem_shared>>
      %dma_start3A_127 = tpu.memref_slice %arg19[%add3A_125] : memref<1639424xf32, #tpu.memory_space<vmem_shared>> -> memref<3200xf32, #tpu.memory_space<vmem_shared>>
      tpu.enqueue_dma source(%arg18 : memref<3200xf32, #tpu.memory_space<vmem>>) target(%dma_start3A_127 : memref<3200xf32, #tpu.memory_space<vmem_shared>>) target_semaphore(%arg22 : memref<!tpu.dma_semaphore, #tpu.memory_space<semaphore_mem>>)
      %mul3A_128 = arith.constant 102400 : i32
      %mul3A_129 = arith.muli %arg1, %mul3A_128 : i32
      %add3A_130 = arith.constant 54400 : i32
      %add3A_131 = arith.addi %mul3A_129, %add3A_130 : i32
      %dma_start3A_132 = tpu.memref_slice %arg19[%add3A_131] : memref<1639424xf32, #tpu.memory_space<vmem_shared>> -> memref<3200xf32, #tpu.memory_space<vmem_shared>>
      %dma_start3A_133 = tpu.memref_slice %arg19[%add3A_131] : memref<1639424xf32, #tpu.memory_space<vmem_shared>> -> memref<3200xf32, #tpu.memory_space<vmem_shared>>
      tpu.enqueue_dma source(%arg18 : memref<3200xf32, #tpu.memory_space<vmem>>) target(%dma_start3A_133 : memref<3200xf32, #tpu.memory_space<vmem_shared>>) target_semaphore(%arg22 : memref<!tpu.dma_semaphore, #tpu.memory_space<semaphore_mem>>)
      %mul3A_134 = arith.constant 102400 : i32
      %mul3A_135 = arith.muli %arg1, %mul3A_134 : i32
      %add3A_136 = arith.constant 57600 : i32
      %add3A_137 = arith.addi %mul3A_135, %add3A_136 : i32
      %dma_start3A_138 = tpu.memref_slice %arg19[%add3A_137] : memref<1639424xf32, #tpu.memory_space<vmem_shared>> -> memref<3200xf32, #tpu.memory_space<vmem_shared>>
      %dma_start3A_139 = tpu.memref_slice %arg19[%add3A_137] : memref<1639424xf32, #tpu.memory_space<vmem_shared>> -> memref<3200xf32, #tpu.memory_space<vmem_shared>>
      tpu.enqueue_dma source(%arg18 : memref<3200xf32, #tpu.memory_space<vmem>>) target(%dma_start3A_139 : memref<3200xf32, #tpu.memory_space<vmem_shared>>) target_semaphore(%arg22 : memref<!tpu.dma_semaphore, #tpu.memory_space<semaphore_mem>>)
      %mul3A_140 = arith.constant 102400 : i32
      %mul3A_141 = arith.muli %arg1, %mul3A_140 : i32
      %add3A_142 = arith.constant 60800 : i32
      %add3A_143 = arith.addi %mul3A_141, %add3A_142 : i32
      %dma_start3A_144 = tpu.memref_slice %arg19[%add3A_143] : memref<1639424xf32, #tpu.memory_space<vmem_shared>> -> memref<3200xf32, #tpu.memory_space<vmem_shared>>
      %dma_start3A_145 = tpu.memref_slice %arg19[%add3A_143] : memref<1639424xf32, #tpu.memory_space<vmem_shared>> -> memref<3200xf32, #tpu.memory_space<vmem_shared>>
      tpu.enqueue_dma source(%arg18 : memref<3200xf32, #tpu.memory_space<vmem>>) target(%dma_start3A_145 : memref<3200xf32, #tpu.memory_space<vmem_shared>>) target_semaphore(%arg22 : memref<!tpu.dma_semaphore, #tpu.memory_space<semaphore_mem>>)
      %mul3A_146 = arith.constant 102400 : i32
      %mul3A_147 = arith.muli %arg1, %mul3A_146 : i32
      %add3A_148 = arith.constant 64000 : i32
      %add3A_149 = arith.addi %mul3A_147, %add3A_148 : i32
      %dma_start3A_150 = tpu.memref_slice %arg19[%add3A_149] : memref<1639424xf32, #tpu.memory_space<vmem_shared>> -> memref<3200xf32, #tpu.memory_space<vmem_shared>>
      %dma_start3A_151 = tpu.memref_slice %arg19[%add3A_149] : memref<1639424xf32, #tpu.memory_space<vmem_shared>> -> memref<3200xf32, #tpu.memory_space<vmem_shared>>
      tpu.enqueue_dma source(%arg18 : memref<3200xf32, #tpu.memory_space<vmem>>) target(%dma_start3A_151 : memref<3200xf32, #tpu.memory_space<vmem_shared>>) target_semaphore(%arg22 : memref<!tpu.dma_semaphore, #tpu.memory_space<semaphore_mem>>)
      %mul3A_152 = arith.constant 102400 : i32
      %mul3A_153 = arith.muli %arg1, %mul3A_152 : i32
      %add3A_154 = arith.constant 67200 : i32
      %add3A_155 = arith.addi %mul3A_153, %add3A_154 : i32
      %dma_start3A_156 = tpu.memref_slice %arg19[%add3A_155] : memref<1639424xf32, #tpu.memory_space<vmem_shared>> -> memref<3200xf32, #tpu.memory_space<vmem_shared>>
      %dma_start3A_157 = tpu.memref_slice %arg19[%add3A_155] : memref<1639424xf32, #tpu.memory_space<vmem_shared>> -> memref<3200xf32, #tpu.memory_space<vmem_shared>>
      tpu.enqueue_dma source(%arg18 : memref<3200xf32, #tpu.memory_space<vmem>>) target(%dma_start3A_157 : memref<3200xf32, #tpu.memory_space<vmem_shared>>) target_semaphore(%arg22 : memref<!tpu.dma_semaphore, #tpu.memory_space<semaphore_mem>>)
      %mul3A_158 = arith.constant 102400 : i32
      %mul3A_159 = arith.muli %arg1, %mul3A_158 : i32
      %add3A_160 = arith.constant 70400 : i32
      %add3A_161 = arith.addi %mul3A_159, %add3A_160 : i32
      %dma_start3A_162 = tpu.memref_slice %arg19[%add3A_161] : memref<1639424xf32, #tpu.memory_space<vmem_shared>> -> memref<3200xf32, #tpu.memory_space<vmem_shared>>
      %dma_start3A_163 = tpu.memref_slice %arg19[%add3A_161] : memref<1639424xf32, #tpu.memory_space<vmem_shared>> -> memref<3200xf32, #tpu.memory_space<vmem_shared>>
      tpu.enqueue_dma source(%arg18 : memref<3200xf32, #tpu.memory_space<vmem>>) target(%dma_start3A_163 : memref<3200xf32, #tpu.memory_space<vmem_shared>>) target_semaphore(%arg22 : memref<!tpu.dma_semaphore, #tpu.memory_space<semaphore_mem>>)
      %mul3A_164 = arith.constant 102400 : i32
      %mul3A_165 = arith.muli %arg1, %mul3A_164 : i32
      %add3A_166 = arith.constant 73600 : i32
      %add3A_167 = arith.addi %mul3A_165, %add3A_166 : i32
      %dma_start3A_168 = tpu.memref_slice %arg19[%add3A_167] : memref<1639424xf32, #tpu.memory_space<vmem_shared>> -> memref<3200xf32, #tpu.memory_space<vmem_shared>>
      %dma_start3A_169 = tpu.memref_slice %arg19[%add3A_167] : memref<1639424xf32, #tpu.memory_space<vmem_shared>> -> memref<3200xf32, #tpu.memory_space<vmem_shared>>
      tpu.enqueue_dma source(%arg18 : memref<3200xf32, #tpu.memory_space<vmem>>) target(%dma_start3A_169 : memref<3200xf32, #tpu.memory_space<vmem_shared>>) target_semaphore(%arg22 : memref<!tpu.dma_semaphore, #tpu.memory_space<semaphore_mem>>)
      %mul3A_170 = arith.constant 102400 : i32
      %mul3A_171 = arith.muli %arg1, %mul3A_170 : i32
      %add3A_172 = arith.constant 76800 : i32
      %add3A_173 = arith.addi %mul3A_171, %add3A_172 : i32
      %dma_start3A_174 = tpu.memref_slice %arg19[%add3A_173] : memref<1639424xf32, #tpu.memory_space<vmem_shared>> -> memref<3200xf32, #tpu.memory_space<vmem_shared>>
      %dma_start3A_175 = tpu.memref_slice %arg19[%add3A_173] : memref<1639424xf32, #tpu.memory_space<vmem_shared>> -> memref<3200xf32, #tpu.memory_space<vmem_shared>>
      tpu.enqueue_dma source(%arg18 : memref<3200xf32, #tpu.memory_space<vmem>>) target(%dma_start3A_175 : memref<3200xf32, #tpu.memory_space<vmem_shared>>) target_semaphore(%arg22 : memref<!tpu.dma_semaphore, #tpu.memory_space<semaphore_mem>>)
      %mul3A_176 = arith.constant 102400 : i32
      %mul3A_177 = arith.muli %arg1, %mul3A_176 : i32
      %add3A_178 = arith.constant 80000 : i32
      %add3A_179 = arith.addi %mul3A_177, %add3A_178 : i32
      %dma_start3A_180 = tpu.memref_slice %arg19[%add3A_179] : memref<1639424xf32, #tpu.memory_space<vmem_shared>> -> memref<3200xf32, #tpu.memory_space<vmem_shared>>
      %dma_start3A_181 = tpu.memref_slice %arg19[%add3A_179] : memref<1639424xf32, #tpu.memory_space<vmem_shared>> -> memref<3200xf32, #tpu.memory_space<vmem_shared>>
      tpu.enqueue_dma source(%arg18 : memref<3200xf32, #tpu.memory_space<vmem>>) target(%dma_start3A_181 : memref<3200xf32, #tpu.memory_space<vmem_shared>>) target_semaphore(%arg22 : memref<!tpu.dma_semaphore, #tpu.memory_space<semaphore_mem>>)
      %mul3A_182 = arith.constant 102400 : i32
      %mul3A_183 = arith.muli %arg1, %mul3A_182 : i32
      %add3A_184 = arith.constant 83200 : i32
      %add3A_185 = arith.addi %mul3A_183, %add3A_184 : i32
      %dma_start3A_186 = tpu.memref_slice %arg19[%add3A_185] : memref<1639424xf32, #tpu.memory_space<vmem_shared>> -> memref<3200xf32, #tpu.memory_space<vmem_shared>>
      %dma_start3A_187 = tpu.memref_slice %arg19[%add3A_185] : memref<1639424xf32, #tpu.memory_space<vmem_shared>> -> memref<3200xf32, #tpu.memory_space<vmem_shared>>
      tpu.enqueue_dma source(%arg18 : memref<3200xf32, #tpu.memory_space<vmem>>) target(%dma_start3A_187 : memref<3200xf32, #tpu.memory_space<vmem_shared>>) target_semaphore(%arg22 : memref<!tpu.dma_semaphore, #tpu.memory_space<semaphore_mem>>)
      %mul3A_188 = arith.constant 102400 : i32
      %mul3A_189 = arith.muli %arg1, %mul3A_188 : i32
      %add3A_190 = arith.constant 86400 : i32
      %add3A_191 = arith.addi %mul3A_189, %add3A_190 : i32
      %dma_start3A_192 = tpu.memref_slice %arg19[%add3A_191] : memref<1639424xf32, #tpu.memory_space<vmem_shared>> -> memref<3200xf32, #tpu.memory_space<vmem_shared>>
      %dma_start3A_193 = tpu.memref_slice %arg19[%add3A_191] : memref<1639424xf32, #tpu.memory_space<vmem_shared>> -> memref<3200xf32, #tpu.memory_space<vmem_shared>>
      tpu.enqueue_dma source(%arg18 : memref<3200xf32, #tpu.memory_space<vmem>>) target(%dma_start3A_193 : memref<3200xf32, #tpu.memory_space<vmem_shared>>) target_semaphore(%arg22 : memref<!tpu.dma_semaphore, #tpu.memory_space<semaphore_mem>>)
      %mul3A_194 = arith.constant 102400 : i32
      %mul3A_195 = arith.muli %arg1, %mul3A_194 : i32
      %add3A_196 = arith.constant 89600 : i32
      %add3A_197 = arith.addi %mul3A_195, %add3A_196 : i32
      %dma_start3A_198 = tpu.memref_slice %arg19[%add3A_197] : memref<1639424xf32, #tpu.memory_space<vmem_shared>> -> memref<3200xf32, #tpu.memory_space<vmem_shared>>
      %dma_start3A_199 = tpu.memref_slice %arg19[%add3A_197] : memref<1639424xf32, #tpu.memory_space<vmem_shared>> -> memref<3200xf32, #tpu.memory_space<vmem_shared>>
      tpu.enqueue_dma source(%arg18 : memref<3200xf32, #tpu.memory_space<vmem>>) target(%dma_start3A_199 : memref<3200xf32, #tpu.memory_space<vmem_shared>>) target_semaphore(%arg22 : memref<!tpu.dma_semaphore, #tpu.memory_space<semaphore_mem>>)
      %mul3A_200 = arith.constant 102400 : i32
      %mul3A_201 = arith.muli %arg1, %mul3A_200 : i32
      %add3A_202 = arith.constant 92800 : i32
      %add3A_203 = arith.addi %mul3A_201, %add3A_202 : i32
      %dma_start3A_204 = tpu.memref_slice %arg19[%add3A_203] : memref<1639424xf32, #tpu.memory_space<vmem_shared>> -> memref<3200xf32, #tpu.memory_space<vmem_shared>>
      %dma_start3A_205 = tpu.memref_slice %arg19[%add3A_203] : memref<1639424xf32, #tpu.memory_space<vmem_shared>> -> memref<3200xf32, #tpu.memory_space<vmem_shared>>
      tpu.enqueue_dma source(%arg18 : memref<3200xf32, #tpu.memory_space<vmem>>) target(%dma_start3A_205 : memref<3200xf32, #tpu.memory_space<vmem_shared>>) target_semaphore(%arg22 : memref<!tpu.dma_semaphore, #tpu.memory_space<semaphore_mem>>)
      %mul3A_206 = arith.constant 102400 : i32
      %mul3A_207 = arith.muli %arg1, %mul3A_206 : i32
      %add3A_208 = arith.constant 96000 : i32
      %add3A_209 = arith.addi %mul3A_207, %add3A_208 : i32
      %dma_start3A_210 = tpu.memref_slice %arg19[%add3A_209] : memref<1639424xf32, #tpu.memory_space<vmem_shared>> -> memref<3200xf32, #tpu.memory_space<vmem_shared>>
      %dma_start3A_211 = tpu.memref_slice %arg19[%add3A_209] : memref<1639424xf32, #tpu.memory_space<vmem_shared>> -> memref<3200xf32, #tpu.memory_space<vmem_shared>>
      tpu.enqueue_dma source(%arg18 : memref<3200xf32, #tpu.memory_space<vmem>>) target(%dma_start3A_211 : memref<3200xf32, #tpu.memory_space<vmem_shared>>) target_semaphore(%arg22 : memref<!tpu.dma_semaphore, #tpu.memory_space<semaphore_mem>>)
      %mul3A_212 = arith.constant 102400 : i32
      %mul3A_213 = arith.muli %arg1, %mul3A_212 : i32
      %add3A_214 = arith.constant 99200 : i32
      %add3A_215 = arith.addi %mul3A_213, %add3A_214 : i32
      %dma_start3A_216 = tpu.memref_slice %arg19[%add3A_215] : memref<1639424xf32, #tpu.memory_space<vmem_shared>> -> memref<3200xf32, #tpu.memory_space<vmem_shared>>
      %dma_start3A_217 = tpu.memref_slice %arg19[%add3A_215] : memref<1639424xf32, #tpu.memory_space<vmem_shared>> -> memref<3200xf32, #tpu.memory_space<vmem_shared>>
      tpu.enqueue_dma source(%arg18 : memref<3200xf32, #tpu.memory_space<vmem>>) target(%dma_start3A_217 : memref<3200xf32, #tpu.memory_space<vmem_shared>>) target_semaphore(%arg22 : memref<!tpu.dma_semaphore, #tpu.memory_space<semaphore_mem>>)
      %dma_wait3A = tpu.memref_slice %arg19[%add3A_29] : memref<1639424xf32, #tpu.memory_space<vmem_shared>> -> memref<3200xf32, #tpu.memory_space<vmem_shared>>
      %dma_wait3A_218 = tpu.memref_slice %arg19[%add3A_29] : memref<1639424xf32, #tpu.memory_space<vmem_shared>> -> memref<3200xf32, #tpu.memory_space<vmem_shared>>
      tpu.wait_dma2 semaphore(%arg22 : memref<!tpu.dma_semaphore, #tpu.memory_space<semaphore_mem>>) src(%arg18 : memref<3200xf32, #tpu.memory_space<vmem>>) dst(%dma_wait3A_218 : memref<3200xf32, #tpu.memory_space<vmem_shared>>)
      %dma_wait3A_219 = tpu.memref_slice %arg19[%add3A_35] : memref<1639424xf32, #tpu.memory_space<vmem_shared>> -> memref<3200xf32, #tpu.memory_space<vmem_shared>>
      %dma_wait3A_220 = tpu.memref_slice %arg19[%add3A_35] : memref<1639424xf32, #tpu.memory_space<vmem_shared>> -> memref<3200xf32, #tpu.memory_space<vmem_shared>>
      tpu.wait_dma2 semaphore(%arg22 : memref<!tpu.dma_semaphore, #tpu.memory_space<semaphore_mem>>) src(%arg18 : memref<3200xf32, #tpu.memory_space<vmem>>) dst(%dma_wait3A_220 : memref<3200xf32, #tpu.memory_space<vmem_shared>>)
      %dma_wait3A_221 = tpu.memref_slice %arg19[%add3A_41] : memref<1639424xf32, #tpu.memory_space<vmem_shared>> -> memref<3200xf32, #tpu.memory_space<vmem_shared>>
      %dma_wait3A_222 = tpu.memref_slice %arg19[%add3A_41] : memref<1639424xf32, #tpu.memory_space<vmem_shared>> -> memref<3200xf32, #tpu.memory_space<vmem_shared>>
      tpu.wait_dma2 semaphore(%arg22 : memref<!tpu.dma_semaphore, #tpu.memory_space<semaphore_mem>>) src(%arg18 : memref<3200xf32, #tpu.memory_space<vmem>>) dst(%dma_wait3A_222 : memref<3200xf32, #tpu.memory_space<vmem_shared>>)
      %dma_wait3A_223 = tpu.memref_slice %arg19[%add3A_47] : memref<1639424xf32, #tpu.memory_space<vmem_shared>> -> memref<3200xf32, #tpu.memory_space<vmem_shared>>
      %dma_wait3A_224 = tpu.memref_slice %arg19[%add3A_47] : memref<1639424xf32, #tpu.memory_space<vmem_shared>> -> memref<3200xf32, #tpu.memory_space<vmem_shared>>
      tpu.wait_dma2 semaphore(%arg22 : memref<!tpu.dma_semaphore, #tpu.memory_space<semaphore_mem>>) src(%arg18 : memref<3200xf32, #tpu.memory_space<vmem>>) dst(%dma_wait3A_224 : memref<3200xf32, #tpu.memory_space<vmem_shared>>)
      %dma_wait3A_225 = tpu.memref_slice %arg19[%add3A_53] : memref<1639424xf32, #tpu.memory_space<vmem_shared>> -> memref<3200xf32, #tpu.memory_space<vmem_shared>>
      %dma_wait3A_226 = tpu.memref_slice %arg19[%add3A_53] : memref<1639424xf32, #tpu.memory_space<vmem_shared>> -> memref<3200xf32, #tpu.memory_space<vmem_shared>>
      tpu.wait_dma2 semaphore(%arg22 : memref<!tpu.dma_semaphore, #tpu.memory_space<semaphore_mem>>) src(%arg18 : memref<3200xf32, #tpu.memory_space<vmem>>) dst(%dma_wait3A_226 : memref<3200xf32, #tpu.memory_space<vmem_shared>>)
      %dma_wait3A_227 = tpu.memref_slice %arg19[%add3A_59] : memref<1639424xf32, #tpu.memory_space<vmem_shared>> -> memref<3200xf32, #tpu.memory_space<vmem_shared>>
      %dma_wait3A_228 = tpu.memref_slice %arg19[%add3A_59] : memref<1639424xf32, #tpu.memory_space<vmem_shared>> -> memref<3200xf32, #tpu.memory_space<vmem_shared>>
      tpu.wait_dma2 semaphore(%arg22 : memref<!tpu.dma_semaphore, #tpu.memory_space<semaphore_mem>>) src(%arg18 : memref<3200xf32, #tpu.memory_space<vmem>>) dst(%dma_wait3A_228 : memref<3200xf32, #tpu.memory_space<vmem_shared>>)
      %dma_wait3A_229 = tpu.memref_slice %arg19[%add3A_65] : memref<1639424xf32, #tpu.memory_space<vmem_shared>> -> memref<3200xf32, #tpu.memory_space<vmem_shared>>
      %dma_wait3A_230 = tpu.memref_slice %arg19[%add3A_65] : memref<1639424xf32, #tpu.memory_space<vmem_shared>> -> memref<3200xf32, #tpu.memory_space<vmem_shared>>
      tpu.wait_dma2 semaphore(%arg22 : memref<!tpu.dma_semaphore, #tpu.memory_space<semaphore_mem>>) src(%arg18 : memref<3200xf32, #tpu.memory_space<vmem>>) dst(%dma_wait3A_230 : memref<3200xf32, #tpu.memory_space<vmem_shared>>)
      %dma_wait3A_231 = tpu.memref_slice %arg19[%add3A_71] : memref<1639424xf32, #tpu.memory_space<vmem_shared>> -> memref<3200xf32, #tpu.memory_space<vmem_shared>>
      %dma_wait3A_232 = tpu.memref_slice %arg19[%add3A_71] : memref<1639424xf32, #tpu.memory_space<vmem_shared>> -> memref<3200xf32, #tpu.memory_space<vmem_shared>>
      tpu.wait_dma2 semaphore(%arg22 : memref<!tpu.dma_semaphore, #tpu.memory_space<semaphore_mem>>) src(%arg18 : memref<3200xf32, #tpu.memory_space<vmem>>) dst(%dma_wait3A_232 : memref<3200xf32, #tpu.memory_space<vmem_shared>>)
      %dma_wait3A_233 = tpu.memref_slice %arg19[%add3A_77] : memref<1639424xf32, #tpu.memory_space<vmem_shared>> -> memref<3200xf32, #tpu.memory_space<vmem_shared>>
      %dma_wait3A_234 = tpu.memref_slice %arg19[%add3A_77] : memref<1639424xf32, #tpu.memory_space<vmem_shared>> -> memref<3200xf32, #tpu.memory_space<vmem_shared>>
      tpu.wait_dma2 semaphore(%arg22 : memref<!tpu.dma_semaphore, #tpu.memory_space<semaphore_mem>>) src(%arg18 : memref<3200xf32, #tpu.memory_space<vmem>>) dst(%dma_wait3A_234 : memref<3200xf32, #tpu.memory_space<vmem_shared>>)
      %dma_wait3A_235 = tpu.memref_slice %arg19[%add3A_83] : memref<1639424xf32, #tpu.memory_space<vmem_shared>> -> memref<3200xf32, #tpu.memory_space<vmem_shared>>
      %dma_wait3A_236 = tpu.memref_slice %arg19[%add3A_83] : memref<1639424xf32, #tpu.memory_space<vmem_shared>> -> memref<3200xf32, #tpu.memory_space<vmem_shared>>
      tpu.wait_dma2 semaphore(%arg22 : memref<!tpu.dma_semaphore, #tpu.memory_space<semaphore_mem>>) src(%arg18 : memref<3200xf32, #tpu.memory_space<vmem>>) dst(%dma_wait3A_236 : memref<3200xf32, #tpu.memory_space<vmem_shared>>)
      %dma_wait3A_237 = tpu.memref_slice %arg19[%add3A_89] : memref<1639424xf32, #tpu.memory_space<vmem_shared>> -> memref<3200xf32, #tpu.memory_space<vmem_shared>>
      %dma_wait3A_238 = tpu.memref_slice %arg19[%add3A_89] : memref<1639424xf32, #tpu.memory_space<vmem_shared>> -> memref<3200xf32, #tpu.memory_space<vmem_shared>>
      tpu.wait_dma2 semaphore(%arg22 : memref<!tpu.dma_semaphore, #tpu.memory_space<semaphore_mem>>) src(%arg18 : memref<3200xf32, #tpu.memory_space<vmem>>) dst(%dma_wait3A_238 : memref<3200xf32, #tpu.memory_space<vmem_shared>>)
      %dma_wait3A_239 = tpu.memref_slice %arg19[%add3A_95] : memref<1639424xf32, #tpu.memory_space<vmem_shared>> -> memref<3200xf32, #tpu.memory_space<vmem_shared>>
      %dma_wait3A_240 = tpu.memref_slice %arg19[%add3A_95] : memref<1639424xf32, #tpu.memory_space<vmem_shared>> -> memref<3200xf32, #tpu.memory_space<vmem_shared>>
      tpu.wait_dma2 semaphore(%arg22 : memref<!tpu.dma_semaphore, #tpu.memory_space<semaphore_mem>>) src(%arg18 : memref<3200xf32, #tpu.memory_space<vmem>>) dst(%dma_wait3A_240 : memref<3200xf32, #tpu.memory_space<vmem_shared>>)
      %dma_wait3A_241 = tpu.memref_slice %arg19[%add3A_101] : memref<1639424xf32, #tpu.memory_space<vmem_shared>> -> memref<3200xf32, #tpu.memory_space<vmem_shared>>
      %dma_wait3A_242 = tpu.memref_slice %arg19[%add3A_101] : memref<1639424xf32, #tpu.memory_space<vmem_shared>> -> memref<3200xf32, #tpu.memory_space<vmem_shared>>
      tpu.wait_dma2 semaphore(%arg22 : memref<!tpu.dma_semaphore, #tpu.memory_space<semaphore_mem>>) src(%arg18 : memref<3200xf32, #tpu.memory_space<vmem>>) dst(%dma_wait3A_242 : memref<3200xf32, #tpu.memory_space<vmem_shared>>)
      %dma_wait3A_243 = tpu.memref_slice %arg19[%add3A_107] : memref<1639424xf32, #tpu.memory_space<vmem_shared>> -> memref<3200xf32, #tpu.memory_space<vmem_shared>>
      %dma_wait3A_244 = tpu.memref_slice %arg19[%add3A_107] : memref<1639424xf32, #tpu.memory_space<vmem_shared>> -> memref<3200xf32, #tpu.memory_space<vmem_shared>>
      tpu.wait_dma2 semaphore(%arg22 : memref<!tpu.dma_semaphore, #tpu.memory_space<semaphore_mem>>) src(%arg18 : memref<3200xf32, #tpu.memory_space<vmem>>) dst(%dma_wait3A_244 : memref<3200xf32, #tpu.memory_space<vmem_shared>>)
      %dma_wait3A_245 = tpu.memref_slice %arg19[%add3A_113] : memref<1639424xf32, #tpu.memory_space<vmem_shared>> -> memref<3200xf32, #tpu.memory_space<vmem_shared>>
      %dma_wait3A_246 = tpu.memref_slice %arg19[%add3A_113] : memref<1639424xf32, #tpu.memory_space<vmem_shared>> -> memref<3200xf32, #tpu.memory_space<vmem_shared>>
      tpu.wait_dma2 semaphore(%arg22 : memref<!tpu.dma_semaphore, #tpu.memory_space<semaphore_mem>>) src(%arg18 : memref<3200xf32, #tpu.memory_space<vmem>>) dst(%dma_wait3A_246 : memref<3200xf32, #tpu.memory_space<vmem_shared>>)
      %dma_wait3A_247 = tpu.memref_slice %arg19[%add3A_119] : memref<1639424xf32, #tpu.memory_space<vmem_shared>> -> memref<3200xf32, #tpu.memory_space<vmem_shared>>
      %dma_wait3A_248 = tpu.memref_slice %arg19[%add3A_119] : memref<1639424xf32, #tpu.memory_space<vmem_shared>> -> memref<3200xf32, #tpu.memory_space<vmem_shared>>
      tpu.wait_dma2 semaphore(%arg22 : memref<!tpu.dma_semaphore, #tpu.memory_space<semaphore_mem>>) src(%arg18 : memref<3200xf32, #tpu.memory_space<vmem>>) dst(%dma_wait3A_248 : memref<3200xf32, #tpu.memory_space<vmem_shared>>)
      %dma_wait3A_249 = tpu.memref_slice %arg19[%add3A_125] : memref<1639424xf32, #tpu.memory_space<vmem_shared>> -> memref<3200xf32, #tpu.memory_space<vmem_shared>>
      %dma_wait3A_250 = tpu.memref_slice %arg19[%add3A_125] : memref<1639424xf32, #tpu.memory_space<vmem_shared>> -> memref<3200xf32, #tpu.memory_space<vmem_shared>>
      tpu.wait_dma2 semaphore(%arg22 : memref<!tpu.dma_semaphore, #tpu.memory_space<semaphore_mem>>) src(%arg18 : memref<3200xf32, #tpu.memory_space<vmem>>) dst(%dma_wait3A_250 : memref<3200xf32, #tpu.memory_space<vmem_shared>>)
      %dma_wait3A_251 = tpu.memref_slice %arg19[%add3A_131] : memref<1639424xf32, #tpu.memory_space<vmem_shared>> -> memref<3200xf32, #tpu.memory_space<vmem_shared>>
      %dma_wait3A_252 = tpu.memref_slice %arg19[%add3A_131] : memref<1639424xf32, #tpu.memory_space<vmem_shared>> -> memref<3200xf32, #tpu.memory_space<vmem_shared>>
      tpu.wait_dma2 semaphore(%arg22 : memref<!tpu.dma_semaphore, #tpu.memory_space<semaphore_mem>>) src(%arg18 : memref<3200xf32, #tpu.memory_space<vmem>>) dst(%dma_wait3A_252 : memref<3200xf32, #tpu.memory_space<vmem_shared>>)
      %dma_wait3A_253 = tpu.memref_slice %arg19[%add3A_137] : memref<1639424xf32, #tpu.memory_space<vmem_shared>> -> memref<3200xf32, #tpu.memory_space<vmem_shared>>
      %dma_wait3A_254 = tpu.memref_slice %arg19[%add3A_137] : memref<1639424xf32, #tpu.memory_space<vmem_shared>> -> memref<3200xf32, #tpu.memory_space<vmem_shared>>
      tpu.wait_dma2 semaphore(%arg22 : memref<!tpu.dma_semaphore, #tpu.memory_space<semaphore_mem>>) src(%arg18 : memref<3200xf32, #tpu.memory_space<vmem>>) dst(%dma_wait3A_254 : memref<3200xf32, #tpu.memory_space<vmem_shared>>)
      %dma_wait3A_255 = tpu.memref_slice %arg19[%add3A_143] : memref<1639424xf32, #tpu.memory_space<vmem_shared>> -> memref<3200xf32, #tpu.memory_space<vmem_shared>>
      %dma_wait3A_256 = tpu.memref_slice %arg19[%add3A_143] : memref<1639424xf32, #tpu.memory_space<vmem_shared>> -> memref<3200xf32, #tpu.memory_space<vmem_shared>>
      tpu.wait_dma2 semaphore(%arg22 : memref<!tpu.dma_semaphore, #tpu.memory_space<semaphore_mem>>) src(%arg18 : memref<3200xf32, #tpu.memory_space<vmem>>) dst(%dma_wait3A_256 : memref<3200xf32, #tpu.memory_space<vmem_shared>>)
      %dma_wait3A_257 = tpu.memref_slice %arg19[%add3A_149] : memref<1639424xf32, #tpu.memory_space<vmem_shared>> -> memref<3200xf32, #tpu.memory_space<vmem_shared>>
      %dma_wait3A_258 = tpu.memref_slice %arg19[%add3A_149] : memref<1639424xf32, #tpu.memory_space<vmem_shared>> -> memref<3200xf32, #tpu.memory_space<vmem_shared>>
      tpu.wait_dma2 semaphore(%arg22 : memref<!tpu.dma_semaphore, #tpu.memory_space<semaphore_mem>>) src(%arg18 : memref<3200xf32, #tpu.memory_space<vmem>>) dst(%dma_wait3A_258 : memref<3200xf32, #tpu.memory_space<vmem_shared>>)
      %dma_wait3A_259 = tpu.memref_slice %arg19[%add3A_155] : memref<1639424xf32, #tpu.memory_space<vmem_shared>> -> memref<3200xf32, #tpu.memory_space<vmem_shared>>
      %dma_wait3A_260 = tpu.memref_slice %arg19[%add3A_155] : memref<1639424xf32, #tpu.memory_space<vmem_shared>> -> memref<3200xf32, #tpu.memory_space<vmem_shared>>
      tpu.wait_dma2 semaphore(%arg22 : memref<!tpu.dma_semaphore, #tpu.memory_space<semaphore_mem>>) src(%arg18 : memref<3200xf32, #tpu.memory_space<vmem>>) dst(%dma_wait3A_260 : memref<3200xf32, #tpu.memory_space<vmem_shared>>)
      %dma_wait3A_261 = tpu.memref_slice %arg19[%add3A_161] : memref<1639424xf32, #tpu.memory_space<vmem_shared>> -> memref<3200xf32, #tpu.memory_space<vmem_shared>>
      %dma_wait3A_262 = tpu.memref_slice %arg19[%add3A_161] : memref<1639424xf32, #tpu.memory_space<vmem_shared>> -> memref<3200xf32, #tpu.memory_space<vmem_shared>>
      tpu.wait_dma2 semaphore(%arg22 : memref<!tpu.dma_semaphore, #tpu.memory_space<semaphore_mem>>) src(%arg18 : memref<3200xf32, #tpu.memory_space<vmem>>) dst(%dma_wait3A_262 : memref<3200xf32, #tpu.memory_space<vmem_shared>>)
      %dma_wait3A_263 = tpu.memref_slice %arg19[%add3A_167] : memref<1639424xf32, #tpu.memory_space<vmem_shared>> -> memref<3200xf32, #tpu.memory_space<vmem_shared>>
      %dma_wait3A_264 = tpu.memref_slice %arg19[%add3A_167] : memref<1639424xf32, #tpu.memory_space<vmem_shared>> -> memref<3200xf32, #tpu.memory_space<vmem_shared>>
      tpu.wait_dma2 semaphore(%arg22 : memref<!tpu.dma_semaphore, #tpu.memory_space<semaphore_mem>>) src(%arg18 : memref<3200xf32, #tpu.memory_space<vmem>>) dst(%dma_wait3A_264 : memref<3200xf32, #tpu.memory_space<vmem_shared>>)
      %dma_wait3A_265 = tpu.memref_slice %arg19[%add3A_173] : memref<1639424xf32, #tpu.memory_space<vmem_shared>> -> memref<3200xf32, #tpu.memory_space<vmem_shared>>
      %dma_wait3A_266 = tpu.memref_slice %arg19[%add3A_173] : memref<1639424xf32, #tpu.memory_space<vmem_shared>> -> memref<3200xf32, #tpu.memory_space<vmem_shared>>
      tpu.wait_dma2 semaphore(%arg22 : memref<!tpu.dma_semaphore, #tpu.memory_space<semaphore_mem>>) src(%arg18 : memref<3200xf32, #tpu.memory_space<vmem>>) dst(%dma_wait3A_266 : memref<3200xf32, #tpu.memory_space<vmem_shared>>)
      %dma_wait3A_267 = tpu.memref_slice %arg19[%add3A_179] : memref<1639424xf32, #tpu.memory_space<vmem_shared>> -> memref<3200xf32, #tpu.memory_space<vmem_shared>>
      %dma_wait3A_268 = tpu.memref_slice %arg19[%add3A_179] : memref<1639424xf32, #tpu.memory_space<vmem_shared>> -> memref<3200xf32, #tpu.memory_space<vmem_shared>>
      tpu.wait_dma2 semaphore(%arg22 : memref<!tpu.dma_semaphore, #tpu.memory_space<semaphore_mem>>) src(%arg18 : memref<3200xf32, #tpu.memory_space<vmem>>) dst(%dma_wait3A_268 : memref<3200xf32, #tpu.memory_space<vmem_shared>>)
      %dma_wait3A_269 = tpu.memref_slice %arg19[%add3A_185] : memref<1639424xf32, #tpu.memory_space<vmem_shared>> -> memref<3200xf32, #tpu.memory_space<vmem_shared>>
      %dma_wait3A_270 = tpu.memref_slice %arg19[%add3A_185] : memref<1639424xf32, #tpu.memory_space<vmem_shared>> -> memref<3200xf32, #tpu.memory_space<vmem_shared>>
      tpu.wait_dma2 semaphore(%arg22 : memref<!tpu.dma_semaphore, #tpu.memory_space<semaphore_mem>>) src(%arg18 : memref<3200xf32, #tpu.memory_space<vmem>>) dst(%dma_wait3A_270 : memref<3200xf32, #tpu.memory_space<vmem_shared>>)
      %dma_wait3A_271 = tpu.memref_slice %arg19[%add3A_191] : memref<1639424xf32, #tpu.memory_space<vmem_shared>> -> memref<3200xf32, #tpu.memory_space<vmem_shared>>
      %dma_wait3A_272 = tpu.memref_slice %arg19[%add3A_191] : memref<1639424xf32, #tpu.memory_space<vmem_shared>> -> memref<3200xf32, #tpu.memory_space<vmem_shared>>
      tpu.wait_dma2 semaphore(%arg22 : memref<!tpu.dma_semaphore, #tpu.memory_space<semaphore_mem>>) src(%arg18 : memref<3200xf32, #tpu.memory_space<vmem>>) dst(%dma_wait3A_272 : memref<3200xf32, #tpu.memory_space<vmem_shared>>)
      %dma_wait3A_273 = tpu.memref_slice %arg19[%add3A_197] : memref<1639424xf32, #tpu.memory_space<vmem_shared>> -> memref<3200xf32, #tpu.memory_space<vmem_shared>>
      %dma_wait3A_274 = tpu.memref_slice %arg19[%add3A_197] : memref<1639424xf32, #tpu.memory_space<vmem_shared>> -> memref<3200xf32, #tpu.memory_space<vmem_shared>>
      tpu.wait_dma2 semaphore(%arg22 : memref<!tpu.dma_semaphore, #tpu.memory_space<semaphore_mem>>) src(%arg18 : memref<3200xf32, #tpu.memory_space<vmem>>) dst(%dma_wait3A_274 : memref<3200xf32, #tpu.memory_space<vmem_shared>>)
      %dma_wait3A_275 = tpu.memref_slice %arg19[%add3A_203] : memref<1639424xf32, #tpu.memory_space<vmem_shared>> -> memref<3200xf32, #tpu.memory_space<vmem_shared>>
      %dma_wait3A_276 = tpu.memref_slice %arg19[%add3A_203] : memref<1639424xf32, #tpu.memory_space<vmem_shared>> -> memref<3200xf32, #tpu.memory_space<vmem_shared>>
      tpu.wait_dma2 semaphore(%arg22 : memref<!tpu.dma_semaphore, #tpu.memory_space<semaphore_mem>>) src(%arg18 : memref<3200xf32, #tpu.memory_space<vmem>>) dst(%dma_wait3A_276 : memref<3200xf32, #tpu.memory_space<vmem_shared>>)
      %dma_wait3A_277 = tpu.memref_slice %arg19[%add3A_209] : memref<1639424xf32, #tpu.memory_space<vmem_shared>> -> memref<3200xf32, #tpu.memory_space<vmem_shared>>
      %dma_wait3A_278 = tpu.memref_slice %arg19[%add3A_209] : memref<1639424xf32, #tpu.memory_space<vmem_shared>> -> memref<3200xf32, #tpu.memory_space<vmem_shared>>
      tpu.wait_dma2 semaphore(%arg22 : memref<!tpu.dma_semaphore, #tpu.memory_space<semaphore_mem>>) src(%arg18 : memref<3200xf32, #tpu.memory_space<vmem>>) dst(%dma_wait3A_278 : memref<3200xf32, #tpu.memory_space<vmem_shared>>)
      %dma_wait3A_279 = tpu.memref_slice %arg19[%add3A_215] : memref<1639424xf32, #tpu.memory_space<vmem_shared>> -> memref<3200xf32, #tpu.memory_space<vmem_shared>>
      %dma_wait3A_280 = tpu.memref_slice %arg19[%add3A_215] : memref<1639424xf32, #tpu.memory_space<vmem_shared>> -> memref<3200xf32, #tpu.memory_space<vmem_shared>>
      tpu.wait_dma2 semaphore(%arg22 : memref<!tpu.dma_semaphore, #tpu.memory_space<semaphore_mem>>) src(%arg18 : memref<3200xf32, #tpu.memory_space<vmem>>) dst(%dma_wait3A_280 : memref<3200xf32, #tpu.memory_space<vmem_shared>>)
      %barrier3A = arith.constant 0 : index
      tpu.barrier barrier_id(%barrier3A)
      %dma_wait3A_281 = tpu.memref_slice %arg2[%add3A_20] : memref<320000xi32, #tpu.memory_space<hbm>> -> memref<2000xi32, #tpu.memory_space<hbm>>
      %dma_wait3A_282 = tpu.memref_slice %arg2[%add3A_20] : memref<320000xi32, #tpu.memory_space<hbm>> -> memref<2000xi32, #tpu.memory_space<hbm>>
      tpu.wait_dma2 semaphore(%arg20 : memref<!tpu.dma_semaphore, #tpu.memory_space<semaphore_mem>>) src(%dma_wait3A_282 : memref<2000xi32, #tpu.memory_space<hbm>>) dst(%arg6 : memref<2000xi32, #tpu.memory_space<vmem>>)
      %dma_wait3A_283 = tpu.memref_slice %arg3[%add3A_20] : memref<320000xi32, #tpu.memory_space<hbm>> -> memref<2000xi32, #tpu.memory_space<hbm>>
      %dma_wait3A_284 = tpu.memref_slice %arg3[%add3A_20] : memref<320000xi32, #tpu.memory_space<hbm>> -> memref<2000xi32, #tpu.memory_space<hbm>>
      tpu.wait_dma2 semaphore(%arg20 : memref<!tpu.dma_semaphore, #tpu.memory_space<semaphore_mem>>) src(%dma_wait3A_284 : memref<2000xi32, #tpu.memory_space<hbm>>) dst(%arg9 : memref<2000xi32, #tpu.memory_space<vmem>>)
      %dma_wait3A_285 = tpu.memref_slice %arg4[%add3A_20] : memref<320000xf32, #tpu.memory_space<hbm>> -> memref<2000xf32, #tpu.memory_space<hbm>>
      %dma_wait3A_286 = tpu.memref_slice %arg4[%add3A_20] : memref<320000xf32, #tpu.memory_space<hbm>> -> memref<2000xf32, #tpu.memory_space<hbm>>
      tpu.wait_dma2 semaphore(%arg20 : memref<!tpu.dma_semaphore, #tpu.memory_space<semaphore_mem>>) src(%dma_wait3A_286 : memref<2000xf32, #tpu.memory_space<hbm>>) dst(%arg12 : memref<2000xf32, #tpu.memory_space<vmem>>)
      %mul3A_287 = arith.constant 20000 : i32
      %mul3A_288 = arith.muli %arg1, %mul3A_287 : i32
      %add3A_289 = arith.constant 2000 : i32
      %add3A_290 = arith.addi %mul3A_288, %add3A_289 : i32
      %dma_start3A_291 = tpu.memref_slice %arg2[%add3A_290] : memref<320000xi32, #tpu.memory_space<hbm>> -> memref<2000xi32, #tpu.memory_space<hbm>>
      %dma_start3A_292 = tpu.memref_slice %arg2[%add3A_290] : memref<320000xi32, #tpu.memory_space<hbm>> -> memref<2000xi32, #tpu.memory_space<hbm>>
      tpu.enqueue_dma source(%dma_start3A_292 : memref<2000xi32, #tpu.memory_space<hbm>>) target(%arg7 : memref<2000xi32, #tpu.memory_space<vmem>>) target_semaphore(%arg20 : memref<!tpu.dma_semaphore, #tpu.memory_space<semaphore_mem>>)
      %dma_start3A_293 = tpu.memref_slice %arg3[%add3A_290] : memref<320000xi32, #tpu.memory_space<hbm>> -> memref<2000xi32, #tpu.memory_space<hbm>>
      %dma_start3A_294 = tpu.memref_slice %arg3[%add3A_290] : memref<320000xi32, #tpu.memory_space<hbm>> -> memref<2000xi32, #tpu.memory_space<hbm>>
      tpu.enqueue_dma source(%dma_start3A_294 : memref<2000xi32, #tpu.memory_space<hbm>>) target(%arg10 : memref<2000xi32, #tpu.memory_space<vmem>>) target_semaphore(%arg20 : memref<!tpu.dma_semaphore, #tpu.memory_space<semaphore_mem>>)
      %dma_start3A_295 = tpu.memref_slice %arg4[%add3A_290] : memref<320000xf32, #tpu.memory_space<hbm>> -> memref<2000xf32, #tpu.memory_space<hbm>>
      %dma_start3A_296 = tpu.memref_slice %arg4[%add3A_290] : memref<320000xf32, #tpu.memory_space<hbm>> -> memref<2000xf32, #tpu.memory_space<hbm>>
      tpu.enqueue_dma source(%dma_start3A_296 : memref<2000xf32, #tpu.memory_space<hbm>>) target(%arg13 : memref<2000xf32, #tpu.memory_space<vmem>>) target_semaphore(%arg20 : memref<!tpu.dma_semaphore, #tpu.memory_space<semaphore_mem>>)
      %scan3A_297 = arith.constant 0 : i32
      %scan3A_298 = arith.constant 0 : i32
      %scan3A_299 = arith.constant 124 : i32
      %scan3A_300 = arith.addi %scan3A_298, %scan3A_299 : i32
      %scan3A_301 = arith.constant 2 : i32
      scf.for %scan3A_1306 = %scan3A_298 to %scan3A_300 step %scan3A_301  : i32 {
        %mul3A_1307 = arith.constant 16 : i32
        %mul3A_1308 = arith.muli %scan3A_1306, %mul3A_1307 : i32
        %get3A_1309 = arith.index_cast %mul3A_1308 : i32 to index
        %get3A_1310 = tpu.vector_load %arg6[%get3A_1309] {strides = array<i32>} : memref<2000xi32, #tpu.memory_space<vmem>>, vector<16xi32>,
        %get3A_1311 = vector.shape_cast %get3A_1310 : vector<16xi32> to vector<16xi32>
        %mul3A_1312 = arith.constant 16 : i32
        %mul3A_1313 = arith.muli %scan3A_1306, %mul3A_1312 : i32
        %get3A_1314 = arith.index_cast %mul3A_1313 : i32 to index
        %get3A_1315 = tpu.vector_load %arg9[%get3A_1314] {strides = array<i32>} : memref<2000xi32, #tpu.memory_space<vmem>>, vector<16xi32>,
        %get3A_1316 = vector.shape_cast %get3A_1315 : vector<16xi32> to vector<16xi32>
        %ge3A_1317 = vector.broadcast %mul3A_14 : i32 to vector<16xi32>
        %ge3A_1318 = arith.cmpi sge, %get3A_1311, %ge3A_1317 : vector<16xi32>
        %lt3A_1319 = vector.broadcast %add3A_16 : i32 to vector<16xi32>
        %lt3A_1320 = arith.cmpi slt, %get3A_1311, %lt3A_1319 : vector<16xi32>
        %and3A_1321 = arith.andi %ge3A_1318, %lt3A_1320 : vector<16xi1>
        %sub3A_1322 = vector.broadcast %mul3A_14 : i32 to vector<16xi32>
        %sub3A_1323 = arith.subi %get3A_1311, %sub3A_1322 : vector<16xi32>
        %mul3A_1324 = arith.constant 5120 : i32
        %mul3A_1325 = vector.broadcast %mul3A_1324 : i32 to vector<16xi32>
        %mul3A_1326 = arith.muli %sub3A_1323, %mul3A_1325 : vector<16xi32>
        %add3A_1327 = arith.addi %mul3A_1326, %get3A_1316 : vector<16xi32>
        %and3A_1328 = arith.constant 1023 : i32
        %and3A_1329 = vector.broadcast %and3A_1328 : i32 to vector<16xi32>
        %and3A_1330 = arith.andi %get3A_1316, %and3A_1329 : vector<16xi32>
        %add3A_1331 = arith.constant 1638400 : i32
        %add3A_1332 = vector.broadcast %add3A_1331 : i32 to vector<16xi32>
        %add3A_1333 = arith.addi %add3A_1332, %and3A_1330 : vector<16xi32>
        %select_n3A_1334 = arith.select %and3A_1321, %add3A_1327, %add3A_1333 : vector<16xi1>, vector<16xi32>
        %mul3A_1335 = arith.constant 16 : i32
        %mul3A_1336 = arith.muli %scan3A_1306, %mul3A_1335 : i32
        %swap3A_1337 = arith.index_cast %mul3A_1336 : i32 to index
        %swap3A_1338 = tpu.vector_load %arg15[%swap3A_1337] {strides = array<i32>} : memref<2000xi32, #tpu.memory_space<vmem>>, vector<16xi32>,
        %swap3A_1339 = vector.shape_cast %swap3A_1338 : vector<16xi32> to vector<16xi32>
        %swap3A_1340 = vector.shape_cast %select_n3A_1334 : vector<16xi32> to vector<16xi32>
        tpu.vector_store %arg15[%swap3A_1337], %swap3A_1340 {strides = array<i32>} : memref<2000xi32, #tpu.memory_space<vmem>>, vector<16xi32>,
        %scan3A_1341 = arith.constant 1 : i32
        %scan3A_1342 = arith.addi %scan3A_1306, %scan3A_1341 : i32
        %mul3A_1343 = arith.constant 16 : i32
        %mul3A_1344 = arith.muli %scan3A_1342, %mul3A_1343 : i32
        %get3A_1345 = arith.index_cast %mul3A_1344 : i32 to index
        %get3A_1346 = tpu.vector_load %arg6[%get3A_1345] {strides = array<i32>} : memref<2000xi32, #tpu.memory_space<vmem>>, vector<16xi32>,
        %get3A_1347 = vector.shape_cast %get3A_1346 : vector<16xi32> to vector<16xi32>
        %mul3A_1348 = arith.constant 16 : i32
        %mul3A_1349 = arith.muli %scan3A_1342, %mul3A_1348 : i32
        %get3A_1350 = arith.index_cast %mul3A_1349 : i32 to index
        %get3A_1351 = tpu.vector_load %arg9[%get3A_1350] {strides = array<i32>} : memref<2000xi32, #tpu.memory_space<vmem>>, vector<16xi32>,
        %get3A_1352 = vector.shape_cast %get3A_1351 : vector<16xi32> to vector<16xi32>
        %ge3A_1353 = vector.broadcast %mul3A_14 : i32 to vector<16xi32>
        %ge3A_1354 = arith.cmpi sge, %get3A_1347, %ge3A_1353 : vector<16xi32>
        %lt3A_1355 = vector.broadcast %add3A_16 : i32 to vector<16xi32>
        %lt3A_1356 = arith.cmpi slt, %get3A_1347, %lt3A_1355 : vector<16xi32>
        %and3A_1357 = arith.andi %ge3A_1354, %lt3A_1356 : vector<16xi1>
        %sub3A_1358 = vector.broadcast %mul3A_14 : i32 to vector<16xi32>
        %sub3A_1359 = arith.subi %get3A_1347, %sub3A_1358 : vector<16xi32>
        %mul3A_1360 = arith.constant 5120 : i32
        %mul3A_1361 = vector.broadcast %mul3A_1360 : i32 to vector<16xi32>
        %mul3A_1362 = arith.muli %sub3A_1359, %mul3A_1361 : vector<16xi32>
        %add3A_1363 = arith.addi %mul3A_1362, %get3A_1352 : vector<16xi32>
        %and3A_1364 = arith.constant 1023 : i32
        %and3A_1365 = vector.broadcast %and3A_1364 : i32 to vector<16xi32>
        %and3A_1366 = arith.andi %get3A_1352, %and3A_1365 : vector<16xi32>
        %add3A_1367 = arith.constant 1638400 : i32
        %add3A_1368 = vector.broadcast %add3A_1367 : i32 to vector<16xi32>
        %add3A_1369 = arith.addi %add3A_1368, %and3A_1366 : vector<16xi32>
        %select_n3A_1370 = arith.select %and3A_1357, %add3A_1363, %add3A_1369 : vector<16xi1>, vector<16xi32>
        %mul3A_1371 = arith.constant 16 : i32
        %mul3A_1372 = arith.muli %scan3A_1342, %mul3A_1371 : i32
        %swap3A_1373 = arith.index_cast %mul3A_1372 : i32 to index
        %swap3A_1374 = tpu.vector_load %arg15[%swap3A_1373] {strides = array<i32>} : memref<2000xi32, #tpu.memory_space<vmem>>, vector<16xi32>,
        %swap3A_1375 = vector.shape_cast %swap3A_1374 : vector<16xi32> to vector<16xi32>
        %swap3A_1376 = vector.shape_cast %select_n3A_1370 : vector<16xi32> to vector<16xi32>
        tpu.vector_store %arg15[%swap3A_1373], %swap3A_1376 {strides = array<i32>} : memref<2000xi32, #tpu.memory_space<vmem>>, vector<16xi32>,
      }
      %scan3A_302 = arith.constant 124 : i32
      %scan3A_303 = arith.addi %scan3A_298, %scan3A_302 : i32
      %mul3A_304 = arith.constant 16 : i32
      %mul3A_305 = arith.muli %scan3A_303, %mul3A_304 : i32
      %get3A = arith.index_cast %mul3A_305 : i32 to index
      %get3A_306 = tpu.vector_load %arg6[%get3A] {strides = array<i32>} : memref<2000xi32, #tpu.memory_space<vmem>>, vector<16xi32>,
      %get3A_307 = vector.shape_cast %get3A_306 : vector<16xi32> to vector<16xi32>
      %mul3A_308 = arith.constant 16 : i32
      %mul3A_309 = arith.muli %scan3A_303, %mul3A_308 : i32
      %get3A_310 = arith.index_cast %mul3A_309 : i32 to index
      %get3A_311 = tpu.vector_load %arg9[%get3A_310] {strides = array<i32>} : memref<2000xi32, #tpu.memory_space<vmem>>, vector<16xi32>,
      %get3A_312 = vector.shape_cast %get3A_311 : vector<16xi32> to vector<16xi32>
      %ge3A = vector.broadcast %mul3A_14 : i32 to vector<16xi32>
      %ge3A_313 = arith.cmpi sge, %get3A_307, %ge3A : vector<16xi32>
      %lt3A = vector.broadcast %add3A_16 : i32 to vector<16xi32>
      %lt3A_314 = arith.cmpi slt, %get3A_307, %lt3A : vector<16xi32>
      %and3A = arith.andi %ge3A_313, %lt3A_314 : vector<16xi1>
      %sub3A = vector.broadcast %mul3A_14 : i32 to vector<16xi32>
      %sub3A_315 = arith.subi %get3A_307, %sub3A : vector<16xi32>
      %mul3A_316 = arith.constant 5120 : i32
      %mul3A_317 = vector.broadcast %mul3A_316 : i32 to vector<16xi32>
      %mul3A_318 = arith.muli %sub3A_315, %mul3A_317 : vector<16xi32>
      %add3A_319 = arith.addi %mul3A_318, %get3A_312 : vector<16xi32>
      %and3A_320 = arith.constant 1023 : i32
      %and3A_321 = vector.broadcast %and3A_320 : i32 to vector<16xi32>
      %and3A_322 = arith.andi %get3A_312, %and3A_321 : vector<16xi32>
      %add3A_323 = arith.constant 1638400 : i32
      %add3A_324 = vector.broadcast %add3A_323 : i32 to vector<16xi32>
      %add3A_325 = arith.addi %add3A_324, %and3A_322 : vector<16xi32>
      %select_n3A = arith.select %and3A, %add3A_319, %add3A_325 : vector<16xi1>, vector<16xi32>
      %mul3A_326 = arith.constant 16 : i32
      %mul3A_327 = arith.muli %scan3A_303, %mul3A_326 : i32
      %swap3A = arith.index_cast %mul3A_327 : i32 to index
      %swap3A_328 = tpu.vector_load %arg15[%swap3A] {strides = array<i32>} : memref<2000xi32, #tpu.memory_space<vmem>>, vector<16xi32>,
      %swap3A_329 = vector.shape_cast %swap3A_328 : vector<16xi32> to vector<16xi32>
      %swap3A_330 = vector.shape_cast %select_n3A : vector<16xi32> to vector<16xi32>
      tpu.vector_store %arg15[%swap3A], %swap3A_330 {strides = array<i32>} : memref<2000xi32, #tpu.memory_space<vmem>>, vector<16xi32>,
      %scan3A_331 = arith.constant 125 : i32
      %dma_start3A_332 = arith.constant 0 : i32
      %dma_start3A_333 = tpu.memref_slice %arg19[%dma_start3A_332] : memref<1639424xf32, #tpu.memory_space<vmem_shared>> -> memref<1639424xf32, #tpu.memory_space<vmem_shared>>
      tpu.enqueue_indirect_dma source(%arg12 : memref<2000xf32, #tpu.memory_space<vmem>>) target(%dma_start3A_333 : memref<1639424xf32, #tpu.memory_space<vmem_shared>>) offsets(%arg15 : memref<2000xi32, #tpu.memory_space<vmem>>) semaphore(%arg21 : memref<!tpu.dma_semaphore, #tpu.memory_space<semaphore_mem>>) {add = true}
      %dma_wait3A_334 = tpu.memref_slice %arg2[%add3A_290] : memref<320000xi32, #tpu.memory_space<hbm>> -> memref<2000xi32, #tpu.memory_space<hbm>>
      %dma_wait3A_335 = tpu.memref_slice %arg2[%add3A_290] : memref<320000xi32, #tpu.memory_space<hbm>> -> memref<2000xi32, #tpu.memory_space<hbm>>
      tpu.wait_dma2 semaphore(%arg20 : memref<!tpu.dma_semaphore, #tpu.memory_space<semaphore_mem>>) src(%dma_wait3A_335 : memref<2000xi32, #tpu.memory_space<hbm>>) dst(%arg7 : memref<2000xi32, #tpu.memory_space<vmem>>)
      %dma_wait3A_336 = tpu.memref_slice %arg3[%add3A_290] : memref<320000xi32, #tpu.memory_space<hbm>> -> memref<2000xi32, #tpu.memory_space<hbm>>
      %dma_wait3A_337 = tpu.memref_slice %arg3[%add3A_290] : memref<320000xi32, #tpu.memory_space<hbm>> -> memref<2000xi32, #tpu.memory_space<hbm>>
      tpu.wait_dma2 semaphore(%arg20 : memref<!tpu.dma_semaphore, #tpu.memory_space<semaphore_mem>>) src(%dma_wait3A_337 : memref<2000xi32, #tpu.memory_space<hbm>>) dst(%arg10 : memref<2000xi32, #tpu.memory_space<vmem>>)
      %dma_wait3A_338 = tpu.memref_slice %arg4[%add3A_290] : memref<320000xf32, #tpu.memory_space<hbm>> -> memref<2000xf32, #tpu.memory_space<hbm>>
      %dma_wait3A_339 = tpu.memref_slice %arg4[%add3A_290] : memref<320000xf32, #tpu.memory_space<hbm>> -> memref<2000xf32, #tpu.memory_space<hbm>>
      tpu.wait_dma2 semaphore(%arg20 : memref<!tpu.dma_semaphore, #tpu.memory_space<semaphore_mem>>) src(%dma_wait3A_339 : memref<2000xf32, #tpu.memory_space<hbm>>) dst(%arg13 : memref<2000xf32, #tpu.memory_space<vmem>>)
      %mul3A_340 = arith.constant 20000 : i32
      %mul3A_341 = arith.muli %arg1, %mul3A_340 : i32
      %add3A_342 = arith.constant 4000 : i32
      %add3A_343 = arith.addi %mul3A_341, %add3A_342 : i32
      %dma_start3A_344 = tpu.memref_slice %arg2[%add3A_343] : memref<320000xi32, #tpu.memory_space<hbm>> -> memref<2000xi32, #tpu.memory_space<hbm>>
      %dma_start3A_345 = tpu.memref_slice %arg2[%add3A_343] : memref<320000xi32, #tpu.memory_space<hbm>> -> memref<2000xi32, #tpu.memory_space<hbm>>
      tpu.enqueue_dma source(%dma_start3A_345 : memref<2000xi32, #tpu.memory_space<hbm>>) target(%arg8 : memref<2000xi32, #tpu.memory_space<vmem>>) target_semaphore(%arg20 : memref<!tpu.dma_semaphore, #tpu.memory_space<semaphore_mem>>)
      %dma_start3A_346 = tpu.memref_slice %arg3[%add3A_343] : memref<320000xi32, #tpu.memory_space<hbm>> -> memref<2000xi32, #tpu.memory_space<hbm>>
      %dma_start3A_347 = tpu.memref_slice %arg3[%add3A_343] : memref<320000xi32, #tpu.memory_space<hbm>> -> memref<2000xi32, #tpu.memory_space<hbm>>
      tpu.enqueue_dma source(%dma_start3A_347 : memref<2000xi32, #tpu.memory_space<hbm>>) target(%arg11 : memref<2000xi32, #tpu.memory_space<vmem>>) target_semaphore(%arg20 : memref<!tpu.dma_semaphore, #tpu.memory_space<semaphore_mem>>)
      %dma_start3A_348 = tpu.memref_slice %arg4[%add3A_343] : memref<320000xf32, #tpu.memory_space<hbm>> -> memref<2000xf32, #tpu.memory_space<hbm>>
      %dma_start3A_349 = tpu.memref_slice %arg4[%add3A_343] : memref<320000xf32, #tpu.memory_space<hbm>> -> memref<2000xf32, #tpu.memory_space<hbm>>
      tpu.enqueue_dma source(%dma_start3A_349 : memref<2000xf32, #tpu.memory_space<hbm>>) target(%arg14 : memref<2000xf32, #tpu.memory_space<vmem>>) target_semaphore(%arg20 : memref<!tpu.dma_semaphore, #tpu.memory_space<semaphore_mem>>)
      %scan3A_350 = arith.constant 0 : i32
      %scan3A_351 = arith.constant 0 : i32
      %scan3A_352 = arith.constant 124 : i32
      %scan3A_353 = arith.addi %scan3A_351, %scan3A_352 : i32
      %scan3A_354 = arith.constant 2 : i32
      scf.for %scan3A_1306 = %scan3A_351 to %scan3A_353 step %scan3A_354  : i32 {
        %mul3A_1307 = arith.constant 16 : i32
        %mul3A_1308 = arith.muli %scan3A_1306, %mul3A_1307 : i32
        %get3A_1309 = arith.index_cast %mul3A_1308 : i32 to index
        %get3A_1310 = tpu.vector_load %arg7[%get3A_1309] {strides = array<i32>} : memref<2000xi32, #tpu.memory_space<vmem>>, vector<16xi32>,
        %get3A_1311 = vector.shape_cast %get3A_1310 : vector<16xi32> to vector<16xi32>
        %mul3A_1312 = arith.constant 16 : i32
        %mul3A_1313 = arith.muli %scan3A_1306, %mul3A_1312 : i32
        %get3A_1314 = arith.index_cast %mul3A_1313 : i32 to index
        %get3A_1315 = tpu.vector_load %arg10[%get3A_1314] {strides = array<i32>} : memref<2000xi32, #tpu.memory_space<vmem>>, vector<16xi32>,
        %get3A_1316 = vector.shape_cast %get3A_1315 : vector<16xi32> to vector<16xi32>
        %ge3A_1317 = vector.broadcast %mul3A_14 : i32 to vector<16xi32>
        %ge3A_1318 = arith.cmpi sge, %get3A_1311, %ge3A_1317 : vector<16xi32>
        %lt3A_1319 = vector.broadcast %add3A_16 : i32 to vector<16xi32>
        %lt3A_1320 = arith.cmpi slt, %get3A_1311, %lt3A_1319 : vector<16xi32>
        %and3A_1321 = arith.andi %ge3A_1318, %lt3A_1320 : vector<16xi1>
        %sub3A_1322 = vector.broadcast %mul3A_14 : i32 to vector<16xi32>
        %sub3A_1323 = arith.subi %get3A_1311, %sub3A_1322 : vector<16xi32>
        %mul3A_1324 = arith.constant 5120 : i32
        %mul3A_1325 = vector.broadcast %mul3A_1324 : i32 to vector<16xi32>
        %mul3A_1326 = arith.muli %sub3A_1323, %mul3A_1325 : vector<16xi32>
        %add3A_1327 = arith.addi %mul3A_1326, %get3A_1316 : vector<16xi32>
        %and3A_1328 = arith.constant 1023 : i32
        %and3A_1329 = vector.broadcast %and3A_1328 : i32 to vector<16xi32>
        %and3A_1330 = arith.andi %get3A_1316, %and3A_1329 : vector<16xi32>
        %add3A_1331 = arith.constant 1638400 : i32
        %add3A_1332 = vector.broadcast %add3A_1331 : i32 to vector<16xi32>
        %add3A_1333 = arith.addi %add3A_1332, %and3A_1330 : vector<16xi32>
        %select_n3A_1334 = arith.select %and3A_1321, %add3A_1327, %add3A_1333 : vector<16xi1>, vector<16xi32>
        %mul3A_1335 = arith.constant 16 : i32
        %mul3A_1336 = arith.muli %scan3A_1306, %mul3A_1335 : i32
        %swap3A_1337 = arith.index_cast %mul3A_1336 : i32 to index
        %swap3A_1338 = tpu.vector_load %arg16[%swap3A_1337] {strides = array<i32>} : memref<2000xi32, #tpu.memory_space<vmem>>, vector<16xi32>,
        %swap3A_1339 = vector.shape_cast %swap3A_1338 : vector<16xi32> to vector<16xi32>
        %swap3A_1340 = vector.shape_cast %select_n3A_1334 : vector<16xi32> to vector<16xi32>
        tpu.vector_store %arg16[%swap3A_1337], %swap3A_1340 {strides = array<i32>} : memref<2000xi32, #tpu.memory_space<vmem>>, vector<16xi32>,
        %scan3A_1341 = arith.constant 1 : i32
        %scan3A_1342 = arith.addi %scan3A_1306, %scan3A_1341 : i32
        %mul3A_1343 = arith.constant 16 : i32
        %mul3A_1344 = arith.muli %scan3A_1342, %mul3A_1343 : i32
        %get3A_1345 = arith.index_cast %mul3A_1344 : i32 to index
        %get3A_1346 = tpu.vector_load %arg7[%get3A_1345] {strides = array<i32>} : memref<2000xi32, #tpu.memory_space<vmem>>, vector<16xi32>,
        %get3A_1347 = vector.shape_cast %get3A_1346 : vector<16xi32> to vector<16xi32>
        %mul3A_1348 = arith.constant 16 : i32
        %mul3A_1349 = arith.muli %scan3A_1342, %mul3A_1348 : i32
        %get3A_1350 = arith.index_cast %mul3A_1349 : i32 to index
        %get3A_1351 = tpu.vector_load %arg10[%get3A_1350] {strides = array<i32>} : memref<2000xi32, #tpu.memory_space<vmem>>, vector<16xi32>,
        %get3A_1352 = vector.shape_cast %get3A_1351 : vector<16xi32> to vector<16xi32>
        %ge3A_1353 = vector.broadcast %mul3A_14 : i32 to vector<16xi32>
        %ge3A_1354 = arith.cmpi sge, %get3A_1347, %ge3A_1353 : vector<16xi32>
        %lt3A_1355 = vector.broadcast %add3A_16 : i32 to vector<16xi32>
        %lt3A_1356 = arith.cmpi slt, %get3A_1347, %lt3A_1355 : vector<16xi32>
        %and3A_1357 = arith.andi %ge3A_1354, %lt3A_1356 : vector<16xi1>
        %sub3A_1358 = vector.broadcast %mul3A_14 : i32 to vector<16xi32>
        %sub3A_1359 = arith.subi %get3A_1347, %sub3A_1358 : vector<16xi32>
        %mul3A_1360 = arith.constant 5120 : i32
        %mul3A_1361 = vector.broadcast %mul3A_1360 : i32 to vector<16xi32>
        %mul3A_1362 = arith.muli %sub3A_1359, %mul3A_1361 : vector<16xi32>
        %add3A_1363 = arith.addi %mul3A_1362, %get3A_1352 : vector<16xi32>
        %and3A_1364 = arith.constant 1023 : i32
        %and3A_1365 = vector.broadcast %and3A_1364 : i32 to vector<16xi32>
        %and3A_1366 = arith.andi %get3A_1352, %and3A_1365 : vector<16xi32>
        %add3A_1367 = arith.constant 1638400 : i32
        %add3A_1368 = vector.broadcast %add3A_1367 : i32 to vector<16xi32>
        %add3A_1369 = arith.addi %add3A_1368, %and3A_1366 : vector<16xi32>
        %select_n3A_1370 = arith.select %and3A_1357, %add3A_1363, %add3A_1369 : vector<16xi1>, vector<16xi32>
        %mul3A_1371 = arith.constant 16 : i32
        %mul3A_1372 = arith.muli %scan3A_1342, %mul3A_1371 : i32
        %swap3A_1373 = arith.index_cast %mul3A_1372 : i32 to index
        %swap3A_1374 = tpu.vector_load %arg16[%swap3A_1373] {strides = array<i32>} : memref<2000xi32, #tpu.memory_space<vmem>>, vector<16xi32>,
        %swap3A_1375 = vector.shape_cast %swap3A_1374 : vector<16xi32> to vector<16xi32>
        %swap3A_1376 = vector.shape_cast %select_n3A_1370 : vector<16xi32> to vector<16xi32>
        tpu.vector_store %arg16[%swap3A_1373], %swap3A_1376 {strides = array<i32>} : memref<2000xi32, #tpu.memory_space<vmem>>, vector<16xi32>,
      }
      %scan3A_355 = arith.constant 124 : i32
      %scan3A_356 = arith.addi %scan3A_351, %scan3A_355 : i32
      %mul3A_357 = arith.constant 16 : i32
      %mul3A_358 = arith.muli %scan3A_356, %mul3A_357 : i32
      %get3A_359 = arith.index_cast %mul3A_358 : i32 to index
      %get3A_360 = tpu.vector_load %arg7[%get3A_359] {strides = array<i32>} : memref<2000xi32, #tpu.memory_space<vmem>>, vector<16xi32>,
      %get3A_361 = vector.shape_cast %get3A_360 : vector<16xi32> to vector<16xi32>
      %mul3A_362 = arith.constant 16 : i32
      %mul3A_363 = arith.muli %scan3A_356, %mul3A_362 : i32
      %get3A_364 = arith.index_cast %mul3A_363 : i32 to index
      %get3A_365 = tpu.vector_load %arg10[%get3A_364] {strides = array<i32>} : memref<2000xi32, #tpu.memory_space<vmem>>, vector<16xi32>,
      %get3A_366 = vector.shape_cast %get3A_365 : vector<16xi32> to vector<16xi32>
      %ge3A_367 = vector.broadcast %mul3A_14 : i32 to vector<16xi32>
      %ge3A_368 = arith.cmpi sge, %get3A_361, %ge3A_367 : vector<16xi32>
      %lt3A_369 = vector.broadcast %add3A_16 : i32 to vector<16xi32>
      %lt3A_370 = arith.cmpi slt, %get3A_361, %lt3A_369 : vector<16xi32>
      %and3A_371 = arith.andi %ge3A_368, %lt3A_370 : vector<16xi1>
      %sub3A_372 = vector.broadcast %mul3A_14 : i32 to vector<16xi32>
      %sub3A_373 = arith.subi %get3A_361, %sub3A_372 : vector<16xi32>
      %mul3A_374 = arith.constant 5120 : i32
      %mul3A_375 = vector.broadcast %mul3A_374 : i32 to vector<16xi32>
      %mul3A_376 = arith.muli %sub3A_373, %mul3A_375 : vector<16xi32>
      %add3A_377 = arith.addi %mul3A_376, %get3A_366 : vector<16xi32>
      %and3A_378 = arith.constant 1023 : i32
      %and3A_379 = vector.broadcast %and3A_378 : i32 to vector<16xi32>
      %and3A_380 = arith.andi %get3A_366, %and3A_379 : vector<16xi32>
      %add3A_381 = arith.constant 1638400 : i32
      %add3A_382 = vector.broadcast %add3A_381 : i32 to vector<16xi32>
      %add3A_383 = arith.addi %add3A_382, %and3A_380 : vector<16xi32>
      %select_n3A_384 = arith.select %and3A_371, %add3A_377, %add3A_383 : vector<16xi1>, vector<16xi32>
      %mul3A_385 = arith.constant 16 : i32
      %mul3A_386 = arith.muli %scan3A_356, %mul3A_385 : i32
      %swap3A_387 = arith.index_cast %mul3A_386 : i32 to index
      %swap3A_388 = tpu.vector_load %arg16[%swap3A_387] {strides = array<i32>} : memref<2000xi32, #tpu.memory_space<vmem>>, vector<16xi32>,
      %swap3A_389 = vector.shape_cast %swap3A_388 : vector<16xi32> to vector<16xi32>
      %swap3A_390 = vector.shape_cast %select_n3A_384 : vector<16xi32> to vector<16xi32>
      tpu.vector_store %arg16[%swap3A_387], %swap3A_390 {strides = array<i32>} : memref<2000xi32, #tpu.memory_space<vmem>>, vector<16xi32>,
      %scan3A_391 = arith.constant 125 : i32
      %dma_start3A_392 = arith.constant 0 : i32
      %dma_start3A_393 = tpu.memref_slice %arg19[%dma_start3A_392] : memref<1639424xf32, #tpu.memory_space<vmem_shared>> -> memref<1639424xf32, #tpu.memory_space<vmem_shared>>
      tpu.enqueue_indirect_dma source(%arg13 : memref<2000xf32, #tpu.memory_space<vmem>>) target(%dma_start3A_393 : memref<1639424xf32, #tpu.memory_space<vmem_shared>>) offsets(%arg16 : memref<2000xi32, #tpu.memory_space<vmem>>) semaphore(%arg21 : memref<!tpu.dma_semaphore, #tpu.memory_space<semaphore_mem>>) {add = true}
      %dma_wait3A_394 = tpu.memref_slice %arg2[%add3A_343] : memref<320000xi32, #tpu.memory_space<hbm>> -> memref<2000xi32, #tpu.memory_space<hbm>>
      %dma_wait3A_395 = tpu.memref_slice %arg2[%add3A_343] : memref<320000xi32, #tpu.memory_space<hbm>> -> memref<2000xi32, #tpu.memory_space<hbm>>
      tpu.wait_dma2 semaphore(%arg20 : memref<!tpu.dma_semaphore, #tpu.memory_space<semaphore_mem>>) src(%dma_wait3A_395 : memref<2000xi32, #tpu.memory_space<hbm>>) dst(%arg8 : memref<2000xi32, #tpu.memory_space<vmem>>)
      %dma_wait3A_396 = tpu.memref_slice %arg3[%add3A_343] : memref<320000xi32, #tpu.memory_space<hbm>> -> memref<2000xi32, #tpu.memory_space<hbm>>
      %dma_wait3A_397 = tpu.memref_slice %arg3[%add3A_343] : memref<320000xi32, #tpu.memory_space<hbm>> -> memref<2000xi32, #tpu.memory_space<hbm>>
      tpu.wait_dma2 semaphore(%arg20 : memref<!tpu.dma_semaphore, #tpu.memory_space<semaphore_mem>>) src(%dma_wait3A_397 : memref<2000xi32, #tpu.memory_space<hbm>>) dst(%arg11 : memref<2000xi32, #tpu.memory_space<vmem>>)
      %dma_wait3A_398 = tpu.memref_slice %arg4[%add3A_343] : memref<320000xf32, #tpu.memory_space<hbm>> -> memref<2000xf32, #tpu.memory_space<hbm>>
      %dma_wait3A_399 = tpu.memref_slice %arg4[%add3A_343] : memref<320000xf32, #tpu.memory_space<hbm>> -> memref<2000xf32, #tpu.memory_space<hbm>>
      tpu.wait_dma2 semaphore(%arg20 : memref<!tpu.dma_semaphore, #tpu.memory_space<semaphore_mem>>) src(%dma_wait3A_399 : memref<2000xf32, #tpu.memory_space<hbm>>) dst(%arg14 : memref<2000xf32, #tpu.memory_space<vmem>>)
      %dma_wait3A_400 = arith.constant 0 : i32
      %dma_wait3A_401 = tpu.memref_slice %arg19[%dma_wait3A_400] : memref<1639424xf32, #tpu.memory_space<vmem_shared>> -> memref<1639424xf32, #tpu.memory_space<vmem_shared>>
      tpu.wait_indirect_dma semaphore(%arg21 : memref<!tpu.dma_semaphore, #tpu.memory_space<semaphore_mem>>) src(%arg12 : memref<2000xf32, #tpu.memory_space<vmem>>) dst(%dma_wait3A_401 : memref<1639424xf32, #tpu.memory_space<vmem_shared>>)
      %mul3A_402 = arith.constant 20000 : i32
      %mul3A_403 = arith.muli %arg1, %mul3A_402 : i32
      %add3A_404 = arith.constant 6000 : i32
      %add3A_405 = arith.addi %mul3A_403, %add3A_404 : i32
      %dma_start3A_406 = tpu.memref_slice %arg2[%add3A_405] : memref<320000xi32, #tpu.memory_space<hbm>> -> memref<2000xi32, #tpu.memory_space<hbm>>
      %dma_start3A_407 = tpu.memref_slice %arg2[%add3A_405] : memref<320000xi32, #tpu.memory_space<hbm>> -> memref<2000xi32, #tpu.memory_space<hbm>>
      tpu.enqueue_dma source(%dma_start3A_407 : memref<2000xi32, #tpu.memory_space<hbm>>) target(%arg6 : memref<2000xi32, #tpu.memory_space<vmem>>) target_semaphore(%arg20 : memref<!tpu.dma_semaphore, #tpu.memory_space<semaphore_mem>>)
      %dma_start3A_408 = tpu.memref_slice %arg3[%add3A_405] : memref<320000xi32, #tpu.memory_space<hbm>> -> memref<2000xi32, #tpu.memory_space<hbm>>
      %dma_start3A_409 = tpu.memref_slice %arg3[%add3A_405] : memref<320000xi32, #tpu.memory_space<hbm>> -> memref<2000xi32, #tpu.memory_space<hbm>>
      tpu.enqueue_dma source(%dma_start3A_409 : memref<2000xi32, #tpu.memory_space<hbm>>) target(%arg9 : memref<2000xi32, #tpu.memory_space<vmem>>) target_semaphore(%arg20 : memref<!tpu.dma_semaphore, #tpu.memory_space<semaphore_mem>>)
      %dma_start3A_410 = tpu.memref_slice %arg4[%add3A_405] : memref<320000xf32, #tpu.memory_space<hbm>> -> memref<2000xf32, #tpu.memory_space<hbm>>
      %dma_start3A_411 = tpu.memref_slice %arg4[%add3A_405] : memref<320000xf32, #tpu.memory_space<hbm>> -> memref<2000xf32, #tpu.memory_space<hbm>>
      tpu.enqueue_dma source(%dma_start3A_411 : memref<2000xf32, #tpu.memory_space<hbm>>) target(%arg12 : memref<2000xf32, #tpu.memory_space<vmem>>) target_semaphore(%arg20 : memref<!tpu.dma_semaphore, #tpu.memory_space<semaphore_mem>>)
      %scan3A_412 = arith.constant 0 : i32
      %scan3A_413 = arith.constant 0 : i32
      %scan3A_414 = arith.constant 124 : i32
      %scan3A_415 = arith.addi %scan3A_413, %scan3A_414 : i32
      %scan3A_416 = arith.constant 2 : i32
      scf.for %scan3A_1306 = %scan3A_413 to %scan3A_415 step %scan3A_416  : i32 {
        %mul3A_1307 = arith.constant 16 : i32
        %mul3A_1308 = arith.muli %scan3A_1306, %mul3A_1307 : i32
        %get3A_1309 = arith.index_cast %mul3A_1308 : i32 to index
        %get3A_1310 = tpu.vector_load %arg8[%get3A_1309] {strides = array<i32>} : memref<2000xi32, #tpu.memory_space<vmem>>, vector<16xi32>,
        %get3A_1311 = vector.shape_cast %get3A_1310 : vector<16xi32> to vector<16xi32>
        %mul3A_1312 = arith.constant 16 : i32
        %mul3A_1313 = arith.muli %scan3A_1306, %mul3A_1312 : i32
        %get3A_1314 = arith.index_cast %mul3A_1313 : i32 to index
        %get3A_1315 = tpu.vector_load %arg11[%get3A_1314] {strides = array<i32>} : memref<2000xi32, #tpu.memory_space<vmem>>, vector<16xi32>,
        %get3A_1316 = vector.shape_cast %get3A_1315 : vector<16xi32> to vector<16xi32>
        %ge3A_1317 = vector.broadcast %mul3A_14 : i32 to vector<16xi32>
        %ge3A_1318 = arith.cmpi sge, %get3A_1311, %ge3A_1317 : vector<16xi32>
        %lt3A_1319 = vector.broadcast %add3A_16 : i32 to vector<16xi32>
        %lt3A_1320 = arith.cmpi slt, %get3A_1311, %lt3A_1319 : vector<16xi32>
        %and3A_1321 = arith.andi %ge3A_1318, %lt3A_1320 : vector<16xi1>
        %sub3A_1322 = vector.broadcast %mul3A_14 : i32 to vector<16xi32>
        %sub3A_1323 = arith.subi %get3A_1311, %sub3A_1322 : vector<16xi32>
        %mul3A_1324 = arith.constant 5120 : i32
        %mul3A_1325 = vector.broadcast %mul3A_1324 : i32 to vector<16xi32>
        %mul3A_1326 = arith.muli %sub3A_1323, %mul3A_1325 : vector<16xi32>
        %add3A_1327 = arith.addi %mul3A_1326, %get3A_1316 : vector<16xi32>
        %and3A_1328 = arith.constant 1023 : i32
        %and3A_1329 = vector.broadcast %and3A_1328 : i32 to vector<16xi32>
        %and3A_1330 = arith.andi %get3A_1316, %and3A_1329 : vector<16xi32>
        %add3A_1331 = arith.constant 1638400 : i32
        %add3A_1332 = vector.broadcast %add3A_1331 : i32 to vector<16xi32>
        %add3A_1333 = arith.addi %add3A_1332, %and3A_1330 : vector<16xi32>
        %select_n3A_1334 = arith.select %and3A_1321, %add3A_1327, %add3A_1333 : vector<16xi1>, vector<16xi32>
        %mul3A_1335 = arith.constant 16 : i32
        %mul3A_1336 = arith.muli %scan3A_1306, %mul3A_1335 : i32
        %swap3A_1337 = arith.index_cast %mul3A_1336 : i32 to index
        %swap3A_1338 = tpu.vector_load %arg17[%swap3A_1337] {strides = array<i32>} : memref<2000xi32, #tpu.memory_space<vmem>>, vector<16xi32>,
        %swap3A_1339 = vector.shape_cast %swap3A_1338 : vector<16xi32> to vector<16xi32>
        %swap3A_1340 = vector.shape_cast %select_n3A_1334 : vector<16xi32> to vector<16xi32>
        tpu.vector_store %arg17[%swap3A_1337], %swap3A_1340 {strides = array<i32>} : memref<2000xi32, #tpu.memory_space<vmem>>, vector<16xi32>,
        %scan3A_1341 = arith.constant 1 : i32
        %scan3A_1342 = arith.addi %scan3A_1306, %scan3A_1341 : i32
        %mul3A_1343 = arith.constant 16 : i32
        %mul3A_1344 = arith.muli %scan3A_1342, %mul3A_1343 : i32
        %get3A_1345 = arith.index_cast %mul3A_1344 : i32 to index
        %get3A_1346 = tpu.vector_load %arg8[%get3A_1345] {strides = array<i32>} : memref<2000xi32, #tpu.memory_space<vmem>>, vector<16xi32>,
        %get3A_1347 = vector.shape_cast %get3A_1346 : vector<16xi32> to vector<16xi32>
        %mul3A_1348 = arith.constant 16 : i32
        %mul3A_1349 = arith.muli %scan3A_1342, %mul3A_1348 : i32
        %get3A_1350 = arith.index_cast %mul3A_1349 : i32 to index
        %get3A_1351 = tpu.vector_load %arg11[%get3A_1350] {strides = array<i32>} : memref<2000xi32, #tpu.memory_space<vmem>>, vector<16xi32>,
        %get3A_1352 = vector.shape_cast %get3A_1351 : vector<16xi32> to vector<16xi32>
        %ge3A_1353 = vector.broadcast %mul3A_14 : i32 to vector<16xi32>
        %ge3A_1354 = arith.cmpi sge, %get3A_1347, %ge3A_1353 : vector<16xi32>
        %lt3A_1355 = vector.broadcast %add3A_16 : i32 to vector<16xi32>
        %lt3A_1356 = arith.cmpi slt, %get3A_1347, %lt3A_1355 : vector<16xi32>
        %and3A_1357 = arith.andi %ge3A_1354, %lt3A_1356 : vector<16xi1>
        %sub3A_1358 = vector.broadcast %mul3A_14 : i32 to vector<16xi32>
        %sub3A_1359 = arith.subi %get3A_1347, %sub3A_1358 : vector<16xi32>
        %mul3A_1360 = arith.constant 5120 : i32
        %mul3A_1361 = vector.broadcast %mul3A_1360 : i32 to vector<16xi32>
        %mul3A_1362 = arith.muli %sub3A_1359, %mul3A_1361 : vector<16xi32>
        %add3A_1363 = arith.addi %mul3A_1362, %get3A_1352 : vector<16xi32>
        %and3A_1364 = arith.constant 1023 : i32
        %and3A_1365 = vector.broadcast %and3A_1364 : i32 to vector<16xi32>
        %and3A_1366 = arith.andi %get3A_1352, %and3A_1365 : vector<16xi32>
        %add3A_1367 = arith.constant 1638400 : i32
        %add3A_1368 = vector.broadcast %add3A_1367 : i32 to vector<16xi32>
        %add3A_1369 = arith.addi %add3A_1368, %and3A_1366 : vector<16xi32>
        %select_n3A_1370 = arith.select %and3A_1357, %add3A_1363, %add3A_1369 : vector<16xi1>, vector<16xi32>
        %mul3A_1371 = arith.constant 16 : i32
        %mul3A_1372 = arith.muli %scan3A_1342, %mul3A_1371 : i32
        %swap3A_1373 = arith.index_cast %mul3A_1372 : i32 to index
        %swap3A_1374 = tpu.vector_load %arg17[%swap3A_1373] {strides = array<i32>} : memref<2000xi32, #tpu.memory_space<vmem>>, vector<16xi32>,
        %swap3A_1375 = vector.shape_cast %swap3A_1374 : vector<16xi32> to vector<16xi32>
        %swap3A_1376 = vector.shape_cast %select_n3A_1370 : vector<16xi32> to vector<16xi32>
        tpu.vector_store %arg17[%swap3A_1373], %swap3A_1376 {strides = array<i32>} : memref<2000xi32, #tpu.memory_space<vmem>>, vector<16xi32>,
      }
      %scan3A_417 = arith.constant 124 : i32
      %scan3A_418 = arith.addi %scan3A_413, %scan3A_417 : i32
      %mul3A_419 = arith.constant 16 : i32
      %mul3A_420 = arith.muli %scan3A_418, %mul3A_419 : i32
      %get3A_421 = arith.index_cast %mul3A_420 : i32 to index
      %get3A_422 = tpu.vector_load %arg8[%get3A_421] {strides = array<i32>} : memref<2000xi32, #tpu.memory_space<vmem>>, vector<16xi32>,
      %get3A_423 = vector.shape_cast %get3A_422 : vector<16xi32> to vector<16xi32>
      %mul3A_424 = arith.constant 16 : i32
      %mul3A_425 = arith.muli %scan3A_418, %mul3A_424 : i32
      %get3A_426 = arith.index_cast %mul3A_425 : i32 to index
      %get3A_427 = tpu.vector_load %arg11[%get3A_426] {strides = array<i32>} : memref<2000xi32, #tpu.memory_space<vmem>>, vector<16xi32>,
      %get3A_428 = vector.shape_cast %get3A_427 : vector<16xi32> to vector<16xi32>
      %ge3A_429 = vector.broadcast %mul3A_14 : i32 to vector<16xi32>
      %ge3A_430 = arith.cmpi sge, %get3A_423, %ge3A_429 : vector<16xi32>
      %lt3A_431 = vector.broadcast %add3A_16 : i32 to vector<16xi32>
      %lt3A_432 = arith.cmpi slt, %get3A_423, %lt3A_431 : vector<16xi32>
      %and3A_433 = arith.andi %ge3A_430, %lt3A_432 : vector<16xi1>
      %sub3A_434 = vector.broadcast %mul3A_14 : i32 to vector<16xi32>
      %sub3A_435 = arith.subi %get3A_423, %sub3A_434 : vector<16xi32>
      %mul3A_436 = arith.constant 5120 : i32
      %mul3A_437 = vector.broadcast %mul3A_436 : i32 to vector<16xi32>
      %mul3A_438 = arith.muli %sub3A_435, %mul3A_437 : vector<16xi32>
      %add3A_439 = arith.addi %mul3A_438, %get3A_428 : vector<16xi32>
      %and3A_440 = arith.constant 1023 : i32
      %and3A_441 = vector.broadcast %and3A_440 : i32 to vector<16xi32>
      %and3A_442 = arith.andi %get3A_428, %and3A_441 : vector<16xi32>
      %add3A_443 = arith.constant 1638400 : i32
      %add3A_444 = vector.broadcast %add3A_443 : i32 to vector<16xi32>
      %add3A_445 = arith.addi %add3A_444, %and3A_442 : vector<16xi32>
      %select_n3A_446 = arith.select %and3A_433, %add3A_439, %add3A_445 : vector<16xi1>, vector<16xi32>
      %mul3A_447 = arith.constant 16 : i32
      %mul3A_448 = arith.muli %scan3A_418, %mul3A_447 : i32
      %swap3A_449 = arith.index_cast %mul3A_448 : i32 to index
      %swap3A_450 = tpu.vector_load %arg17[%swap3A_449] {strides = array<i32>} : memref<2000xi32, #tpu.memory_space<vmem>>, vector<16xi32>,
      %swap3A_451 = vector.shape_cast %swap3A_450 : vector<16xi32> to vector<16xi32>
      %swap3A_452 = vector.shape_cast %select_n3A_446 : vector<16xi32> to vector<16xi32>
      tpu.vector_store %arg17[%swap3A_449], %swap3A_452 {strides = array<i32>} : memref<2000xi32, #tpu.memory_space<vmem>>, vector<16xi32>,
      %scan3A_453 = arith.constant 125 : i32
      %dma_start3A_454 = arith.constant 0 : i32
      %dma_start3A_455 = tpu.memref_slice %arg19[%dma_start3A_454] : memref<1639424xf32, #tpu.memory_space<vmem_shared>> -> memref<1639424xf32, #tpu.memory_space<vmem_shared>>
      tpu.enqueue_indirect_dma source(%arg14 : memref<2000xf32, #tpu.memory_space<vmem>>) target(%dma_start3A_455 : memref<1639424xf32, #tpu.memory_space<vmem_shared>>) offsets(%arg17 : memref<2000xi32, #tpu.memory_space<vmem>>) semaphore(%arg21 : memref<!tpu.dma_semaphore, #tpu.memory_space<semaphore_mem>>) {add = true}
      %dma_wait3A_456 = tpu.memref_slice %arg2[%add3A_405] : memref<320000xi32, #tpu.memory_space<hbm>> -> memref<2000xi32, #tpu.memory_space<hbm>>
      %dma_wait3A_457 = tpu.memref_slice %arg2[%add3A_405] : memref<320000xi32, #tpu.memory_space<hbm>> -> memref<2000xi32, #tpu.memory_space<hbm>>
      tpu.wait_dma2 semaphore(%arg20 : memref<!tpu.dma_semaphore, #tpu.memory_space<semaphore_mem>>) src(%dma_wait3A_457 : memref<2000xi32, #tpu.memory_space<hbm>>) dst(%arg6 : memref<2000xi32, #tpu.memory_space<vmem>>)
      %dma_wait3A_458 = tpu.memref_slice %arg3[%add3A_405] : memref<320000xi32, #tpu.memory_space<hbm>> -> memref<2000xi32, #tpu.memory_space<hbm>>
      %dma_wait3A_459 = tpu.memref_slice %arg3[%add3A_405] : memref<320000xi32, #tpu.memory_space<hbm>> -> memref<2000xi32, #tpu.memory_space<hbm>>
      tpu.wait_dma2 semaphore(%arg20 : memref<!tpu.dma_semaphore, #tpu.memory_space<semaphore_mem>>) src(%dma_wait3A_459 : memref<2000xi32, #tpu.memory_space<hbm>>) dst(%arg9 : memref<2000xi32, #tpu.memory_space<vmem>>)
      %dma_wait3A_460 = tpu.memref_slice %arg4[%add3A_405] : memref<320000xf32, #tpu.memory_space<hbm>> -> memref<2000xf32, #tpu.memory_space<hbm>>
      %dma_wait3A_461 = tpu.memref_slice %arg4[%add3A_405] : memref<320000xf32, #tpu.memory_space<hbm>> -> memref<2000xf32, #tpu.memory_space<hbm>>
      tpu.wait_dma2 semaphore(%arg20 : memref<!tpu.dma_semaphore, #tpu.memory_space<semaphore_mem>>) src(%dma_wait3A_461 : memref<2000xf32, #tpu.memory_space<hbm>>) dst(%arg12 : memref<2000xf32, #tpu.memory_space<vmem>>)
      %dma_wait3A_462 = arith.constant 0 : i32
      %dma_wait3A_463 = tpu.memref_slice %arg19[%dma_wait3A_462] : memref<1639424xf32, #tpu.memory_space<vmem_shared>> -> memref<1639424xf32, #tpu.memory_space<vmem_shared>>
      tpu.wait_indirect_dma semaphore(%arg21 : memref<!tpu.dma_semaphore, #tpu.memory_space<semaphore_mem>>) src(%arg13 : memref<2000xf32, #tpu.memory_space<vmem>>) dst(%dma_wait3A_463 : memref<1639424xf32, #tpu.memory_space<vmem_shared>>)
      %mul3A_464 = arith.constant 20000 : i32
      %mul3A_465 = arith.muli %arg1, %mul3A_464 : i32
      %add3A_466 = arith.constant 8000 : i32
      %add3A_467 = arith.addi %mul3A_465, %add3A_466 : i32
      %dma_start3A_468 = tpu.memref_slice %arg2[%add3A_467] : memref<320000xi32, #tpu.memory_space<hbm>> -> memref<2000xi32, #tpu.memory_space<hbm>>
      %dma_start3A_469 = tpu.memref_slice %arg2[%add3A_467] : memref<320000xi32, #tpu.memory_space<hbm>> -> memref<2000xi32, #tpu.memory_space<hbm>>
      tpu.enqueue_dma source(%dma_start3A_469 : memref<2000xi32, #tpu.memory_space<hbm>>) target(%arg7 : memref<2000xi32, #tpu.memory_space<vmem>>) target_semaphore(%arg20 : memref<!tpu.dma_semaphore, #tpu.memory_space<semaphore_mem>>)
      %dma_start3A_470 = tpu.memref_slice %arg3[%add3A_467] : memref<320000xi32, #tpu.memory_space<hbm>> -> memref<2000xi32, #tpu.memory_space<hbm>>
      %dma_start3A_471 = tpu.memref_slice %arg3[%add3A_467] : memref<320000xi32, #tpu.memory_space<hbm>> -> memref<2000xi32, #tpu.memory_space<hbm>>
      tpu.enqueue_dma source(%dma_start3A_471 : memref<2000xi32, #tpu.memory_space<hbm>>) target(%arg10 : memref<2000xi32, #tpu.memory_space<vmem>>) target_semaphore(%arg20 : memref<!tpu.dma_semaphore, #tpu.memory_space<semaphore_mem>>)
      %dma_start3A_472 = tpu.memref_slice %arg4[%add3A_467] : memref<320000xf32, #tpu.memory_space<hbm>> -> memref<2000xf32, #tpu.memory_space<hbm>>
      %dma_start3A_473 = tpu.memref_slice %arg4[%add3A_467] : memref<320000xf32, #tpu.memory_space<hbm>> -> memref<2000xf32, #tpu.memory_space<hbm>>
      tpu.enqueue_dma source(%dma_start3A_473 : memref<2000xf32, #tpu.memory_space<hbm>>) target(%arg13 : memref<2000xf32, #tpu.memory_space<vmem>>) target_semaphore(%arg20 : memref<!tpu.dma_semaphore, #tpu.memory_space<semaphore_mem>>)
      %scan3A_474 = arith.constant 0 : i32
      %scan3A_475 = arith.constant 0 : i32
      %scan3A_476 = arith.constant 124 : i32
      %scan3A_477 = arith.addi %scan3A_475, %scan3A_476 : i32
      %scan3A_478 = arith.constant 2 : i32
      scf.for %scan3A_1306 = %scan3A_475 to %scan3A_477 step %scan3A_478  : i32 {
        %mul3A_1307 = arith.constant 16 : i32
        %mul3A_1308 = arith.muli %scan3A_1306, %mul3A_1307 : i32
        %get3A_1309 = arith.index_cast %mul3A_1308 : i32 to index
        %get3A_1310 = tpu.vector_load %arg6[%get3A_1309] {strides = array<i32>} : memref<2000xi32, #tpu.memory_space<vmem>>, vector<16xi32>,
        %get3A_1311 = vector.shape_cast %get3A_1310 : vector<16xi32> to vector<16xi32>
        %mul3A_1312 = arith.constant 16 : i32
        %mul3A_1313 = arith.muli %scan3A_1306, %mul3A_1312 : i32
        %get3A_1314 = arith.index_cast %mul3A_1313 : i32 to index
        %get3A_1315 = tpu.vector_load %arg9[%get3A_1314] {strides = array<i32>} : memref<2000xi32, #tpu.memory_space<vmem>>, vector<16xi32>,
        %get3A_1316 = vector.shape_cast %get3A_1315 : vector<16xi32> to vector<16xi32>
        %ge3A_1317 = vector.broadcast %mul3A_14 : i32 to vector<16xi32>
        %ge3A_1318 = arith.cmpi sge, %get3A_1311, %ge3A_1317 : vector<16xi32>
        %lt3A_1319 = vector.broadcast %add3A_16 : i32 to vector<16xi32>
        %lt3A_1320 = arith.cmpi slt, %get3A_1311, %lt3A_1319 : vector<16xi32>
        %and3A_1321 = arith.andi %ge3A_1318, %lt3A_1320 : vector<16xi1>
        %sub3A_1322 = vector.broadcast %mul3A_14 : i32 to vector<16xi32>
        %sub3A_1323 = arith.subi %get3A_1311, %sub3A_1322 : vector<16xi32>
        %mul3A_1324 = arith.constant 5120 : i32
        %mul3A_1325 = vector.broadcast %mul3A_1324 : i32 to vector<16xi32>
        %mul3A_1326 = arith.muli %sub3A_1323, %mul3A_1325 : vector<16xi32>
        %add3A_1327 = arith.addi %mul3A_1326, %get3A_1316 : vector<16xi32>
        %and3A_1328 = arith.constant 1023 : i32
        %and3A_1329 = vector.broadcast %and3A_1328 : i32 to vector<16xi32>
        %and3A_1330 = arith.andi %get3A_1316, %and3A_1329 : vector<16xi32>
        %add3A_1331 = arith.constant 1638400 : i32
        %add3A_1332 = vector.broadcast %add3A_1331 : i32 to vector<16xi32>
        %add3A_1333 = arith.addi %add3A_1332, %and3A_1330 : vector<16xi32>
        %select_n3A_1334 = arith.select %and3A_1321, %add3A_1327, %add3A_1333 : vector<16xi1>, vector<16xi32>
        %mul3A_1335 = arith.constant 16 : i32
        %mul3A_1336 = arith.muli %scan3A_1306, %mul3A_1335 : i32
        %swap3A_1337 = arith.index_cast %mul3A_1336 : i32 to index
        %swap3A_1338 = tpu.vector_load %arg15[%swap3A_1337] {strides = array<i32>} : memref<2000xi32, #tpu.memory_space<vmem>>, vector<16xi32>,
        %swap3A_1339 = vector.shape_cast %swap3A_1338 : vector<16xi32> to vector<16xi32>
        %swap3A_1340 = vector.shape_cast %select_n3A_1334 : vector<16xi32> to vector<16xi32>
        tpu.vector_store %arg15[%swap3A_1337], %swap3A_1340 {strides = array<i32>} : memref<2000xi32, #tpu.memory_space<vmem>>, vector<16xi32>,
        %scan3A_1341 = arith.constant 1 : i32
        %scan3A_1342 = arith.addi %scan3A_1306, %scan3A_1341 : i32
        %mul3A_1343 = arith.constant 16 : i32
        %mul3A_1344 = arith.muli %scan3A_1342, %mul3A_1343 : i32
        %get3A_1345 = arith.index_cast %mul3A_1344 : i32 to index
        %get3A_1346 = tpu.vector_load %arg6[%get3A_1345] {strides = array<i32>} : memref<2000xi32, #tpu.memory_space<vmem>>, vector<16xi32>,
        %get3A_1347 = vector.shape_cast %get3A_1346 : vector<16xi32> to vector<16xi32>
        %mul3A_1348 = arith.constant 16 : i32
        %mul3A_1349 = arith.muli %scan3A_1342, %mul3A_1348 : i32
        %get3A_1350 = arith.index_cast %mul3A_1349 : i32 to index
        %get3A_1351 = tpu.vector_load %arg9[%get3A_1350] {strides = array<i32>} : memref<2000xi32, #tpu.memory_space<vmem>>, vector<16xi32>,
        %get3A_1352 = vector.shape_cast %get3A_1351 : vector<16xi32> to vector<16xi32>
        %ge3A_1353 = vector.broadcast %mul3A_14 : i32 to vector<16xi32>
        %ge3A_1354 = arith.cmpi sge, %get3A_1347, %ge3A_1353 : vector<16xi32>
        %lt3A_1355 = vector.broadcast %add3A_16 : i32 to vector<16xi32>
        %lt3A_1356 = arith.cmpi slt, %get3A_1347, %lt3A_1355 : vector<16xi32>
        %and3A_1357 = arith.andi %ge3A_1354, %lt3A_1356 : vector<16xi1>
        %sub3A_1358 = vector.broadcast %mul3A_14 : i32 to vector<16xi32>
        %sub3A_1359 = arith.subi %get3A_1347, %sub3A_1358 : vector<16xi32>
        %mul3A_1360 = arith.constant 5120 : i32
        %mul3A_1361 = vector.broadcast %mul3A_1360 : i32 to vector<16xi32>
        %mul3A_1362 = arith.muli %sub3A_1359, %mul3A_1361 : vector<16xi32>
        %add3A_1363 = arith.addi %mul3A_1362, %get3A_1352 : vector<16xi32>
        %and3A_1364 = arith.constant 1023 : i32
        %and3A_1365 = vector.broadcast %and3A_1364 : i32 to vector<16xi32>
        %and3A_1366 = arith.andi %get3A_1352, %and3A_1365 : vector<16xi32>
        %add3A_1367 = arith.constant 1638400 : i32
        %add3A_1368 = vector.broadcast %add3A_1367 : i32 to vector<16xi32>
        %add3A_1369 = arith.addi %add3A_1368, %and3A_1366 : vector<16xi32>
        %select_n3A_1370 = arith.select %and3A_1357, %add3A_1363, %add3A_1369 : vector<16xi1>, vector<16xi32>
        %mul3A_1371 = arith.constant 16 : i32
        %mul3A_1372 = arith.muli %scan3A_1342, %mul3A_1371 : i32
        %swap3A_1373 = arith.index_cast %mul3A_1372 : i32 to index
        %swap3A_1374 = tpu.vector_load %arg15[%swap3A_1373] {strides = array<i32>} : memref<2000xi32, #tpu.memory_space<vmem>>, vector<16xi32>,
        %swap3A_1375 = vector.shape_cast %swap3A_1374 : vector<16xi32> to vector<16xi32>
        %swap3A_1376 = vector.shape_cast %select_n3A_1370 : vector<16xi32> to vector<16xi32>
        tpu.vector_store %arg15[%swap3A_1373], %swap3A_1376 {strides = array<i32>} : memref<2000xi32, #tpu.memory_space<vmem>>, vector<16xi32>,
      }
      %scan3A_479 = arith.constant 124 : i32
      %scan3A_480 = arith.addi %scan3A_475, %scan3A_479 : i32
      %mul3A_481 = arith.constant 16 : i32
      %mul3A_482 = arith.muli %scan3A_480, %mul3A_481 : i32
      %get3A_483 = arith.index_cast %mul3A_482 : i32 to index
      %get3A_484 = tpu.vector_load %arg6[%get3A_483] {strides = array<i32>} : memref<2000xi32, #tpu.memory_space<vmem>>, vector<16xi32>,
      %get3A_485 = vector.shape_cast %get3A_484 : vector<16xi32> to vector<16xi32>
      %mul3A_486 = arith.constant 16 : i32
      %mul3A_487 = arith.muli %scan3A_480, %mul3A_486 : i32
      %get3A_488 = arith.index_cast %mul3A_487 : i32 to index
      %get3A_489 = tpu.vector_load %arg9[%get3A_488] {strides = array<i32>} : memref<2000xi32, #tpu.memory_space<vmem>>, vector<16xi32>,
      %get3A_490 = vector.shape_cast %get3A_489 : vector<16xi32> to vector<16xi32>
      %ge3A_491 = vector.broadcast %mul3A_14 : i32 to vector<16xi32>
      %ge3A_492 = arith.cmpi sge, %get3A_485, %ge3A_491 : vector<16xi32>
      %lt3A_493 = vector.broadcast %add3A_16 : i32 to vector<16xi32>
      %lt3A_494 = arith.cmpi slt, %get3A_485, %lt3A_493 : vector<16xi32>
      %and3A_495 = arith.andi %ge3A_492, %lt3A_494 : vector<16xi1>
      %sub3A_496 = vector.broadcast %mul3A_14 : i32 to vector<16xi32>
      %sub3A_497 = arith.subi %get3A_485, %sub3A_496 : vector<16xi32>
      %mul3A_498 = arith.constant 5120 : i32
      %mul3A_499 = vector.broadcast %mul3A_498 : i32 to vector<16xi32>
      %mul3A_500 = arith.muli %sub3A_497, %mul3A_499 : vector<16xi32>
      %add3A_501 = arith.addi %mul3A_500, %get3A_490 : vector<16xi32>
      %and3A_502 = arith.constant 1023 : i32
      %and3A_503 = vector.broadcast %and3A_502 : i32 to vector<16xi32>
      %and3A_504 = arith.andi %get3A_490, %and3A_503 : vector<16xi32>
      %add3A_505 = arith.constant 1638400 : i32
      %add3A_506 = vector.broadcast %add3A_505 : i32 to vector<16xi32>
      %add3A_507 = arith.addi %add3A_506, %and3A_504 : vector<16xi32>
      %select_n3A_508 = arith.select %and3A_495, %add3A_501, %add3A_507 : vector<16xi1>, vector<16xi32>
      %mul3A_509 = arith.constant 16 : i32
      %mul3A_510 = arith.muli %scan3A_480, %mul3A_509 : i32
      %swap3A_511 = arith.index_cast %mul3A_510 : i32 to index
      %swap3A_512 = tpu.vector_load %arg15[%swap3A_511] {strides = array<i32>} : memref<2000xi32, #tpu.memory_space<vmem>>, vector<16xi32>,
      %swap3A_513 = vector.shape_cast %swap3A_512 : vector<16xi32> to vector<16xi32>
      %swap3A_514 = vector.shape_cast %select_n3A_508 : vector<16xi32> to vector<16xi32>
      tpu.vector_store %arg15[%swap3A_511], %swap3A_514 {strides = array<i32>} : memref<2000xi32, #tpu.memory_space<vmem>>, vector<16xi32>,
      %scan3A_515 = arith.constant 125 : i32
      %dma_start3A_516 = arith.constant 0 : i32
      %dma_start3A_517 = tpu.memref_slice %arg19[%dma_start3A_516] : memref<1639424xf32, #tpu.memory_space<vmem_shared>> -> memref<1639424xf32, #tpu.memory_space<vmem_shared>>
      tpu.enqueue_indirect_dma source(%arg12 : memref<2000xf32, #tpu.memory_space<vmem>>) target(%dma_start3A_517 : memref<1639424xf32, #tpu.memory_space<vmem_shared>>) offsets(%arg15 : memref<2000xi32, #tpu.memory_space<vmem>>) semaphore(%arg21 : memref<!tpu.dma_semaphore, #tpu.memory_space<semaphore_mem>>) {add = true}
      %dma_wait3A_518 = tpu.memref_slice %arg2[%add3A_467] : memref<320000xi32, #tpu.memory_space<hbm>> -> memref<2000xi32, #tpu.memory_space<hbm>>
      %dma_wait3A_519 = tpu.memref_slice %arg2[%add3A_467] : memref<320000xi32, #tpu.memory_space<hbm>> -> memref<2000xi32, #tpu.memory_space<hbm>>
      tpu.wait_dma2 semaphore(%arg20 : memref<!tpu.dma_semaphore, #tpu.memory_space<semaphore_mem>>) src(%dma_wait3A_519 : memref<2000xi32, #tpu.memory_space<hbm>>) dst(%arg7 : memref<2000xi32, #tpu.memory_space<vmem>>)
      %dma_wait3A_520 = tpu.memref_slice %arg3[%add3A_467] : memref<320000xi32, #tpu.memory_space<hbm>> -> memref<2000xi32, #tpu.memory_space<hbm>>
      %dma_wait3A_521 = tpu.memref_slice %arg3[%add3A_467] : memref<320000xi32, #tpu.memory_space<hbm>> -> memref<2000xi32, #tpu.memory_space<hbm>>
      tpu.wait_dma2 semaphore(%arg20 : memref<!tpu.dma_semaphore, #tpu.memory_space<semaphore_mem>>) src(%dma_wait3A_521 : memref<2000xi32, #tpu.memory_space<hbm>>) dst(%arg10 : memref<2000xi32, #tpu.memory_space<vmem>>)
      %dma_wait3A_522 = tpu.memref_slice %arg4[%add3A_467] : memref<320000xf32, #tpu.memory_space<hbm>> -> memref<2000xf32, #tpu.memory_space<hbm>>
      %dma_wait3A_523 = tpu.memref_slice %arg4[%add3A_467] : memref<320000xf32, #tpu.memory_space<hbm>> -> memref<2000xf32, #tpu.memory_space<hbm>>
      tpu.wait_dma2 semaphore(%arg20 : memref<!tpu.dma_semaphore, #tpu.memory_space<semaphore_mem>>) src(%dma_wait3A_523 : memref<2000xf32, #tpu.memory_space<hbm>>) dst(%arg13 : memref<2000xf32, #tpu.memory_space<vmem>>)
      %dma_wait3A_524 = arith.constant 0 : i32
      %dma_wait3A_525 = tpu.memref_slice %arg19[%dma_wait3A_524] : memref<1639424xf32, #tpu.memory_space<vmem_shared>> -> memref<1639424xf32, #tpu.memory_space<vmem_shared>>
      tpu.wait_indirect_dma semaphore(%arg21 : memref<!tpu.dma_semaphore, #tpu.memory_space<semaphore_mem>>) src(%arg14 : memref<2000xf32, #tpu.memory_space<vmem>>) dst(%dma_wait3A_525 : memref<1639424xf32, #tpu.memory_space<vmem_shared>>)
      %mul3A_526 = arith.constant 20000 : i32
      %mul3A_527 = arith.muli %arg1, %mul3A_526 : i32
      %add3A_528 = arith.constant 10000 : i32
      %add3A_529 = arith.addi %mul3A_527, %add3A_528 : i32
      %dma_start3A_530 = tpu.memref_slice %arg2[%add3A_529] : memref<320000xi32, #tpu.memory_space<hbm>> -> memref<2000xi32, #tpu.memory_space<hbm>>
      %dma_start3A_531 = tpu.memref_slice %arg2[%add3A_529] : memref<320000xi32, #tpu.memory_space<hbm>> -> memref<2000xi32, #tpu.memory_space<hbm>>
      tpu.enqueue_dma source(%dma_start3A_531 : memref<2000xi32, #tpu.memory_space<hbm>>) target(%arg8 : memref<2000xi32, #tpu.memory_space<vmem>>) target_semaphore(%arg20 : memref<!tpu.dma_semaphore, #tpu.memory_space<semaphore_mem>>)
      %dma_start3A_532 = tpu.memref_slice %arg3[%add3A_529] : memref<320000xi32, #tpu.memory_space<hbm>> -> memref<2000xi32, #tpu.memory_space<hbm>>
      %dma_start3A_533 = tpu.memref_slice %arg3[%add3A_529] : memref<320000xi32, #tpu.memory_space<hbm>> -> memref<2000xi32, #tpu.memory_space<hbm>>
      tpu.enqueue_dma source(%dma_start3A_533 : memref<2000xi32, #tpu.memory_space<hbm>>) target(%arg11 : memref<2000xi32, #tpu.memory_space<vmem>>) target_semaphore(%arg20 : memref<!tpu.dma_semaphore, #tpu.memory_space<semaphore_mem>>)
      %dma_start3A_534 = tpu.memref_slice %arg4[%add3A_529] : memref<320000xf32, #tpu.memory_space<hbm>> -> memref<2000xf32, #tpu.memory_space<hbm>>
      %dma_start3A_535 = tpu.memref_slice %arg4[%add3A_529] : memref<320000xf32, #tpu.memory_space<hbm>> -> memref<2000xf32, #tpu.memory_space<hbm>>
      tpu.enqueue_dma source(%dma_start3A_535 : memref<2000xf32, #tpu.memory_space<hbm>>) target(%arg14 : memref<2000xf32, #tpu.memory_space<vmem>>) target_semaphore(%arg20 : memref<!tpu.dma_semaphore, #tpu.memory_space<semaphore_mem>>)
      %scan3A_536 = arith.constant 0 : i32
      %scan3A_537 = arith.constant 0 : i32
      %scan3A_538 = arith.constant 124 : i32
      %scan3A_539 = arith.addi %scan3A_537, %scan3A_538 : i32
      %scan3A_540 = arith.constant 2 : i32
      scf.for %scan3A_1306 = %scan3A_537 to %scan3A_539 step %scan3A_540  : i32 {
        %mul3A_1307 = arith.constant 16 : i32
        %mul3A_1308 = arith.muli %scan3A_1306, %mul3A_1307 : i32
        %get3A_1309 = arith.index_cast %mul3A_1308 : i32 to index
        %get3A_1310 = tpu.vector_load %arg7[%get3A_1309] {strides = array<i32>} : memref<2000xi32, #tpu.memory_space<vmem>>, vector<16xi32>,
        %get3A_1311 = vector.shape_cast %get3A_1310 : vector<16xi32> to vector<16xi32>
        %mul3A_1312 = arith.constant 16 : i32
        %mul3A_1313 = arith.muli %scan3A_1306, %mul3A_1312 : i32
        %get3A_1314 = arith.index_cast %mul3A_1313 : i32 to index
        %get3A_1315 = tpu.vector_load %arg10[%get3A_1314] {strides = array<i32>} : memref<2000xi32, #tpu.memory_space<vmem>>, vector<16xi32>,
        %get3A_1316 = vector.shape_cast %get3A_1315 : vector<16xi32> to vector<16xi32>
        %ge3A_1317 = vector.broadcast %mul3A_14 : i32 to vector<16xi32>
        %ge3A_1318 = arith.cmpi sge, %get3A_1311, %ge3A_1317 : vector<16xi32>
        %lt3A_1319 = vector.broadcast %add3A_16 : i32 to vector<16xi32>
        %lt3A_1320 = arith.cmpi slt, %get3A_1311, %lt3A_1319 : vector<16xi32>
        %and3A_1321 = arith.andi %ge3A_1318, %lt3A_1320 : vector<16xi1>
        %sub3A_1322 = vector.broadcast %mul3A_14 : i32 to vector<16xi32>
        %sub3A_1323 = arith.subi %get3A_1311, %sub3A_1322 : vector<16xi32>
        %mul3A_1324 = arith.constant 5120 : i32
        %mul3A_1325 = vector.broadcast %mul3A_1324 : i32 to vector<16xi32>
        %mul3A_1326 = arith.muli %sub3A_1323, %mul3A_1325 : vector<16xi32>
        %add3A_1327 = arith.addi %mul3A_1326, %get3A_1316 : vector<16xi32>
        %and3A_1328 = arith.constant 1023 : i32
        %and3A_1329 = vector.broadcast %and3A_1328 : i32 to vector<16xi32>
        %and3A_1330 = arith.andi %get3A_1316, %and3A_1329 : vector<16xi32>
        %add3A_1331 = arith.constant 1638400 : i32
        %add3A_1332 = vector.broadcast %add3A_1331 : i32 to vector<16xi32>
        %add3A_1333 = arith.addi %add3A_1332, %and3A_1330 : vector<16xi32>
        %select_n3A_1334 = arith.select %and3A_1321, %add3A_1327, %add3A_1333 : vector<16xi1>, vector<16xi32>
        %mul3A_1335 = arith.constant 16 : i32
        %mul3A_1336 = arith.muli %scan3A_1306, %mul3A_1335 : i32
        %swap3A_1337 = arith.index_cast %mul3A_1336 : i32 to index
        %swap3A_1338 = tpu.vector_load %arg16[%swap3A_1337] {strides = array<i32>} : memref<2000xi32, #tpu.memory_space<vmem>>, vector<16xi32>,
        %swap3A_1339 = vector.shape_cast %swap3A_1338 : vector<16xi32> to vector<16xi32>
        %swap3A_1340 = vector.shape_cast %select_n3A_1334 : vector<16xi32> to vector<16xi32>
        tpu.vector_store %arg16[%swap3A_1337], %swap3A_1340 {strides = array<i32>} : memref<2000xi32, #tpu.memory_space<vmem>>, vector<16xi32>,
        %scan3A_1341 = arith.constant 1 : i32
        %scan3A_1342 = arith.addi %scan3A_1306, %scan3A_1341 : i32
        %mul3A_1343 = arith.constant 16 : i32
        %mul3A_1344 = arith.muli %scan3A_1342, %mul3A_1343 : i32
        %get3A_1345 = arith.index_cast %mul3A_1344 : i32 to index
        %get3A_1346 = tpu.vector_load %arg7[%get3A_1345] {strides = array<i32>} : memref<2000xi32, #tpu.memory_space<vmem>>, vector<16xi32>,
        %get3A_1347 = vector.shape_cast %get3A_1346 : vector<16xi32> to vector<16xi32>
        %mul3A_1348 = arith.constant 16 : i32
        %mul3A_1349 = arith.muli %scan3A_1342, %mul3A_1348 : i32
        %get3A_1350 = arith.index_cast %mul3A_1349 : i32 to index
        %get3A_1351 = tpu.vector_load %arg10[%get3A_1350] {strides = array<i32>} : memref<2000xi32, #tpu.memory_space<vmem>>, vector<16xi32>,
        %get3A_1352 = vector.shape_cast %get3A_1351 : vector<16xi32> to vector<16xi32>
        %ge3A_1353 = vector.broadcast %mul3A_14 : i32 to vector<16xi32>
        %ge3A_1354 = arith.cmpi sge, %get3A_1347, %ge3A_1353 : vector<16xi32>
        %lt3A_1355 = vector.broadcast %add3A_16 : i32 to vector<16xi32>
        %lt3A_1356 = arith.cmpi slt, %get3A_1347, %lt3A_1355 : vector<16xi32>
        %and3A_1357 = arith.andi %ge3A_1354, %lt3A_1356 : vector<16xi1>
        %sub3A_1358 = vector.broadcast %mul3A_14 : i32 to vector<16xi32>
        %sub3A_1359 = arith.subi %get3A_1347, %sub3A_1358 : vector<16xi32>
        %mul3A_1360 = arith.constant 5120 : i32
        %mul3A_1361 = vector.broadcast %mul3A_1360 : i32 to vector<16xi32>
        %mul3A_1362 = arith.muli %sub3A_1359, %mul3A_1361 : vector<16xi32>
        %add3A_1363 = arith.addi %mul3A_1362, %get3A_1352 : vector<16xi32>
        %and3A_1364 = arith.constant 1023 : i32
        %and3A_1365 = vector.broadcast %and3A_1364 : i32 to vector<16xi32>
        %and3A_1366 = arith.andi %get3A_1352, %and3A_1365 : vector<16xi32>
        %add3A_1367 = arith.constant 1638400 : i32
        %add3A_1368 = vector.broadcast %add3A_1367 : i32 to vector<16xi32>
        %add3A_1369 = arith.addi %add3A_1368, %and3A_1366 : vector<16xi32>
        %select_n3A_1370 = arith.select %and3A_1357, %add3A_1363, %add3A_1369 : vector<16xi1>, vector<16xi32>
        %mul3A_1371 = arith.constant 16 : i32
        %mul3A_1372 = arith.muli %scan3A_1342, %mul3A_1371 : i32
        %swap3A_1373 = arith.index_cast %mul3A_1372 : i32 to index
        %swap3A_1374 = tpu.vector_load %arg16[%swap3A_1373] {strides = array<i32>} : memref<2000xi32, #tpu.memory_space<vmem>>, vector<16xi32>,
        %swap3A_1375 = vector.shape_cast %swap3A_1374 : vector<16xi32> to vector<16xi32>
        %swap3A_1376 = vector.shape_cast %select_n3A_1370 : vector<16xi32> to vector<16xi32>
        tpu.vector_store %arg16[%swap3A_1373], %swap3A_1376 {strides = array<i32>} : memref<2000xi32, #tpu.memory_space<vmem>>, vector<16xi32>,
      }
      %scan3A_541 = arith.constant 124 : i32
      %scan3A_542 = arith.addi %scan3A_537, %scan3A_541 : i32
      %mul3A_543 = arith.constant 16 : i32
      %mul3A_544 = arith.muli %scan3A_542, %mul3A_543 : i32
      %get3A_545 = arith.index_cast %mul3A_544 : i32 to index
      %get3A_546 = tpu.vector_load %arg7[%get3A_545] {strides = array<i32>} : memref<2000xi32, #tpu.memory_space<vmem>>, vector<16xi32>,
      %get3A_547 = vector.shape_cast %get3A_546 : vector<16xi32> to vector<16xi32>
      %mul3A_548 = arith.constant 16 : i32
      %mul3A_549 = arith.muli %scan3A_542, %mul3A_548 : i32
      %get3A_550 = arith.index_cast %mul3A_549 : i32 to index
      %get3A_551 = tpu.vector_load %arg10[%get3A_550] {strides = array<i32>} : memref<2000xi32, #tpu.memory_space<vmem>>, vector<16xi32>,
      %get3A_552 = vector.shape_cast %get3A_551 : vector<16xi32> to vector<16xi32>
      %ge3A_553 = vector.broadcast %mul3A_14 : i32 to vector<16xi32>
      %ge3A_554 = arith.cmpi sge, %get3A_547, %ge3A_553 : vector<16xi32>
      %lt3A_555 = vector.broadcast %add3A_16 : i32 to vector<16xi32>
      %lt3A_556 = arith.cmpi slt, %get3A_547, %lt3A_555 : vector<16xi32>
      %and3A_557 = arith.andi %ge3A_554, %lt3A_556 : vector<16xi1>
      %sub3A_558 = vector.broadcast %mul3A_14 : i32 to vector<16xi32>
      %sub3A_559 = arith.subi %get3A_547, %sub3A_558 : vector<16xi32>
      %mul3A_560 = arith.constant 5120 : i32
      %mul3A_561 = vector.broadcast %mul3A_560 : i32 to vector<16xi32>
      %mul3A_562 = arith.muli %sub3A_559, %mul3A_561 : vector<16xi32>
      %add3A_563 = arith.addi %mul3A_562, %get3A_552 : vector<16xi32>
      %and3A_564 = arith.constant 1023 : i32
      %and3A_565 = vector.broadcast %and3A_564 : i32 to vector<16xi32>
      %and3A_566 = arith.andi %get3A_552, %and3A_565 : vector<16xi32>
      %add3A_567 = arith.constant 1638400 : i32
      %add3A_568 = vector.broadcast %add3A_567 : i32 to vector<16xi32>
      %add3A_569 = arith.addi %add3A_568, %and3A_566 : vector<16xi32>
      %select_n3A_570 = arith.select %and3A_557, %add3A_563, %add3A_569 : vector<16xi1>, vector<16xi32>
      %mul3A_571 = arith.constant 16 : i32
      %mul3A_572 = arith.muli %scan3A_542, %mul3A_571 : i32
      %swap3A_573 = arith.index_cast %mul3A_572 : i32 to index
      %swap3A_574 = tpu.vector_load %arg16[%swap3A_573] {strides = array<i32>} : memref<2000xi32, #tpu.memory_space<vmem>>, vector<16xi32>,
      %swap3A_575 = vector.shape_cast %swap3A_574 : vector<16xi32> to vector<16xi32>
      %swap3A_576 = vector.shape_cast %select_n3A_570 : vector<16xi32> to vector<16xi32>
      tpu.vector_store %arg16[%swap3A_573], %swap3A_576 {strides = array<i32>} : memref<2000xi32, #tpu.memory_space<vmem>>, vector<16xi32>,
      %scan3A_577 = arith.constant 125 : i32
      %dma_start3A_578 = arith.constant 0 : i32
      %dma_start3A_579 = tpu.memref_slice %arg19[%dma_start3A_578] : memref<1639424xf32, #tpu.memory_space<vmem_shared>> -> memref<1639424xf32, #tpu.memory_space<vmem_shared>>
      tpu.enqueue_indirect_dma source(%arg13 : memref<2000xf32, #tpu.memory_space<vmem>>) target(%dma_start3A_579 : memref<1639424xf32, #tpu.memory_space<vmem_shared>>) offsets(%arg16 : memref<2000xi32, #tpu.memory_space<vmem>>) semaphore(%arg21 : memref<!tpu.dma_semaphore, #tpu.memory_space<semaphore_mem>>) {add = true}
      %dma_wait3A_580 = tpu.memref_slice %arg2[%add3A_529] : memref<320000xi32, #tpu.memory_space<hbm>> -> memref<2000xi32, #tpu.memory_space<hbm>>
      %dma_wait3A_581 = tpu.memref_slice %arg2[%add3A_529] : memref<320000xi32, #tpu.memory_space<hbm>> -> memref<2000xi32, #tpu.memory_space<hbm>>
      tpu.wait_dma2 semaphore(%arg20 : memref<!tpu.dma_semaphore, #tpu.memory_space<semaphore_mem>>) src(%dma_wait3A_581 : memref<2000xi32, #tpu.memory_space<hbm>>) dst(%arg8 : memref<2000xi32, #tpu.memory_space<vmem>>)
      %dma_wait3A_582 = tpu.memref_slice %arg3[%add3A_529] : memref<320000xi32, #tpu.memory_space<hbm>> -> memref<2000xi32, #tpu.memory_space<hbm>>
      %dma_wait3A_583 = tpu.memref_slice %arg3[%add3A_529] : memref<320000xi32, #tpu.memory_space<hbm>> -> memref<2000xi32, #tpu.memory_space<hbm>>
      tpu.wait_dma2 semaphore(%arg20 : memref<!tpu.dma_semaphore, #tpu.memory_space<semaphore_mem>>) src(%dma_wait3A_583 : memref<2000xi32, #tpu.memory_space<hbm>>) dst(%arg11 : memref<2000xi32, #tpu.memory_space<vmem>>)
      %dma_wait3A_584 = tpu.memref_slice %arg4[%add3A_529] : memref<320000xf32, #tpu.memory_space<hbm>> -> memref<2000xf32, #tpu.memory_space<hbm>>
      %dma_wait3A_585 = tpu.memref_slice %arg4[%add3A_529] : memref<320000xf32, #tpu.memory_space<hbm>> -> memref<2000xf32, #tpu.memory_space<hbm>>
      tpu.wait_dma2 semaphore(%arg20 : memref<!tpu.dma_semaphore, #tpu.memory_space<semaphore_mem>>) src(%dma_wait3A_585 : memref<2000xf32, #tpu.memory_space<hbm>>) dst(%arg14 : memref<2000xf32, #tpu.memory_space<vmem>>)
      %dma_wait3A_586 = arith.constant 0 : i32
      %dma_wait3A_587 = tpu.memref_slice %arg19[%dma_wait3A_586] : memref<1639424xf32, #tpu.memory_space<vmem_shared>> -> memref<1639424xf32, #tpu.memory_space<vmem_shared>>
      tpu.wait_indirect_dma semaphore(%arg21 : memref<!tpu.dma_semaphore, #tpu.memory_space<semaphore_mem>>) src(%arg12 : memref<2000xf32, #tpu.memory_space<vmem>>) dst(%dma_wait3A_587 : memref<1639424xf32, #tpu.memory_space<vmem_shared>>)
      %mul3A_588 = arith.constant 20000 : i32
      %mul3A_589 = arith.muli %arg1, %mul3A_588 : i32
      %add3A_590 = arith.constant 12000 : i32
      %add3A_591 = arith.addi %mul3A_589, %add3A_590 : i32
      %dma_start3A_592 = tpu.memref_slice %arg2[%add3A_591] : memref<320000xi32, #tpu.memory_space<hbm>> -> memref<2000xi32, #tpu.memory_space<hbm>>
      %dma_start3A_593 = tpu.memref_slice %arg2[%add3A_591] : memref<320000xi32, #tpu.memory_space<hbm>> -> memref<2000xi32, #tpu.memory_space<hbm>>
      tpu.enqueue_dma source(%dma_start3A_593 : memref<2000xi32, #tpu.memory_space<hbm>>) target(%arg6 : memref<2000xi32, #tpu.memory_space<vmem>>) target_semaphore(%arg20 : memref<!tpu.dma_semaphore, #tpu.memory_space<semaphore_mem>>)
      %dma_start3A_594 = tpu.memref_slice %arg3[%add3A_591] : memref<320000xi32, #tpu.memory_space<hbm>> -> memref<2000xi32, #tpu.memory_space<hbm>>
      %dma_start3A_595 = tpu.memref_slice %arg3[%add3A_591] : memref<320000xi32, #tpu.memory_space<hbm>> -> memref<2000xi32, #tpu.memory_space<hbm>>
      tpu.enqueue_dma source(%dma_start3A_595 : memref<2000xi32, #tpu.memory_space<hbm>>) target(%arg9 : memref<2000xi32, #tpu.memory_space<vmem>>) target_semaphore(%arg20 : memref<!tpu.dma_semaphore, #tpu.memory_space<semaphore_mem>>)
      %dma_start3A_596 = tpu.memref_slice %arg4[%add3A_591] : memref<320000xf32, #tpu.memory_space<hbm>> -> memref<2000xf32, #tpu.memory_space<hbm>>
      %dma_start3A_597 = tpu.memref_slice %arg4[%add3A_591] : memref<320000xf32, #tpu.memory_space<hbm>> -> memref<2000xf32, #tpu.memory_space<hbm>>
      tpu.enqueue_dma source(%dma_start3A_597 : memref<2000xf32, #tpu.memory_space<hbm>>) target(%arg12 : memref<2000xf32, #tpu.memory_space<vmem>>) target_semaphore(%arg20 : memref<!tpu.dma_semaphore, #tpu.memory_space<semaphore_mem>>)
      %scan3A_598 = arith.constant 0 : i32
      %scan3A_599 = arith.constant 0 : i32
      %scan3A_600 = arith.constant 124 : i32
      %scan3A_601 = arith.addi %scan3A_599, %scan3A_600 : i32
      %scan3A_602 = arith.constant 2 : i32
      scf.for %scan3A_1306 = %scan3A_599 to %scan3A_601 step %scan3A_602  : i32 {
        %mul3A_1307 = arith.constant 16 : i32
        %mul3A_1308 = arith.muli %scan3A_1306, %mul3A_1307 : i32
        %get3A_1309 = arith.index_cast %mul3A_1308 : i32 to index
        %get3A_1310 = tpu.vector_load %arg8[%get3A_1309] {strides = array<i32>} : memref<2000xi32, #tpu.memory_space<vmem>>, vector<16xi32>,
        %get3A_1311 = vector.shape_cast %get3A_1310 : vector<16xi32> to vector<16xi32>
        %mul3A_1312 = arith.constant 16 : i32
        %mul3A_1313 = arith.muli %scan3A_1306, %mul3A_1312 : i32
        %get3A_1314 = arith.index_cast %mul3A_1313 : i32 to index
        %get3A_1315 = tpu.vector_load %arg11[%get3A_1314] {strides = array<i32>} : memref<2000xi32, #tpu.memory_space<vmem>>, vector<16xi32>,
        %get3A_1316 = vector.shape_cast %get3A_1315 : vector<16xi32> to vector<16xi32>
        %ge3A_1317 = vector.broadcast %mul3A_14 : i32 to vector<16xi32>
        %ge3A_1318 = arith.cmpi sge, %get3A_1311, %ge3A_1317 : vector<16xi32>
        %lt3A_1319 = vector.broadcast %add3A_16 : i32 to vector<16xi32>
        %lt3A_1320 = arith.cmpi slt, %get3A_1311, %lt3A_1319 : vector<16xi32>
        %and3A_1321 = arith.andi %ge3A_1318, %lt3A_1320 : vector<16xi1>
        %sub3A_1322 = vector.broadcast %mul3A_14 : i32 to vector<16xi32>
        %sub3A_1323 = arith.subi %get3A_1311, %sub3A_1322 : vector<16xi32>
        %mul3A_1324 = arith.constant 5120 : i32
        %mul3A_1325 = vector.broadcast %mul3A_1324 : i32 to vector<16xi32>
        %mul3A_1326 = arith.muli %sub3A_1323, %mul3A_1325 : vector<16xi32>
        %add3A_1327 = arith.addi %mul3A_1326, %get3A_1316 : vector<16xi32>
        %and3A_1328 = arith.constant 1023 : i32
        %and3A_1329 = vector.broadcast %and3A_1328 : i32 to vector<16xi32>
        %and3A_1330 = arith.andi %get3A_1316, %and3A_1329 : vector<16xi32>
        %add3A_1331 = arith.constant 1638400 : i32
        %add3A_1332 = vector.broadcast %add3A_1331 : i32 to vector<16xi32>
        %add3A_1333 = arith.addi %add3A_1332, %and3A_1330 : vector<16xi32>
        %select_n3A_1334 = arith.select %and3A_1321, %add3A_1327, %add3A_1333 : vector<16xi1>, vector<16xi32>
        %mul3A_1335 = arith.constant 16 : i32
        %mul3A_1336 = arith.muli %scan3A_1306, %mul3A_1335 : i32
        %swap3A_1337 = arith.index_cast %mul3A_1336 : i32 to index
        %swap3A_1338 = tpu.vector_load %arg17[%swap3A_1337] {strides = array<i32>} : memref<2000xi32, #tpu.memory_space<vmem>>, vector<16xi32>,
        %swap3A_1339 = vector.shape_cast %swap3A_1338 : vector<16xi32> to vector<16xi32>
        %swap3A_1340 = vector.shape_cast %select_n3A_1334 : vector<16xi32> to vector<16xi32>
        tpu.vector_store %arg17[%swap3A_1337], %swap3A_1340 {strides = array<i32>} : memref<2000xi32, #tpu.memory_space<vmem>>, vector<16xi32>,
        %scan3A_1341 = arith.constant 1 : i32
        %scan3A_1342 = arith.addi %scan3A_1306, %scan3A_1341 : i32
        %mul3A_1343 = arith.constant 16 : i32
        %mul3A_1344 = arith.muli %scan3A_1342, %mul3A_1343 : i32
        %get3A_1345 = arith.index_cast %mul3A_1344 : i32 to index
        %get3A_1346 = tpu.vector_load %arg8[%get3A_1345] {strides = array<i32>} : memref<2000xi32, #tpu.memory_space<vmem>>, vector<16xi32>,
        %get3A_1347 = vector.shape_cast %get3A_1346 : vector<16xi32> to vector<16xi32>
        %mul3A_1348 = arith.constant 16 : i32
        %mul3A_1349 = arith.muli %scan3A_1342, %mul3A_1348 : i32
        %get3A_1350 = arith.index_cast %mul3A_1349 : i32 to index
        %get3A_1351 = tpu.vector_load %arg11[%get3A_1350] {strides = array<i32>} : memref<2000xi32, #tpu.memory_space<vmem>>, vector<16xi32>,
        %get3A_1352 = vector.shape_cast %get3A_1351 : vector<16xi32> to vector<16xi32>
        %ge3A_1353 = vector.broadcast %mul3A_14 : i32 to vector<16xi32>
        %ge3A_1354 = arith.cmpi sge, %get3A_1347, %ge3A_1353 : vector<16xi32>
        %lt3A_1355 = vector.broadcast %add3A_16 : i32 to vector<16xi32>
        %lt3A_1356 = arith.cmpi slt, %get3A_1347, %lt3A_1355 : vector<16xi32>
        %and3A_1357 = arith.andi %ge3A_1354, %lt3A_1356 : vector<16xi1>
        %sub3A_1358 = vector.broadcast %mul3A_14 : i32 to vector<16xi32>
        %sub3A_1359 = arith.subi %get3A_1347, %sub3A_1358 : vector<16xi32>
        %mul3A_1360 = arith.constant 5120 : i32
        %mul3A_1361 = vector.broadcast %mul3A_1360 : i32 to vector<16xi32>
        %mul3A_1362 = arith.muli %sub3A_1359, %mul3A_1361 : vector<16xi32>
        %add3A_1363 = arith.addi %mul3A_1362, %get3A_1352 : vector<16xi32>
        %and3A_1364 = arith.constant 1023 : i32
        %and3A_1365 = vector.broadcast %and3A_1364 : i32 to vector<16xi32>
        %and3A_1366 = arith.andi %get3A_1352, %and3A_1365 : vector<16xi32>
        %add3A_1367 = arith.constant 1638400 : i32
        %add3A_1368 = vector.broadcast %add3A_1367 : i32 to vector<16xi32>
        %add3A_1369 = arith.addi %add3A_1368, %and3A_1366 : vector<16xi32>
        %select_n3A_1370 = arith.select %and3A_1357, %add3A_1363, %add3A_1369 : vector<16xi1>, vector<16xi32>
        %mul3A_1371 = arith.constant 16 : i32
        %mul3A_1372 = arith.muli %scan3A_1342, %mul3A_1371 : i32
        %swap3A_1373 = arith.index_cast %mul3A_1372 : i32 to index
        %swap3A_1374 = tpu.vector_load %arg17[%swap3A_1373] {strides = array<i32>} : memref<2000xi32, #tpu.memory_space<vmem>>, vector<16xi32>,
        %swap3A_1375 = vector.shape_cast %swap3A_1374 : vector<16xi32> to vector<16xi32>
        %swap3A_1376 = vector.shape_cast %select_n3A_1370 : vector<16xi32> to vector<16xi32>
        tpu.vector_store %arg17[%swap3A_1373], %swap3A_1376 {strides = array<i32>} : memref<2000xi32, #tpu.memory_space<vmem>>, vector<16xi32>,
      }
      %scan3A_603 = arith.constant 124 : i32
      %scan3A_604 = arith.addi %scan3A_599, %scan3A_603 : i32
      %mul3A_605 = arith.constant 16 : i32
      %mul3A_606 = arith.muli %scan3A_604, %mul3A_605 : i32
      %get3A_607 = arith.index_cast %mul3A_606 : i32 to index
      %get3A_608 = tpu.vector_load %arg8[%get3A_607] {strides = array<i32>} : memref<2000xi32, #tpu.memory_space<vmem>>, vector<16xi32>,
      %get3A_609 = vector.shape_cast %get3A_608 : vector<16xi32> to vector<16xi32>
      %mul3A_610 = arith.constant 16 : i32
      %mul3A_611 = arith.muli %scan3A_604, %mul3A_610 : i32
      %get3A_612 = arith.index_cast %mul3A_611 : i32 to index
      %get3A_613 = tpu.vector_load %arg11[%get3A_612] {strides = array<i32>} : memref<2000xi32, #tpu.memory_space<vmem>>, vector<16xi32>,
      %get3A_614 = vector.shape_cast %get3A_613 : vector<16xi32> to vector<16xi32>
      %ge3A_615 = vector.broadcast %mul3A_14 : i32 to vector<16xi32>
      %ge3A_616 = arith.cmpi sge, %get3A_609, %ge3A_615 : vector<16xi32>
      %lt3A_617 = vector.broadcast %add3A_16 : i32 to vector<16xi32>
      %lt3A_618 = arith.cmpi slt, %get3A_609, %lt3A_617 : vector<16xi32>
      %and3A_619 = arith.andi %ge3A_616, %lt3A_618 : vector<16xi1>
      %sub3A_620 = vector.broadcast %mul3A_14 : i32 to vector<16xi32>
      %sub3A_621 = arith.subi %get3A_609, %sub3A_620 : vector<16xi32>
      %mul3A_622 = arith.constant 5120 : i32
      %mul3A_623 = vector.broadcast %mul3A_622 : i32 to vector<16xi32>
      %mul3A_624 = arith.muli %sub3A_621, %mul3A_623 : vector<16xi32>
      %add3A_625 = arith.addi %mul3A_624, %get3A_614 : vector<16xi32>
      %and3A_626 = arith.constant 1023 : i32
      %and3A_627 = vector.broadcast %and3A_626 : i32 to vector<16xi32>
      %and3A_628 = arith.andi %get3A_614, %and3A_627 : vector<16xi32>
      %add3A_629 = arith.constant 1638400 : i32
      %add3A_630 = vector.broadcast %add3A_629 : i32 to vector<16xi32>
      %add3A_631 = arith.addi %add3A_630, %and3A_628 : vector<16xi32>
      %select_n3A_632 = arith.select %and3A_619, %add3A_625, %add3A_631 : vector<16xi1>, vector<16xi32>
      %mul3A_633 = arith.constant 16 : i32
      %mul3A_634 = arith.muli %scan3A_604, %mul3A_633 : i32
      %swap3A_635 = arith.index_cast %mul3A_634 : i32 to index
      %swap3A_636 = tpu.vector_load %arg17[%swap3A_635] {strides = array<i32>} : memref<2000xi32, #tpu.memory_space<vmem>>, vector<16xi32>,
      %swap3A_637 = vector.shape_cast %swap3A_636 : vector<16xi32> to vector<16xi32>
      %swap3A_638 = vector.shape_cast %select_n3A_632 : vector<16xi32> to vector<16xi32>
      tpu.vector_store %arg17[%swap3A_635], %swap3A_638 {strides = array<i32>} : memref<2000xi32, #tpu.memory_space<vmem>>, vector<16xi32>,
      %scan3A_639 = arith.constant 125 : i32
      %dma_start3A_640 = arith.constant 0 : i32
      %dma_start3A_641 = tpu.memref_slice %arg19[%dma_start3A_640] : memref<1639424xf32, #tpu.memory_space<vmem_shared>> -> memref<1639424xf32, #tpu.memory_space<vmem_shared>>
      tpu.enqueue_indirect_dma source(%arg14 : memref<2000xf32, #tpu.memory_space<vmem>>) target(%dma_start3A_641 : memref<1639424xf32, #tpu.memory_space<vmem_shared>>) offsets(%arg17 : memref<2000xi32, #tpu.memory_space<vmem>>) semaphore(%arg21 : memref<!tpu.dma_semaphore, #tpu.memory_space<semaphore_mem>>) {add = true}
      %dma_wait3A_642 = tpu.memref_slice %arg2[%add3A_591] : memref<320000xi32, #tpu.memory_space<hbm>> -> memref<2000xi32, #tpu.memory_space<hbm>>
      %dma_wait3A_643 = tpu.memref_slice %arg2[%add3A_591] : memref<320000xi32, #tpu.memory_space<hbm>> -> memref<2000xi32, #tpu.memory_space<hbm>>
      tpu.wait_dma2 semaphore(%arg20 : memref<!tpu.dma_semaphore, #tpu.memory_space<semaphore_mem>>) src(%dma_wait3A_643 : memref<2000xi32, #tpu.memory_space<hbm>>) dst(%arg6 : memref<2000xi32, #tpu.memory_space<vmem>>)
      %dma_wait3A_644 = tpu.memref_slice %arg3[%add3A_591] : memref<320000xi32, #tpu.memory_space<hbm>> -> memref<2000xi32, #tpu.memory_space<hbm>>
      %dma_wait3A_645 = tpu.memref_slice %arg3[%add3A_591] : memref<320000xi32, #tpu.memory_space<hbm>> -> memref<2000xi32, #tpu.memory_space<hbm>>
      tpu.wait_dma2 semaphore(%arg20 : memref<!tpu.dma_semaphore, #tpu.memory_space<semaphore_mem>>) src(%dma_wait3A_645 : memref<2000xi32, #tpu.memory_space<hbm>>) dst(%arg9 : memref<2000xi32, #tpu.memory_space<vmem>>)
      %dma_wait3A_646 = tpu.memref_slice %arg4[%add3A_591] : memref<320000xf32, #tpu.memory_space<hbm>> -> memref<2000xf32, #tpu.memory_space<hbm>>
      %dma_wait3A_647 = tpu.memref_slice %arg4[%add3A_591] : memref<320000xf32, #tpu.memory_space<hbm>> -> memref<2000xf32, #tpu.memory_space<hbm>>
      tpu.wait_dma2 semaphore(%arg20 : memref<!tpu.dma_semaphore, #tpu.memory_space<semaphore_mem>>) src(%dma_wait3A_647 : memref<2000xf32, #tpu.memory_space<hbm>>) dst(%arg12 : memref<2000xf32, #tpu.memory_space<vmem>>)
      %dma_wait3A_648 = arith.constant 0 : i32
      %dma_wait3A_649 = tpu.memref_slice %arg19[%dma_wait3A_648] : memref<1639424xf32, #tpu.memory_space<vmem_shared>> -> memref<1639424xf32, #tpu.memory_space<vmem_shared>>
      tpu.wait_indirect_dma semaphore(%arg21 : memref<!tpu.dma_semaphore, #tpu.memory_space<semaphore_mem>>) src(%arg13 : memref<2000xf32, #tpu.memory_space<vmem>>) dst(%dma_wait3A_649 : memref<1639424xf32, #tpu.memory_space<vmem_shared>>)
      %mul3A_650 = arith.constant 20000 : i32
      %mul3A_651 = arith.muli %arg1, %mul3A_650 : i32
      %add3A_652 = arith.constant 14000 : i32
      %add3A_653 = arith.addi %mul3A_651, %add3A_652 : i32
      %dma_start3A_654 = tpu.memref_slice %arg2[%add3A_653] : memref<320000xi32, #tpu.memory_space<hbm>> -> memref<2000xi32, #tpu.memory_space<hbm>>
      %dma_start3A_655 = tpu.memref_slice %arg2[%add3A_653] : memref<320000xi32, #tpu.memory_space<hbm>> -> memref<2000xi32, #tpu.memory_space<hbm>>
      tpu.enqueue_dma source(%dma_start3A_655 : memref<2000xi32, #tpu.memory_space<hbm>>) target(%arg7 : memref<2000xi32, #tpu.memory_space<vmem>>) target_semaphore(%arg20 : memref<!tpu.dma_semaphore, #tpu.memory_space<semaphore_mem>>)
      %dma_start3A_656 = tpu.memref_slice %arg3[%add3A_653] : memref<320000xi32, #tpu.memory_space<hbm>> -> memref<2000xi32, #tpu.memory_space<hbm>>
      %dma_start3A_657 = tpu.memref_slice %arg3[%add3A_653] : memref<320000xi32, #tpu.memory_space<hbm>> -> memref<2000xi32, #tpu.memory_space<hbm>>
      tpu.enqueue_dma source(%dma_start3A_657 : memref<2000xi32, #tpu.memory_space<hbm>>) target(%arg10 : memref<2000xi32, #tpu.memory_space<vmem>>) target_semaphore(%arg20 : memref<!tpu.dma_semaphore, #tpu.memory_space<semaphore_mem>>)
      %dma_start3A_658 = tpu.memref_slice %arg4[%add3A_653] : memref<320000xf32, #tpu.memory_space<hbm>> -> memref<2000xf32, #tpu.memory_space<hbm>>
      %dma_start3A_659 = tpu.memref_slice %arg4[%add3A_653] : memref<320000xf32, #tpu.memory_space<hbm>> -> memref<2000xf32, #tpu.memory_space<hbm>>
      tpu.enqueue_dma source(%dma_start3A_659 : memref<2000xf32, #tpu.memory_space<hbm>>) target(%arg13 : memref<2000xf32, #tpu.memory_space<vmem>>) target_semaphore(%arg20 : memref<!tpu.dma_semaphore, #tpu.memory_space<semaphore_mem>>)
      %scan3A_660 = arith.constant 0 : i32
      %scan3A_661 = arith.constant 0 : i32
      %scan3A_662 = arith.constant 124 : i32
      %scan3A_663 = arith.addi %scan3A_661, %scan3A_662 : i32
      %scan3A_664 = arith.constant 2 : i32
      scf.for %scan3A_1306 = %scan3A_661 to %scan3A_663 step %scan3A_664  : i32 {
        %mul3A_1307 = arith.constant 16 : i32
        %mul3A_1308 = arith.muli %scan3A_1306, %mul3A_1307 : i32
        %get3A_1309 = arith.index_cast %mul3A_1308 : i32 to index
        %get3A_1310 = tpu.vector_load %arg6[%get3A_1309] {strides = array<i32>} : memref<2000xi32, #tpu.memory_space<vmem>>, vector<16xi32>,
        %get3A_1311 = vector.shape_cast %get3A_1310 : vector<16xi32> to vector<16xi32>
        %mul3A_1312 = arith.constant 16 : i32
        %mul3A_1313 = arith.muli %scan3A_1306, %mul3A_1312 : i32
        %get3A_1314 = arith.index_cast %mul3A_1313 : i32 to index
        %get3A_1315 = tpu.vector_load %arg9[%get3A_1314] {strides = array<i32>} : memref<2000xi32, #tpu.memory_space<vmem>>, vector<16xi32>,
        %get3A_1316 = vector.shape_cast %get3A_1315 : vector<16xi32> to vector<16xi32>
        %ge3A_1317 = vector.broadcast %mul3A_14 : i32 to vector<16xi32>
        %ge3A_1318 = arith.cmpi sge, %get3A_1311, %ge3A_1317 : vector<16xi32>
        %lt3A_1319 = vector.broadcast %add3A_16 : i32 to vector<16xi32>
        %lt3A_1320 = arith.cmpi slt, %get3A_1311, %lt3A_1319 : vector<16xi32>
        %and3A_1321 = arith.andi %ge3A_1318, %lt3A_1320 : vector<16xi1>
        %sub3A_1322 = vector.broadcast %mul3A_14 : i32 to vector<16xi32>
        %sub3A_1323 = arith.subi %get3A_1311, %sub3A_1322 : vector<16xi32>
        %mul3A_1324 = arith.constant 5120 : i32
        %mul3A_1325 = vector.broadcast %mul3A_1324 : i32 to vector<16xi32>
        %mul3A_1326 = arith.muli %sub3A_1323, %mul3A_1325 : vector<16xi32>
        %add3A_1327 = arith.addi %mul3A_1326, %get3A_1316 : vector<16xi32>
        %and3A_1328 = arith.constant 1023 : i32
        %and3A_1329 = vector.broadcast %and3A_1328 : i32 to vector<16xi32>
        %and3A_1330 = arith.andi %get3A_1316, %and3A_1329 : vector<16xi32>
        %add3A_1331 = arith.constant 1638400 : i32
        %add3A_1332 = vector.broadcast %add3A_1331 : i32 to vector<16xi32>
        %add3A_1333 = arith.addi %add3A_1332, %and3A_1330 : vector<16xi32>
        %select_n3A_1334 = arith.select %and3A_1321, %add3A_1327, %add3A_1333 : vector<16xi1>, vector<16xi32>
        %mul3A_1335 = arith.constant 16 : i32
        %mul3A_1336 = arith.muli %scan3A_1306, %mul3A_1335 : i32
        %swap3A_1337 = arith.index_cast %mul3A_1336 : i32 to index
        %swap3A_1338 = tpu.vector_load %arg15[%swap3A_1337] {strides = array<i32>} : memref<2000xi32, #tpu.memory_space<vmem>>, vector<16xi32>,
        %swap3A_1339 = vector.shape_cast %swap3A_1338 : vector<16xi32> to vector<16xi32>
        %swap3A_1340 = vector.shape_cast %select_n3A_1334 : vector<16xi32> to vector<16xi32>
        tpu.vector_store %arg15[%swap3A_1337], %swap3A_1340 {strides = array<i32>} : memref<2000xi32, #tpu.memory_space<vmem>>, vector<16xi32>,
        %scan3A_1341 = arith.constant 1 : i32
        %scan3A_1342 = arith.addi %scan3A_1306, %scan3A_1341 : i32
        %mul3A_1343 = arith.constant 16 : i32
        %mul3A_1344 = arith.muli %scan3A_1342, %mul3A_1343 : i32
        %get3A_1345 = arith.index_cast %mul3A_1344 : i32 to index
        %get3A_1346 = tpu.vector_load %arg6[%get3A_1345] {strides = array<i32>} : memref<2000xi32, #tpu.memory_space<vmem>>, vector<16xi32>,
        %get3A_1347 = vector.shape_cast %get3A_1346 : vector<16xi32> to vector<16xi32>
        %mul3A_1348 = arith.constant 16 : i32
        %mul3A_1349 = arith.muli %scan3A_1342, %mul3A_1348 : i32
        %get3A_1350 = arith.index_cast %mul3A_1349 : i32 to index
        %get3A_1351 = tpu.vector_load %arg9[%get3A_1350] {strides = array<i32>} : memref<2000xi32, #tpu.memory_space<vmem>>, vector<16xi32>,
        %get3A_1352 = vector.shape_cast %get3A_1351 : vector<16xi32> to vector<16xi32>
        %ge3A_1353 = vector.broadcast %mul3A_14 : i32 to vector<16xi32>
        %ge3A_1354 = arith.cmpi sge, %get3A_1347, %ge3A_1353 : vector<16xi32>
        %lt3A_1355 = vector.broadcast %add3A_16 : i32 to vector<16xi32>
        %lt3A_1356 = arith.cmpi slt, %get3A_1347, %lt3A_1355 : vector<16xi32>
        %and3A_1357 = arith.andi %ge3A_1354, %lt3A_1356 : vector<16xi1>
        %sub3A_1358 = vector.broadcast %mul3A_14 : i32 to vector<16xi32>
        %sub3A_1359 = arith.subi %get3A_1347, %sub3A_1358 : vector<16xi32>
        %mul3A_1360 = arith.constant 5120 : i32
        %mul3A_1361 = vector.broadcast %mul3A_1360 : i32 to vector<16xi32>
        %mul3A_1362 = arith.muli %sub3A_1359, %mul3A_1361 : vector<16xi32>
        %add3A_1363 = arith.addi %mul3A_1362, %get3A_1352 : vector<16xi32>
        %and3A_1364 = arith.constant 1023 : i32
        %and3A_1365 = vector.broadcast %and3A_1364 : i32 to vector<16xi32>
        %and3A_1366 = arith.andi %get3A_1352, %and3A_1365 : vector<16xi32>
        %add3A_1367 = arith.constant 1638400 : i32
        %add3A_1368 = vector.broadcast %add3A_1367 : i32 to vector<16xi32>
        %add3A_1369 = arith.addi %add3A_1368, %and3A_1366 : vector<16xi32>
        %select_n3A_1370 = arith.select %and3A_1357, %add3A_1363, %add3A_1369 : vector<16xi1>, vector<16xi32>
        %mul3A_1371 = arith.constant 16 : i32
        %mul3A_1372 = arith.muli %scan3A_1342, %mul3A_1371 : i32
        %swap3A_1373 = arith.index_cast %mul3A_1372 : i32 to index
        %swap3A_1374 = tpu.vector_load %arg15[%swap3A_1373] {strides = array<i32>} : memref<2000xi32, #tpu.memory_space<vmem>>, vector<16xi32>,
        %swap3A_1375 = vector.shape_cast %swap3A_1374 : vector<16xi32> to vector<16xi32>
        %swap3A_1376 = vector.shape_cast %select_n3A_1370 : vector<16xi32> to vector<16xi32>
        tpu.vector_store %arg15[%swap3A_1373], %swap3A_1376 {strides = array<i32>} : memref<2000xi32, #tpu.memory_space<vmem>>, vector<16xi32>,
      }
      %scan3A_665 = arith.constant 124 : i32
      %scan3A_666 = arith.addi %scan3A_661, %scan3A_665 : i32
      %mul3A_667 = arith.constant 16 : i32
      %mul3A_668 = arith.muli %scan3A_666, %mul3A_667 : i32
      %get3A_669 = arith.index_cast %mul3A_668 : i32 to index
      %get3A_670 = tpu.vector_load %arg6[%get3A_669] {strides = array<i32>} : memref<2000xi32, #tpu.memory_space<vmem>>, vector<16xi32>,
      %get3A_671 = vector.shape_cast %get3A_670 : vector<16xi32> to vector<16xi32>
      %mul3A_672 = arith.constant 16 : i32
      %mul3A_673 = arith.muli %scan3A_666, %mul3A_672 : i32
      %get3A_674 = arith.index_cast %mul3A_673 : i32 to index
      %get3A_675 = tpu.vector_load %arg9[%get3A_674] {strides = array<i32>} : memref<2000xi32, #tpu.memory_space<vmem>>, vector<16xi32>,
      %get3A_676 = vector.shape_cast %get3A_675 : vector<16xi32> to vector<16xi32>
      %ge3A_677 = vector.broadcast %mul3A_14 : i32 to vector<16xi32>
      %ge3A_678 = arith.cmpi sge, %get3A_671, %ge3A_677 : vector<16xi32>
      %lt3A_679 = vector.broadcast %add3A_16 : i32 to vector<16xi32>
      %lt3A_680 = arith.cmpi slt, %get3A_671, %lt3A_679 : vector<16xi32>
      %and3A_681 = arith.andi %ge3A_678, %lt3A_680 : vector<16xi1>
      %sub3A_682 = vector.broadcast %mul3A_14 : i32 to vector<16xi32>
      %sub3A_683 = arith.subi %get3A_671, %sub3A_682 : vector<16xi32>
      %mul3A_684 = arith.constant 5120 : i32
      %mul3A_685 = vector.broadcast %mul3A_684 : i32 to vector<16xi32>
      %mul3A_686 = arith.muli %sub3A_683, %mul3A_685 : vector<16xi32>
      %add3A_687 = arith.addi %mul3A_686, %get3A_676 : vector<16xi32>
      %and3A_688 = arith.constant 1023 : i32
      %and3A_689 = vector.broadcast %and3A_688 : i32 to vector<16xi32>
      %and3A_690 = arith.andi %get3A_676, %and3A_689 : vector<16xi32>
      %add3A_691 = arith.constant 1638400 : i32
      %add3A_692 = vector.broadcast %add3A_691 : i32 to vector<16xi32>
      %add3A_693 = arith.addi %add3A_692, %and3A_690 : vector<16xi32>
      %select_n3A_694 = arith.select %and3A_681, %add3A_687, %add3A_693 : vector<16xi1>, vector<16xi32>
      %mul3A_695 = arith.constant 16 : i32
      %mul3A_696 = arith.muli %scan3A_666, %mul3A_695 : i32
      %swap3A_697 = arith.index_cast %mul3A_696 : i32 to index
      %swap3A_698 = tpu.vector_load %arg15[%swap3A_697] {strides = array<i32>} : memref<2000xi32, #tpu.memory_space<vmem>>, vector<16xi32>,
      %swap3A_699 = vector.shape_cast %swap3A_698 : vector<16xi32> to vector<16xi32>
      %swap3A_700 = vector.shape_cast %select_n3A_694 : vector<16xi32> to vector<16xi32>
      tpu.vector_store %arg15[%swap3A_697], %swap3A_700 {strides = array<i32>} : memref<2000xi32, #tpu.memory_space<vmem>>, vector<16xi32>,
      %scan3A_701 = arith.constant 125 : i32
      %dma_start3A_702 = arith.constant 0 : i32
      %dma_start3A_703 = tpu.memref_slice %arg19[%dma_start3A_702] : memref<1639424xf32, #tpu.memory_space<vmem_shared>> -> memref<1639424xf32, #tpu.memory_space<vmem_shared>>
      tpu.enqueue_indirect_dma source(%arg12 : memref<2000xf32, #tpu.memory_space<vmem>>) target(%dma_start3A_703 : memref<1639424xf32, #tpu.memory_space<vmem_shared>>) offsets(%arg15 : memref<2000xi32, #tpu.memory_space<vmem>>) semaphore(%arg21 : memref<!tpu.dma_semaphore, #tpu.memory_space<semaphore_mem>>) {add = true}
      %dma_wait3A_704 = tpu.memref_slice %arg2[%add3A_653] : memref<320000xi32, #tpu.memory_space<hbm>> -> memref<2000xi32, #tpu.memory_space<hbm>>
      %dma_wait3A_705 = tpu.memref_slice %arg2[%add3A_653] : memref<320000xi32, #tpu.memory_space<hbm>> -> memref<2000xi32, #tpu.memory_space<hbm>>
      tpu.wait_dma2 semaphore(%arg20 : memref<!tpu.dma_semaphore, #tpu.memory_space<semaphore_mem>>) src(%dma_wait3A_705 : memref<2000xi32, #tpu.memory_space<hbm>>) dst(%arg7 : memref<2000xi32, #tpu.memory_space<vmem>>)
      %dma_wait3A_706 = tpu.memref_slice %arg3[%add3A_653] : memref<320000xi32, #tpu.memory_space<hbm>> -> memref<2000xi32, #tpu.memory_space<hbm>>
      %dma_wait3A_707 = tpu.memref_slice %arg3[%add3A_653] : memref<320000xi32, #tpu.memory_space<hbm>> -> memref<2000xi32, #tpu.memory_space<hbm>>
      tpu.wait_dma2 semaphore(%arg20 : memref<!tpu.dma_semaphore, #tpu.memory_space<semaphore_mem>>) src(%dma_wait3A_707 : memref<2000xi32, #tpu.memory_space<hbm>>) dst(%arg10 : memref<2000xi32, #tpu.memory_space<vmem>>)
      %dma_wait3A_708 = tpu.memref_slice %arg4[%add3A_653] : memref<320000xf32, #tpu.memory_space<hbm>> -> memref<2000xf32, #tpu.memory_space<hbm>>
      %dma_wait3A_709 = tpu.memref_slice %arg4[%add3A_653] : memref<320000xf32, #tpu.memory_space<hbm>> -> memref<2000xf32, #tpu.memory_space<hbm>>
      tpu.wait_dma2 semaphore(%arg20 : memref<!tpu.dma_semaphore, #tpu.memory_space<semaphore_mem>>) src(%dma_wait3A_709 : memref<2000xf32, #tpu.memory_space<hbm>>) dst(%arg13 : memref<2000xf32, #tpu.memory_space<vmem>>)
      %dma_wait3A_710 = arith.constant 0 : i32
      %dma_wait3A_711 = tpu.memref_slice %arg19[%dma_wait3A_710] : memref<1639424xf32, #tpu.memory_space<vmem_shared>> -> memref<1639424xf32, #tpu.memory_space<vmem_shared>>
      tpu.wait_indirect_dma semaphore(%arg21 : memref<!tpu.dma_semaphore, #tpu.memory_space<semaphore_mem>>) src(%arg14 : memref<2000xf32, #tpu.memory_space<vmem>>) dst(%dma_wait3A_711 : memref<1639424xf32, #tpu.memory_space<vmem_shared>>)
      %mul3A_712 = arith.constant 20000 : i32
      %mul3A_713 = arith.muli %arg1, %mul3A_712 : i32
      %add3A_714 = arith.constant 16000 : i32
      %add3A_715 = arith.addi %mul3A_713, %add3A_714 : i32
      %dma_start3A_716 = tpu.memref_slice %arg2[%add3A_715] : memref<320000xi32, #tpu.memory_space<hbm>> -> memref<2000xi32, #tpu.memory_space<hbm>>
      %dma_start3A_717 = tpu.memref_slice %arg2[%add3A_715] : memref<320000xi32, #tpu.memory_space<hbm>> -> memref<2000xi32, #tpu.memory_space<hbm>>
      tpu.enqueue_dma source(%dma_start3A_717 : memref<2000xi32, #tpu.memory_space<hbm>>) target(%arg8 : memref<2000xi32, #tpu.memory_space<vmem>>) target_semaphore(%arg20 : memref<!tpu.dma_semaphore, #tpu.memory_space<semaphore_mem>>)
      %dma_start3A_718 = tpu.memref_slice %arg3[%add3A_715] : memref<320000xi32, #tpu.memory_space<hbm>> -> memref<2000xi32, #tpu.memory_space<hbm>>
      %dma_start3A_719 = tpu.memref_slice %arg3[%add3A_715] : memref<320000xi32, #tpu.memory_space<hbm>> -> memref<2000xi32, #tpu.memory_space<hbm>>
      tpu.enqueue_dma source(%dma_start3A_719 : memref<2000xi32, #tpu.memory_space<hbm>>) target(%arg11 : memref<2000xi32, #tpu.memory_space<vmem>>) target_semaphore(%arg20 : memref<!tpu.dma_semaphore, #tpu.memory_space<semaphore_mem>>)
      %dma_start3A_720 = tpu.memref_slice %arg4[%add3A_715] : memref<320000xf32, #tpu.memory_space<hbm>> -> memref<2000xf32, #tpu.memory_space<hbm>>
      %dma_start3A_721 = tpu.memref_slice %arg4[%add3A_715] : memref<320000xf32, #tpu.memory_space<hbm>> -> memref<2000xf32, #tpu.memory_space<hbm>>
      tpu.enqueue_dma source(%dma_start3A_721 : memref<2000xf32, #tpu.memory_space<hbm>>) target(%arg14 : memref<2000xf32, #tpu.memory_space<vmem>>) target_semaphore(%arg20 : memref<!tpu.dma_semaphore, #tpu.memory_space<semaphore_mem>>)
      %scan3A_722 = arith.constant 0 : i32
      %scan3A_723 = arith.constant 0 : i32
      %scan3A_724 = arith.constant 124 : i32
      %scan3A_725 = arith.addi %scan3A_723, %scan3A_724 : i32
      %scan3A_726 = arith.constant 2 : i32
      scf.for %scan3A_1306 = %scan3A_723 to %scan3A_725 step %scan3A_726  : i32 {
        %mul3A_1307 = arith.constant 16 : i32
        %mul3A_1308 = arith.muli %scan3A_1306, %mul3A_1307 : i32
        %get3A_1309 = arith.index_cast %mul3A_1308 : i32 to index
        %get3A_1310 = tpu.vector_load %arg7[%get3A_1309] {strides = array<i32>} : memref<2000xi32, #tpu.memory_space<vmem>>, vector<16xi32>,
        %get3A_1311 = vector.shape_cast %get3A_1310 : vector<16xi32> to vector<16xi32>
        %mul3A_1312 = arith.constant 16 : i32
        %mul3A_1313 = arith.muli %scan3A_1306, %mul3A_1312 : i32
        %get3A_1314 = arith.index_cast %mul3A_1313 : i32 to index
        %get3A_1315 = tpu.vector_load %arg10[%get3A_1314] {strides = array<i32>} : memref<2000xi32, #tpu.memory_space<vmem>>, vector<16xi32>,
        %get3A_1316 = vector.shape_cast %get3A_1315 : vector<16xi32> to vector<16xi32>
        %ge3A_1317 = vector.broadcast %mul3A_14 : i32 to vector<16xi32>
        %ge3A_1318 = arith.cmpi sge, %get3A_1311, %ge3A_1317 : vector<16xi32>
        %lt3A_1319 = vector.broadcast %add3A_16 : i32 to vector<16xi32>
        %lt3A_1320 = arith.cmpi slt, %get3A_1311, %lt3A_1319 : vector<16xi32>
        %and3A_1321 = arith.andi %ge3A_1318, %lt3A_1320 : vector<16xi1>
        %sub3A_1322 = vector.broadcast %mul3A_14 : i32 to vector<16xi32>
        %sub3A_1323 = arith.subi %get3A_1311, %sub3A_1322 : vector<16xi32>
        %mul3A_1324 = arith.constant 5120 : i32
        %mul3A_1325 = vector.broadcast %mul3A_1324 : i32 to vector<16xi32>
        %mul3A_1326 = arith.muli %sub3A_1323, %mul3A_1325 : vector<16xi32>
        %add3A_1327 = arith.addi %mul3A_1326, %get3A_1316 : vector<16xi32>
        %and3A_1328 = arith.constant 1023 : i32
        %and3A_1329 = vector.broadcast %and3A_1328 : i32 to vector<16xi32>
        %and3A_1330 = arith.andi %get3A_1316, %and3A_1329 : vector<16xi32>
        %add3A_1331 = arith.constant 1638400 : i32
        %add3A_1332 = vector.broadcast %add3A_1331 : i32 to vector<16xi32>
        %add3A_1333 = arith.addi %add3A_1332, %and3A_1330 : vector<16xi32>
        %select_n3A_1334 = arith.select %and3A_1321, %add3A_1327, %add3A_1333 : vector<16xi1>, vector<16xi32>
        %mul3A_1335 = arith.constant 16 : i32
        %mul3A_1336 = arith.muli %scan3A_1306, %mul3A_1335 : i32
        %swap3A_1337 = arith.index_cast %mul3A_1336 : i32 to index
        %swap3A_1338 = tpu.vector_load %arg16[%swap3A_1337] {strides = array<i32>} : memref<2000xi32, #tpu.memory_space<vmem>>, vector<16xi32>,
        %swap3A_1339 = vector.shape_cast %swap3A_1338 : vector<16xi32> to vector<16xi32>
        %swap3A_1340 = vector.shape_cast %select_n3A_1334 : vector<16xi32> to vector<16xi32>
        tpu.vector_store %arg16[%swap3A_1337], %swap3A_1340 {strides = array<i32>} : memref<2000xi32, #tpu.memory_space<vmem>>, vector<16xi32>,
        %scan3A_1341 = arith.constant 1 : i32
        %scan3A_1342 = arith.addi %scan3A_1306, %scan3A_1341 : i32
        %mul3A_1343 = arith.constant 16 : i32
        %mul3A_1344 = arith.muli %scan3A_1342, %mul3A_1343 : i32
        %get3A_1345 = arith.index_cast %mul3A_1344 : i32 to index
        %get3A_1346 = tpu.vector_load %arg7[%get3A_1345] {strides = array<i32>} : memref<2000xi32, #tpu.memory_space<vmem>>, vector<16xi32>,
        %get3A_1347 = vector.shape_cast %get3A_1346 : vector<16xi32> to vector<16xi32>
        %mul3A_1348 = arith.constant 16 : i32
        %mul3A_1349 = arith.muli %scan3A_1342, %mul3A_1348 : i32
        %get3A_1350 = arith.index_cast %mul3A_1349 : i32 to index
        %get3A_1351 = tpu.vector_load %arg10[%get3A_1350] {strides = array<i32>} : memref<2000xi32, #tpu.memory_space<vmem>>, vector<16xi32>,
        %get3A_1352 = vector.shape_cast %get3A_1351 : vector<16xi32> to vector<16xi32>
        %ge3A_1353 = vector.broadcast %mul3A_14 : i32 to vector<16xi32>
        %ge3A_1354 = arith.cmpi sge, %get3A_1347, %ge3A_1353 : vector<16xi32>
        %lt3A_1355 = vector.broadcast %add3A_16 : i32 to vector<16xi32>
        %lt3A_1356 = arith.cmpi slt, %get3A_1347, %lt3A_1355 : vector<16xi32>
        %and3A_1357 = arith.andi %ge3A_1354, %lt3A_1356 : vector<16xi1>
        %sub3A_1358 = vector.broadcast %mul3A_14 : i32 to vector<16xi32>
        %sub3A_1359 = arith.subi %get3A_1347, %sub3A_1358 : vector<16xi32>
        %mul3A_1360 = arith.constant 5120 : i32
        %mul3A_1361 = vector.broadcast %mul3A_1360 : i32 to vector<16xi32>
        %mul3A_1362 = arith.muli %sub3A_1359, %mul3A_1361 : vector<16xi32>
        %add3A_1363 = arith.addi %mul3A_1362, %get3A_1352 : vector<16xi32>
        %and3A_1364 = arith.constant 1023 : i32
        %and3A_1365 = vector.broadcast %and3A_1364 : i32 to vector<16xi32>
        %and3A_1366 = arith.andi %get3A_1352, %and3A_1365 : vector<16xi32>
        %add3A_1367 = arith.constant 1638400 : i32
        %add3A_1368 = vector.broadcast %add3A_1367 : i32 to vector<16xi32>
        %add3A_1369 = arith.addi %add3A_1368, %and3A_1366 : vector<16xi32>
        %select_n3A_1370 = arith.select %and3A_1357, %add3A_1363, %add3A_1369 : vector<16xi1>, vector<16xi32>
        %mul3A_1371 = arith.constant 16 : i32
        %mul3A_1372 = arith.muli %scan3A_1342, %mul3A_1371 : i32
        %swap3A_1373 = arith.index_cast %mul3A_1372 : i32 to index
        %swap3A_1374 = tpu.vector_load %arg16[%swap3A_1373] {strides = array<i32>} : memref<2000xi32, #tpu.memory_space<vmem>>, vector<16xi32>,
        %swap3A_1375 = vector.shape_cast %swap3A_1374 : vector<16xi32> to vector<16xi32>
        %swap3A_1376 = vector.shape_cast %select_n3A_1370 : vector<16xi32> to vector<16xi32>
        tpu.vector_store %arg16[%swap3A_1373], %swap3A_1376 {strides = array<i32>} : memref<2000xi32, #tpu.memory_space<vmem>>, vector<16xi32>,
      }
      %scan3A_727 = arith.constant 124 : i32
      %scan3A_728 = arith.addi %scan3A_723, %scan3A_727 : i32
      %mul3A_729 = arith.constant 16 : i32
      %mul3A_730 = arith.muli %scan3A_728, %mul3A_729 : i32
      %get3A_731 = arith.index_cast %mul3A_730 : i32 to index
      %get3A_732 = tpu.vector_load %arg7[%get3A_731] {strides = array<i32>} : memref<2000xi32, #tpu.memory_space<vmem>>, vector<16xi32>,
      %get3A_733 = vector.shape_cast %get3A_732 : vector<16xi32> to vector<16xi32>
      %mul3A_734 = arith.constant 16 : i32
      %mul3A_735 = arith.muli %scan3A_728, %mul3A_734 : i32
      %get3A_736 = arith.index_cast %mul3A_735 : i32 to index
      %get3A_737 = tpu.vector_load %arg10[%get3A_736] {strides = array<i32>} : memref<2000xi32, #tpu.memory_space<vmem>>, vector<16xi32>,
      %get3A_738 = vector.shape_cast %get3A_737 : vector<16xi32> to vector<16xi32>
      %ge3A_739 = vector.broadcast %mul3A_14 : i32 to vector<16xi32>
      %ge3A_740 = arith.cmpi sge, %get3A_733, %ge3A_739 : vector<16xi32>
      %lt3A_741 = vector.broadcast %add3A_16 : i32 to vector<16xi32>
      %lt3A_742 = arith.cmpi slt, %get3A_733, %lt3A_741 : vector<16xi32>
      %and3A_743 = arith.andi %ge3A_740, %lt3A_742 : vector<16xi1>
      %sub3A_744 = vector.broadcast %mul3A_14 : i32 to vector<16xi32>
      %sub3A_745 = arith.subi %get3A_733, %sub3A_744 : vector<16xi32>
      %mul3A_746 = arith.constant 5120 : i32
      %mul3A_747 = vector.broadcast %mul3A_746 : i32 to vector<16xi32>
      %mul3A_748 = arith.muli %sub3A_745, %mul3A_747 : vector<16xi32>
      %add3A_749 = arith.addi %mul3A_748, %get3A_738 : vector<16xi32>
      %and3A_750 = arith.constant 1023 : i32
      %and3A_751 = vector.broadcast %and3A_750 : i32 to vector<16xi32>
      %and3A_752 = arith.andi %get3A_738, %and3A_751 : vector<16xi32>
      %add3A_753 = arith.constant 1638400 : i32
      %add3A_754 = vector.broadcast %add3A_753 : i32 to vector<16xi32>
      %add3A_755 = arith.addi %add3A_754, %and3A_752 : vector<16xi32>
      %select_n3A_756 = arith.select %and3A_743, %add3A_749, %add3A_755 : vector<16xi1>, vector<16xi32>
      %mul3A_757 = arith.constant 16 : i32
      %mul3A_758 = arith.muli %scan3A_728, %mul3A_757 : i32
      %swap3A_759 = arith.index_cast %mul3A_758 : i32 to index
      %swap3A_760 = tpu.vector_load %arg16[%swap3A_759] {strides = array<i32>} : memref<2000xi32, #tpu.memory_space<vmem>>, vector<16xi32>,
      %swap3A_761 = vector.shape_cast %swap3A_760 : vector<16xi32> to vector<16xi32>
      %swap3A_762 = vector.shape_cast %select_n3A_756 : vector<16xi32> to vector<16xi32>
      tpu.vector_store %arg16[%swap3A_759], %swap3A_762 {strides = array<i32>} : memref<2000xi32, #tpu.memory_space<vmem>>, vector<16xi32>,
      %scan3A_763 = arith.constant 125 : i32
      %dma_start3A_764 = arith.constant 0 : i32
      %dma_start3A_765 = tpu.memref_slice %arg19[%dma_start3A_764] : memref<1639424xf32, #tpu.memory_space<vmem_shared>> -> memref<1639424xf32, #tpu.memory_space<vmem_shared>>
      tpu.enqueue_indirect_dma source(%arg13 : memref<2000xf32, #tpu.memory_space<vmem>>) target(%dma_start3A_765 : memref<1639424xf32, #tpu.memory_space<vmem_shared>>) offsets(%arg16 : memref<2000xi32, #tpu.memory_space<vmem>>) semaphore(%arg21 : memref<!tpu.dma_semaphore, #tpu.memory_space<semaphore_mem>>) {add = true}
      %dma_wait3A_766 = tpu.memref_slice %arg2[%add3A_715] : memref<320000xi32, #tpu.memory_space<hbm>> -> memref<2000xi32, #tpu.memory_space<hbm>>
      %dma_wait3A_767 = tpu.memref_slice %arg2[%add3A_715] : memref<320000xi32, #tpu.memory_space<hbm>> -> memref<2000xi32, #tpu.memory_space<hbm>>
      tpu.wait_dma2 semaphore(%arg20 : memref<!tpu.dma_semaphore, #tpu.memory_space<semaphore_mem>>) src(%dma_wait3A_767 : memref<2000xi32, #tpu.memory_space<hbm>>) dst(%arg8 : memref<2000xi32, #tpu.memory_space<vmem>>)
      %dma_wait3A_768 = tpu.memref_slice %arg3[%add3A_715] : memref<320000xi32, #tpu.memory_space<hbm>> -> memref<2000xi32, #tpu.memory_space<hbm>>
      %dma_wait3A_769 = tpu.memref_slice %arg3[%add3A_715] : memref<320000xi32, #tpu.memory_space<hbm>> -> memref<2000xi32, #tpu.memory_space<hbm>>
      tpu.wait_dma2 semaphore(%arg20 : memref<!tpu.dma_semaphore, #tpu.memory_space<semaphore_mem>>) src(%dma_wait3A_769 : memref<2000xi32, #tpu.memory_space<hbm>>) dst(%arg11 : memref<2000xi32, #tpu.memory_space<vmem>>)
      %dma_wait3A_770 = tpu.memref_slice %arg4[%add3A_715] : memref<320000xf32, #tpu.memory_space<hbm>> -> memref<2000xf32, #tpu.memory_space<hbm>>
      %dma_wait3A_771 = tpu.memref_slice %arg4[%add3A_715] : memref<320000xf32, #tpu.memory_space<hbm>> -> memref<2000xf32, #tpu.memory_space<hbm>>
      tpu.wait_dma2 semaphore(%arg20 : memref<!tpu.dma_semaphore, #tpu.memory_space<semaphore_mem>>) src(%dma_wait3A_771 : memref<2000xf32, #tpu.memory_space<hbm>>) dst(%arg14 : memref<2000xf32, #tpu.memory_space<vmem>>)
      %dma_wait3A_772 = arith.constant 0 : i32
      %dma_wait3A_773 = tpu.memref_slice %arg19[%dma_wait3A_772] : memref<1639424xf32, #tpu.memory_space<vmem_shared>> -> memref<1639424xf32, #tpu.memory_space<vmem_shared>>
      tpu.wait_indirect_dma semaphore(%arg21 : memref<!tpu.dma_semaphore, #tpu.memory_space<semaphore_mem>>) src(%arg12 : memref<2000xf32, #tpu.memory_space<vmem>>) dst(%dma_wait3A_773 : memref<1639424xf32, #tpu.memory_space<vmem_shared>>)
      %mul3A_774 = arith.constant 20000 : i32
      %mul3A_775 = arith.muli %arg1, %mul3A_774 : i32
      %add3A_776 = arith.constant 18000 : i32
      %add3A_777 = arith.addi %mul3A_775, %add3A_776 : i32
      %dma_start3A_778 = tpu.memref_slice %arg2[%add3A_777] : memref<320000xi32, #tpu.memory_space<hbm>> -> memref<2000xi32, #tpu.memory_space<hbm>>
      %dma_start3A_779 = tpu.memref_slice %arg2[%add3A_777] : memref<320000xi32, #tpu.memory_space<hbm>> -> memref<2000xi32, #tpu.memory_space<hbm>>
      tpu.enqueue_dma source(%dma_start3A_779 : memref<2000xi32, #tpu.memory_space<hbm>>) target(%arg6 : memref<2000xi32, #tpu.memory_space<vmem>>) target_semaphore(%arg20 : memref<!tpu.dma_semaphore, #tpu.memory_space<semaphore_mem>>)
      %dma_start3A_780 = tpu.memref_slice %arg3[%add3A_777] : memref<320000xi32, #tpu.memory_space<hbm>> -> memref<2000xi32, #tpu.memory_space<hbm>>
      %dma_start3A_781 = tpu.memref_slice %arg3[%add3A_777] : memref<320000xi32, #tpu.memory_space<hbm>> -> memref<2000xi32, #tpu.memory_space<hbm>>
      tpu.enqueue_dma source(%dma_start3A_781 : memref<2000xi32, #tpu.memory_space<hbm>>) target(%arg9 : memref<2000xi32, #tpu.memory_space<vmem>>) target_semaphore(%arg20 : memref<!tpu.dma_semaphore, #tpu.memory_space<semaphore_mem>>)
      %dma_start3A_782 = tpu.memref_slice %arg4[%add3A_777] : memref<320000xf32, #tpu.memory_space<hbm>> -> memref<2000xf32, #tpu.memory_space<hbm>>
      %dma_start3A_783 = tpu.memref_slice %arg4[%add3A_777] : memref<320000xf32, #tpu.memory_space<hbm>> -> memref<2000xf32, #tpu.memory_space<hbm>>
      tpu.enqueue_dma source(%dma_start3A_783 : memref<2000xf32, #tpu.memory_space<hbm>>) target(%arg12 : memref<2000xf32, #tpu.memory_space<vmem>>) target_semaphore(%arg20 : memref<!tpu.dma_semaphore, #tpu.memory_space<semaphore_mem>>)
      %scan3A_784 = arith.constant 0 : i32
      %scan3A_785 = arith.constant 0 : i32
      %scan3A_786 = arith.constant 124 : i32
      %scan3A_787 = arith.addi %scan3A_785, %scan3A_786 : i32
      %scan3A_788 = arith.constant 2 : i32
      scf.for %scan3A_1306 = %scan3A_785 to %scan3A_787 step %scan3A_788  : i32 {
        %mul3A_1307 = arith.constant 16 : i32
        %mul3A_1308 = arith.muli %scan3A_1306, %mul3A_1307 : i32
        %get3A_1309 = arith.index_cast %mul3A_1308 : i32 to index
        %get3A_1310 = tpu.vector_load %arg8[%get3A_1309] {strides = array<i32>} : memref<2000xi32, #tpu.memory_space<vmem>>, vector<16xi32>,
        %get3A_1311 = vector.shape_cast %get3A_1310 : vector<16xi32> to vector<16xi32>
        %mul3A_1312 = arith.constant 16 : i32
        %mul3A_1313 = arith.muli %scan3A_1306, %mul3A_1312 : i32
        %get3A_1314 = arith.index_cast %mul3A_1313 : i32 to index
        %get3A_1315 = tpu.vector_load %arg11[%get3A_1314] {strides = array<i32>} : memref<2000xi32, #tpu.memory_space<vmem>>, vector<16xi32>,
        %get3A_1316 = vector.shape_cast %get3A_1315 : vector<16xi32> to vector<16xi32>
        %ge3A_1317 = vector.broadcast %mul3A_14 : i32 to vector<16xi32>
        %ge3A_1318 = arith.cmpi sge, %get3A_1311, %ge3A_1317 : vector<16xi32>
        %lt3A_1319 = vector.broadcast %add3A_16 : i32 to vector<16xi32>
        %lt3A_1320 = arith.cmpi slt, %get3A_1311, %lt3A_1319 : vector<16xi32>
        %and3A_1321 = arith.andi %ge3A_1318, %lt3A_1320 : vector<16xi1>
        %sub3A_1322 = vector.broadcast %mul3A_14 : i32 to vector<16xi32>
        %sub3A_1323 = arith.subi %get3A_1311, %sub3A_1322 : vector<16xi32>
        %mul3A_1324 = arith.constant 5120 : i32
        %mul3A_1325 = vector.broadcast %mul3A_1324 : i32 to vector<16xi32>
        %mul3A_1326 = arith.muli %sub3A_1323, %mul3A_1325 : vector<16xi32>
        %add3A_1327 = arith.addi %mul3A_1326, %get3A_1316 : vector<16xi32>
        %and3A_1328 = arith.constant 1023 : i32
        %and3A_1329 = vector.broadcast %and3A_1328 : i32 to vector<16xi32>
        %and3A_1330 = arith.andi %get3A_1316, %and3A_1329 : vector<16xi32>
        %add3A_1331 = arith.constant 1638400 : i32
        %add3A_1332 = vector.broadcast %add3A_1331 : i32 to vector<16xi32>
        %add3A_1333 = arith.addi %add3A_1332, %and3A_1330 : vector<16xi32>
        %select_n3A_1334 = arith.select %and3A_1321, %add3A_1327, %add3A_1333 : vector<16xi1>, vector<16xi32>
        %mul3A_1335 = arith.constant 16 : i32
        %mul3A_1336 = arith.muli %scan3A_1306, %mul3A_1335 : i32
        %swap3A_1337 = arith.index_cast %mul3A_1336 : i32 to index
        %swap3A_1338 = tpu.vector_load %arg17[%swap3A_1337] {strides = array<i32>} : memref<2000xi32, #tpu.memory_space<vmem>>, vector<16xi32>,
        %swap3A_1339 = vector.shape_cast %swap3A_1338 : vector<16xi32> to vector<16xi32>
        %swap3A_1340 = vector.shape_cast %select_n3A_1334 : vector<16xi32> to vector<16xi32>
        tpu.vector_store %arg17[%swap3A_1337], %swap3A_1340 {strides = array<i32>} : memref<2000xi32, #tpu.memory_space<vmem>>, vector<16xi32>,
        %scan3A_1341 = arith.constant 1 : i32
        %scan3A_1342 = arith.addi %scan3A_1306, %scan3A_1341 : i32
        %mul3A_1343 = arith.constant 16 : i32
        %mul3A_1344 = arith.muli %scan3A_1342, %mul3A_1343 : i32
        %get3A_1345 = arith.index_cast %mul3A_1344 : i32 to index
        %get3A_1346 = tpu.vector_load %arg8[%get3A_1345] {strides = array<i32>} : memref<2000xi32, #tpu.memory_space<vmem>>, vector<16xi32>,
        %get3A_1347 = vector.shape_cast %get3A_1346 : vector<16xi32> to vector<16xi32>
        %mul3A_1348 = arith.constant 16 : i32
        %mul3A_1349 = arith.muli %scan3A_1342, %mul3A_1348 : i32
        %get3A_1350 = arith.index_cast %mul3A_1349 : i32 to index
        %get3A_1351 = tpu.vector_load %arg11[%get3A_1350] {strides = array<i32>} : memref<2000xi32, #tpu.memory_space<vmem>>, vector<16xi32>,
        %get3A_1352 = vector.shape_cast %get3A_1351 : vector<16xi32> to vector<16xi32>
        %ge3A_1353 = vector.broadcast %mul3A_14 : i32 to vector<16xi32>
        %ge3A_1354 = arith.cmpi sge, %get3A_1347, %ge3A_1353 : vector<16xi32>
        %lt3A_1355 = vector.broadcast %add3A_16 : i32 to vector<16xi32>
        %lt3A_1356 = arith.cmpi slt, %get3A_1347, %lt3A_1355 : vector<16xi32>
        %and3A_1357 = arith.andi %ge3A_1354, %lt3A_1356 : vector<16xi1>
        %sub3A_1358 = vector.broadcast %mul3A_14 : i32 to vector<16xi32>
        %sub3A_1359 = arith.subi %get3A_1347, %sub3A_1358 : vector<16xi32>
        %mul3A_1360 = arith.constant 5120 : i32
        %mul3A_1361 = vector.broadcast %mul3A_1360 : i32 to vector<16xi32>
        %mul3A_1362 = arith.muli %sub3A_1359, %mul3A_1361 : vector<16xi32>
        %add3A_1363 = arith.addi %mul3A_1362, %get3A_1352 : vector<16xi32>
        %and3A_1364 = arith.constant 1023 : i32
        %and3A_1365 = vector.broadcast %and3A_1364 : i32 to vector<16xi32>
        %and3A_1366 = arith.andi %get3A_1352, %and3A_1365 : vector<16xi32>
        %add3A_1367 = arith.constant 1638400 : i32
        %add3A_1368 = vector.broadcast %add3A_1367 : i32 to vector<16xi32>
        %add3A_1369 = arith.addi %add3A_1368, %and3A_1366 : vector<16xi32>
        %select_n3A_1370 = arith.select %and3A_1357, %add3A_1363, %add3A_1369 : vector<16xi1>, vector<16xi32>
        %mul3A_1371 = arith.constant 16 : i32
        %mul3A_1372 = arith.muli %scan3A_1342, %mul3A_1371 : i32
        %swap3A_1373 = arith.index_cast %mul3A_1372 : i32 to index
        %swap3A_1374 = tpu.vector_load %arg17[%swap3A_1373] {strides = array<i32>} : memref<2000xi32, #tpu.memory_space<vmem>>, vector<16xi32>,
        %swap3A_1375 = vector.shape_cast %swap3A_1374 : vector<16xi32> to vector<16xi32>
        %swap3A_1376 = vector.shape_cast %select_n3A_1370 : vector<16xi32> to vector<16xi32>
        tpu.vector_store %arg17[%swap3A_1373], %swap3A_1376 {strides = array<i32>} : memref<2000xi32, #tpu.memory_space<vmem>>, vector<16xi32>,
      }
      %scan3A_789 = arith.constant 124 : i32
      %scan3A_790 = arith.addi %scan3A_785, %scan3A_789 : i32
      %mul3A_791 = arith.constant 16 : i32
      %mul3A_792 = arith.muli %scan3A_790, %mul3A_791 : i32
      %get3A_793 = arith.index_cast %mul3A_792 : i32 to index
      %get3A_794 = tpu.vector_load %arg8[%get3A_793] {strides = array<i32>} : memref<2000xi32, #tpu.memory_space<vmem>>, vector<16xi32>,
      %get3A_795 = vector.shape_cast %get3A_794 : vector<16xi32> to vector<16xi32>
      %mul3A_796 = arith.constant 16 : i32
      %mul3A_797 = arith.muli %scan3A_790, %mul3A_796 : i32
      %get3A_798 = arith.index_cast %mul3A_797 : i32 to index
      %get3A_799 = tpu.vector_load %arg11[%get3A_798] {strides = array<i32>} : memref<2000xi32, #tpu.memory_space<vmem>>, vector<16xi32>,
      %get3A_800 = vector.shape_cast %get3A_799 : vector<16xi32> to vector<16xi32>
      %ge3A_801 = vector.broadcast %mul3A_14 : i32 to vector<16xi32>
      %ge3A_802 = arith.cmpi sge, %get3A_795, %ge3A_801 : vector<16xi32>
      %lt3A_803 = vector.broadcast %add3A_16 : i32 to vector<16xi32>
      %lt3A_804 = arith.cmpi slt, %get3A_795, %lt3A_803 : vector<16xi32>
      %and3A_805 = arith.andi %ge3A_802, %lt3A_804 : vector<16xi1>
      %sub3A_806 = vector.broadcast %mul3A_14 : i32 to vector<16xi32>
      %sub3A_807 = arith.subi %get3A_795, %sub3A_806 : vector<16xi32>
      %mul3A_808 = arith.constant 5120 : i32
      %mul3A_809 = vector.broadcast %mul3A_808 : i32 to vector<16xi32>
      %mul3A_810 = arith.muli %sub3A_807, %mul3A_809 : vector<16xi32>
      %add3A_811 = arith.addi %mul3A_810, %get3A_800 : vector<16xi32>
      %and3A_812 = arith.constant 1023 : i32
      %and3A_813 = vector.broadcast %and3A_812 : i32 to vector<16xi32>
      %and3A_814 = arith.andi %get3A_800, %and3A_813 : vector<16xi32>
      %add3A_815 = arith.constant 1638400 : i32
      %add3A_816 = vector.broadcast %add3A_815 : i32 to vector<16xi32>
      %add3A_817 = arith.addi %add3A_816, %and3A_814 : vector<16xi32>
      %select_n3A_818 = arith.select %and3A_805, %add3A_811, %add3A_817 : vector<16xi1>, vector<16xi32>
      %mul3A_819 = arith.constant 16 : i32
      %mul3A_820 = arith.muli %scan3A_790, %mul3A_819 : i32
      %swap3A_821 = arith.index_cast %mul3A_820 : i32 to index
      %swap3A_822 = tpu.vector_load %arg17[%swap3A_821] {strides = array<i32>} : memref<2000xi32, #tpu.memory_space<vmem>>, vector<16xi32>,
      %swap3A_823 = vector.shape_cast %swap3A_822 : vector<16xi32> to vector<16xi32>
      %swap3A_824 = vector.shape_cast %select_n3A_818 : vector<16xi32> to vector<16xi32>
      tpu.vector_store %arg17[%swap3A_821], %swap3A_824 {strides = array<i32>} : memref<2000xi32, #tpu.memory_space<vmem>>, vector<16xi32>,
      %scan3A_825 = arith.constant 125 : i32
      %dma_start3A_826 = arith.constant 0 : i32
      %dma_start3A_827 = tpu.memref_slice %arg19[%dma_start3A_826] : memref<1639424xf32, #tpu.memory_space<vmem_shared>> -> memref<1639424xf32, #tpu.memory_space<vmem_shared>>
      tpu.enqueue_indirect_dma source(%arg14 : memref<2000xf32, #tpu.memory_space<vmem>>) target(%dma_start3A_827 : memref<1639424xf32, #tpu.memory_space<vmem_shared>>) offsets(%arg17 : memref<2000xi32, #tpu.memory_space<vmem>>) semaphore(%arg21 : memref<!tpu.dma_semaphore, #tpu.memory_space<semaphore_mem>>) {add = true}
      %dma_wait3A_828 = tpu.memref_slice %arg2[%add3A_777] : memref<320000xi32, #tpu.memory_space<hbm>> -> memref<2000xi32, #tpu.memory_space<hbm>>
      %dma_wait3A_829 = tpu.memref_slice %arg2[%add3A_777] : memref<320000xi32, #tpu.memory_space<hbm>> -> memref<2000xi32, #tpu.memory_space<hbm>>
      tpu.wait_dma2 semaphore(%arg20 : memref<!tpu.dma_semaphore, #tpu.memory_space<semaphore_mem>>) src(%dma_wait3A_829 : memref<2000xi32, #tpu.memory_space<hbm>>) dst(%arg6 : memref<2000xi32, #tpu.memory_space<vmem>>)
      %dma_wait3A_830 = tpu.memref_slice %arg3[%add3A_777] : memref<320000xi32, #tpu.memory_space<hbm>> -> memref<2000xi32, #tpu.memory_space<hbm>>
      %dma_wait3A_831 = tpu.memref_slice %arg3[%add3A_777] : memref<320000xi32, #tpu.memory_space<hbm>> -> memref<2000xi32, #tpu.memory_space<hbm>>
      tpu.wait_dma2 semaphore(%arg20 : memref<!tpu.dma_semaphore, #tpu.memory_space<semaphore_mem>>) src(%dma_wait3A_831 : memref<2000xi32, #tpu.memory_space<hbm>>) dst(%arg9 : memref<2000xi32, #tpu.memory_space<vmem>>)
      %dma_wait3A_832 = tpu.memref_slice %arg4[%add3A_777] : memref<320000xf32, #tpu.memory_space<hbm>> -> memref<2000xf32, #tpu.memory_space<hbm>>
      %dma_wait3A_833 = tpu.memref_slice %arg4[%add3A_777] : memref<320000xf32, #tpu.memory_space<hbm>> -> memref<2000xf32, #tpu.memory_space<hbm>>
      tpu.wait_dma2 semaphore(%arg20 : memref<!tpu.dma_semaphore, #tpu.memory_space<semaphore_mem>>) src(%dma_wait3A_833 : memref<2000xf32, #tpu.memory_space<hbm>>) dst(%arg12 : memref<2000xf32, #tpu.memory_space<vmem>>)
      %scan3A_834 = arith.constant 0 : i32
      %scan3A_835 = arith.constant 0 : i32
      %scan3A_836 = arith.constant 124 : i32
      %scan3A_837 = arith.addi %scan3A_835, %scan3A_836 : i32
      %scan3A_838 = arith.constant 2 : i32
      scf.for %scan3A_1306 = %scan3A_835 to %scan3A_837 step %scan3A_838  : i32 {
        %mul3A_1307 = arith.constant 16 : i32
        %mul3A_1308 = arith.muli %scan3A_1306, %mul3A_1307 : i32
        %get3A_1309 = arith.index_cast %mul3A_1308 : i32 to index
        %get3A_1310 = tpu.vector_load %arg6[%get3A_1309] {strides = array<i32>} : memref<2000xi32, #tpu.memory_space<vmem>>, vector<16xi32>,
        %get3A_1311 = vector.shape_cast %get3A_1310 : vector<16xi32> to vector<16xi32>
        %mul3A_1312 = arith.constant 16 : i32
        %mul3A_1313 = arith.muli %scan3A_1306, %mul3A_1312 : i32
        %get3A_1314 = arith.index_cast %mul3A_1313 : i32 to index
        %get3A_1315 = tpu.vector_load %arg9[%get3A_1314] {strides = array<i32>} : memref<2000xi32, #tpu.memory_space<vmem>>, vector<16xi32>,
        %get3A_1316 = vector.shape_cast %get3A_1315 : vector<16xi32> to vector<16xi32>
        %ge3A_1317 = vector.broadcast %mul3A_14 : i32 to vector<16xi32>
        %ge3A_1318 = arith.cmpi sge, %get3A_1311, %ge3A_1317 : vector<16xi32>
        %lt3A_1319 = vector.broadcast %add3A_16 : i32 to vector<16xi32>
        %lt3A_1320 = arith.cmpi slt, %get3A_1311, %lt3A_1319 : vector<16xi32>
        %and3A_1321 = arith.andi %ge3A_1318, %lt3A_1320 : vector<16xi1>
        %sub3A_1322 = vector.broadcast %mul3A_14 : i32 to vector<16xi32>
        %sub3A_1323 = arith.subi %get3A_1311, %sub3A_1322 : vector<16xi32>
        %mul3A_1324 = arith.constant 5120 : i32
        %mul3A_1325 = vector.broadcast %mul3A_1324 : i32 to vector<16xi32>
        %mul3A_1326 = arith.muli %sub3A_1323, %mul3A_1325 : vector<16xi32>
        %add3A_1327 = arith.addi %mul3A_1326, %get3A_1316 : vector<16xi32>
        %and3A_1328 = arith.constant 1023 : i32
        %and3A_1329 = vector.broadcast %and3A_1328 : i32 to vector<16xi32>
        %and3A_1330 = arith.andi %get3A_1316, %and3A_1329 : vector<16xi32>
        %add3A_1331 = arith.constant 1638400 : i32
        %add3A_1332 = vector.broadcast %add3A_1331 : i32 to vector<16xi32>
        %add3A_1333 = arith.addi %add3A_1332, %and3A_1330 : vector<16xi32>
        %select_n3A_1334 = arith.select %and3A_1321, %add3A_1327, %add3A_1333 : vector<16xi1>, vector<16xi32>
        %mul3A_1335 = arith.constant 16 : i32
        %mul3A_1336 = arith.muli %scan3A_1306, %mul3A_1335 : i32
        %swap3A_1337 = arith.index_cast %mul3A_1336 : i32 to index
        %swap3A_1338 = tpu.vector_load %arg15[%swap3A_1337] {strides = array<i32>} : memref<2000xi32, #tpu.memory_space<vmem>>, vector<16xi32>,
        %swap3A_1339 = vector.shape_cast %swap3A_1338 : vector<16xi32> to vector<16xi32>
        %swap3A_1340 = vector.shape_cast %select_n3A_1334 : vector<16xi32> to vector<16xi32>
        tpu.vector_store %arg15[%swap3A_1337], %swap3A_1340 {strides = array<i32>} : memref<2000xi32, #tpu.memory_space<vmem>>, vector<16xi32>,
        %scan3A_1341 = arith.constant 1 : i32
        %scan3A_1342 = arith.addi %scan3A_1306, %scan3A_1341 : i32
        %mul3A_1343 = arith.constant 16 : i32
        %mul3A_1344 = arith.muli %scan3A_1342, %mul3A_1343 : i32
        %get3A_1345 = arith.index_cast %mul3A_1344 : i32 to index
        %get3A_1346 = tpu.vector_load %arg6[%get3A_1345] {strides = array<i32>} : memref<2000xi32, #tpu.memory_space<vmem>>, vector<16xi32>,
        %get3A_1347 = vector.shape_cast %get3A_1346 : vector<16xi32> to vector<16xi32>
        %mul3A_1348 = arith.constant 16 : i32
        %mul3A_1349 = arith.muli %scan3A_1342, %mul3A_1348 : i32
        %get3A_1350 = arith.index_cast %mul3A_1349 : i32 to index
        %get3A_1351 = tpu.vector_load %arg9[%get3A_1350] {strides = array<i32>} : memref<2000xi32, #tpu.memory_space<vmem>>, vector<16xi32>,
        %get3A_1352 = vector.shape_cast %get3A_1351 : vector<16xi32> to vector<16xi32>
        %ge3A_1353 = vector.broadcast %mul3A_14 : i32 to vector<16xi32>
        %ge3A_1354 = arith.cmpi sge, %get3A_1347, %ge3A_1353 : vector<16xi32>
        %lt3A_1355 = vector.broadcast %add3A_16 : i32 to vector<16xi32>
        %lt3A_1356 = arith.cmpi slt, %get3A_1347, %lt3A_1355 : vector<16xi32>
        %and3A_1357 = arith.andi %ge3A_1354, %lt3A_1356 : vector<16xi1>
        %sub3A_1358 = vector.broadcast %mul3A_14 : i32 to vector<16xi32>
        %sub3A_1359 = arith.subi %get3A_1347, %sub3A_1358 : vector<16xi32>
        %mul3A_1360 = arith.constant 5120 : i32
        %mul3A_1361 = vector.broadcast %mul3A_1360 : i32 to vector<16xi32>
        %mul3A_1362 = arith.muli %sub3A_1359, %mul3A_1361 : vector<16xi32>
        %add3A_1363 = arith.addi %mul3A_1362, %get3A_1352 : vector<16xi32>
        %and3A_1364 = arith.constant 1023 : i32
        %and3A_1365 = vector.broadcast %and3A_1364 : i32 to vector<16xi32>
        %and3A_1366 = arith.andi %get3A_1352, %and3A_1365 : vector<16xi32>
        %add3A_1367 = arith.constant 1638400 : i32
        %add3A_1368 = vector.broadcast %add3A_1367 : i32 to vector<16xi32>
        %add3A_1369 = arith.addi %add3A_1368, %and3A_1366 : vector<16xi32>
        %select_n3A_1370 = arith.select %and3A_1357, %add3A_1363, %add3A_1369 : vector<16xi1>, vector<16xi32>
        %mul3A_1371 = arith.constant 16 : i32
        %mul3A_1372 = arith.muli %scan3A_1342, %mul3A_1371 : i32
        %swap3A_1373 = arith.index_cast %mul3A_1372 : i32 to index
        %swap3A_1374 = tpu.vector_load %arg15[%swap3A_1373] {strides = array<i32>} : memref<2000xi32, #tpu.memory_space<vmem>>, vector<16xi32>,
        %swap3A_1375 = vector.shape_cast %swap3A_1374 : vector<16xi32> to vector<16xi32>
        %swap3A_1376 = vector.shape_cast %select_n3A_1370 : vector<16xi32> to vector<16xi32>
        tpu.vector_store %arg15[%swap3A_1373], %swap3A_1376 {strides = array<i32>} : memref<2000xi32, #tpu.memory_space<vmem>>, vector<16xi32>,
      }
      %scan3A_839 = arith.constant 124 : i32
      %scan3A_840 = arith.addi %scan3A_835, %scan3A_839 : i32
      %mul3A_841 = arith.constant 16 : i32
      %mul3A_842 = arith.muli %scan3A_840, %mul3A_841 : i32
      %get3A_843 = arith.index_cast %mul3A_842 : i32 to index
      %get3A_844 = tpu.vector_load %arg6[%get3A_843] {strides = array<i32>} : memref<2000xi32, #tpu.memory_space<vmem>>, vector<16xi32>,
      %get3A_845 = vector.shape_cast %get3A_844 : vector<16xi32> to vector<16xi32>
      %mul3A_846 = arith.constant 16 : i32
      %mul3A_847 = arith.muli %scan3A_840, %mul3A_846 : i32
      %get3A_848 = arith.index_cast %mul3A_847 : i32 to index
      %get3A_849 = tpu.vector_load %arg9[%get3A_848] {strides = array<i32>} : memref<2000xi32, #tpu.memory_space<vmem>>, vector<16xi32>,
      %get3A_850 = vector.shape_cast %get3A_849 : vector<16xi32> to vector<16xi32>
      %ge3A_851 = vector.broadcast %mul3A_14 : i32 to vector<16xi32>
      %ge3A_852 = arith.cmpi sge, %get3A_845, %ge3A_851 : vector<16xi32>
      %lt3A_853 = vector.broadcast %add3A_16 : i32 to vector<16xi32>
      %lt3A_854 = arith.cmpi slt, %get3A_845, %lt3A_853 : vector<16xi32>
      %and3A_855 = arith.andi %ge3A_852, %lt3A_854 : vector<16xi1>
      %sub3A_856 = vector.broadcast %mul3A_14 : i32 to vector<16xi32>
      %sub3A_857 = arith.subi %get3A_845, %sub3A_856 : vector<16xi32>
      %mul3A_858 = arith.constant 5120 : i32
      %mul3A_859 = vector.broadcast %mul3A_858 : i32 to vector<16xi32>
      %mul3A_860 = arith.muli %sub3A_857, %mul3A_859 : vector<16xi32>
      %add3A_861 = arith.addi %mul3A_860, %get3A_850 : vector<16xi32>
      %and3A_862 = arith.constant 1023 : i32
      %and3A_863 = vector.broadcast %and3A_862 : i32 to vector<16xi32>
      %and3A_864 = arith.andi %get3A_850, %and3A_863 : vector<16xi32>
      %add3A_865 = arith.constant 1638400 : i32
      %add3A_866 = vector.broadcast %add3A_865 : i32 to vector<16xi32>
      %add3A_867 = arith.addi %add3A_866, %and3A_864 : vector<16xi32>
      %select_n3A_868 = arith.select %and3A_855, %add3A_861, %add3A_867 : vector<16xi1>, vector<16xi32>
      %mul3A_869 = arith.constant 16 : i32
      %mul3A_870 = arith.muli %scan3A_840, %mul3A_869 : i32
      %swap3A_871 = arith.index_cast %mul3A_870 : i32 to index
      %swap3A_872 = tpu.vector_load %arg15[%swap3A_871] {strides = array<i32>} : memref<2000xi32, #tpu.memory_space<vmem>>, vector<16xi32>,
      %swap3A_873 = vector.shape_cast %swap3A_872 : vector<16xi32> to vector<16xi32>
      %swap3A_874 = vector.shape_cast %select_n3A_868 : vector<16xi32> to vector<16xi32>
      tpu.vector_store %arg15[%swap3A_871], %swap3A_874 {strides = array<i32>} : memref<2000xi32, #tpu.memory_space<vmem>>, vector<16xi32>,
      %scan3A_875 = arith.constant 125 : i32
      %dma_start3A_876 = arith.constant 0 : i32
      %dma_start3A_877 = tpu.memref_slice %arg19[%dma_start3A_876] : memref<1639424xf32, #tpu.memory_space<vmem_shared>> -> memref<1639424xf32, #tpu.memory_space<vmem_shared>>
      tpu.enqueue_indirect_dma source(%arg12 : memref<2000xf32, #tpu.memory_space<vmem>>) target(%dma_start3A_877 : memref<1639424xf32, #tpu.memory_space<vmem_shared>>) offsets(%arg15 : memref<2000xi32, #tpu.memory_space<vmem>>) semaphore(%arg21 : memref<!tpu.dma_semaphore, #tpu.memory_space<semaphore_mem>>) {add = true}
      %dma_wait3A_878 = arith.constant 0 : i32
      %dma_wait3A_879 = tpu.memref_slice %arg19[%dma_wait3A_878] : memref<1639424xf32, #tpu.memory_space<vmem_shared>> -> memref<1639424xf32, #tpu.memory_space<vmem_shared>>
      tpu.wait_indirect_dma semaphore(%arg21 : memref<!tpu.dma_semaphore, #tpu.memory_space<semaphore_mem>>) src(%arg12 : memref<2000xf32, #tpu.memory_space<vmem>>) dst(%dma_wait3A_879 : memref<1639424xf32, #tpu.memory_space<vmem_shared>>)
      %dma_wait3A_880 = arith.constant 0 : i32
      %dma_wait3A_881 = tpu.memref_slice %arg19[%dma_wait3A_880] : memref<1639424xf32, #tpu.memory_space<vmem_shared>> -> memref<1639424xf32, #tpu.memory_space<vmem_shared>>
      tpu.wait_indirect_dma semaphore(%arg21 : memref<!tpu.dma_semaphore, #tpu.memory_space<semaphore_mem>>) src(%arg13 : memref<2000xf32, #tpu.memory_space<vmem>>) dst(%dma_wait3A_881 : memref<1639424xf32, #tpu.memory_space<vmem_shared>>)
      %dma_wait3A_882 = arith.constant 0 : i32
      %dma_wait3A_883 = tpu.memref_slice %arg19[%dma_wait3A_882] : memref<1639424xf32, #tpu.memory_space<vmem_shared>> -> memref<1639424xf32, #tpu.memory_space<vmem_shared>>
      tpu.wait_indirect_dma semaphore(%arg21 : memref<!tpu.dma_semaphore, #tpu.memory_space<semaphore_mem>>) src(%arg14 : memref<2000xf32, #tpu.memory_space<vmem>>) dst(%dma_wait3A_883 : memref<1639424xf32, #tpu.memory_space<vmem_shared>>)
      %barrier3A_884 = arith.constant 0 : index
      tpu.barrier barrier_id(%barrier3A_884)
      %mul3A_885 = arith.constant 20 : i32
      %mul3A_886 = arith.muli %arg1, %mul3A_885 : i32
      %add3A_887 = arith.constant 0 : i32
      %add3A_888 = arith.addi %mul3A_886, %add3A_887 : i32
      %mul3A_889 = arith.constant 5120 : i32
      %mul3A_890 = arith.muli %add3A_888, %mul3A_889 : i32
      %mul3A_891 = arith.constant 320 : i32
      %mul3A_892 = arith.muli %add3A, %mul3A_891 : i32
      %mul3A_893 = arith.constant 20 : i32
      %mul3A_894 = arith.muli %arg1, %mul3A_893 : i32
      %add3A_895 = arith.addi %mul3A_892, %mul3A_894 : i32
      %add3A_896 = arith.constant 0 : i32
      %add3A_897 = arith.addi %add3A_895, %add3A_896 : i32
      %dma_start3A_898 = arith.constant 0 : i32
      %dma_start3A_899 = tpu.memref_slice %arg5[%add3A_897, %dma_start3A_898] : memref<5120x5120xf32, #tpu.memory_space<hbm>> -> memref<1x5120xf32, #tpu.memory_space<hbm>>
      %dma_start3A_900 = tpu.memref_squeeze %dma_start3A_899 : memref<1x5120xf32, #tpu.memory_space<hbm>> -> memref<5120xf32, #tpu.memory_space<hbm>>
      %dma_start3A_901 = tpu.memref_slice %arg19[%mul3A_890] : memref<1639424xf32, #tpu.memory_space<vmem_shared>> -> memref<5120xf32, #tpu.memory_space<vmem_shared>>
      tpu.enqueue_dma source(%dma_start3A_901 : memref<5120xf32, #tpu.memory_space<vmem_shared>>) target(%dma_start3A_900 : memref<5120xf32, #tpu.memory_space<hbm>>) target_semaphore(%arg22 : memref<!tpu.dma_semaphore, #tpu.memory_space<semaphore_mem>>)
      %mul3A_902 = arith.constant 20 : i32
      %mul3A_903 = arith.muli %arg1, %mul3A_902 : i32
      %add3A_904 = arith.constant 1 : i32
      %add3A_905 = arith.addi %mul3A_903, %add3A_904 : i32
      %mul3A_906 = arith.constant 5120 : i32
      %mul3A_907 = arith.muli %add3A_905, %mul3A_906 : i32
      %mul3A_908 = arith.constant 320 : i32
      %mul3A_909 = arith.muli %add3A, %mul3A_908 : i32
      %mul3A_910 = arith.constant 20 : i32
      %mul3A_911 = arith.muli %arg1, %mul3A_910 : i32
      %add3A_912 = arith.addi %mul3A_909, %mul3A_911 : i32
      %add3A_913 = arith.constant 1 : i32
      %add3A_914 = arith.addi %add3A_912, %add3A_913 : i32
      %dma_start3A_915 = arith.constant 0 : i32
      %dma_start3A_916 = tpu.memref_slice %arg5[%add3A_914, %dma_start3A_915] : memref<5120x5120xf32, #tpu.memory_space<hbm>> -> memref<1x5120xf32, #tpu.memory_space<hbm>>
      %dma_start3A_917 = tpu.memref_squeeze %dma_start3A_916 : memref<1x5120xf32, #tpu.memory_space<hbm>> -> memref<5120xf32, #tpu.memory_space<hbm>>
      %dma_start3A_918 = tpu.memref_slice %arg19[%mul3A_907] : memref<1639424xf32, #tpu.memory_space<vmem_shared>> -> memref<5120xf32, #tpu.memory_space<vmem_shared>>
      tpu.enqueue_dma source(%dma_start3A_918 : memref<5120xf32, #tpu.memory_space<vmem_shared>>) target(%dma_start3A_917 : memref<5120xf32, #tpu.memory_space<hbm>>) target_semaphore(%arg22 : memref<!tpu.dma_semaphore, #tpu.memory_space<semaphore_mem>>)
      %mul3A_919 = arith.constant 20 : i32
      %mul3A_920 = arith.muli %arg1, %mul3A_919 : i32
      %add3A_921 = arith.constant 2 : i32
      %add3A_922 = arith.addi %mul3A_920, %add3A_921 : i32
      %mul3A_923 = arith.constant 5120 : i32
      %mul3A_924 = arith.muli %add3A_922, %mul3A_923 : i32
      %mul3A_925 = arith.constant 320 : i32
      %mul3A_926 = arith.muli %add3A, %mul3A_925 : i32
      %mul3A_927 = arith.constant 20 : i32
      %mul3A_928 = arith.muli %arg1, %mul3A_927 : i32
      %add3A_929 = arith.addi %mul3A_926, %mul3A_928 : i32
      %add3A_930 = arith.constant 2 : i32
      %add3A_931 = arith.addi %add3A_929, %add3A_930 : i32
      %dma_start3A_932 = arith.constant 0 : i32
      %dma_start3A_933 = tpu.memref_slice %arg5[%add3A_931, %dma_start3A_932] : memref<5120x5120xf32, #tpu.memory_space<hbm>> -> memref<1x5120xf32, #tpu.memory_space<hbm>>
      %dma_start3A_934 = tpu.memref_squeeze %dma_start3A_933 : memref<1x5120xf32, #tpu.memory_space<hbm>> -> memref<5120xf32, #tpu.memory_space<hbm>>
      %dma_start3A_935 = tpu.memref_slice %arg19[%mul3A_924] : memref<1639424xf32, #tpu.memory_space<vmem_shared>> -> memref<5120xf32, #tpu.memory_space<vmem_shared>>
      tpu.enqueue_dma source(%dma_start3A_935 : memref<5120xf32, #tpu.memory_space<vmem_shared>>) target(%dma_start3A_934 : memref<5120xf32, #tpu.memory_space<hbm>>) target_semaphore(%arg22 : memref<!tpu.dma_semaphore, #tpu.memory_space<semaphore_mem>>)
      %mul3A_936 = arith.constant 20 : i32
      %mul3A_937 = arith.muli %arg1, %mul3A_936 : i32
      %add3A_938 = arith.constant 3 : i32
      %add3A_939 = arith.addi %mul3A_937, %add3A_938 : i32
      %mul3A_940 = arith.constant 5120 : i32
      %mul3A_941 = arith.muli %add3A_939, %mul3A_940 : i32
      %mul3A_942 = arith.constant 320 : i32
      %mul3A_943 = arith.muli %add3A, %mul3A_942 : i32
      %mul3A_944 = arith.constant 20 : i32
      %mul3A_945 = arith.muli %arg1, %mul3A_944 : i32
      %add3A_946 = arith.addi %mul3A_943, %mul3A_945 : i32
      %add3A_947 = arith.constant 3 : i32
      %add3A_948 = arith.addi %add3A_946, %add3A_947 : i32
      %dma_start3A_949 = arith.constant 0 : i32
      %dma_start3A_950 = tpu.memref_slice %arg5[%add3A_948, %dma_start3A_949] : memref<5120x5120xf32, #tpu.memory_space<hbm>> -> memref<1x5120xf32, #tpu.memory_space<hbm>>
      %dma_start3A_951 = tpu.memref_squeeze %dma_start3A_950 : memref<1x5120xf32, #tpu.memory_space<hbm>> -> memref<5120xf32, #tpu.memory_space<hbm>>
      %dma_start3A_952 = tpu.memref_slice %arg19[%mul3A_941] : memref<1639424xf32, #tpu.memory_space<vmem_shared>> -> memref<5120xf32, #tpu.memory_space<vmem_shared>>
      tpu.enqueue_dma source(%dma_start3A_952 : memref<5120xf32, #tpu.memory_space<vmem_shared>>) target(%dma_start3A_951 : memref<5120xf32, #tpu.memory_space<hbm>>) target_semaphore(%arg22 : memref<!tpu.dma_semaphore, #tpu.memory_space<semaphore_mem>>)
      %mul3A_953 = arith.constant 20 : i32
      %mul3A_954 = arith.muli %arg1, %mul3A_953 : i32
      %add3A_955 = arith.constant 4 : i32
      %add3A_956 = arith.addi %mul3A_954, %add3A_955 : i32
      %mul3A_957 = arith.constant 5120 : i32
      %mul3A_958 = arith.muli %add3A_956, %mul3A_957 : i32
      %mul3A_959 = arith.constant 320 : i32
      %mul3A_960 = arith.muli %add3A, %mul3A_959 : i32
      %mul3A_961 = arith.constant 20 : i32
      %mul3A_962 = arith.muli %arg1, %mul3A_961 : i32
      %add3A_963 = arith.addi %mul3A_960, %mul3A_962 : i32
      %add3A_964 = arith.constant 4 : i32
      %add3A_965 = arith.addi %add3A_963, %add3A_964 : i32
      %dma_start3A_966 = arith.constant 0 : i32
      %dma_start3A_967 = tpu.memref_slice %arg5[%add3A_965, %dma_start3A_966] : memref<5120x5120xf32, #tpu.memory_space<hbm>> -> memref<1x5120xf32, #tpu.memory_space<hbm>>
      %dma_start3A_968 = tpu.memref_squeeze %dma_start3A_967 : memref<1x5120xf32, #tpu.memory_space<hbm>> -> memref<5120xf32, #tpu.memory_space<hbm>>
      %dma_start3A_969 = tpu.memref_slice %arg19[%mul3A_958] : memref<1639424xf32, #tpu.memory_space<vmem_shared>> -> memref<5120xf32, #tpu.memory_space<vmem_shared>>
      tpu.enqueue_dma source(%dma_start3A_969 : memref<5120xf32, #tpu.memory_space<vmem_shared>>) target(%dma_start3A_968 : memref<5120xf32, #tpu.memory_space<hbm>>) target_semaphore(%arg22 : memref<!tpu.dma_semaphore, #tpu.memory_space<semaphore_mem>>)
      %mul3A_970 = arith.constant 20 : i32
      %mul3A_971 = arith.muli %arg1, %mul3A_970 : i32
      %add3A_972 = arith.constant 5 : i32
      %add3A_973 = arith.addi %mul3A_971, %add3A_972 : i32
      %mul3A_974 = arith.constant 5120 : i32
      %mul3A_975 = arith.muli %add3A_973, %mul3A_974 : i32
      %mul3A_976 = arith.constant 320 : i32
      %mul3A_977 = arith.muli %add3A, %mul3A_976 : i32
      %mul3A_978 = arith.constant 20 : i32
      %mul3A_979 = arith.muli %arg1, %mul3A_978 : i32
      %add3A_980 = arith.addi %mul3A_977, %mul3A_979 : i32
      %add3A_981 = arith.constant 5 : i32
      %add3A_982 = arith.addi %add3A_980, %add3A_981 : i32
      %dma_start3A_983 = arith.constant 0 : i32
      %dma_start3A_984 = tpu.memref_slice %arg5[%add3A_982, %dma_start3A_983] : memref<5120x5120xf32, #tpu.memory_space<hbm>> -> memref<1x5120xf32, #tpu.memory_space<hbm>>
      %dma_start3A_985 = tpu.memref_squeeze %dma_start3A_984 : memref<1x5120xf32, #tpu.memory_space<hbm>> -> memref<5120xf32, #tpu.memory_space<hbm>>
      %dma_start3A_986 = tpu.memref_slice %arg19[%mul3A_975] : memref<1639424xf32, #tpu.memory_space<vmem_shared>> -> memref<5120xf32, #tpu.memory_space<vmem_shared>>
      tpu.enqueue_dma source(%dma_start3A_986 : memref<5120xf32, #tpu.memory_space<vmem_shared>>) target(%dma_start3A_985 : memref<5120xf32, #tpu.memory_space<hbm>>) target_semaphore(%arg22 : memref<!tpu.dma_semaphore, #tpu.memory_space<semaphore_mem>>)
      %mul3A_987 = arith.constant 20 : i32
      %mul3A_988 = arith.muli %arg1, %mul3A_987 : i32
      %add3A_989 = arith.constant 6 : i32
      %add3A_990 = arith.addi %mul3A_988, %add3A_989 : i32
      %mul3A_991 = arith.constant 5120 : i32
      %mul3A_992 = arith.muli %add3A_990, %mul3A_991 : i32
      %mul3A_993 = arith.constant 320 : i32
      %mul3A_994 = arith.muli %add3A, %mul3A_993 : i32
      %mul3A_995 = arith.constant 20 : i32
      %mul3A_996 = arith.muli %arg1, %mul3A_995 : i32
      %add3A_997 = arith.addi %mul3A_994, %mul3A_996 : i32
      %add3A_998 = arith.constant 6 : i32
      %add3A_999 = arith.addi %add3A_997, %add3A_998 : i32
      %dma_start3A_1000 = arith.constant 0 : i32
      %dma_start3A_1001 = tpu.memref_slice %arg5[%add3A_999, %dma_start3A_1000] : memref<5120x5120xf32, #tpu.memory_space<hbm>> -> memref<1x5120xf32, #tpu.memory_space<hbm>>
      %dma_start3A_1002 = tpu.memref_squeeze %dma_start3A_1001 : memref<1x5120xf32, #tpu.memory_space<hbm>> -> memref<5120xf32, #tpu.memory_space<hbm>>
      %dma_start3A_1003 = tpu.memref_slice %arg19[%mul3A_992] : memref<1639424xf32, #tpu.memory_space<vmem_shared>> -> memref<5120xf32, #tpu.memory_space<vmem_shared>>
      tpu.enqueue_dma source(%dma_start3A_1003 : memref<5120xf32, #tpu.memory_space<vmem_shared>>) target(%dma_start3A_1002 : memref<5120xf32, #tpu.memory_space<hbm>>) target_semaphore(%arg22 : memref<!tpu.dma_semaphore, #tpu.memory_space<semaphore_mem>>)
      %mul3A_1004 = arith.constant 20 : i32
      %mul3A_1005 = arith.muli %arg1, %mul3A_1004 : i32
      %add3A_1006 = arith.constant 7 : i32
      %add3A_1007 = arith.addi %mul3A_1005, %add3A_1006 : i32
      %mul3A_1008 = arith.constant 5120 : i32
      %mul3A_1009 = arith.muli %add3A_1007, %mul3A_1008 : i32
      %mul3A_1010 = arith.constant 320 : i32
      %mul3A_1011 = arith.muli %add3A, %mul3A_1010 : i32
      %mul3A_1012 = arith.constant 20 : i32
      %mul3A_1013 = arith.muli %arg1, %mul3A_1012 : i32
      %add3A_1014 = arith.addi %mul3A_1011, %mul3A_1013 : i32
      %add3A_1015 = arith.constant 7 : i32
      %add3A_1016 = arith.addi %add3A_1014, %add3A_1015 : i32
      %dma_start3A_1017 = arith.constant 0 : i32
      %dma_start3A_1018 = tpu.memref_slice %arg5[%add3A_1016, %dma_start3A_1017] : memref<5120x5120xf32, #tpu.memory_space<hbm>> -> memref<1x5120xf32, #tpu.memory_space<hbm>>
      %dma_start3A_1019 = tpu.memref_squeeze %dma_start3A_1018 : memref<1x5120xf32, #tpu.memory_space<hbm>> -> memref<5120xf32, #tpu.memory_space<hbm>>
      %dma_start3A_1020 = tpu.memref_slice %arg19[%mul3A_1009] : memref<1639424xf32, #tpu.memory_space<vmem_shared>> -> memref<5120xf32, #tpu.memory_space<vmem_shared>>
      tpu.enqueue_dma source(%dma_start3A_1020 : memref<5120xf32, #tpu.memory_space<vmem_shared>>) target(%dma_start3A_1019 : memref<5120xf32, #tpu.memory_space<hbm>>) target_semaphore(%arg22 : memref<!tpu.dma_semaphore, #tpu.memory_space<semaphore_mem>>)
      %mul3A_1021 = arith.constant 20 : i32
      %mul3A_1022 = arith.muli %arg1, %mul3A_1021 : i32
      %add3A_1023 = arith.constant 8 : i32
      %add3A_1024 = arith.addi %mul3A_1022, %add3A_1023 : i32
      %mul3A_1025 = arith.constant 5120 : i32
      %mul3A_1026 = arith.muli %add3A_1024, %mul3A_1025 : i32
      %mul3A_1027 = arith.constant 320 : i32
      %mul3A_1028 = arith.muli %add3A, %mul3A_1027 : i32
      %mul3A_1029 = arith.constant 20 : i32
      %mul3A_1030 = arith.muli %arg1, %mul3A_1029 : i32
      %add3A_1031 = arith.addi %mul3A_1028, %mul3A_1030 : i32
      %add3A_1032 = arith.constant 8 : i32
      %add3A_1033 = arith.addi %add3A_1031, %add3A_1032 : i32
      %dma_start3A_1034 = arith.constant 0 : i32
      %dma_start3A_1035 = tpu.memref_slice %arg5[%add3A_1033, %dma_start3A_1034] : memref<5120x5120xf32, #tpu.memory_space<hbm>> -> memref<1x5120xf32, #tpu.memory_space<hbm>>
      %dma_start3A_1036 = tpu.memref_squeeze %dma_start3A_1035 : memref<1x5120xf32, #tpu.memory_space<hbm>> -> memref<5120xf32, #tpu.memory_space<hbm>>
      %dma_start3A_1037 = tpu.memref_slice %arg19[%mul3A_1026] : memref<1639424xf32, #tpu.memory_space<vmem_shared>> -> memref<5120xf32, #tpu.memory_space<vmem_shared>>
      tpu.enqueue_dma source(%dma_start3A_1037 : memref<5120xf32, #tpu.memory_space<vmem_shared>>) target(%dma_start3A_1036 : memref<5120xf32, #tpu.memory_space<hbm>>) target_semaphore(%arg22 : memref<!tpu.dma_semaphore, #tpu.memory_space<semaphore_mem>>)
      %mul3A_1038 = arith.constant 20 : i32
      %mul3A_1039 = arith.muli %arg1, %mul3A_1038 : i32
      %add3A_1040 = arith.constant 9 : i32
      %add3A_1041 = arith.addi %mul3A_1039, %add3A_1040 : i32
      %mul3A_1042 = arith.constant 5120 : i32
      %mul3A_1043 = arith.muli %add3A_1041, %mul3A_1042 : i32
      %mul3A_1044 = arith.constant 320 : i32
      %mul3A_1045 = arith.muli %add3A, %mul3A_1044 : i32
      %mul3A_1046 = arith.constant 20 : i32
      %mul3A_1047 = arith.muli %arg1, %mul3A_1046 : i32
      %add3A_1048 = arith.addi %mul3A_1045, %mul3A_1047 : i32
      %add3A_1049 = arith.constant 9 : i32
      %add3A_1050 = arith.addi %add3A_1048, %add3A_1049 : i32
      %dma_start3A_1051 = arith.constant 0 : i32
      %dma_start3A_1052 = tpu.memref_slice %arg5[%add3A_1050, %dma_start3A_1051] : memref<5120x5120xf32, #tpu.memory_space<hbm>> -> memref<1x5120xf32, #tpu.memory_space<hbm>>
      %dma_start3A_1053 = tpu.memref_squeeze %dma_start3A_1052 : memref<1x5120xf32, #tpu.memory_space<hbm>> -> memref<5120xf32, #tpu.memory_space<hbm>>
      %dma_start3A_1054 = tpu.memref_slice %arg19[%mul3A_1043] : memref<1639424xf32, #tpu.memory_space<vmem_shared>> -> memref<5120xf32, #tpu.memory_space<vmem_shared>>
      tpu.enqueue_dma source(%dma_start3A_1054 : memref<5120xf32, #tpu.memory_space<vmem_shared>>) target(%dma_start3A_1053 : memref<5120xf32, #tpu.memory_space<hbm>>) target_semaphore(%arg22 : memref<!tpu.dma_semaphore, #tpu.memory_space<semaphore_mem>>)
      %mul3A_1055 = arith.constant 20 : i32
      %mul3A_1056 = arith.muli %arg1, %mul3A_1055 : i32
      %add3A_1057 = arith.constant 10 : i32
      %add3A_1058 = arith.addi %mul3A_1056, %add3A_1057 : i32
      %mul3A_1059 = arith.constant 5120 : i32
      %mul3A_1060 = arith.muli %add3A_1058, %mul3A_1059 : i32
      %mul3A_1061 = arith.constant 320 : i32
      %mul3A_1062 = arith.muli %add3A, %mul3A_1061 : i32
      %mul3A_1063 = arith.constant 20 : i32
      %mul3A_1064 = arith.muli %arg1, %mul3A_1063 : i32
      %add3A_1065 = arith.addi %mul3A_1062, %mul3A_1064 : i32
      %add3A_1066 = arith.constant 10 : i32
      %add3A_1067 = arith.addi %add3A_1065, %add3A_1066 : i32
      %dma_start3A_1068 = arith.constant 0 : i32
      %dma_start3A_1069 = tpu.memref_slice %arg5[%add3A_1067, %dma_start3A_1068] : memref<5120x5120xf32, #tpu.memory_space<hbm>> -> memref<1x5120xf32, #tpu.memory_space<hbm>>
      %dma_start3A_1070 = tpu.memref_squeeze %dma_start3A_1069 : memref<1x5120xf32, #tpu.memory_space<hbm>> -> memref<5120xf32, #tpu.memory_space<hbm>>
      %dma_start3A_1071 = tpu.memref_slice %arg19[%mul3A_1060] : memref<1639424xf32, #tpu.memory_space<vmem_shared>> -> memref<5120xf32, #tpu.memory_space<vmem_shared>>
      tpu.enqueue_dma source(%dma_start3A_1071 : memref<5120xf32, #tpu.memory_space<vmem_shared>>) target(%dma_start3A_1070 : memref<5120xf32, #tpu.memory_space<hbm>>) target_semaphore(%arg22 : memref<!tpu.dma_semaphore, #tpu.memory_space<semaphore_mem>>)
      %mul3A_1072 = arith.constant 20 : i32
      %mul3A_1073 = arith.muli %arg1, %mul3A_1072 : i32
      %add3A_1074 = arith.constant 11 : i32
      %add3A_1075 = arith.addi %mul3A_1073, %add3A_1074 : i32
      %mul3A_1076 = arith.constant 5120 : i32
      %mul3A_1077 = arith.muli %add3A_1075, %mul3A_1076 : i32
      %mul3A_1078 = arith.constant 320 : i32
      %mul3A_1079 = arith.muli %add3A, %mul3A_1078 : i32
      %mul3A_1080 = arith.constant 20 : i32
      %mul3A_1081 = arith.muli %arg1, %mul3A_1080 : i32
      %add3A_1082 = arith.addi %mul3A_1079, %mul3A_1081 : i32
      %add3A_1083 = arith.constant 11 : i32
      %add3A_1084 = arith.addi %add3A_1082, %add3A_1083 : i32
      %dma_start3A_1085 = arith.constant 0 : i32
      %dma_start3A_1086 = tpu.memref_slice %arg5[%add3A_1084, %dma_start3A_1085] : memref<5120x5120xf32, #tpu.memory_space<hbm>> -> memref<1x5120xf32, #tpu.memory_space<hbm>>
      %dma_start3A_1087 = tpu.memref_squeeze %dma_start3A_1086 : memref<1x5120xf32, #tpu.memory_space<hbm>> -> memref<5120xf32, #tpu.memory_space<hbm>>
      %dma_start3A_1088 = tpu.memref_slice %arg19[%mul3A_1077] : memref<1639424xf32, #tpu.memory_space<vmem_shared>> -> memref<5120xf32, #tpu.memory_space<vmem_shared>>
      tpu.enqueue_dma source(%dma_start3A_1088 : memref<5120xf32, #tpu.memory_space<vmem_shared>>) target(%dma_start3A_1087 : memref<5120xf32, #tpu.memory_space<hbm>>) target_semaphore(%arg22 : memref<!tpu.dma_semaphore, #tpu.memory_space<semaphore_mem>>)
      %mul3A_1089 = arith.constant 20 : i32
      %mul3A_1090 = arith.muli %arg1, %mul3A_1089 : i32
      %add3A_1091 = arith.constant 12 : i32
      %add3A_1092 = arith.addi %mul3A_1090, %add3A_1091 : i32
      %mul3A_1093 = arith.constant 5120 : i32
      %mul3A_1094 = arith.muli %add3A_1092, %mul3A_1093 : i32
      %mul3A_1095 = arith.constant 320 : i32
      %mul3A_1096 = arith.muli %add3A, %mul3A_1095 : i32
      %mul3A_1097 = arith.constant 20 : i32
      %mul3A_1098 = arith.muli %arg1, %mul3A_1097 : i32
      %add3A_1099 = arith.addi %mul3A_1096, %mul3A_1098 : i32
      %add3A_1100 = arith.constant 12 : i32
      %add3A_1101 = arith.addi %add3A_1099, %add3A_1100 : i32
      %dma_start3A_1102 = arith.constant 0 : i32
      %dma_start3A_1103 = tpu.memref_slice %arg5[%add3A_1101, %dma_start3A_1102] : memref<5120x5120xf32, #tpu.memory_space<hbm>> -> memref<1x5120xf32, #tpu.memory_space<hbm>>
      %dma_start3A_1104 = tpu.memref_squeeze %dma_start3A_1103 : memref<1x5120xf32, #tpu.memory_space<hbm>> -> memref<5120xf32, #tpu.memory_space<hbm>>
      %dma_start3A_1105 = tpu.memref_slice %arg19[%mul3A_1094] : memref<1639424xf32, #tpu.memory_space<vmem_shared>> -> memref<5120xf32, #tpu.memory_space<vmem_shared>>
      tpu.enqueue_dma source(%dma_start3A_1105 : memref<5120xf32, #tpu.memory_space<vmem_shared>>) target(%dma_start3A_1104 : memref<5120xf32, #tpu.memory_space<hbm>>) target_semaphore(%arg22 : memref<!tpu.dma_semaphore, #tpu.memory_space<semaphore_mem>>)
      %mul3A_1106 = arith.constant 20 : i32
      %mul3A_1107 = arith.muli %arg1, %mul3A_1106 : i32
      %add3A_1108 = arith.constant 13 : i32
      %add3A_1109 = arith.addi %mul3A_1107, %add3A_1108 : i32
      %mul3A_1110 = arith.constant 5120 : i32
      %mul3A_1111 = arith.muli %add3A_1109, %mul3A_1110 : i32
      %mul3A_1112 = arith.constant 320 : i32
      %mul3A_1113 = arith.muli %add3A, %mul3A_1112 : i32
      %mul3A_1114 = arith.constant 20 : i32
      %mul3A_1115 = arith.muli %arg1, %mul3A_1114 : i32
      %add3A_1116 = arith.addi %mul3A_1113, %mul3A_1115 : i32
      %add3A_1117 = arith.constant 13 : i32
      %add3A_1118 = arith.addi %add3A_1116, %add3A_1117 : i32
      %dma_start3A_1119 = arith.constant 0 : i32
      %dma_start3A_1120 = tpu.memref_slice %arg5[%add3A_1118, %dma_start3A_1119] : memref<5120x5120xf32, #tpu.memory_space<hbm>> -> memref<1x5120xf32, #tpu.memory_space<hbm>>
      %dma_start3A_1121 = tpu.memref_squeeze %dma_start3A_1120 : memref<1x5120xf32, #tpu.memory_space<hbm>> -> memref<5120xf32, #tpu.memory_space<hbm>>
      %dma_start3A_1122 = tpu.memref_slice %arg19[%mul3A_1111] : memref<1639424xf32, #tpu.memory_space<vmem_shared>> -> memref<5120xf32, #tpu.memory_space<vmem_shared>>
      tpu.enqueue_dma source(%dma_start3A_1122 : memref<5120xf32, #tpu.memory_space<vmem_shared>>) target(%dma_start3A_1121 : memref<5120xf32, #tpu.memory_space<hbm>>) target_semaphore(%arg22 : memref<!tpu.dma_semaphore, #tpu.memory_space<semaphore_mem>>)
      %mul3A_1123 = arith.constant 20 : i32
      %mul3A_1124 = arith.muli %arg1, %mul3A_1123 : i32
      %add3A_1125 = arith.constant 14 : i32
      %add3A_1126 = arith.addi %mul3A_1124, %add3A_1125 : i32
      %mul3A_1127 = arith.constant 5120 : i32
      %mul3A_1128 = arith.muli %add3A_1126, %mul3A_1127 : i32
      %mul3A_1129 = arith.constant 320 : i32
      %mul3A_1130 = arith.muli %add3A, %mul3A_1129 : i32
      %mul3A_1131 = arith.constant 20 : i32
      %mul3A_1132 = arith.muli %arg1, %mul3A_1131 : i32
      %add3A_1133 = arith.addi %mul3A_1130, %mul3A_1132 : i32
      %add3A_1134 = arith.constant 14 : i32
      %add3A_1135 = arith.addi %add3A_1133, %add3A_1134 : i32
      %dma_start3A_1136 = arith.constant 0 : i32
      %dma_start3A_1137 = tpu.memref_slice %arg5[%add3A_1135, %dma_start3A_1136] : memref<5120x5120xf32, #tpu.memory_space<hbm>> -> memref<1x5120xf32, #tpu.memory_space<hbm>>
      %dma_start3A_1138 = tpu.memref_squeeze %dma_start3A_1137 : memref<1x5120xf32, #tpu.memory_space<hbm>> -> memref<5120xf32, #tpu.memory_space<hbm>>
      %dma_start3A_1139 = tpu.memref_slice %arg19[%mul3A_1128] : memref<1639424xf32, #tpu.memory_space<vmem_shared>> -> memref<5120xf32, #tpu.memory_space<vmem_shared>>
      tpu.enqueue_dma source(%dma_start3A_1139 : memref<5120xf32, #tpu.memory_space<vmem_shared>>) target(%dma_start3A_1138 : memref<5120xf32, #tpu.memory_space<hbm>>) target_semaphore(%arg22 : memref<!tpu.dma_semaphore, #tpu.memory_space<semaphore_mem>>)
      %mul3A_1140 = arith.constant 20 : i32
      %mul3A_1141 = arith.muli %arg1, %mul3A_1140 : i32
      %add3A_1142 = arith.constant 15 : i32
      %add3A_1143 = arith.addi %mul3A_1141, %add3A_1142 : i32
      %mul3A_1144 = arith.constant 5120 : i32
      %mul3A_1145 = arith.muli %add3A_1143, %mul3A_1144 : i32
      %mul3A_1146 = arith.constant 320 : i32
      %mul3A_1147 = arith.muli %add3A, %mul3A_1146 : i32
      %mul3A_1148 = arith.constant 20 : i32
      %mul3A_1149 = arith.muli %arg1, %mul3A_1148 : i32
      %add3A_1150 = arith.addi %mul3A_1147, %mul3A_1149 : i32
      %add3A_1151 = arith.constant 15 : i32
      %add3A_1152 = arith.addi %add3A_1150, %add3A_1151 : i32
      %dma_start3A_1153 = arith.constant 0 : i32
      %dma_start3A_1154 = tpu.memref_slice %arg5[%add3A_1152, %dma_start3A_1153] : memref<5120x5120xf32, #tpu.memory_space<hbm>> -> memref<1x5120xf32, #tpu.memory_space<hbm>>
      %dma_start3A_1155 = tpu.memref_squeeze %dma_start3A_1154 : memref<1x5120xf32, #tpu.memory_space<hbm>> -> memref<5120xf32, #tpu.memory_space<hbm>>
      %dma_start3A_1156 = tpu.memref_slice %arg19[%mul3A_1145] : memref<1639424xf32, #tpu.memory_space<vmem_shared>> -> memref<5120xf32, #tpu.memory_space<vmem_shared>>
      tpu.enqueue_dma source(%dma_start3A_1156 : memref<5120xf32, #tpu.memory_space<vmem_shared>>) target(%dma_start3A_1155 : memref<5120xf32, #tpu.memory_space<hbm>>) target_semaphore(%arg22 : memref<!tpu.dma_semaphore, #tpu.memory_space<semaphore_mem>>)
      %mul3A_1157 = arith.constant 20 : i32
      %mul3A_1158 = arith.muli %arg1, %mul3A_1157 : i32
      %add3A_1159 = arith.constant 16 : i32
      %add3A_1160 = arith.addi %mul3A_1158, %add3A_1159 : i32
      %mul3A_1161 = arith.constant 5120 : i32
      %mul3A_1162 = arith.muli %add3A_1160, %mul3A_1161 : i32
      %mul3A_1163 = arith.constant 320 : i32
      %mul3A_1164 = arith.muli %add3A, %mul3A_1163 : i32
      %mul3A_1165 = arith.constant 20 : i32
      %mul3A_1166 = arith.muli %arg1, %mul3A_1165 : i32
      %add3A_1167 = arith.addi %mul3A_1164, %mul3A_1166 : i32
      %add3A_1168 = arith.constant 16 : i32
      %add3A_1169 = arith.addi %add3A_1167, %add3A_1168 : i32
      %dma_start3A_1170 = arith.constant 0 : i32
      %dma_start3A_1171 = tpu.memref_slice %arg5[%add3A_1169, %dma_start3A_1170] : memref<5120x5120xf32, #tpu.memory_space<hbm>> -> memref<1x5120xf32, #tpu.memory_space<hbm>>
      %dma_start3A_1172 = tpu.memref_squeeze %dma_start3A_1171 : memref<1x5120xf32, #tpu.memory_space<hbm>> -> memref<5120xf32, #tpu.memory_space<hbm>>
      %dma_start3A_1173 = tpu.memref_slice %arg19[%mul3A_1162] : memref<1639424xf32, #tpu.memory_space<vmem_shared>> -> memref<5120xf32, #tpu.memory_space<vmem_shared>>
      tpu.enqueue_dma source(%dma_start3A_1173 : memref<5120xf32, #tpu.memory_space<vmem_shared>>) target(%dma_start3A_1172 : memref<5120xf32, #tpu.memory_space<hbm>>) target_semaphore(%arg22 : memref<!tpu.dma_semaphore, #tpu.memory_space<semaphore_mem>>)
      %mul3A_1174 = arith.constant 20 : i32
      %mul3A_1175 = arith.muli %arg1, %mul3A_1174 : i32
      %add3A_1176 = arith.constant 17 : i32
      %add3A_1177 = arith.addi %mul3A_1175, %add3A_1176 : i32
      %mul3A_1178 = arith.constant 5120 : i32
      %mul3A_1179 = arith.muli %add3A_1177, %mul3A_1178 : i32
      %mul3A_1180 = arith.constant 320 : i32
      %mul3A_1181 = arith.muli %add3A, %mul3A_1180 : i32
      %mul3A_1182 = arith.constant 20 : i32
      %mul3A_1183 = arith.muli %arg1, %mul3A_1182 : i32
      %add3A_1184 = arith.addi %mul3A_1181, %mul3A_1183 : i32
      %add3A_1185 = arith.constant 17 : i32
      %add3A_1186 = arith.addi %add3A_1184, %add3A_1185 : i32
      %dma_start3A_1187 = arith.constant 0 : i32
      %dma_start3A_1188 = tpu.memref_slice %arg5[%add3A_1186, %dma_start3A_1187] : memref<5120x5120xf32, #tpu.memory_space<hbm>> -> memref<1x5120xf32, #tpu.memory_space<hbm>>
      %dma_start3A_1189 = tpu.memref_squeeze %dma_start3A_1188 : memref<1x5120xf32, #tpu.memory_space<hbm>> -> memref<5120xf32, #tpu.memory_space<hbm>>
      %dma_start3A_1190 = tpu.memref_slice %arg19[%mul3A_1179] : memref<1639424xf32, #tpu.memory_space<vmem_shared>> -> memref<5120xf32, #tpu.memory_space<vmem_shared>>
      tpu.enqueue_dma source(%dma_start3A_1190 : memref<5120xf32, #tpu.memory_space<vmem_shared>>) target(%dma_start3A_1189 : memref<5120xf32, #tpu.memory_space<hbm>>) target_semaphore(%arg22 : memref<!tpu.dma_semaphore, #tpu.memory_space<semaphore_mem>>)
      %mul3A_1191 = arith.constant 20 : i32
      %mul3A_1192 = arith.muli %arg1, %mul3A_1191 : i32
      %add3A_1193 = arith.constant 18 : i32
      %add3A_1194 = arith.addi %mul3A_1192, %add3A_1193 : i32
      %mul3A_1195 = arith.constant 5120 : i32
      %mul3A_1196 = arith.muli %add3A_1194, %mul3A_1195 : i32
      %mul3A_1197 = arith.constant 320 : i32
      %mul3A_1198 = arith.muli %add3A, %mul3A_1197 : i32
      %mul3A_1199 = arith.constant 20 : i32
      %mul3A_1200 = arith.muli %arg1, %mul3A_1199 : i32
      %add3A_1201 = arith.addi %mul3A_1198, %mul3A_1200 : i32
      %add3A_1202 = arith.constant 18 : i32
      %add3A_1203 = arith.addi %add3A_1201, %add3A_1202 : i32
      %dma_start3A_1204 = arith.constant 0 : i32
      %dma_start3A_1205 = tpu.memref_slice %arg5[%add3A_1203, %dma_start3A_1204] : memref<5120x5120xf32, #tpu.memory_space<hbm>> -> memref<1x5120xf32, #tpu.memory_space<hbm>>
      %dma_start3A_1206 = tpu.memref_squeeze %dma_start3A_1205 : memref<1x5120xf32, #tpu.memory_space<hbm>> -> memref<5120xf32, #tpu.memory_space<hbm>>
      %dma_start3A_1207 = tpu.memref_slice %arg19[%mul3A_1196] : memref<1639424xf32, #tpu.memory_space<vmem_shared>> -> memref<5120xf32, #tpu.memory_space<vmem_shared>>
      tpu.enqueue_dma source(%dma_start3A_1207 : memref<5120xf32, #tpu.memory_space<vmem_shared>>) target(%dma_start3A_1206 : memref<5120xf32, #tpu.memory_space<hbm>>) target_semaphore(%arg22 : memref<!tpu.dma_semaphore, #tpu.memory_space<semaphore_mem>>)
      %mul3A_1208 = arith.constant 20 : i32
      %mul3A_1209 = arith.muli %arg1, %mul3A_1208 : i32
      %add3A_1210 = arith.constant 19 : i32
      %add3A_1211 = arith.addi %mul3A_1209, %add3A_1210 : i32
      %mul3A_1212 = arith.constant 5120 : i32
      %mul3A_1213 = arith.muli %add3A_1211, %mul3A_1212 : i32
      %mul3A_1214 = arith.constant 320 : i32
      %mul3A_1215 = arith.muli %add3A, %mul3A_1214 : i32
      %mul3A_1216 = arith.constant 20 : i32
      %mul3A_1217 = arith.muli %arg1, %mul3A_1216 : i32
      %add3A_1218 = arith.addi %mul3A_1215, %mul3A_1217 : i32
      %add3A_1219 = arith.constant 19 : i32
      %add3A_1220 = arith.addi %add3A_1218, %add3A_1219 : i32
      %dma_start3A_1221 = arith.constant 0 : i32
      %dma_start3A_1222 = tpu.memref_slice %arg5[%add3A_1220, %dma_start3A_1221] : memref<5120x5120xf32, #tpu.memory_space<hbm>> -> memref<1x5120xf32, #tpu.memory_space<hbm>>
      %dma_start3A_1223 = tpu.memref_squeeze %dma_start3A_1222 : memref<1x5120xf32, #tpu.memory_space<hbm>> -> memref<5120xf32, #tpu.memory_space<hbm>>
      %dma_start3A_1224 = tpu.memref_slice %arg19[%mul3A_1213] : memref<1639424xf32, #tpu.memory_space<vmem_shared>> -> memref<5120xf32, #tpu.memory_space<vmem_shared>>
      tpu.enqueue_dma source(%dma_start3A_1224 : memref<5120xf32, #tpu.memory_space<vmem_shared>>) target(%dma_start3A_1223 : memref<5120xf32, #tpu.memory_space<hbm>>) target_semaphore(%arg22 : memref<!tpu.dma_semaphore, #tpu.memory_space<semaphore_mem>>)
      %dma_wait3A_1225 = arith.constant 0 : i32
      %dma_wait3A_1226 = tpu.memref_slice %arg5[%add3A_897, %dma_wait3A_1225] : memref<5120x5120xf32, #tpu.memory_space<hbm>> -> memref<1x5120xf32, #tpu.memory_space<hbm>>
      %dma_wait3A_1227 = tpu.memref_squeeze %dma_wait3A_1226 : memref<1x5120xf32, #tpu.memory_space<hbm>> -> memref<5120xf32, #tpu.memory_space<hbm>>
      %dma_wait3A_1228 = tpu.memref_slice %arg19[%mul3A_890] : memref<1639424xf32, #tpu.memory_space<vmem_shared>> -> memref<5120xf32, #tpu.memory_space<vmem_shared>>
      tpu.wait_dma2 semaphore(%arg22 : memref<!tpu.dma_semaphore, #tpu.memory_space<semaphore_mem>>) src(%dma_wait3A_1228 : memref<5120xf32, #tpu.memory_space<vmem_shared>>) dst(%dma_wait3A_1227 : memref<5120xf32, #tpu.memory_space<hbm>>)
      %dma_wait3A_1229 = arith.constant 0 : i32
      %dma_wait3A_1230 = tpu.memref_slice %arg5[%add3A_914, %dma_wait3A_1229] : memref<5120x5120xf32, #tpu.memory_space<hbm>> -> memref<1x5120xf32, #tpu.memory_space<hbm>>
      %dma_wait3A_1231 = tpu.memref_squeeze %dma_wait3A_1230 : memref<1x5120xf32, #tpu.memory_space<hbm>> -> memref<5120xf32, #tpu.memory_space<hbm>>
      %dma_wait3A_1232 = tpu.memref_slice %arg19[%mul3A_907] : memref<1639424xf32, #tpu.memory_space<vmem_shared>> -> memref<5120xf32, #tpu.memory_space<vmem_shared>>
      tpu.wait_dma2 semaphore(%arg22 : memref<!tpu.dma_semaphore, #tpu.memory_space<semaphore_mem>>) src(%dma_wait3A_1232 : memref<5120xf32, #tpu.memory_space<vmem_shared>>) dst(%dma_wait3A_1231 : memref<5120xf32, #tpu.memory_space<hbm>>)
      %dma_wait3A_1233 = arith.constant 0 : i32
      %dma_wait3A_1234 = tpu.memref_slice %arg5[%add3A_931, %dma_wait3A_1233] : memref<5120x5120xf32, #tpu.memory_space<hbm>> -> memref<1x5120xf32, #tpu.memory_space<hbm>>
      %dma_wait3A_1235 = tpu.memref_squeeze %dma_wait3A_1234 : memref<1x5120xf32, #tpu.memory_space<hbm>> -> memref<5120xf32, #tpu.memory_space<hbm>>
      %dma_wait3A_1236 = tpu.memref_slice %arg19[%mul3A_924] : memref<1639424xf32, #tpu.memory_space<vmem_shared>> -> memref<5120xf32, #tpu.memory_space<vmem_shared>>
      tpu.wait_dma2 semaphore(%arg22 : memref<!tpu.dma_semaphore, #tpu.memory_space<semaphore_mem>>) src(%dma_wait3A_1236 : memref<5120xf32, #tpu.memory_space<vmem_shared>>) dst(%dma_wait3A_1235 : memref<5120xf32, #tpu.memory_space<hbm>>)
      %dma_wait3A_1237 = arith.constant 0 : i32
      %dma_wait3A_1238 = tpu.memref_slice %arg5[%add3A_948, %dma_wait3A_1237] : memref<5120x5120xf32, #tpu.memory_space<hbm>> -> memref<1x5120xf32, #tpu.memory_space<hbm>>
      %dma_wait3A_1239 = tpu.memref_squeeze %dma_wait3A_1238 : memref<1x5120xf32, #tpu.memory_space<hbm>> -> memref<5120xf32, #tpu.memory_space<hbm>>
      %dma_wait3A_1240 = tpu.memref_slice %arg19[%mul3A_941] : memref<1639424xf32, #tpu.memory_space<vmem_shared>> -> memref<5120xf32, #tpu.memory_space<vmem_shared>>
      tpu.wait_dma2 semaphore(%arg22 : memref<!tpu.dma_semaphore, #tpu.memory_space<semaphore_mem>>) src(%dma_wait3A_1240 : memref<5120xf32, #tpu.memory_space<vmem_shared>>) dst(%dma_wait3A_1239 : memref<5120xf32, #tpu.memory_space<hbm>>)
      %dma_wait3A_1241 = arith.constant 0 : i32
      %dma_wait3A_1242 = tpu.memref_slice %arg5[%add3A_965, %dma_wait3A_1241] : memref<5120x5120xf32, #tpu.memory_space<hbm>> -> memref<1x5120xf32, #tpu.memory_space<hbm>>
      %dma_wait3A_1243 = tpu.memref_squeeze %dma_wait3A_1242 : memref<1x5120xf32, #tpu.memory_space<hbm>> -> memref<5120xf32, #tpu.memory_space<hbm>>
      %dma_wait3A_1244 = tpu.memref_slice %arg19[%mul3A_958] : memref<1639424xf32, #tpu.memory_space<vmem_shared>> -> memref<5120xf32, #tpu.memory_space<vmem_shared>>
      tpu.wait_dma2 semaphore(%arg22 : memref<!tpu.dma_semaphore, #tpu.memory_space<semaphore_mem>>) src(%dma_wait3A_1244 : memref<5120xf32, #tpu.memory_space<vmem_shared>>) dst(%dma_wait3A_1243 : memref<5120xf32, #tpu.memory_space<hbm>>)
      %dma_wait3A_1245 = arith.constant 0 : i32
      %dma_wait3A_1246 = tpu.memref_slice %arg5[%add3A_982, %dma_wait3A_1245] : memref<5120x5120xf32, #tpu.memory_space<hbm>> -> memref<1x5120xf32, #tpu.memory_space<hbm>>
      %dma_wait3A_1247 = tpu.memref_squeeze %dma_wait3A_1246 : memref<1x5120xf32, #tpu.memory_space<hbm>> -> memref<5120xf32, #tpu.memory_space<hbm>>
      %dma_wait3A_1248 = tpu.memref_slice %arg19[%mul3A_975] : memref<1639424xf32, #tpu.memory_space<vmem_shared>> -> memref<5120xf32, #tpu.memory_space<vmem_shared>>
      tpu.wait_dma2 semaphore(%arg22 : memref<!tpu.dma_semaphore, #tpu.memory_space<semaphore_mem>>) src(%dma_wait3A_1248 : memref<5120xf32, #tpu.memory_space<vmem_shared>>) dst(%dma_wait3A_1247 : memref<5120xf32, #tpu.memory_space<hbm>>)
      %dma_wait3A_1249 = arith.constant 0 : i32
      %dma_wait3A_1250 = tpu.memref_slice %arg5[%add3A_999, %dma_wait3A_1249] : memref<5120x5120xf32, #tpu.memory_space<hbm>> -> memref<1x5120xf32, #tpu.memory_space<hbm>>
      %dma_wait3A_1251 = tpu.memref_squeeze %dma_wait3A_1250 : memref<1x5120xf32, #tpu.memory_space<hbm>> -> memref<5120xf32, #tpu.memory_space<hbm>>
      %dma_wait3A_1252 = tpu.memref_slice %arg19[%mul3A_992] : memref<1639424xf32, #tpu.memory_space<vmem_shared>> -> memref<5120xf32, #tpu.memory_space<vmem_shared>>
      tpu.wait_dma2 semaphore(%arg22 : memref<!tpu.dma_semaphore, #tpu.memory_space<semaphore_mem>>) src(%dma_wait3A_1252 : memref<5120xf32, #tpu.memory_space<vmem_shared>>) dst(%dma_wait3A_1251 : memref<5120xf32, #tpu.memory_space<hbm>>)
      %dma_wait3A_1253 = arith.constant 0 : i32
      %dma_wait3A_1254 = tpu.memref_slice %arg5[%add3A_1016, %dma_wait3A_1253] : memref<5120x5120xf32, #tpu.memory_space<hbm>> -> memref<1x5120xf32, #tpu.memory_space<hbm>>
      %dma_wait3A_1255 = tpu.memref_squeeze %dma_wait3A_1254 : memref<1x5120xf32, #tpu.memory_space<hbm>> -> memref<5120xf32, #tpu.memory_space<hbm>>
      %dma_wait3A_1256 = tpu.memref_slice %arg19[%mul3A_1009] : memref<1639424xf32, #tpu.memory_space<vmem_shared>> -> memref<5120xf32, #tpu.memory_space<vmem_shared>>
      tpu.wait_dma2 semaphore(%arg22 : memref<!tpu.dma_semaphore, #tpu.memory_space<semaphore_mem>>) src(%dma_wait3A_1256 : memref<5120xf32, #tpu.memory_space<vmem_shared>>) dst(%dma_wait3A_1255 : memref<5120xf32, #tpu.memory_space<hbm>>)
      %dma_wait3A_1257 = arith.constant 0 : i32
      %dma_wait3A_1258 = tpu.memref_slice %arg5[%add3A_1033, %dma_wait3A_1257] : memref<5120x5120xf32, #tpu.memory_space<hbm>> -> memref<1x5120xf32, #tpu.memory_space<hbm>>
      %dma_wait3A_1259 = tpu.memref_squeeze %dma_wait3A_1258 : memref<1x5120xf32, #tpu.memory_space<hbm>> -> memref<5120xf32, #tpu.memory_space<hbm>>
      %dma_wait3A_1260 = tpu.memref_slice %arg19[%mul3A_1026] : memref<1639424xf32, #tpu.memory_space<vmem_shared>> -> memref<5120xf32, #tpu.memory_space<vmem_shared>>
      tpu.wait_dma2 semaphore(%arg22 : memref<!tpu.dma_semaphore, #tpu.memory_space<semaphore_mem>>) src(%dma_wait3A_1260 : memref<5120xf32, #tpu.memory_space<vmem_shared>>) dst(%dma_wait3A_1259 : memref<5120xf32, #tpu.memory_space<hbm>>)
      %dma_wait3A_1261 = arith.constant 0 : i32
      %dma_wait3A_1262 = tpu.memref_slice %arg5[%add3A_1050, %dma_wait3A_1261] : memref<5120x5120xf32, #tpu.memory_space<hbm>> -> memref<1x5120xf32, #tpu.memory_space<hbm>>
      %dma_wait3A_1263 = tpu.memref_squeeze %dma_wait3A_1262 : memref<1x5120xf32, #tpu.memory_space<hbm>> -> memref<5120xf32, #tpu.memory_space<hbm>>
      %dma_wait3A_1264 = tpu.memref_slice %arg19[%mul3A_1043] : memref<1639424xf32, #tpu.memory_space<vmem_shared>> -> memref<5120xf32, #tpu.memory_space<vmem_shared>>
      tpu.wait_dma2 semaphore(%arg22 : memref<!tpu.dma_semaphore, #tpu.memory_space<semaphore_mem>>) src(%dma_wait3A_1264 : memref<5120xf32, #tpu.memory_space<vmem_shared>>) dst(%dma_wait3A_1263 : memref<5120xf32, #tpu.memory_space<hbm>>)
      %dma_wait3A_1265 = arith.constant 0 : i32
      %dma_wait3A_1266 = tpu.memref_slice %arg5[%add3A_1067, %dma_wait3A_1265] : memref<5120x5120xf32, #tpu.memory_space<hbm>> -> memref<1x5120xf32, #tpu.memory_space<hbm>>
      %dma_wait3A_1267 = tpu.memref_squeeze %dma_wait3A_1266 : memref<1x5120xf32, #tpu.memory_space<hbm>> -> memref<5120xf32, #tpu.memory_space<hbm>>
      %dma_wait3A_1268 = tpu.memref_slice %arg19[%mul3A_1060] : memref<1639424xf32, #tpu.memory_space<vmem_shared>> -> memref<5120xf32, #tpu.memory_space<vmem_shared>>
      tpu.wait_dma2 semaphore(%arg22 : memref<!tpu.dma_semaphore, #tpu.memory_space<semaphore_mem>>) src(%dma_wait3A_1268 : memref<5120xf32, #tpu.memory_space<vmem_shared>>) dst(%dma_wait3A_1267 : memref<5120xf32, #tpu.memory_space<hbm>>)
      %dma_wait3A_1269 = arith.constant 0 : i32
      %dma_wait3A_1270 = tpu.memref_slice %arg5[%add3A_1084, %dma_wait3A_1269] : memref<5120x5120xf32, #tpu.memory_space<hbm>> -> memref<1x5120xf32, #tpu.memory_space<hbm>>
      %dma_wait3A_1271 = tpu.memref_squeeze %dma_wait3A_1270 : memref<1x5120xf32, #tpu.memory_space<hbm>> -> memref<5120xf32, #tpu.memory_space<hbm>>
      %dma_wait3A_1272 = tpu.memref_slice %arg19[%mul3A_1077] : memref<1639424xf32, #tpu.memory_space<vmem_shared>> -> memref<5120xf32, #tpu.memory_space<vmem_shared>>
      tpu.wait_dma2 semaphore(%arg22 : memref<!tpu.dma_semaphore, #tpu.memory_space<semaphore_mem>>) src(%dma_wait3A_1272 : memref<5120xf32, #tpu.memory_space<vmem_shared>>) dst(%dma_wait3A_1271 : memref<5120xf32, #tpu.memory_space<hbm>>)
      %dma_wait3A_1273 = arith.constant 0 : i32
      %dma_wait3A_1274 = tpu.memref_slice %arg5[%add3A_1101, %dma_wait3A_1273] : memref<5120x5120xf32, #tpu.memory_space<hbm>> -> memref<1x5120xf32, #tpu.memory_space<hbm>>
      %dma_wait3A_1275 = tpu.memref_squeeze %dma_wait3A_1274 : memref<1x5120xf32, #tpu.memory_space<hbm>> -> memref<5120xf32, #tpu.memory_space<hbm>>
      %dma_wait3A_1276 = tpu.memref_slice %arg19[%mul3A_1094] : memref<1639424xf32, #tpu.memory_space<vmem_shared>> -> memref<5120xf32, #tpu.memory_space<vmem_shared>>
      tpu.wait_dma2 semaphore(%arg22 : memref<!tpu.dma_semaphore, #tpu.memory_space<semaphore_mem>>) src(%dma_wait3A_1276 : memref<5120xf32, #tpu.memory_space<vmem_shared>>) dst(%dma_wait3A_1275 : memref<5120xf32, #tpu.memory_space<hbm>>)
      %dma_wait3A_1277 = arith.constant 0 : i32
      %dma_wait3A_1278 = tpu.memref_slice %arg5[%add3A_1118, %dma_wait3A_1277] : memref<5120x5120xf32, #tpu.memory_space<hbm>> -> memref<1x5120xf32, #tpu.memory_space<hbm>>
      %dma_wait3A_1279 = tpu.memref_squeeze %dma_wait3A_1278 : memref<1x5120xf32, #tpu.memory_space<hbm>> -> memref<5120xf32, #tpu.memory_space<hbm>>
      %dma_wait3A_1280 = tpu.memref_slice %arg19[%mul3A_1111] : memref<1639424xf32, #tpu.memory_space<vmem_shared>> -> memref<5120xf32, #tpu.memory_space<vmem_shared>>
      tpu.wait_dma2 semaphore(%arg22 : memref<!tpu.dma_semaphore, #tpu.memory_space<semaphore_mem>>) src(%dma_wait3A_1280 : memref<5120xf32, #tpu.memory_space<vmem_shared>>) dst(%dma_wait3A_1279 : memref<5120xf32, #tpu.memory_space<hbm>>)
      %dma_wait3A_1281 = arith.constant 0 : i32
      %dma_wait3A_1282 = tpu.memref_slice %arg5[%add3A_1135, %dma_wait3A_1281] : memref<5120x5120xf32, #tpu.memory_space<hbm>> -> memref<1x5120xf32, #tpu.memory_space<hbm>>
      %dma_wait3A_1283 = tpu.memref_squeeze %dma_wait3A_1282 : memref<1x5120xf32, #tpu.memory_space<hbm>> -> memref<5120xf32, #tpu.memory_space<hbm>>
      %dma_wait3A_1284 = tpu.memref_slice %arg19[%mul3A_1128] : memref<1639424xf32, #tpu.memory_space<vmem_shared>> -> memref<5120xf32, #tpu.memory_space<vmem_shared>>
      tpu.wait_dma2 semaphore(%arg22 : memref<!tpu.dma_semaphore, #tpu.memory_space<semaphore_mem>>) src(%dma_wait3A_1284 : memref<5120xf32, #tpu.memory_space<vmem_shared>>) dst(%dma_wait3A_1283 : memref<5120xf32, #tpu.memory_space<hbm>>)
      %dma_wait3A_1285 = arith.constant 0 : i32
      %dma_wait3A_1286 = tpu.memref_slice %arg5[%add3A_1152, %dma_wait3A_1285] : memref<5120x5120xf32, #tpu.memory_space<hbm>> -> memref<1x5120xf32, #tpu.memory_space<hbm>>
      %dma_wait3A_1287 = tpu.memref_squeeze %dma_wait3A_1286 : memref<1x5120xf32, #tpu.memory_space<hbm>> -> memref<5120xf32, #tpu.memory_space<hbm>>
      %dma_wait3A_1288 = tpu.memref_slice %arg19[%mul3A_1145] : memref<1639424xf32, #tpu.memory_space<vmem_shared>> -> memref<5120xf32, #tpu.memory_space<vmem_shared>>
      tpu.wait_dma2 semaphore(%arg22 : memref<!tpu.dma_semaphore, #tpu.memory_space<semaphore_mem>>) src(%dma_wait3A_1288 : memref<5120xf32, #tpu.memory_space<vmem_shared>>) dst(%dma_wait3A_1287 : memref<5120xf32, #tpu.memory_space<hbm>>)
      %dma_wait3A_1289 = arith.constant 0 : i32
      %dma_wait3A_1290 = tpu.memref_slice %arg5[%add3A_1169, %dma_wait3A_1289] : memref<5120x5120xf32, #tpu.memory_space<hbm>> -> memref<1x5120xf32, #tpu.memory_space<hbm>>
      %dma_wait3A_1291 = tpu.memref_squeeze %dma_wait3A_1290 : memref<1x5120xf32, #tpu.memory_space<hbm>> -> memref<5120xf32, #tpu.memory_space<hbm>>
      %dma_wait3A_1292 = tpu.memref_slice %arg19[%mul3A_1162] : memref<1639424xf32, #tpu.memory_space<vmem_shared>> -> memref<5120xf32, #tpu.memory_space<vmem_shared>>
      tpu.wait_dma2 semaphore(%arg22 : memref<!tpu.dma_semaphore, #tpu.memory_space<semaphore_mem>>) src(%dma_wait3A_1292 : memref<5120xf32, #tpu.memory_space<vmem_shared>>) dst(%dma_wait3A_1291 : memref<5120xf32, #tpu.memory_space<hbm>>)
      %dma_wait3A_1293 = arith.constant 0 : i32
      %dma_wait3A_1294 = tpu.memref_slice %arg5[%add3A_1186, %dma_wait3A_1293] : memref<5120x5120xf32, #tpu.memory_space<hbm>> -> memref<1x5120xf32, #tpu.memory_space<hbm>>
      %dma_wait3A_1295 = tpu.memref_squeeze %dma_wait3A_1294 : memref<1x5120xf32, #tpu.memory_space<hbm>> -> memref<5120xf32, #tpu.memory_space<hbm>>
      %dma_wait3A_1296 = tpu.memref_slice %arg19[%mul3A_1179] : memref<1639424xf32, #tpu.memory_space<vmem_shared>> -> memref<5120xf32, #tpu.memory_space<vmem_shared>>
      tpu.wait_dma2 semaphore(%arg22 : memref<!tpu.dma_semaphore, #tpu.memory_space<semaphore_mem>>) src(%dma_wait3A_1296 : memref<5120xf32, #tpu.memory_space<vmem_shared>>) dst(%dma_wait3A_1295 : memref<5120xf32, #tpu.memory_space<hbm>>)
      %dma_wait3A_1297 = arith.constant 0 : i32
      %dma_wait3A_1298 = tpu.memref_slice %arg5[%add3A_1203, %dma_wait3A_1297] : memref<5120x5120xf32, #tpu.memory_space<hbm>> -> memref<1x5120xf32, #tpu.memory_space<hbm>>
      %dma_wait3A_1299 = tpu.memref_squeeze %dma_wait3A_1298 : memref<1x5120xf32, #tpu.memory_space<hbm>> -> memref<5120xf32, #tpu.memory_space<hbm>>
      %dma_wait3A_1300 = tpu.memref_slice %arg19[%mul3A_1196] : memref<1639424xf32, #tpu.memory_space<vmem_shared>> -> memref<5120xf32, #tpu.memory_space<vmem_shared>>
      tpu.wait_dma2 semaphore(%arg22 : memref<!tpu.dma_semaphore, #tpu.memory_space<semaphore_mem>>) src(%dma_wait3A_1300 : memref<5120xf32, #tpu.memory_space<vmem_shared>>) dst(%dma_wait3A_1299 : memref<5120xf32, #tpu.memory_space<hbm>>)
      %dma_wait3A_1301 = arith.constant 0 : i32
      %dma_wait3A_1302 = tpu.memref_slice %arg5[%add3A_1220, %dma_wait3A_1301] : memref<5120x5120xf32, #tpu.memory_space<hbm>> -> memref<1x5120xf32, #tpu.memory_space<hbm>>
      %dma_wait3A_1303 = tpu.memref_squeeze %dma_wait3A_1302 : memref<1x5120xf32, #tpu.memory_space<hbm>> -> memref<5120xf32, #tpu.memory_space<hbm>>
      %dma_wait3A_1304 = tpu.memref_slice %arg19[%mul3A_1213] : memref<1639424xf32, #tpu.memory_space<vmem_shared>> -> memref<5120xf32, #tpu.memory_space<vmem_shared>>
      tpu.wait_dma2 semaphore(%arg22 : memref<!tpu.dma_semaphore, #tpu.memory_space<semaphore_mem>>) src(%dma_wait3A_1304 : memref<5120xf32, #tpu.memory_space<vmem_shared>>) dst(%dma_wait3A_1303 : memref<5120xf32, #tpu.memory_space<hbm>>)
      %barrier3A_1305 = arith.constant 0 : index
      tpu.barrier barrier_id(%barrier3A_1305)
    }
    %scan3A_10 = arith.constant 8 : i32
    return
  }
}

#map = affine_map<(d0, d1) -> (0, 0)>
#map1 = affine_map<(d0, d1) -> (0)>
module attributes {stable_mosaic.version = 14 : i64} {
  func.func @k(%arg0: i32, %arg1: i32, %arg2: memref<5000x128xf32, #tpu.memory_space<hbm>>, %arg3: memref<5000x128xf32, #tpu.memory_space<hbm>>, %arg4: memref<5000x128xf32, #tpu.memory_space<hbm>>, %arg5: memref<5000x128xf32, #tpu.memory_space<hbm>>, %arg6: memref<4096xi32, #tpu.memory_space<hbm>>, %arg7: memref<4096xi32, #tpu.memory_space<hbm>>, %arg8: memref<4096xi32, #tpu.memory_space<hbm>>, %arg9: memref<4096xi32, #tpu.memory_space<hbm>>, %arg10: memref<4096x128xf32, #tpu.memory_space<hbm>>, %arg11: memref<4096x128xf32, #tpu.memory_space<hbm>>, %arg12: memref<4096x128xf32, #tpu.memory_space<hbm>>, %arg13: memref<4096x128xf32, #tpu.memory_space<hbm>>, %arg14: memref<4096x128xf32, #tpu.memory_space<hbm>>, %arg15: memref<4096x128xf32, #tpu.memory_space<hbm>>, %arg16: memref<128xi32, #tpu.memory_space<vmem>>, %arg17: memref<128x128xf32, #tpu.memory_space<vmem>>, %arg18: memref<!tpu.dma_semaphore, #tpu.memory_space<semaphore_mem>>) attributes {dimension_semantics = [#tpu.dimension_semantics<core_parallel>, #tpu.dimension_semantics<subcore_parallel>], iteration_bounds = array<i64: 2, 16>, scalar_prefetch = 0 : i64, scratch_operands = 3 : i64, tpu.core_type = #tpu.core_type<sc_vector_subcore>, window_params = [{transform_indices = #map}, {transform_indices = #map}, {transform_indices = #map}, {transform_indices = #map}, {transform_indices = #map1}, {transform_indices = #map1}, {transform_indices = #map1}, {transform_indices = #map1}, {transform_indices = #map}, {transform_indices = #map}, {transform_indices = #map}, {transform_indices = #map}, {transform_indices = #map}, {transform_indices = #map}]} {
    %mul3A = arith.constant 2 : i32
    %mul3A_0 = arith.muli %arg1, %mul3A : i32
    %add3A = arith.addi %mul3A_0, %arg0 : i32
    %mul3A_1 = arith.constant 128 : i32
    %mul3A_2 = arith.muli %add3A, %mul3A_1 : i32
    "tpu.region"() ({
      %run_scoped3A = tpu.sem_alloc : memref<!tpu.dma_semaphore, #tpu.memory_space<semaphore_mem>>
      %dma_start3A_37 = tpu.memref_slice %arg6[%mul3A_2] : memref<4096xi32, #tpu.memory_space<hbm>> -> memref<128xi32, #tpu.memory_space<hbm>>
      %dma_start3A_38 = tpu.memref_slice %arg6[%mul3A_2] : memref<4096xi32, #tpu.memory_space<hbm>> -> memref<128xi32, #tpu.memory_space<hbm>>
      tpu.enqueue_dma source(%dma_start3A_38 : memref<128xi32, #tpu.memory_space<hbm>>) target(%arg16 : memref<128xi32, #tpu.memory_space<vmem>>) target_semaphore(%run_scoped3A : memref<!tpu.dma_semaphore, #tpu.memory_space<semaphore_mem>>)
      %dma_wait3A_39 = tpu.memref_slice %arg6[%mul3A_2] : memref<4096xi32, #tpu.memory_space<hbm>> -> memref<128xi32, #tpu.memory_space<hbm>>
      %dma_wait3A_40 = tpu.memref_slice %arg6[%mul3A_2] : memref<4096xi32, #tpu.memory_space<hbm>> -> memref<128xi32, #tpu.memory_space<hbm>>
      tpu.wait_dma2 semaphore(%run_scoped3A : memref<!tpu.dma_semaphore, #tpu.memory_space<semaphore_mem>>) src(%dma_wait3A_40 : memref<128xi32, #tpu.memory_space<hbm>>) dst(%arg16 : memref<128xi32, #tpu.memory_space<vmem>>)
      tpu.yield
    }) : () -> ()
    %dma_start3A = arith.constant 0 : i32
    %dma_start3A_3 = arith.constant 0 : i32
    %dma_start3A_4 = tpu.memref_slice %arg2[%dma_start3A, %dma_start3A_3] : memref<5000x128xf32, #tpu.memory_space<hbm>> -> memref<5000x128xf32, #tpu.memory_space<hbm>>
    tpu.enqueue_indirect_dma source(%dma_start3A_4 : memref<5000x128xf32, #tpu.memory_space<hbm>>) target(%arg17 : memref<128x128xf32, #tpu.memory_space<vmem>>) offsets(%arg16 : memref<128xi32, #tpu.memory_space<vmem>>) semaphore(%arg18 : memref<!tpu.dma_semaphore, #tpu.memory_space<semaphore_mem>>)
    %dma_wait3A = arith.constant 0 : i32
    %dma_wait3A_5 = arith.constant 0 : i32
    %dma_wait3A_6 = tpu.memref_slice %arg2[%dma_wait3A, %dma_wait3A_5] : memref<5000x128xf32, #tpu.memory_space<hbm>> -> memref<5000x128xf32, #tpu.memory_space<hbm>>
    tpu.wait_indirect_dma semaphore(%arg18 : memref<!tpu.dma_semaphore, #tpu.memory_space<semaphore_mem>>) src(%dma_wait3A_6 : memref<5000x128xf32, #tpu.memory_space<hbm>>) dst(%arg17 : memref<128x128xf32, #tpu.memory_space<vmem>>)
    "tpu.region"() ({
      %run_scoped3A = tpu.sem_alloc : memref<!tpu.dma_semaphore, #tpu.memory_space<semaphore_mem>>
      %dma_start3A_37 = arith.constant 0 : i32
      %dma_start3A_38 = tpu.memref_slice %arg10[%mul3A_2, %dma_start3A_37] : memref<4096x128xf32, #tpu.memory_space<hbm>> -> memref<128x128xf32, #tpu.memory_space<hbm>>
      %dma_start3A_39 = arith.constant 0 : i32
      %dma_start3A_40 = tpu.memref_slice %arg10[%mul3A_2, %dma_start3A_39] : memref<4096x128xf32, #tpu.memory_space<hbm>> -> memref<128x128xf32, #tpu.memory_space<hbm>>
      tpu.enqueue_dma source(%arg17 : memref<128x128xf32, #tpu.memory_space<vmem>>) target(%dma_start3A_40 : memref<128x128xf32, #tpu.memory_space<hbm>>) target_semaphore(%run_scoped3A : memref<!tpu.dma_semaphore, #tpu.memory_space<semaphore_mem>>)
      %dma_wait3A_41 = arith.constant 0 : i32
      %dma_wait3A_42 = tpu.memref_slice %arg10[%mul3A_2, %dma_wait3A_41] : memref<4096x128xf32, #tpu.memory_space<hbm>> -> memref<128x128xf32, #tpu.memory_space<hbm>>
      %dma_wait3A_43 = arith.constant 0 : i32
      %dma_wait3A_44 = tpu.memref_slice %arg10[%mul3A_2, %dma_wait3A_43] : memref<4096x128xf32, #tpu.memory_space<hbm>> -> memref<128x128xf32, #tpu.memory_space<hbm>>
      tpu.wait_dma2 semaphore(%run_scoped3A : memref<!tpu.dma_semaphore, #tpu.memory_space<semaphore_mem>>) src(%arg17 : memref<128x128xf32, #tpu.memory_space<vmem>>) dst(%dma_wait3A_44 : memref<128x128xf32, #tpu.memory_space<hbm>>)
      tpu.yield
    }) : () -> ()
    "tpu.region"() ({
      %run_scoped3A = tpu.sem_alloc : memref<!tpu.dma_semaphore, #tpu.memory_space<semaphore_mem>>
      %dma_start3A_37 = tpu.memref_slice %arg8[%mul3A_2] : memref<4096xi32, #tpu.memory_space<hbm>> -> memref<128xi32, #tpu.memory_space<hbm>>
      %dma_start3A_38 = tpu.memref_slice %arg8[%mul3A_2] : memref<4096xi32, #tpu.memory_space<hbm>> -> memref<128xi32, #tpu.memory_space<hbm>>
      tpu.enqueue_dma source(%dma_start3A_38 : memref<128xi32, #tpu.memory_space<hbm>>) target(%arg16 : memref<128xi32, #tpu.memory_space<vmem>>) target_semaphore(%run_scoped3A : memref<!tpu.dma_semaphore, #tpu.memory_space<semaphore_mem>>)
      %dma_wait3A_39 = tpu.memref_slice %arg8[%mul3A_2] : memref<4096xi32, #tpu.memory_space<hbm>> -> memref<128xi32, #tpu.memory_space<hbm>>
      %dma_wait3A_40 = tpu.memref_slice %arg8[%mul3A_2] : memref<4096xi32, #tpu.memory_space<hbm>> -> memref<128xi32, #tpu.memory_space<hbm>>
      tpu.wait_dma2 semaphore(%run_scoped3A : memref<!tpu.dma_semaphore, #tpu.memory_space<semaphore_mem>>) src(%dma_wait3A_40 : memref<128xi32, #tpu.memory_space<hbm>>) dst(%arg16 : memref<128xi32, #tpu.memory_space<vmem>>)
      tpu.yield
    }) : () -> ()
    %dma_start3A_7 = arith.constant 0 : i32
    %dma_start3A_8 = arith.constant 0 : i32
    %dma_start3A_9 = tpu.memref_slice %arg3[%dma_start3A_7, %dma_start3A_8] : memref<5000x128xf32, #tpu.memory_space<hbm>> -> memref<5000x128xf32, #tpu.memory_space<hbm>>
    tpu.enqueue_indirect_dma source(%dma_start3A_9 : memref<5000x128xf32, #tpu.memory_space<hbm>>) target(%arg17 : memref<128x128xf32, #tpu.memory_space<vmem>>) offsets(%arg16 : memref<128xi32, #tpu.memory_space<vmem>>) semaphore(%arg18 : memref<!tpu.dma_semaphore, #tpu.memory_space<semaphore_mem>>)
    %dma_wait3A_10 = arith.constant 0 : i32
    %dma_wait3A_11 = arith.constant 0 : i32
    %dma_wait3A_12 = tpu.memref_slice %arg3[%dma_wait3A_10, %dma_wait3A_11] : memref<5000x128xf32, #tpu.memory_space<hbm>> -> memref<5000x128xf32, #tpu.memory_space<hbm>>
    tpu.wait_indirect_dma semaphore(%arg18 : memref<!tpu.dma_semaphore, #tpu.memory_space<semaphore_mem>>) src(%dma_wait3A_12 : memref<5000x128xf32, #tpu.memory_space<hbm>>) dst(%arg17 : memref<128x128xf32, #tpu.memory_space<vmem>>)
    "tpu.region"() ({
      %run_scoped3A = tpu.sem_alloc : memref<!tpu.dma_semaphore, #tpu.memory_space<semaphore_mem>>
      %dma_start3A_37 = arith.constant 0 : i32
      %dma_start3A_38 = tpu.memref_slice %arg11[%mul3A_2, %dma_start3A_37] : memref<4096x128xf32, #tpu.memory_space<hbm>> -> memref<128x128xf32, #tpu.memory_space<hbm>>
      %dma_start3A_39 = arith.constant 0 : i32
      %dma_start3A_40 = tpu.memref_slice %arg11[%mul3A_2, %dma_start3A_39] : memref<4096x128xf32, #tpu.memory_space<hbm>> -> memref<128x128xf32, #tpu.memory_space<hbm>>
      tpu.enqueue_dma source(%arg17 : memref<128x128xf32, #tpu.memory_space<vmem>>) target(%dma_start3A_40 : memref<128x128xf32, #tpu.memory_space<hbm>>) target_semaphore(%run_scoped3A : memref<!tpu.dma_semaphore, #tpu.memory_space<semaphore_mem>>)
      %dma_wait3A_41 = arith.constant 0 : i32
      %dma_wait3A_42 = tpu.memref_slice %arg11[%mul3A_2, %dma_wait3A_41] : memref<4096x128xf32, #tpu.memory_space<hbm>> -> memref<128x128xf32, #tpu.memory_space<hbm>>
      %dma_wait3A_43 = arith.constant 0 : i32
      %dma_wait3A_44 = tpu.memref_slice %arg11[%mul3A_2, %dma_wait3A_43] : memref<4096x128xf32, #tpu.memory_space<hbm>> -> memref<128x128xf32, #tpu.memory_space<hbm>>
      tpu.wait_dma2 semaphore(%run_scoped3A : memref<!tpu.dma_semaphore, #tpu.memory_space<semaphore_mem>>) src(%arg17 : memref<128x128xf32, #tpu.memory_space<vmem>>) dst(%dma_wait3A_44 : memref<128x128xf32, #tpu.memory_space<hbm>>)
      tpu.yield
    }) : () -> ()
    "tpu.region"() ({
      %run_scoped3A = tpu.sem_alloc : memref<!tpu.dma_semaphore, #tpu.memory_space<semaphore_mem>>
      %dma_start3A_37 = tpu.memref_slice %arg9[%mul3A_2] : memref<4096xi32, #tpu.memory_space<hbm>> -> memref<128xi32, #tpu.memory_space<hbm>>
      %dma_start3A_38 = tpu.memref_slice %arg9[%mul3A_2] : memref<4096xi32, #tpu.memory_space<hbm>> -> memref<128xi32, #tpu.memory_space<hbm>>
      tpu.enqueue_dma source(%dma_start3A_38 : memref<128xi32, #tpu.memory_space<hbm>>) target(%arg16 : memref<128xi32, #tpu.memory_space<vmem>>) target_semaphore(%run_scoped3A : memref<!tpu.dma_semaphore, #tpu.memory_space<semaphore_mem>>)
      %dma_wait3A_39 = tpu.memref_slice %arg9[%mul3A_2] : memref<4096xi32, #tpu.memory_space<hbm>> -> memref<128xi32, #tpu.memory_space<hbm>>
      %dma_wait3A_40 = tpu.memref_slice %arg9[%mul3A_2] : memref<4096xi32, #tpu.memory_space<hbm>> -> memref<128xi32, #tpu.memory_space<hbm>>
      tpu.wait_dma2 semaphore(%run_scoped3A : memref<!tpu.dma_semaphore, #tpu.memory_space<semaphore_mem>>) src(%dma_wait3A_40 : memref<128xi32, #tpu.memory_space<hbm>>) dst(%arg16 : memref<128xi32, #tpu.memory_space<vmem>>)
      tpu.yield
    }) : () -> ()
    %dma_start3A_13 = arith.constant 0 : i32
    %dma_start3A_14 = arith.constant 0 : i32
    %dma_start3A_15 = tpu.memref_slice %arg3[%dma_start3A_13, %dma_start3A_14] : memref<5000x128xf32, #tpu.memory_space<hbm>> -> memref<5000x128xf32, #tpu.memory_space<hbm>>
    tpu.enqueue_indirect_dma source(%dma_start3A_15 : memref<5000x128xf32, #tpu.memory_space<hbm>>) target(%arg17 : memref<128x128xf32, #tpu.memory_space<vmem>>) offsets(%arg16 : memref<128xi32, #tpu.memory_space<vmem>>) semaphore(%arg18 : memref<!tpu.dma_semaphore, #tpu.memory_space<semaphore_mem>>)
    %dma_wait3A_16 = arith.constant 0 : i32
    %dma_wait3A_17 = arith.constant 0 : i32
    %dma_wait3A_18 = tpu.memref_slice %arg3[%dma_wait3A_16, %dma_wait3A_17] : memref<5000x128xf32, #tpu.memory_space<hbm>> -> memref<5000x128xf32, #tpu.memory_space<hbm>>
    tpu.wait_indirect_dma semaphore(%arg18 : memref<!tpu.dma_semaphore, #tpu.memory_space<semaphore_mem>>) src(%dma_wait3A_18 : memref<5000x128xf32, #tpu.memory_space<hbm>>) dst(%arg17 : memref<128x128xf32, #tpu.memory_space<vmem>>)
    "tpu.region"() ({
      %run_scoped3A = tpu.sem_alloc : memref<!tpu.dma_semaphore, #tpu.memory_space<semaphore_mem>>
      %dma_start3A_37 = arith.constant 0 : i32
      %dma_start3A_38 = tpu.memref_slice %arg12[%mul3A_2, %dma_start3A_37] : memref<4096x128xf32, #tpu.memory_space<hbm>> -> memref<128x128xf32, #tpu.memory_space<hbm>>
      %dma_start3A_39 = arith.constant 0 : i32
      %dma_start3A_40 = tpu.memref_slice %arg12[%mul3A_2, %dma_start3A_39] : memref<4096x128xf32, #tpu.memory_space<hbm>> -> memref<128x128xf32, #tpu.memory_space<hbm>>
      tpu.enqueue_dma source(%arg17 : memref<128x128xf32, #tpu.memory_space<vmem>>) target(%dma_start3A_40 : memref<128x128xf32, #tpu.memory_space<hbm>>) target_semaphore(%run_scoped3A : memref<!tpu.dma_semaphore, #tpu.memory_space<semaphore_mem>>)
      %dma_wait3A_41 = arith.constant 0 : i32
      %dma_wait3A_42 = tpu.memref_slice %arg12[%mul3A_2, %dma_wait3A_41] : memref<4096x128xf32, #tpu.memory_space<hbm>> -> memref<128x128xf32, #tpu.memory_space<hbm>>
      %dma_wait3A_43 = arith.constant 0 : i32
      %dma_wait3A_44 = tpu.memref_slice %arg12[%mul3A_2, %dma_wait3A_43] : memref<4096x128xf32, #tpu.memory_space<hbm>> -> memref<128x128xf32, #tpu.memory_space<hbm>>
      tpu.wait_dma2 semaphore(%run_scoped3A : memref<!tpu.dma_semaphore, #tpu.memory_space<semaphore_mem>>) src(%arg17 : memref<128x128xf32, #tpu.memory_space<vmem>>) dst(%dma_wait3A_44 : memref<128x128xf32, #tpu.memory_space<hbm>>)
      tpu.yield
    }) : () -> ()
    "tpu.region"() ({
      %run_scoped3A = tpu.sem_alloc : memref<!tpu.dma_semaphore, #tpu.memory_space<semaphore_mem>>
      %dma_start3A_37 = tpu.memref_slice %arg6[%mul3A_2] : memref<4096xi32, #tpu.memory_space<hbm>> -> memref<128xi32, #tpu.memory_space<hbm>>
      %dma_start3A_38 = tpu.memref_slice %arg6[%mul3A_2] : memref<4096xi32, #tpu.memory_space<hbm>> -> memref<128xi32, #tpu.memory_space<hbm>>
      tpu.enqueue_dma source(%dma_start3A_38 : memref<128xi32, #tpu.memory_space<hbm>>) target(%arg16 : memref<128xi32, #tpu.memory_space<vmem>>) target_semaphore(%run_scoped3A : memref<!tpu.dma_semaphore, #tpu.memory_space<semaphore_mem>>)
      %dma_wait3A_39 = tpu.memref_slice %arg6[%mul3A_2] : memref<4096xi32, #tpu.memory_space<hbm>> -> memref<128xi32, #tpu.memory_space<hbm>>
      %dma_wait3A_40 = tpu.memref_slice %arg6[%mul3A_2] : memref<4096xi32, #tpu.memory_space<hbm>> -> memref<128xi32, #tpu.memory_space<hbm>>
      tpu.wait_dma2 semaphore(%run_scoped3A : memref<!tpu.dma_semaphore, #tpu.memory_space<semaphore_mem>>) src(%dma_wait3A_40 : memref<128xi32, #tpu.memory_space<hbm>>) dst(%arg16 : memref<128xi32, #tpu.memory_space<vmem>>)
      tpu.yield
    }) : () -> ()
    %dma_start3A_19 = arith.constant 0 : i32
    %dma_start3A_20 = arith.constant 0 : i32
    %dma_start3A_21 = tpu.memref_slice %arg4[%dma_start3A_19, %dma_start3A_20] : memref<5000x128xf32, #tpu.memory_space<hbm>> -> memref<5000x128xf32, #tpu.memory_space<hbm>>
    tpu.enqueue_indirect_dma source(%dma_start3A_21 : memref<5000x128xf32, #tpu.memory_space<hbm>>) target(%arg17 : memref<128x128xf32, #tpu.memory_space<vmem>>) offsets(%arg16 : memref<128xi32, #tpu.memory_space<vmem>>) semaphore(%arg18 : memref<!tpu.dma_semaphore, #tpu.memory_space<semaphore_mem>>)
    %dma_wait3A_22 = arith.constant 0 : i32
    %dma_wait3A_23 = arith.constant 0 : i32
    %dma_wait3A_24 = tpu.memref_slice %arg4[%dma_wait3A_22, %dma_wait3A_23] : memref<5000x128xf32, #tpu.memory_space<hbm>> -> memref<5000x128xf32, #tpu.memory_space<hbm>>
    tpu.wait_indirect_dma semaphore(%arg18 : memref<!tpu.dma_semaphore, #tpu.memory_space<semaphore_mem>>) src(%dma_wait3A_24 : memref<5000x128xf32, #tpu.memory_space<hbm>>) dst(%arg17 : memref<128x128xf32, #tpu.memory_space<vmem>>)
    "tpu.region"() ({
      %run_scoped3A = tpu.sem_alloc : memref<!tpu.dma_semaphore, #tpu.memory_space<semaphore_mem>>
      %dma_start3A_37 = arith.constant 0 : i32
      %dma_start3A_38 = tpu.memref_slice %arg13[%mul3A_2, %dma_start3A_37] : memref<4096x128xf32, #tpu.memory_space<hbm>> -> memref<128x128xf32, #tpu.memory_space<hbm>>
      %dma_start3A_39 = arith.constant 0 : i32
      %dma_start3A_40 = tpu.memref_slice %arg13[%mul3A_2, %dma_start3A_39] : memref<4096x128xf32, #tpu.memory_space<hbm>> -> memref<128x128xf32, #tpu.memory_space<hbm>>
      tpu.enqueue_dma source(%arg17 : memref<128x128xf32, #tpu.memory_space<vmem>>) target(%dma_start3A_40 : memref<128x128xf32, #tpu.memory_space<hbm>>) target_semaphore(%run_scoped3A : memref<!tpu.dma_semaphore, #tpu.memory_space<semaphore_mem>>)
      %dma_wait3A_41 = arith.constant 0 : i32
      %dma_wait3A_42 = tpu.memref_slice %arg13[%mul3A_2, %dma_wait3A_41] : memref<4096x128xf32, #tpu.memory_space<hbm>> -> memref<128x128xf32, #tpu.memory_space<hbm>>
      %dma_wait3A_43 = arith.constant 0 : i32
      %dma_wait3A_44 = tpu.memref_slice %arg13[%mul3A_2, %dma_wait3A_43] : memref<4096x128xf32, #tpu.memory_space<hbm>> -> memref<128x128xf32, #tpu.memory_space<hbm>>
      tpu.wait_dma2 semaphore(%run_scoped3A : memref<!tpu.dma_semaphore, #tpu.memory_space<semaphore_mem>>) src(%arg17 : memref<128x128xf32, #tpu.memory_space<vmem>>) dst(%dma_wait3A_44 : memref<128x128xf32, #tpu.memory_space<hbm>>)
      tpu.yield
    }) : () -> ()
    "tpu.region"() ({
      %run_scoped3A = tpu.sem_alloc : memref<!tpu.dma_semaphore, #tpu.memory_space<semaphore_mem>>
      %dma_start3A_37 = tpu.memref_slice %arg7[%mul3A_2] : memref<4096xi32, #tpu.memory_space<hbm>> -> memref<128xi32, #tpu.memory_space<hbm>>
      %dma_start3A_38 = tpu.memref_slice %arg7[%mul3A_2] : memref<4096xi32, #tpu.memory_space<hbm>> -> memref<128xi32, #tpu.memory_space<hbm>>
      tpu.enqueue_dma source(%dma_start3A_38 : memref<128xi32, #tpu.memory_space<hbm>>) target(%arg16 : memref<128xi32, #tpu.memory_space<vmem>>) target_semaphore(%run_scoped3A : memref<!tpu.dma_semaphore, #tpu.memory_space<semaphore_mem>>)
      %dma_wait3A_39 = tpu.memref_slice %arg7[%mul3A_2] : memref<4096xi32, #tpu.memory_space<hbm>> -> memref<128xi32, #tpu.memory_space<hbm>>
      %dma_wait3A_40 = tpu.memref_slice %arg7[%mul3A_2] : memref<4096xi32, #tpu.memory_space<hbm>> -> memref<128xi32, #tpu.memory_space<hbm>>
      tpu.wait_dma2 semaphore(%run_scoped3A : memref<!tpu.dma_semaphore, #tpu.memory_space<semaphore_mem>>) src(%dma_wait3A_40 : memref<128xi32, #tpu.memory_space<hbm>>) dst(%arg16 : memref<128xi32, #tpu.memory_space<vmem>>)
      tpu.yield
    }) : () -> ()
    %dma_start3A_25 = arith.constant 0 : i32
    %dma_start3A_26 = arith.constant 0 : i32
    %dma_start3A_27 = tpu.memref_slice %arg5[%dma_start3A_25, %dma_start3A_26] : memref<5000x128xf32, #tpu.memory_space<hbm>> -> memref<5000x128xf32, #tpu.memory_space<hbm>>
    tpu.enqueue_indirect_dma source(%dma_start3A_27 : memref<5000x128xf32, #tpu.memory_space<hbm>>) target(%arg17 : memref<128x128xf32, #tpu.memory_space<vmem>>) offsets(%arg16 : memref<128xi32, #tpu.memory_space<vmem>>) semaphore(%arg18 : memref<!tpu.dma_semaphore, #tpu.memory_space<semaphore_mem>>)
    %dma_wait3A_28 = arith.constant 0 : i32
    %dma_wait3A_29 = arith.constant 0 : i32
    %dma_wait3A_30 = tpu.memref_slice %arg5[%dma_wait3A_28, %dma_wait3A_29] : memref<5000x128xf32, #tpu.memory_space<hbm>> -> memref<5000x128xf32, #tpu.memory_space<hbm>>
    tpu.wait_indirect_dma semaphore(%arg18 : memref<!tpu.dma_semaphore, #tpu.memory_space<semaphore_mem>>) src(%dma_wait3A_30 : memref<5000x128xf32, #tpu.memory_space<hbm>>) dst(%arg17 : memref<128x128xf32, #tpu.memory_space<vmem>>)
    "tpu.region"() ({
      %run_scoped3A = tpu.sem_alloc : memref<!tpu.dma_semaphore, #tpu.memory_space<semaphore_mem>>
      %dma_start3A_37 = arith.constant 0 : i32
      %dma_start3A_38 = tpu.memref_slice %arg14[%mul3A_2, %dma_start3A_37] : memref<4096x128xf32, #tpu.memory_space<hbm>> -> memref<128x128xf32, #tpu.memory_space<hbm>>
      %dma_start3A_39 = arith.constant 0 : i32
      %dma_start3A_40 = tpu.memref_slice %arg14[%mul3A_2, %dma_start3A_39] : memref<4096x128xf32, #tpu.memory_space<hbm>> -> memref<128x128xf32, #tpu.memory_space<hbm>>
      tpu.enqueue_dma source(%arg17 : memref<128x128xf32, #tpu.memory_space<vmem>>) target(%dma_start3A_40 : memref<128x128xf32, #tpu.memory_space<hbm>>) target_semaphore(%run_scoped3A : memref<!tpu.dma_semaphore, #tpu.memory_space<semaphore_mem>>)
      %dma_wait3A_41 = arith.constant 0 : i32
      %dma_wait3A_42 = tpu.memref_slice %arg14[%mul3A_2, %dma_wait3A_41] : memref<4096x128xf32, #tpu.memory_space<hbm>> -> memref<128x128xf32, #tpu.memory_space<hbm>>
      %dma_wait3A_43 = arith.constant 0 : i32
      %dma_wait3A_44 = tpu.memref_slice %arg14[%mul3A_2, %dma_wait3A_43] : memref<4096x128xf32, #tpu.memory_space<hbm>> -> memref<128x128xf32, #tpu.memory_space<hbm>>
      tpu.wait_dma2 semaphore(%run_scoped3A : memref<!tpu.dma_semaphore, #tpu.memory_space<semaphore_mem>>) src(%arg17 : memref<128x128xf32, #tpu.memory_space<vmem>>) dst(%dma_wait3A_44 : memref<128x128xf32, #tpu.memory_space<hbm>>)
      tpu.yield
    }) : () -> ()
    "tpu.region"() ({
      %run_scoped3A = tpu.sem_alloc : memref<!tpu.dma_semaphore, #tpu.memory_space<semaphore_mem>>
      %dma_start3A_37 = tpu.memref_slice %arg7[%mul3A_2] : memref<4096xi32, #tpu.memory_space<hbm>> -> memref<128xi32, #tpu.memory_space<hbm>>
      %dma_start3A_38 = tpu.memref_slice %arg7[%mul3A_2] : memref<4096xi32, #tpu.memory_space<hbm>> -> memref<128xi32, #tpu.memory_space<hbm>>
      tpu.enqueue_dma source(%dma_start3A_38 : memref<128xi32, #tpu.memory_space<hbm>>) target(%arg16 : memref<128xi32, #tpu.memory_space<vmem>>) target_semaphore(%run_scoped3A : memref<!tpu.dma_semaphore, #tpu.memory_space<semaphore_mem>>)
      %dma_wait3A_39 = tpu.memref_slice %arg7[%mul3A_2] : memref<4096xi32, #tpu.memory_space<hbm>> -> memref<128xi32, #tpu.memory_space<hbm>>
      %dma_wait3A_40 = tpu.memref_slice %arg7[%mul3A_2] : memref<4096xi32, #tpu.memory_space<hbm>> -> memref<128xi32, #tpu.memory_space<hbm>>
      tpu.wait_dma2 semaphore(%run_scoped3A : memref<!tpu.dma_semaphore, #tpu.memory_space<semaphore_mem>>) src(%dma_wait3A_40 : memref<128xi32, #tpu.memory_space<hbm>>) dst(%arg16 : memref<128xi32, #tpu.memory_space<vmem>>)
      tpu.yield
    }) : () -> ()
    %dma_start3A_31 = arith.constant 0 : i32
    %dma_start3A_32 = arith.constant 0 : i32
    %dma_start3A_33 = tpu.memref_slice %arg3[%dma_start3A_31, %dma_start3A_32] : memref<5000x128xf32, #tpu.memory_space<hbm>> -> memref<5000x128xf32, #tpu.memory_space<hbm>>
    tpu.enqueue_indirect_dma source(%dma_start3A_33 : memref<5000x128xf32, #tpu.memory_space<hbm>>) target(%arg17 : memref<128x128xf32, #tpu.memory_space<vmem>>) offsets(%arg16 : memref<128xi32, #tpu.memory_space<vmem>>) semaphore(%arg18 : memref<!tpu.dma_semaphore, #tpu.memory_space<semaphore_mem>>)
    %dma_wait3A_34 = arith.constant 0 : i32
    %dma_wait3A_35 = arith.constant 0 : i32
    %dma_wait3A_36 = tpu.memref_slice %arg3[%dma_wait3A_34, %dma_wait3A_35] : memref<5000x128xf32, #tpu.memory_space<hbm>> -> memref<5000x128xf32, #tpu.memory_space<hbm>>
    tpu.wait_indirect_dma semaphore(%arg18 : memref<!tpu.dma_semaphore, #tpu.memory_space<semaphore_mem>>) src(%dma_wait3A_36 : memref<5000x128xf32, #tpu.memory_space<hbm>>) dst(%arg17 : memref<128x128xf32, #tpu.memory_space<vmem>>)
    "tpu.region"() ({
      %run_scoped3A = tpu.sem_alloc : memref<!tpu.dma_semaphore, #tpu.memory_space<semaphore_mem>>
      %dma_start3A_37 = arith.constant 0 : i32
      %dma_start3A_38 = tpu.memref_slice %arg15[%mul3A_2, %dma_start3A_37] : memref<4096x128xf32, #tpu.memory_space<hbm>> -> memref<128x128xf32, #tpu.memory_space<hbm>>
      %dma_start3A_39 = arith.constant 0 : i32
      %dma_start3A_40 = tpu.memref_slice %arg15[%mul3A_2, %dma_start3A_39] : memref<4096x128xf32, #tpu.memory_space<hbm>> -> memref<128x128xf32, #tpu.memory_space<hbm>>
      tpu.enqueue_dma source(%arg17 : memref<128x128xf32, #tpu.memory_space<vmem>>) target(%dma_start3A_40 : memref<128x128xf32, #tpu.memory_space<hbm>>) target_semaphore(%run_scoped3A : memref<!tpu.dma_semaphore, #tpu.memory_space<semaphore_mem>>)
      %dma_wait3A_41 = arith.constant 0 : i32
      %dma_wait3A_42 = tpu.memref_slice %arg15[%mul3A_2, %dma_wait3A_41] : memref<4096x128xf32, #tpu.memory_space<hbm>> -> memref<128x128xf32, #tpu.memory_space<hbm>>
      %dma_wait3A_43 = arith.constant 0 : i32
      %dma_wait3A_44 = tpu.memref_slice %arg15[%mul3A_2, %dma_wait3A_43] : memref<4096x128xf32, #tpu.memory_space<hbm>> -> memref<128x128xf32, #tpu.memory_space<hbm>>
      tpu.wait_dma2 semaphore(%run_scoped3A : memref<!tpu.dma_semaphore, #tpu.memory_space<semaphore_mem>>) src(%arg17 : memref<128x128xf32, #tpu.memory_space<vmem>>) dst(%dma_wait3A_44 : memref<128x128xf32, #tpu.memory_space<hbm>>)
      tpu.yield
    }) : () -> ()
    return
  }
}

module attributes {stable_mosaic.version = 14 : i64} {
  func.func @_prop_body(%arg0: i32, %arg1: i32, %arg2: i32, %arg3: memref<1024x1024xf32, #tpu.memory_space<vmem>>, %arg4: memref<5120x256xf32, #tpu.memory_space<vmem>>, %arg5: memref<5120x256xf32, #tpu.memory_space<vmem>>, %arg6: memref<5120x256xf32, #tpu.memory_space<vmem>>, %arg7: memref<5120x256xf32, #tpu.memory_space<vmem>>, %arg8: memref<1x1xf32, #tpu.memory_space<smem>>, %arg9: memref<5120x256xf32, #tpu.memory_space<vmem>>, %arg10: memref<5120x256xf32, #tpu.memory_space<vmem>>, %arg11: memref<5120x256xf32, #tpu.memory_space<vmem>>, %arg12: memref<5120x256xf32, #tpu.memory_space<vmem>>) attributes {dimension_semantics = [#tpu.dimension_semantics<arbitrary>, #tpu.dimension_semantics<arbitrary>, #tpu.dimension_semantics<arbitrary>], iteration_bounds = array<i64: 2, 5, 5>, scalar_prefetch = 0 : i64, scratch_operands = 4 : i64, tpu.core_type = #tpu.core_type<tc>, window_params = [{transform_indices = @transform_0, window_bounds = array<i64: 1024, 1024>}, {pipeline_mode = #tpu.pipeline_mode<synchronous>, transform_indices = @transform_1, window_bounds = array<i64: 5120, 256>}, {pipeline_mode = #tpu.pipeline_mode<synchronous>, transform_indices = @transform_2, window_bounds = array<i64: 5120, 256>}, {pipeline_mode = #tpu.pipeline_mode<synchronous>, transform_indices = @transform_3, window_bounds = array<i64: 5120, 256>}, {pipeline_mode = #tpu.pipeline_mode<synchronous>, transform_indices = @transform_4, window_bounds = array<i64: 5120, 256>}, {transform_indices = @transform_5, window_bounds = array<i64: 1, 1>}]} {
    %eq3A = arith.constant 0 : i32
    %eq3A_0 = arith.cmpi eq, %arg0, %eq3A : i32
    %eq3A_1 = arith.constant 0 : i32
    %eq3A_2 = arith.cmpi eq, %arg1, %eq3A_1 : i32
    %and3A = arith.andi %eq3A_0, %eq3A_2 : i1
    %eq3A_3 = arith.constant 0 : i32
    %eq3A_4 = arith.cmpi eq, %arg2, %eq3A_3 : i32
    %and3A_5 = arith.andi %and3A, %eq3A_4 : i1
    %convert_element_type3A = arith.extui %and3A_5 : i1 to i32
    %cond3A = arith.constant 0 : i32
    %cond3A_6 = arith.cmpi ne, %convert_element_type3A, %cond3A : i32
    scf.if %cond3A_6 {
      %get3A_62 = arith.constant 0 : index
      %get3A_63 = arith.constant 0 : index
      %get3A_64 = vector.load %arg4[%get3A_62, %get3A_63] : memref<5120x256xf32, #tpu.memory_space<vmem>>, vector<5120x256xf32>
      %swap3A_65 = arith.constant 0 : index
      %swap3A_66 = arith.constant 0 : index
      %swap3A_67 = vector.load %arg9[%swap3A_65, %swap3A_66] : memref<5120x256xf32, #tpu.memory_space<vmem>>, vector<5120x256xf32>
      tpu.vector_store %arg9[%swap3A_65, %swap3A_66], %get3A_64 {strides = array<i32>} : memref<5120x256xf32, #tpu.memory_space<vmem>>, vector<5120x256xf32>,
      %get3A_68 = arith.constant 0 : index
      %get3A_69 = arith.constant 0 : index
      %get3A_70 = vector.load %arg5[%get3A_68, %get3A_69] : memref<5120x256xf32, #tpu.memory_space<vmem>>, vector<5120x256xf32>
      %swap3A_71 = arith.constant 0 : index
      %swap3A_72 = arith.constant 0 : index
      %swap3A_73 = vector.load %arg10[%swap3A_71, %swap3A_72] : memref<5120x256xf32, #tpu.memory_space<vmem>>, vector<5120x256xf32>
      tpu.vector_store %arg10[%swap3A_71, %swap3A_72], %get3A_70 {strides = array<i32>} : memref<5120x256xf32, #tpu.memory_space<vmem>>, vector<5120x256xf32>,
      %get3A_74 = arith.constant 0 : index
      %get3A_75 = arith.constant 0 : index
      %get3A_76 = vector.load %arg4[%get3A_74, %get3A_75] : memref<5120x256xf32, #tpu.memory_space<vmem>>, vector<5120x256xf32>
      %swap3A_77 = arith.constant 0 : index
      %swap3A_78 = arith.constant 0 : index
      %swap3A_79 = vector.load %arg6[%swap3A_77, %swap3A_78] : memref<5120x256xf32, #tpu.memory_space<vmem>>, vector<5120x256xf32>
      tpu.vector_store %arg6[%swap3A_77, %swap3A_78], %get3A_76 {strides = array<i32>} : memref<5120x256xf32, #tpu.memory_space<vmem>>, vector<5120x256xf32>,
      %get3A_80 = arith.constant 0 : index
      %get3A_81 = arith.constant 0 : index
      %get3A_82 = vector.load %arg5[%get3A_80, %get3A_81] : memref<5120x256xf32, #tpu.memory_space<vmem>>, vector<5120x256xf32>
      %swap3A_83 = arith.constant 0 : index
      %swap3A_84 = arith.constant 0 : index
      %swap3A_85 = vector.load %arg7[%swap3A_83, %swap3A_84] : memref<5120x256xf32, #tpu.memory_space<vmem>>, vector<5120x256xf32>
      tpu.vector_store %arg7[%swap3A_83, %swap3A_84], %get3A_82 {strides = array<i32>} : memref<5120x256xf32, #tpu.memory_space<vmem>>, vector<5120x256xf32>,
      %broadcast_in_dim3A = arith.constant 0.000000e+00 : f32
      %broadcast_in_dim3A_86 = vector.broadcast %broadcast_in_dim3A : f32 to vector<5120x256xf32>
      %swap3A_87 = arith.constant 0 : index
      %swap3A_88 = arith.constant 0 : index
      %swap3A_89 = vector.load %arg11[%swap3A_87, %swap3A_88] : memref<5120x256xf32, #tpu.memory_space<vmem>>, vector<5120x256xf32>
      tpu.vector_store %arg11[%swap3A_87, %swap3A_88], %broadcast_in_dim3A_86 {strides = array<i32>} : memref<5120x256xf32, #tpu.memory_space<vmem>>, vector<5120x256xf32>,
      %broadcast_in_dim3A_90 = arith.constant 0.000000e+00 : f32
      %broadcast_in_dim3A_91 = vector.broadcast %broadcast_in_dim3A_90 : f32 to vector<5120x256xf32>
      %swap3A_92 = arith.constant 0 : index
      %swap3A_93 = arith.constant 0 : index
      %swap3A_94 = vector.load %arg12[%swap3A_92, %swap3A_93] : memref<5120x256xf32, #tpu.memory_space<vmem>>, vector<5120x256xf32>
      tpu.vector_store %arg12[%swap3A_92, %swap3A_93], %broadcast_in_dim3A_91 {strides = array<i32>} : memref<5120x256xf32, #tpu.memory_space<vmem>>, vector<5120x256xf32>,
      %get3A_95 = arith.constant 0 : index
      %get3A_96 = arith.constant 0 : index
      %get3A_97 = vector.load %arg4[%get3A_95, %get3A_96] : memref<5120x256xf32, #tpu.memory_space<vmem>>, vector<5120x256xf32>
      %get3A_98 = arith.constant 0 : index
      %get3A_99 = arith.constant 0 : index
      %get3A_100 = vector.load %arg5[%get3A_98, %get3A_99] : memref<5120x256xf32, #tpu.memory_space<vmem>>, vector<5120x256xf32>
      %mul3A_101 = arith.mulf %get3A_97, %get3A_97 : vector<5120x256xf32>
      %reduce_sum3A = vector.shape_cast %mul3A_101 : vector<5120x256xf32> to vector<1x5120x256xf32>
      %reduce_sum3A_102 = arith.constant dense<0.000000e+00> : vector<1xf32>
      %reduce_sum3A_103 = vector.multi_reduction <add>, %reduce_sum3A, %reduce_sum3A_102 [1, 2] : vector<1x5120x256xf32> to vector<1xf32>
      %reduce_sum3A_104 = vector.shape_cast %reduce_sum3A_103 : vector<1xf32> to vector<1x1x1xf32>
      %reduce_sum3A_105 = vector.extract %reduce_sum3A_104[0, 0, 0] : f32 from vector<1x1x1xf32>
      %mul3A_106 = arith.mulf %get3A_100, %get3A_100 : vector<5120x256xf32>
      %reduce_sum3A_107 = vector.shape_cast %mul3A_106 : vector<5120x256xf32> to vector<1x5120x256xf32>
      %reduce_sum3A_108 = arith.constant dense<0.000000e+00> : vector<1xf32>
      %reduce_sum3A_109 = vector.multi_reduction <add>, %reduce_sum3A_107, %reduce_sum3A_108 [1, 2] : vector<1x5120x256xf32> to vector<1xf32>
      %reduce_sum3A_110 = vector.shape_cast %reduce_sum3A_109 : vector<1xf32> to vector<1x1x1xf32>
      %reduce_sum3A_111 = vector.extract %reduce_sum3A_110[0, 0, 0] : f32 from vector<1x1x1xf32>
      %add3A_112 = arith.addf %reduce_sum3A_105, %reduce_sum3A_111 : f32
      %swap3A_113 = arith.constant 0 : index
      %swap3A_114 = arith.constant 0 : index
      %swap3A_115 = memref.load %arg8[%swap3A_113, %swap3A_114] : memref<1x1xf32, #tpu.memory_space<smem>>
      memref.store %add3A_112, %arg8[%swap3A_113, %swap3A_114] : memref<1x1xf32, #tpu.memory_space<smem>>
    } else {
    }
    %eq3A_7 = arith.constant 1 : i32
    %eq3A_8 = arith.cmpi eq, %arg0, %eq3A_7 : i32
    %eq3A_9 = arith.constant 0 : i32
    %eq3A_10 = arith.cmpi eq, %arg1, %eq3A_9 : i32
    %and3A_11 = arith.andi %eq3A_8, %eq3A_10 : i1
    %eq3A_12 = arith.constant 0 : i32
    %eq3A_13 = arith.cmpi eq, %arg2, %eq3A_12 : i32
    %and3A_14 = arith.andi %and3A_11, %eq3A_13 : i1
    %convert_element_type3A_15 = arith.extui %and3A_14 : i1 to i32
    %cond3A_16 = arith.constant 0 : i32
    %cond3A_17 = arith.cmpi ne, %convert_element_type3A_15, %cond3A_16 : i32
    scf.if %cond3A_17 {
      %get3A_62 = arith.constant 0 : index
      %get3A_63 = arith.constant 0 : index
      %get3A_64 = vector.load %arg6[%get3A_62, %get3A_63] : memref<5120x256xf32, #tpu.memory_space<vmem>>, vector<5120x256xf32>
      %get3A_65 = arith.constant 0 : index
      %get3A_66 = arith.constant 0 : index
      %get3A_67 = vector.load %arg11[%get3A_65, %get3A_66] : memref<5120x256xf32, #tpu.memory_space<vmem>>, vector<5120x256xf32>
      %add3A_68 = arith.addf %get3A_64, %get3A_67 : vector<5120x256xf32>
      %swap3A_69 = arith.constant 0 : index
      %swap3A_70 = arith.constant 0 : index
      %swap3A_71 = vector.load %arg6[%swap3A_69, %swap3A_70] : memref<5120x256xf32, #tpu.memory_space<vmem>>, vector<5120x256xf32>
      tpu.vector_store %arg6[%swap3A_69, %swap3A_70], %add3A_68 {strides = array<i32>} : memref<5120x256xf32, #tpu.memory_space<vmem>>, vector<5120x256xf32>,
      %get3A_72 = arith.constant 0 : index
      %get3A_73 = arith.constant 0 : index
      %get3A_74 = vector.load %arg7[%get3A_72, %get3A_73] : memref<5120x256xf32, #tpu.memory_space<vmem>>, vector<5120x256xf32>
      %get3A_75 = arith.constant 0 : index
      %get3A_76 = arith.constant 0 : index
      %get3A_77 = vector.load %arg12[%get3A_75, %get3A_76] : memref<5120x256xf32, #tpu.memory_space<vmem>>, vector<5120x256xf32>
      %add3A_78 = arith.addf %get3A_74, %get3A_77 : vector<5120x256xf32>
      %swap3A_79 = arith.constant 0 : index
      %swap3A_80 = arith.constant 0 : index
      %swap3A_81 = vector.load %arg7[%swap3A_79, %swap3A_80] : memref<5120x256xf32, #tpu.memory_space<vmem>>, vector<5120x256xf32>
      tpu.vector_store %arg7[%swap3A_79, %swap3A_80], %add3A_78 {strides = array<i32>} : memref<5120x256xf32, #tpu.memory_space<vmem>>, vector<5120x256xf32>,
      %get3A_82 = arith.constant 0 : index
      %get3A_83 = arith.constant 0 : index
      %get3A_84 = vector.load %arg11[%get3A_82, %get3A_83] : memref<5120x256xf32, #tpu.memory_space<vmem>>, vector<5120x256xf32>
      %swap3A_85 = arith.constant 0 : index
      %swap3A_86 = arith.constant 0 : index
      %swap3A_87 = vector.load %arg9[%swap3A_85, %swap3A_86] : memref<5120x256xf32, #tpu.memory_space<vmem>>, vector<5120x256xf32>
      tpu.vector_store %arg9[%swap3A_85, %swap3A_86], %get3A_84 {strides = array<i32>} : memref<5120x256xf32, #tpu.memory_space<vmem>>, vector<5120x256xf32>,
      %get3A_88 = arith.constant 0 : index
      %get3A_89 = arith.constant 0 : index
      %get3A_90 = vector.load %arg12[%get3A_88, %get3A_89] : memref<5120x256xf32, #tpu.memory_space<vmem>>, vector<5120x256xf32>
      %swap3A_91 = arith.constant 0 : index
      %swap3A_92 = arith.constant 0 : index
      %swap3A_93 = vector.load %arg10[%swap3A_91, %swap3A_92] : memref<5120x256xf32, #tpu.memory_space<vmem>>, vector<5120x256xf32>
      tpu.vector_store %arg10[%swap3A_91, %swap3A_92], %get3A_90 {strides = array<i32>} : memref<5120x256xf32, #tpu.memory_space<vmem>>, vector<5120x256xf32>,
      %broadcast_in_dim3A = arith.constant 0.000000e+00 : f32
      %broadcast_in_dim3A_94 = vector.broadcast %broadcast_in_dim3A : f32 to vector<5120x256xf32>
      %swap3A_95 = arith.constant 0 : index
      %swap3A_96 = arith.constant 0 : index
      %swap3A_97 = vector.load %arg11[%swap3A_95, %swap3A_96] : memref<5120x256xf32, #tpu.memory_space<vmem>>, vector<5120x256xf32>
      tpu.vector_store %arg11[%swap3A_95, %swap3A_96], %broadcast_in_dim3A_94 {strides = array<i32>} : memref<5120x256xf32, #tpu.memory_space<vmem>>, vector<5120x256xf32>,
      %broadcast_in_dim3A_98 = arith.constant 0.000000e+00 : f32
      %broadcast_in_dim3A_99 = vector.broadcast %broadcast_in_dim3A_98 : f32 to vector<5120x256xf32>
      %swap3A_100 = arith.constant 0 : index
      %swap3A_101 = arith.constant 0 : index
      %swap3A_102 = vector.load %arg12[%swap3A_100, %swap3A_101] : memref<5120x256xf32, #tpu.memory_space<vmem>>, vector<5120x256xf32>
      tpu.vector_store %arg12[%swap3A_100, %swap3A_101], %broadcast_in_dim3A_99 {strides = array<i32>} : memref<5120x256xf32, #tpu.memory_space<vmem>>, vector<5120x256xf32>,
    } else {
    }
    %get3A = arith.constant 0 : index
    %get3A_18 = arith.constant 0 : index
    %get3A_19 = vector.load %arg3[%get3A, %get3A_18] : memref<1024x1024xf32, #tpu.memory_space<vmem>>, vector<1024x1024xf32>
    %convert_element_type3A_20 = arith.truncf %get3A_19 : vector<1024x1024xf32> to vector<1024x1024xbf16>
    %mul3A = arith.constant 1024 : i32
    %mul3A_21 = arith.muli %arg2, %mul3A : i32
    %get3A_22 = arith.index_cast %mul3A_21 : i32 to index
    %get3A_23 = arith.constant 0 : index
    %get3A_24 = vector.load %arg10[%get3A_22, %get3A_23] : memref<5120x256xf32, #tpu.memory_space<vmem>>, vector<1024x256xf32>
    %convert_element_type3A_25 = arith.truncf %get3A_24 : vector<1024x256xf32> to vector<1024x256xbf16>
    %mul3A_26 = arith.constant 1024 : i32
    %mul3A_27 = arith.muli %arg1, %mul3A_26 : i32
    %get3A_28 = arith.index_cast %mul3A_27 : i32 to index
    %get3A_29 = arith.constant 0 : index
    %get3A_30 = vector.load %arg9[%get3A_28, %get3A_29] : memref<5120x256xf32, #tpu.memory_space<vmem>>, vector<1024x256xf32>
    %convert_element_type3A_31 = arith.truncf %get3A_30 : vector<1024x256xf32> to vector<1024x256xbf16>
    %mul3A_32 = arith.constant 1024 : i32
    %mul3A_33 = arith.muli %arg1, %mul3A_32 : i32
    %get3A_34 = arith.index_cast %mul3A_33 : i32 to index
    %get3A_35 = arith.constant 0 : index
    %get3A_36 = vector.load %arg11[%get3A_34, %get3A_35] : memref<5120x256xf32, #tpu.memory_space<vmem>>, vector<1024x256xf32>
    %dot_general3A = arith.constant dense<0.000000e+00> : vector<1024x256xf32>
    %dot_general3A_37 = tpu.matmul %convert_element_type3A_20, %convert_element_type3A_25, %dot_general3A {dimension_numbers = #tpu.dot_dimension_numbers<[1], [0], [0], [1], [0, 0, 1, 1], [], []>, transpose_lhs_hint = false} : vector<1024x1024xbf16>, vector<1024x256xbf16>, vector<1024x256xf32> -> vector<1024x256xf32>
    %add3A = arith.addf %get3A_36, %dot_general3A_37 : vector<1024x256xf32>
    %swap3A = arith.index_cast %mul3A_33 : i32 to index
    %swap3A_38 = arith.constant 0 : index
    %swap3A_39 = vector.load %arg11[%swap3A, %swap3A_38] : memref<5120x256xf32, #tpu.memory_space<vmem>>, vector<1024x256xf32>
    tpu.vector_store %arg11[%swap3A, %swap3A_38], %add3A {strides = array<i32>} : memref<5120x256xf32, #tpu.memory_space<vmem>>, vector<1024x256xf32>,
    %mul3A_40 = arith.constant 1024 : i32
    %mul3A_41 = arith.muli %arg2, %mul3A_40 : i32
    %get3A_42 = arith.index_cast %mul3A_41 : i32 to index
    %get3A_43 = arith.constant 0 : index
    %get3A_44 = vector.load %arg12[%get3A_42, %get3A_43] : memref<5120x256xf32, #tpu.memory_space<vmem>>, vector<1024x256xf32>
    %dot_general3A_45 = arith.constant dense<0.000000e+00> : vector<1024x256xf32>
    %dot_general3A_46 = tpu.matmul %convert_element_type3A_20, %convert_element_type3A_31, %dot_general3A_45 {dimension_numbers = #tpu.dot_dimension_numbers<[0], [0], [1], [1], [0, 1, 1, 1], [], []>, transpose_lhs_hint = false} : vector<1024x1024xbf16>, vector<1024x256xbf16>, vector<1024x256xf32> -> vector<1024x256xf32>
    %add3A_47 = arith.addf %get3A_44, %dot_general3A_46 : vector<1024x256xf32>
    %swap3A_48 = arith.index_cast %mul3A_41 : i32 to index
    %swap3A_49 = arith.constant 0 : index
    %swap3A_50 = vector.load %arg12[%swap3A_48, %swap3A_49] : memref<5120x256xf32, #tpu.memory_space<vmem>>, vector<1024x256xf32>
    tpu.vector_store %arg12[%swap3A_48, %swap3A_49], %add3A_47 {strides = array<i32>} : memref<5120x256xf32, #tpu.memory_space<vmem>>, vector<1024x256xf32>,
    %eq3A_51 = arith.constant 1 : i32
    %eq3A_52 = arith.cmpi eq, %arg0, %eq3A_51 : i32
    %eq3A_53 = arith.constant 4 : i32
    %eq3A_54 = arith.cmpi eq, %arg1, %eq3A_53 : i32
    %and3A_55 = arith.andi %eq3A_52, %eq3A_54 : i1
    %eq3A_56 = arith.constant 4 : i32
    %eq3A_57 = arith.cmpi eq, %arg2, %eq3A_56 : i32
    %and3A_58 = arith.andi %and3A_55, %eq3A_57 : i1
    %convert_element_type3A_59 = arith.extui %and3A_58 : i1 to i32
    %cond3A_60 = arith.constant 0 : i32
    %cond3A_61 = arith.cmpi ne, %convert_element_type3A_59, %cond3A_60 : i32
    scf.if %cond3A_61 {
      %get3A_62 = arith.constant 0 : index
      %get3A_63 = arith.constant 0 : index
      %get3A_64 = vector.load %arg6[%get3A_62, %get3A_63] : memref<5120x256xf32, #tpu.memory_space<vmem>>, vector<5120x256xf32>
      %get3A_65 = arith.constant 0 : index
      %get3A_66 = arith.constant 0 : index
      %get3A_67 = vector.load %arg11[%get3A_65, %get3A_66] : memref<5120x256xf32, #tpu.memory_space<vmem>>, vector<5120x256xf32>
      %add3A_68 = arith.addf %get3A_64, %get3A_67 : vector<5120x256xf32>
      %swap3A_69 = arith.constant 0 : index
      %swap3A_70 = arith.constant 0 : index
      %swap3A_71 = vector.load %arg6[%swap3A_69, %swap3A_70] : memref<5120x256xf32, #tpu.memory_space<vmem>>, vector<5120x256xf32>
      tpu.vector_store %arg6[%swap3A_69, %swap3A_70], %add3A_68 {strides = array<i32>} : memref<5120x256xf32, #tpu.memory_space<vmem>>, vector<5120x256xf32>,
      %get3A_72 = arith.constant 0 : index
      %get3A_73 = arith.constant 0 : index
      %get3A_74 = vector.load %arg7[%get3A_72, %get3A_73] : memref<5120x256xf32, #tpu.memory_space<vmem>>, vector<5120x256xf32>
      %get3A_75 = arith.constant 0 : index
      %get3A_76 = arith.constant 0 : index
      %get3A_77 = vector.load %arg12[%get3A_75, %get3A_76] : memref<5120x256xf32, #tpu.memory_space<vmem>>, vector<5120x256xf32>
      %add3A_78 = arith.addf %get3A_74, %get3A_77 : vector<5120x256xf32>
      %swap3A_79 = arith.constant 0 : index
      %swap3A_80 = arith.constant 0 : index
      %swap3A_81 = vector.load %arg7[%swap3A_79, %swap3A_80] : memref<5120x256xf32, #tpu.memory_space<vmem>>, vector<5120x256xf32>
      tpu.vector_store %arg7[%swap3A_79, %swap3A_80], %add3A_78 {strides = array<i32>} : memref<5120x256xf32, #tpu.memory_space<vmem>>, vector<5120x256xf32>,
    } else {
    }
    return
  }
  func.func @transform_0(%arg0: i32, %arg1: i32, %arg2: i32) -> (i32, i32) {
    %c0_i32 = arith.constant 0 : i32
    return %arg1, %arg2 : i32, i32
  }
  func.func @transform_1(%arg0: i32, %arg1: i32, %arg2: i32) -> (i32, i32) {
    %c0_i32 = arith.constant 0 : i32
    %c0_i32_0 = arith.constant 0 : i32
    %c0_i32_1 = arith.constant 0 : i32
    return %c0_i32, %c0_i32_0 : i32, i32
  }
  func.func @transform_2(%arg0: i32, %arg1: i32, %arg2: i32) -> (i32, i32) {
    %c0_i32 = arith.constant 0 : i32
    %c0_i32_0 = arith.constant 0 : i32
    %c0_i32_1 = arith.constant 0 : i32
    return %c0_i32, %c0_i32_0 : i32, i32
  }
  func.func @transform_3(%arg0: i32, %arg1: i32, %arg2: i32) -> (i32, i32) {
    %c0_i32 = arith.constant 0 : i32
    %c0_i32_0 = arith.constant 0 : i32
    %c0_i32_1 = arith.constant 0 : i32
    return %c0_i32, %c0_i32_0 : i32, i32
  }
  func.func @transform_4(%arg0: i32, %arg1: i32, %arg2: i32) -> (i32, i32) {
    %c0_i32 = arith.constant 0 : i32
    %c0_i32_0 = arith.constant 0 : i32
    %c0_i32_1 = arith.constant 0 : i32
    return %c0_i32, %c0_i32_0 : i32, i32
  }
  func.func @transform_5(%arg0: i32, %arg1: i32, %arg2: i32) -> (i32, i32) {
    %c0_i32 = arith.constant 0 : i32
    %c0_i32_0 = arith.constant 0 : i32
    %c0_i32_1 = arith.constant 0 : i32
    return %c0_i32, %c0_i32_0 : i32, i32
  }
}

module attributes {stable_mosaic.version = 14 : i64} {
  func.func @_sumsq_body(%arg0: memref<1280x639xf32, #tpu.memory_space<vmem>>, %arg1: memref<1x1280xf32, #tpu.memory_space<vmem>>, %arg2: memref<1280x1280xf32, #tpu.memory_space<vmem>>, %arg3: memref<1x1280xf32, #tpu.memory_space<vmem>>, %arg4: memref<128x1280xf32, #tpu.memory_space<vmem>>, %arg5: memref<1x128xf32, #tpu.memory_space<vmem>>, %arg6: memref<256x120xf32, #tpu.memory_space<vmem>>, %arg7: memref<1x256xf32, #tpu.memory_space<vmem>>, %arg8: memref<256x256xf32, #tpu.memory_space<vmem>>, %arg9: memref<1x256xf32, #tpu.memory_space<vmem>>, %arg10: memref<128x256xf32, #tpu.memory_space<vmem>>, %arg11: memref<1x128xf32, #tpu.memory_space<vmem>>, %arg12: memref<256x129xf32, #tpu.memory_space<vmem>>, %arg13: memref<1x256xf32, #tpu.memory_space<vmem>>, %arg14: memref<256x256xf32, #tpu.memory_space<vmem>>, %arg15: memref<1x256xf32, #tpu.memory_space<vmem>>, %arg16: memref<128x256xf32, #tpu.memory_space<vmem>>, %arg17: memref<1x128xf32, #tpu.memory_space<vmem>>, %arg18: memref<128x128xf32, #tpu.memory_space<vmem>>, %arg19: memref<1x128xf32, #tpu.memory_space<vmem>>, %arg20: memref<128x128xf32, #tpu.memory_space<vmem>>, %arg21: memref<1x128xf32, #tpu.memory_space<vmem>>, %arg22: memref<128x128xf32, #tpu.memory_space<vmem>>, %arg23: memref<1x128xf32, #tpu.memory_space<vmem>>, %arg24: memref<128x128xf32, #tpu.memory_space<vmem>>, %arg25: memref<1x128xf32, #tpu.memory_space<vmem>>, %arg26: memref<128x128xf32, #tpu.memory_space<vmem>>, %arg27: memref<128x128xf32, #tpu.memory_space<vmem>>, %arg28: memref<1x1xf32, #tpu.memory_space<smem>>) attributes {dimension_semantics = [], scalar_prefetch = 0 : i64, scratch_operands = 0 : i64, tpu.core_type = #tpu.core_type<tc>} {
    %get3A = arith.constant 0 : index
    %get3A_0 = arith.constant 0 : index
    %get3A_1 = vector.load %arg0[%get3A, %get3A_0] : memref<1280x639xf32, #tpu.memory_space<vmem>>, vector<1280x639xf32>
    %mul3A = arith.mulf %get3A_1, %get3A_1 : vector<1280x639xf32>
    %reduce_sum3A = vector.shape_cast %mul3A : vector<1280x639xf32> to vector<1x1280x639xf32>
    %reduce_sum3A_2 = arith.constant dense<0.000000e+00> : vector<1xf32>
    %reduce_sum3A_3 = vector.multi_reduction <add>, %reduce_sum3A, %reduce_sum3A_2 [1, 2] : vector<1x1280x639xf32> to vector<1xf32>
    %reduce_sum3A_4 = vector.shape_cast %reduce_sum3A_3 : vector<1xf32> to vector<1x1x1xf32>
    %reduce_sum3A_5 = vector.extract %reduce_sum3A_4[0, 0, 0] : f32 from vector<1x1x1xf32>
    %add3A = arith.constant 0.000000e+00 : f32
    %add3A_6 = arith.addf %add3A, %reduce_sum3A_5 : f32
    %get3A_7 = arith.constant 0 : index
    %get3A_8 = arith.constant 0 : index
    %get3A_9 = vector.load %arg1[%get3A_7, %get3A_8] : memref<1x1280xf32, #tpu.memory_space<vmem>>, vector<1x1280xf32>
    %mul3A_10 = arith.mulf %get3A_9, %get3A_9 : vector<1x1280xf32>
    %reduce_sum3A_11 = vector.shape_cast %mul3A_10 : vector<1x1280xf32> to vector<1x1x1280xf32>
    %reduce_sum3A_12 = arith.constant dense<0.000000e+00> : vector<1xf32>
    %reduce_sum3A_13 = vector.multi_reduction <add>, %reduce_sum3A_11, %reduce_sum3A_12 [1, 2] : vector<1x1x1280xf32> to vector<1xf32>
    %reduce_sum3A_14 = vector.shape_cast %reduce_sum3A_13 : vector<1xf32> to vector<1x1x1xf32>
    %reduce_sum3A_15 = vector.extract %reduce_sum3A_14[0, 0, 0] : f32 from vector<1x1x1xf32>
    %add3A_16 = arith.addf %add3A_6, %reduce_sum3A_15 : f32
    %get3A_17 = arith.constant 0 : index
    %get3A_18 = arith.constant 0 : index
    %get3A_19 = vector.load %arg2[%get3A_17, %get3A_18] : memref<1280x1280xf32, #tpu.memory_space<vmem>>, vector<1280x1280xf32>
    %mul3A_20 = arith.mulf %get3A_19, %get3A_19 : vector<1280x1280xf32>
    %reduce_sum3A_21 = vector.shape_cast %mul3A_20 : vector<1280x1280xf32> to vector<1x1280x1280xf32>
    %reduce_sum3A_22 = arith.constant dense<0.000000e+00> : vector<1xf32>
    %reduce_sum3A_23 = vector.multi_reduction <add>, %reduce_sum3A_21, %reduce_sum3A_22 [1, 2] : vector<1x1280x1280xf32> to vector<1xf32>
    %reduce_sum3A_24 = vector.shape_cast %reduce_sum3A_23 : vector<1xf32> to vector<1x1x1xf32>
    %reduce_sum3A_25 = vector.extract %reduce_sum3A_24[0, 0, 0] : f32 from vector<1x1x1xf32>
    %add3A_26 = arith.addf %add3A_16, %reduce_sum3A_25 : f32
    %get3A_27 = arith.constant 0 : index
    %get3A_28 = arith.constant 0 : index
    %get3A_29 = vector.load %arg3[%get3A_27, %get3A_28] : memref<1x1280xf32, #tpu.memory_space<vmem>>, vector<1x1280xf32>
    %mul3A_30 = arith.mulf %get3A_29, %get3A_29 : vector<1x1280xf32>
    %reduce_sum3A_31 = vector.shape_cast %mul3A_30 : vector<1x1280xf32> to vector<1x1x1280xf32>
    %reduce_sum3A_32 = arith.constant dense<0.000000e+00> : vector<1xf32>
    %reduce_sum3A_33 = vector.multi_reduction <add>, %reduce_sum3A_31, %reduce_sum3A_32 [1, 2] : vector<1x1x1280xf32> to vector<1xf32>
    %reduce_sum3A_34 = vector.shape_cast %reduce_sum3A_33 : vector<1xf32> to vector<1x1x1xf32>
    %reduce_sum3A_35 = vector.extract %reduce_sum3A_34[0, 0, 0] : f32 from vector<1x1x1xf32>
    %add3A_36 = arith.addf %add3A_26, %reduce_sum3A_35 : f32
    %get3A_37 = arith.constant 0 : index
    %get3A_38 = arith.constant 0 : index
    %get3A_39 = vector.load %arg4[%get3A_37, %get3A_38] : memref<128x1280xf32, #tpu.memory_space<vmem>>, vector<128x1280xf32>
    %mul3A_40 = arith.mulf %get3A_39, %get3A_39 : vector<128x1280xf32>
    %reduce_sum3A_41 = vector.shape_cast %mul3A_40 : vector<128x1280xf32> to vector<1x128x1280xf32>
    %reduce_sum3A_42 = arith.constant dense<0.000000e+00> : vector<1xf32>
    %reduce_sum3A_43 = vector.multi_reduction <add>, %reduce_sum3A_41, %reduce_sum3A_42 [1, 2] : vector<1x128x1280xf32> to vector<1xf32>
    %reduce_sum3A_44 = vector.shape_cast %reduce_sum3A_43 : vector<1xf32> to vector<1x1x1xf32>
    %reduce_sum3A_45 = vector.extract %reduce_sum3A_44[0, 0, 0] : f32 from vector<1x1x1xf32>
    %add3A_46 = arith.addf %add3A_36, %reduce_sum3A_45 : f32
    %get3A_47 = arith.constant 0 : index
    %get3A_48 = arith.constant 0 : index
    %get3A_49 = vector.load %arg5[%get3A_47, %get3A_48] : memref<1x128xf32, #tpu.memory_space<vmem>>, vector<1x128xf32>
    %mul3A_50 = arith.mulf %get3A_49, %get3A_49 : vector<1x128xf32>
    %reduce_sum3A_51 = vector.shape_cast %mul3A_50 : vector<1x128xf32> to vector<1x1x128xf32>
    %reduce_sum3A_52 = arith.constant dense<0.000000e+00> : vector<1xf32>
    %reduce_sum3A_53 = vector.multi_reduction <add>, %reduce_sum3A_51, %reduce_sum3A_52 [1, 2] : vector<1x1x128xf32> to vector<1xf32>
    %reduce_sum3A_54 = vector.shape_cast %reduce_sum3A_53 : vector<1xf32> to vector<1x1x1xf32>
    %reduce_sum3A_55 = vector.extract %reduce_sum3A_54[0, 0, 0] : f32 from vector<1x1x1xf32>
    %add3A_56 = arith.addf %add3A_46, %reduce_sum3A_55 : f32
    %get3A_57 = arith.constant 0 : index
    %get3A_58 = arith.constant 0 : index
    %get3A_59 = vector.load %arg6[%get3A_57, %get3A_58] : memref<256x120xf32, #tpu.memory_space<vmem>>, vector<256x120xf32>
    %mul3A_60 = arith.mulf %get3A_59, %get3A_59 : vector<256x120xf32>
    %reduce_sum3A_61 = vector.shape_cast %mul3A_60 : vector<256x120xf32> to vector<1x256x120xf32>
    %reduce_sum3A_62 = arith.constant dense<0.000000e+00> : vector<1xf32>
    %reduce_sum3A_63 = vector.multi_reduction <add>, %reduce_sum3A_61, %reduce_sum3A_62 [1, 2] : vector<1x256x120xf32> to vector<1xf32>
    %reduce_sum3A_64 = vector.shape_cast %reduce_sum3A_63 : vector<1xf32> to vector<1x1x1xf32>
    %reduce_sum3A_65 = vector.extract %reduce_sum3A_64[0, 0, 0] : f32 from vector<1x1x1xf32>
    %add3A_66 = arith.addf %add3A_56, %reduce_sum3A_65 : f32
    %get3A_67 = arith.constant 0 : index
    %get3A_68 = arith.constant 0 : index
    %get3A_69 = vector.load %arg7[%get3A_67, %get3A_68] : memref<1x256xf32, #tpu.memory_space<vmem>>, vector<1x256xf32>
    %mul3A_70 = arith.mulf %get3A_69, %get3A_69 : vector<1x256xf32>
    %reduce_sum3A_71 = vector.shape_cast %mul3A_70 : vector<1x256xf32> to vector<1x1x256xf32>
    %reduce_sum3A_72 = arith.constant dense<0.000000e+00> : vector<1xf32>
    %reduce_sum3A_73 = vector.multi_reduction <add>, %reduce_sum3A_71, %reduce_sum3A_72 [1, 2] : vector<1x1x256xf32> to vector<1xf32>
    %reduce_sum3A_74 = vector.shape_cast %reduce_sum3A_73 : vector<1xf32> to vector<1x1x1xf32>
    %reduce_sum3A_75 = vector.extract %reduce_sum3A_74[0, 0, 0] : f32 from vector<1x1x1xf32>
    %add3A_76 = arith.addf %add3A_66, %reduce_sum3A_75 : f32
    %get3A_77 = arith.constant 0 : index
    %get3A_78 = arith.constant 0 : index
    %get3A_79 = vector.load %arg8[%get3A_77, %get3A_78] : memref<256x256xf32, #tpu.memory_space<vmem>>, vector<256x256xf32>
    %mul3A_80 = arith.mulf %get3A_79, %get3A_79 : vector<256x256xf32>
    %reduce_sum3A_81 = vector.shape_cast %mul3A_80 : vector<256x256xf32> to vector<1x256x256xf32>
    %reduce_sum3A_82 = arith.constant dense<0.000000e+00> : vector<1xf32>
    %reduce_sum3A_83 = vector.multi_reduction <add>, %reduce_sum3A_81, %reduce_sum3A_82 [1, 2] : vector<1x256x256xf32> to vector<1xf32>
    %reduce_sum3A_84 = vector.shape_cast %reduce_sum3A_83 : vector<1xf32> to vector<1x1x1xf32>
    %reduce_sum3A_85 = vector.extract %reduce_sum3A_84[0, 0, 0] : f32 from vector<1x1x1xf32>
    %add3A_86 = arith.addf %add3A_76, %reduce_sum3A_85 : f32
    %get3A_87 = arith.constant 0 : index
    %get3A_88 = arith.constant 0 : index
    %get3A_89 = vector.load %arg9[%get3A_87, %get3A_88] : memref<1x256xf32, #tpu.memory_space<vmem>>, vector<1x256xf32>
    %mul3A_90 = arith.mulf %get3A_89, %get3A_89 : vector<1x256xf32>
    %reduce_sum3A_91 = vector.shape_cast %mul3A_90 : vector<1x256xf32> to vector<1x1x256xf32>
    %reduce_sum3A_92 = arith.constant dense<0.000000e+00> : vector<1xf32>
    %reduce_sum3A_93 = vector.multi_reduction <add>, %reduce_sum3A_91, %reduce_sum3A_92 [1, 2] : vector<1x1x256xf32> to vector<1xf32>
    %reduce_sum3A_94 = vector.shape_cast %reduce_sum3A_93 : vector<1xf32> to vector<1x1x1xf32>
    %reduce_sum3A_95 = vector.extract %reduce_sum3A_94[0, 0, 0] : f32 from vector<1x1x1xf32>
    %add3A_96 = arith.addf %add3A_86, %reduce_sum3A_95 : f32
    %get3A_97 = arith.constant 0 : index
    %get3A_98 = arith.constant 0 : index
    %get3A_99 = vector.load %arg10[%get3A_97, %get3A_98] : memref<128x256xf32, #tpu.memory_space<vmem>>, vector<128x256xf32>
    %mul3A_100 = arith.mulf %get3A_99, %get3A_99 : vector<128x256xf32>
    %reduce_sum3A_101 = vector.shape_cast %mul3A_100 : vector<128x256xf32> to vector<1x128x256xf32>
    %reduce_sum3A_102 = arith.constant dense<0.000000e+00> : vector<1xf32>
    %reduce_sum3A_103 = vector.multi_reduction <add>, %reduce_sum3A_101, %reduce_sum3A_102 [1, 2] : vector<1x128x256xf32> to vector<1xf32>
    %reduce_sum3A_104 = vector.shape_cast %reduce_sum3A_103 : vector<1xf32> to vector<1x1x1xf32>
    %reduce_sum3A_105 = vector.extract %reduce_sum3A_104[0, 0, 0] : f32 from vector<1x1x1xf32>
    %add3A_106 = arith.addf %add3A_96, %reduce_sum3A_105 : f32
    %get3A_107 = arith.constant 0 : index
    %get3A_108 = arith.constant 0 : index
    %get3A_109 = vector.load %arg11[%get3A_107, %get3A_108] : memref<1x128xf32, #tpu.memory_space<vmem>>, vector<1x128xf32>
    %mul3A_110 = arith.mulf %get3A_109, %get3A_109 : vector<1x128xf32>
    %reduce_sum3A_111 = vector.shape_cast %mul3A_110 : vector<1x128xf32> to vector<1x1x128xf32>
    %reduce_sum3A_112 = arith.constant dense<0.000000e+00> : vector<1xf32>
    %reduce_sum3A_113 = vector.multi_reduction <add>, %reduce_sum3A_111, %reduce_sum3A_112 [1, 2] : vector<1x1x128xf32> to vector<1xf32>
    %reduce_sum3A_114 = vector.shape_cast %reduce_sum3A_113 : vector<1xf32> to vector<1x1x1xf32>
    %reduce_sum3A_115 = vector.extract %reduce_sum3A_114[0, 0, 0] : f32 from vector<1x1x1xf32>
    %add3A_116 = arith.addf %add3A_106, %reduce_sum3A_115 : f32
    %get3A_117 = arith.constant 0 : index
    %get3A_118 = arith.constant 0 : index
    %get3A_119 = vector.load %arg12[%get3A_117, %get3A_118] : memref<256x129xf32, #tpu.memory_space<vmem>>, vector<256x129xf32>
    %mul3A_120 = arith.mulf %get3A_119, %get3A_119 : vector<256x129xf32>
    %reduce_sum3A_121 = vector.shape_cast %mul3A_120 : vector<256x129xf32> to vector<1x256x129xf32>
    %reduce_sum3A_122 = arith.constant dense<0.000000e+00> : vector<1xf32>
    %reduce_sum3A_123 = vector.multi_reduction <add>, %reduce_sum3A_121, %reduce_sum3A_122 [1, 2] : vector<1x256x129xf32> to vector<1xf32>
    %reduce_sum3A_124 = vector.shape_cast %reduce_sum3A_123 : vector<1xf32> to vector<1x1x1xf32>
    %reduce_sum3A_125 = vector.extract %reduce_sum3A_124[0, 0, 0] : f32 from vector<1x1x1xf32>
    %add3A_126 = arith.addf %add3A_116, %reduce_sum3A_125 : f32
    %get3A_127 = arith.constant 0 : index
    %get3A_128 = arith.constant 0 : index
    %get3A_129 = vector.load %arg13[%get3A_127, %get3A_128] : memref<1x256xf32, #tpu.memory_space<vmem>>, vector<1x256xf32>
    %mul3A_130 = arith.mulf %get3A_129, %get3A_129 : vector<1x256xf32>
    %reduce_sum3A_131 = vector.shape_cast %mul3A_130 : vector<1x256xf32> to vector<1x1x256xf32>
    %reduce_sum3A_132 = arith.constant dense<0.000000e+00> : vector<1xf32>
    %reduce_sum3A_133 = vector.multi_reduction <add>, %reduce_sum3A_131, %reduce_sum3A_132 [1, 2] : vector<1x1x256xf32> to vector<1xf32>
    %reduce_sum3A_134 = vector.shape_cast %reduce_sum3A_133 : vector<1xf32> to vector<1x1x1xf32>
    %reduce_sum3A_135 = vector.extract %reduce_sum3A_134[0, 0, 0] : f32 from vector<1x1x1xf32>
    %add3A_136 = arith.addf %add3A_126, %reduce_sum3A_135 : f32
    %get3A_137 = arith.constant 0 : index
    %get3A_138 = arith.constant 0 : index
    %get3A_139 = vector.load %arg14[%get3A_137, %get3A_138] : memref<256x256xf32, #tpu.memory_space<vmem>>, vector<256x256xf32>
    %mul3A_140 = arith.mulf %get3A_139, %get3A_139 : vector<256x256xf32>
    %reduce_sum3A_141 = vector.shape_cast %mul3A_140 : vector<256x256xf32> to vector<1x256x256xf32>
    %reduce_sum3A_142 = arith.constant dense<0.000000e+00> : vector<1xf32>
    %reduce_sum3A_143 = vector.multi_reduction <add>, %reduce_sum3A_141, %reduce_sum3A_142 [1, 2] : vector<1x256x256xf32> to vector<1xf32>
    %reduce_sum3A_144 = vector.shape_cast %reduce_sum3A_143 : vector<1xf32> to vector<1x1x1xf32>
    %reduce_sum3A_145 = vector.extract %reduce_sum3A_144[0, 0, 0] : f32 from vector<1x1x1xf32>
    %add3A_146 = arith.addf %add3A_136, %reduce_sum3A_145 : f32
    %get3A_147 = arith.constant 0 : index
    %get3A_148 = arith.constant 0 : index
    %get3A_149 = vector.load %arg15[%get3A_147, %get3A_148] : memref<1x256xf32, #tpu.memory_space<vmem>>, vector<1x256xf32>
    %mul3A_150 = arith.mulf %get3A_149, %get3A_149 : vector<1x256xf32>
    %reduce_sum3A_151 = vector.shape_cast %mul3A_150 : vector<1x256xf32> to vector<1x1x256xf32>
    %reduce_sum3A_152 = arith.constant dense<0.000000e+00> : vector<1xf32>
    %reduce_sum3A_153 = vector.multi_reduction <add>, %reduce_sum3A_151, %reduce_sum3A_152 [1, 2] : vector<1x1x256xf32> to vector<1xf32>
    %reduce_sum3A_154 = vector.shape_cast %reduce_sum3A_153 : vector<1xf32> to vector<1x1x1xf32>
    %reduce_sum3A_155 = vector.extract %reduce_sum3A_154[0, 0, 0] : f32 from vector<1x1x1xf32>
    %add3A_156 = arith.addf %add3A_146, %reduce_sum3A_155 : f32
    %get3A_157 = arith.constant 0 : index
    %get3A_158 = arith.constant 0 : index
    %get3A_159 = vector.load %arg16[%get3A_157, %get3A_158] : memref<128x256xf32, #tpu.memory_space<vmem>>, vector<128x256xf32>
    %mul3A_160 = arith.mulf %get3A_159, %get3A_159 : vector<128x256xf32>
    %reduce_sum3A_161 = vector.shape_cast %mul3A_160 : vector<128x256xf32> to vector<1x128x256xf32>
    %reduce_sum3A_162 = arith.constant dense<0.000000e+00> : vector<1xf32>
    %reduce_sum3A_163 = vector.multi_reduction <add>, %reduce_sum3A_161, %reduce_sum3A_162 [1, 2] : vector<1x128x256xf32> to vector<1xf32>
    %reduce_sum3A_164 = vector.shape_cast %reduce_sum3A_163 : vector<1xf32> to vector<1x1x1xf32>
    %reduce_sum3A_165 = vector.extract %reduce_sum3A_164[0, 0, 0] : f32 from vector<1x1x1xf32>
    %add3A_166 = arith.addf %add3A_156, %reduce_sum3A_165 : f32
    %get3A_167 = arith.constant 0 : index
    %get3A_168 = arith.constant 0 : index
    %get3A_169 = vector.load %arg17[%get3A_167, %get3A_168] : memref<1x128xf32, #tpu.memory_space<vmem>>, vector<1x128xf32>
    %mul3A_170 = arith.mulf %get3A_169, %get3A_169 : vector<1x128xf32>
    %reduce_sum3A_171 = vector.shape_cast %mul3A_170 : vector<1x128xf32> to vector<1x1x128xf32>
    %reduce_sum3A_172 = arith.constant dense<0.000000e+00> : vector<1xf32>
    %reduce_sum3A_173 = vector.multi_reduction <add>, %reduce_sum3A_171, %reduce_sum3A_172 [1, 2] : vector<1x1x128xf32> to vector<1xf32>
    %reduce_sum3A_174 = vector.shape_cast %reduce_sum3A_173 : vector<1xf32> to vector<1x1x1xf32>
    %reduce_sum3A_175 = vector.extract %reduce_sum3A_174[0, 0, 0] : f32 from vector<1x1x1xf32>
    %add3A_176 = arith.addf %add3A_166, %reduce_sum3A_175 : f32
    %get3A_177 = arith.constant 0 : index
    %get3A_178 = arith.constant 0 : index
    %get3A_179 = vector.load %arg18[%get3A_177, %get3A_178] : memref<128x128xf32, #tpu.memory_space<vmem>>, vector<128x128xf32>
    %mul3A_180 = arith.mulf %get3A_179, %get3A_179 : vector<128x128xf32>
    %reduce_sum3A_181 = vector.shape_cast %mul3A_180 : vector<128x128xf32> to vector<1x128x128xf32>
    %reduce_sum3A_182 = arith.constant dense<0.000000e+00> : vector<1xf32>
    %reduce_sum3A_183 = vector.multi_reduction <add>, %reduce_sum3A_181, %reduce_sum3A_182 [1, 2] : vector<1x128x128xf32> to vector<1xf32>
    %reduce_sum3A_184 = vector.shape_cast %reduce_sum3A_183 : vector<1xf32> to vector<1x1x1xf32>
    %reduce_sum3A_185 = vector.extract %reduce_sum3A_184[0, 0, 0] : f32 from vector<1x1x1xf32>
    %add3A_186 = arith.addf %add3A_176, %reduce_sum3A_185 : f32
    %get3A_187 = arith.constant 0 : index
    %get3A_188 = arith.constant 0 : index
    %get3A_189 = vector.load %arg19[%get3A_187, %get3A_188] : memref<1x128xf32, #tpu.memory_space<vmem>>, vector<1x128xf32>
    %mul3A_190 = arith.mulf %get3A_189, %get3A_189 : vector<1x128xf32>
    %reduce_sum3A_191 = vector.shape_cast %mul3A_190 : vector<1x128xf32> to vector<1x1x128xf32>
    %reduce_sum3A_192 = arith.constant dense<0.000000e+00> : vector<1xf32>
    %reduce_sum3A_193 = vector.multi_reduction <add>, %reduce_sum3A_191, %reduce_sum3A_192 [1, 2] : vector<1x1x128xf32> to vector<1xf32>
    %reduce_sum3A_194 = vector.shape_cast %reduce_sum3A_193 : vector<1xf32> to vector<1x1x1xf32>
    %reduce_sum3A_195 = vector.extract %reduce_sum3A_194[0, 0, 0] : f32 from vector<1x1x1xf32>
    %add3A_196 = arith.addf %add3A_186, %reduce_sum3A_195 : f32
    %get3A_197 = arith.constant 0 : index
    %get3A_198 = arith.constant 0 : index
    %get3A_199 = vector.load %arg20[%get3A_197, %get3A_198] : memref<128x128xf32, #tpu.memory_space<vmem>>, vector<128x128xf32>
    %mul3A_200 = arith.mulf %get3A_199, %get3A_199 : vector<128x128xf32>
    %reduce_sum3A_201 = vector.shape_cast %mul3A_200 : vector<128x128xf32> to vector<1x128x128xf32>
    %reduce_sum3A_202 = arith.constant dense<0.000000e+00> : vector<1xf32>
    %reduce_sum3A_203 = vector.multi_reduction <add>, %reduce_sum3A_201, %reduce_sum3A_202 [1, 2] : vector<1x128x128xf32> to vector<1xf32>
    %reduce_sum3A_204 = vector.shape_cast %reduce_sum3A_203 : vector<1xf32> to vector<1x1x1xf32>
    %reduce_sum3A_205 = vector.extract %reduce_sum3A_204[0, 0, 0] : f32 from vector<1x1x1xf32>
    %add3A_206 = arith.addf %add3A_196, %reduce_sum3A_205 : f32
    %get3A_207 = arith.constant 0 : index
    %get3A_208 = arith.constant 0 : index
    %get3A_209 = vector.load %arg21[%get3A_207, %get3A_208] : memref<1x128xf32, #tpu.memory_space<vmem>>, vector<1x128xf32>
    %mul3A_210 = arith.mulf %get3A_209, %get3A_209 : vector<1x128xf32>
    %reduce_sum3A_211 = vector.shape_cast %mul3A_210 : vector<1x128xf32> to vector<1x1x128xf32>
    %reduce_sum3A_212 = arith.constant dense<0.000000e+00> : vector<1xf32>
    %reduce_sum3A_213 = vector.multi_reduction <add>, %reduce_sum3A_211, %reduce_sum3A_212 [1, 2] : vector<1x1x128xf32> to vector<1xf32>
    %reduce_sum3A_214 = vector.shape_cast %reduce_sum3A_213 : vector<1xf32> to vector<1x1x1xf32>
    %reduce_sum3A_215 = vector.extract %reduce_sum3A_214[0, 0, 0] : f32 from vector<1x1x1xf32>
    %add3A_216 = arith.addf %add3A_206, %reduce_sum3A_215 : f32
    %get3A_217 = arith.constant 0 : index
    %get3A_218 = arith.constant 0 : index
    %get3A_219 = vector.load %arg22[%get3A_217, %get3A_218] : memref<128x128xf32, #tpu.memory_space<vmem>>, vector<128x128xf32>
    %mul3A_220 = arith.mulf %get3A_219, %get3A_219 : vector<128x128xf32>
    %reduce_sum3A_221 = vector.shape_cast %mul3A_220 : vector<128x128xf32> to vector<1x128x128xf32>
    %reduce_sum3A_222 = arith.constant dense<0.000000e+00> : vector<1xf32>
    %reduce_sum3A_223 = vector.multi_reduction <add>, %reduce_sum3A_221, %reduce_sum3A_222 [1, 2] : vector<1x128x128xf32> to vector<1xf32>
    %reduce_sum3A_224 = vector.shape_cast %reduce_sum3A_223 : vector<1xf32> to vector<1x1x1xf32>
    %reduce_sum3A_225 = vector.extract %reduce_sum3A_224[0, 0, 0] : f32 from vector<1x1x1xf32>
    %add3A_226 = arith.addf %add3A_216, %reduce_sum3A_225 : f32
    %get3A_227 = arith.constant 0 : index
    %get3A_228 = arith.constant 0 : index
    %get3A_229 = vector.load %arg23[%get3A_227, %get3A_228] : memref<1x128xf32, #tpu.memory_space<vmem>>, vector<1x128xf32>
    %mul3A_230 = arith.mulf %get3A_229, %get3A_229 : vector<1x128xf32>
    %reduce_sum3A_231 = vector.shape_cast %mul3A_230 : vector<1x128xf32> to vector<1x1x128xf32>
    %reduce_sum3A_232 = arith.constant dense<0.000000e+00> : vector<1xf32>
    %reduce_sum3A_233 = vector.multi_reduction <add>, %reduce_sum3A_231, %reduce_sum3A_232 [1, 2] : vector<1x1x128xf32> to vector<1xf32>
    %reduce_sum3A_234 = vector.shape_cast %reduce_sum3A_233 : vector<1xf32> to vector<1x1x1xf32>
    %reduce_sum3A_235 = vector.extract %reduce_sum3A_234[0, 0, 0] : f32 from vector<1x1x1xf32>
    %add3A_236 = arith.addf %add3A_226, %reduce_sum3A_235 : f32
    %get3A_237 = arith.constant 0 : index
    %get3A_238 = arith.constant 0 : index
    %get3A_239 = vector.load %arg24[%get3A_237, %get3A_238] : memref<128x128xf32, #tpu.memory_space<vmem>>, vector<128x128xf32>
    %mul3A_240 = arith.mulf %get3A_239, %get3A_239 : vector<128x128xf32>
    %reduce_sum3A_241 = vector.shape_cast %mul3A_240 : vector<128x128xf32> to vector<1x128x128xf32>
    %reduce_sum3A_242 = arith.constant dense<0.000000e+00> : vector<1xf32>
    %reduce_sum3A_243 = vector.multi_reduction <add>, %reduce_sum3A_241, %reduce_sum3A_242 [1, 2] : vector<1x128x128xf32> to vector<1xf32>
    %reduce_sum3A_244 = vector.shape_cast %reduce_sum3A_243 : vector<1xf32> to vector<1x1x1xf32>
    %reduce_sum3A_245 = vector.extract %reduce_sum3A_244[0, 0, 0] : f32 from vector<1x1x1xf32>
    %add3A_246 = arith.addf %add3A_236, %reduce_sum3A_245 : f32
    %get3A_247 = arith.constant 0 : index
    %get3A_248 = arith.constant 0 : index
    %get3A_249 = vector.load %arg25[%get3A_247, %get3A_248] : memref<1x128xf32, #tpu.memory_space<vmem>>, vector<1x128xf32>
    %mul3A_250 = arith.mulf %get3A_249, %get3A_249 : vector<1x128xf32>
    %reduce_sum3A_251 = vector.shape_cast %mul3A_250 : vector<1x128xf32> to vector<1x1x128xf32>
    %reduce_sum3A_252 = arith.constant dense<0.000000e+00> : vector<1xf32>
    %reduce_sum3A_253 = vector.multi_reduction <add>, %reduce_sum3A_251, %reduce_sum3A_252 [1, 2] : vector<1x1x128xf32> to vector<1xf32>
    %reduce_sum3A_254 = vector.shape_cast %reduce_sum3A_253 : vector<1xf32> to vector<1x1x1xf32>
    %reduce_sum3A_255 = vector.extract %reduce_sum3A_254[0, 0, 0] : f32 from vector<1x1x1xf32>
    %add3A_256 = arith.addf %add3A_246, %reduce_sum3A_255 : f32
    %get3A_257 = arith.constant 0 : index
    %get3A_258 = arith.constant 0 : index
    %get3A_259 = vector.load %arg26[%get3A_257, %get3A_258] : memref<128x128xf32, #tpu.memory_space<vmem>>, vector<128x128xf32>
    %mul3A_260 = arith.mulf %get3A_259, %get3A_259 : vector<128x128xf32>
    %reduce_sum3A_261 = vector.shape_cast %mul3A_260 : vector<128x128xf32> to vector<1x128x128xf32>
    %reduce_sum3A_262 = arith.constant dense<0.000000e+00> : vector<1xf32>
    %reduce_sum3A_263 = vector.multi_reduction <add>, %reduce_sum3A_261, %reduce_sum3A_262 [1, 2] : vector<1x128x128xf32> to vector<1xf32>
    %reduce_sum3A_264 = vector.shape_cast %reduce_sum3A_263 : vector<1xf32> to vector<1x1x1xf32>
    %reduce_sum3A_265 = vector.extract %reduce_sum3A_264[0, 0, 0] : f32 from vector<1x1x1xf32>
    %add3A_266 = arith.addf %add3A_256, %reduce_sum3A_265 : f32
    %get3A_267 = arith.constant 0 : index
    %get3A_268 = arith.constant 0 : index
    %get3A_269 = vector.load %arg27[%get3A_267, %get3A_268] : memref<128x128xf32, #tpu.memory_space<vmem>>, vector<128x128xf32>
    %mul3A_270 = arith.mulf %get3A_269, %get3A_269 : vector<128x128xf32>
    %reduce_sum3A_271 = vector.shape_cast %mul3A_270 : vector<128x128xf32> to vector<1x128x128xf32>
    %reduce_sum3A_272 = arith.constant dense<0.000000e+00> : vector<1xf32>
    %reduce_sum3A_273 = vector.multi_reduction <add>, %reduce_sum3A_271, %reduce_sum3A_272 [1, 2] : vector<1x128x128xf32> to vector<1xf32>
    %reduce_sum3A_274 = vector.shape_cast %reduce_sum3A_273 : vector<1xf32> to vector<1x1x1xf32>
    %reduce_sum3A_275 = vector.extract %reduce_sum3A_274[0, 0, 0] : f32 from vector<1x1x1xf32>
    %add3A_276 = arith.addf %add3A_266, %reduce_sum3A_275 : f32
    %swap3A = arith.constant 0 : index
    %swap3A_277 = arith.constant 0 : index
    %swap3A_278 = memref.load %arg28[%swap3A, %swap3A_277] : memref<1x1xf32, #tpu.memory_space<smem>>
    memref.store %add3A_276, %arg28[%swap3A, %swap3A_277] : memref<1x1xf32, #tpu.memory_space<smem>>
    return
  }
}

module attributes {stable_mosaic.version = 14 : i64} {
  func.func @_cons_body(%arg0: memref<5000x128xf32, #tpu.memory_space<vmem>>, %arg1: memref<5000x128xf32, #tpu.memory_space<vmem>>, %arg2: memref<128x128xf32, #tpu.memory_space<vmem>>, %arg3: memref<1x128xf32, #tpu.memory_space<vmem>>, %arg4: memref<32x128xf32, #tpu.memory_space<vmem>>, %arg5: memref<1x32xf32, #tpu.memory_space<vmem>>, %arg6: memref<128x128xf32, #tpu.memory_space<vmem>>, %arg7: memref<1x128xf32, #tpu.memory_space<vmem>>, %arg8: memref<32x128xf32, #tpu.memory_space<vmem>>, %arg9: memref<1x32xf32, #tpu.memory_space<vmem>>, %arg10: memref<1x2xf32, #tpu.memory_space<smem>>) attributes {dimension_semantics = [], scalar_prefetch = 0 : i64, scratch_operands = 0 : i64, tpu.core_type = #tpu.core_type<tc>} {
    %get3A = arith.constant 0 : index
    %get3A_0 = arith.constant 0 : index
    %get3A_1 = vector.load %arg0[%get3A, %get3A_0] : memref<5000x128xf32, #tpu.memory_space<vmem>>, vector<5000x128xf32>
    %get3A_2 = arith.constant 0 : index
    %get3A_3 = arith.constant 0 : index
    %get3A_4 = vector.load %arg2[%get3A_2, %get3A_3] : memref<128x128xf32, #tpu.memory_space<vmem>>, vector<128x128xf32>
    %dot_general3A = arith.constant dense<0.000000e+00> : vector<5000x128xf32>
    %dot_general3A_5 = tpu.matmul %get3A_1, %get3A_4, %dot_general3A {dimension_numbers = #tpu.dot_dimension_numbers<[1], [1], [0], [0], [0, 0, 1, 0], [], []>, transpose_lhs_hint = false} : vector<5000x128xf32>, vector<128x128xf32>, vector<5000x128xf32> -> vector<5000x128xf32>
    %get3A_6 = arith.constant 0 : index
    %get3A_7 = arith.constant 0 : index
    %get3A_8 = vector.load %arg3[%get3A_6, %get3A_7] : memref<1x128xf32, #tpu.memory_space<vmem>>, vector<1x128xf32>
    %add3A = vector.broadcast %get3A_8 : vector<1x128xf32> to vector<5000x128xf32>
    %add3A_9 = arith.addf %dot_general3A_5, %add3A : vector<5000x128xf32>
    %max3A = arith.constant 0.000000e+00 : f32
    %max3A_10 = vector.broadcast %max3A : f32 to vector<5000x128xf32>
    %max3A_11 = arith.maximumf %add3A_9, %max3A_10 : vector<5000x128xf32>
    %get3A_12 = arith.constant 0 : index
    %get3A_13 = arith.constant 0 : index
    %get3A_14 = vector.load %arg4[%get3A_12, %get3A_13] : memref<32x128xf32, #tpu.memory_space<vmem>>, vector<32x128xf32>
    %dot_general3A_15 = arith.constant dense<0.000000e+00> : vector<5000x32xf32>
    %dot_general3A_16 = tpu.matmul %max3A_11, %get3A_14, %dot_general3A_15 {dimension_numbers = #tpu.dot_dimension_numbers<[1], [1], [0], [0], [0, 0, 1, 0], [], []>, transpose_lhs_hint = false} : vector<5000x128xf32>, vector<32x128xf32>, vector<5000x32xf32> -> vector<5000x32xf32>
    %get3A_17 = arith.constant 0 : index
    %get3A_18 = arith.constant 0 : index
    %get3A_19 = vector.load %arg5[%get3A_17, %get3A_18] : memref<1x32xf32, #tpu.memory_space<vmem>>, vector<1x32xf32>
    %add3A_20 = vector.broadcast %get3A_19 : vector<1x32xf32> to vector<5000x32xf32>
    %add3A_21 = arith.addf %dot_general3A_16, %add3A_20 : vector<5000x32xf32>
    %get3A_22 = arith.constant 0 : index
    %get3A_23 = arith.constant 0 : index
    %get3A_24 = vector.load %arg1[%get3A_22, %get3A_23] : memref<5000x128xf32, #tpu.memory_space<vmem>>, vector<5000x128xf32>
    %get3A_25 = arith.constant 0 : index
    %get3A_26 = arith.constant 0 : index
    %get3A_27 = vector.load %arg6[%get3A_25, %get3A_26] : memref<128x128xf32, #tpu.memory_space<vmem>>, vector<128x128xf32>
    %dot_general3A_28 = arith.constant dense<0.000000e+00> : vector<5000x128xf32>
    %dot_general3A_29 = tpu.matmul %get3A_24, %get3A_27, %dot_general3A_28 {dimension_numbers = #tpu.dot_dimension_numbers<[1], [1], [0], [0], [0, 0, 1, 0], [], []>, transpose_lhs_hint = false} : vector<5000x128xf32>, vector<128x128xf32>, vector<5000x128xf32> -> vector<5000x128xf32>
    %get3A_30 = arith.constant 0 : index
    %get3A_31 = arith.constant 0 : index
    %get3A_32 = vector.load %arg7[%get3A_30, %get3A_31] : memref<1x128xf32, #tpu.memory_space<vmem>>, vector<1x128xf32>
    %add3A_33 = vector.broadcast %get3A_32 : vector<1x128xf32> to vector<5000x128xf32>
    %add3A_34 = arith.addf %dot_general3A_29, %add3A_33 : vector<5000x128xf32>
    %max3A_35 = arith.constant 0.000000e+00 : f32
    %max3A_36 = vector.broadcast %max3A_35 : f32 to vector<5000x128xf32>
    %max3A_37 = arith.maximumf %add3A_34, %max3A_36 : vector<5000x128xf32>
    %get3A_38 = arith.constant 0 : index
    %get3A_39 = arith.constant 0 : index
    %get3A_40 = vector.load %arg8[%get3A_38, %get3A_39] : memref<32x128xf32, #tpu.memory_space<vmem>>, vector<32x128xf32>
    %dot_general3A_41 = arith.constant dense<0.000000e+00> : vector<5000x32xf32>
    %dot_general3A_42 = tpu.matmul %max3A_37, %get3A_40, %dot_general3A_41 {dimension_numbers = #tpu.dot_dimension_numbers<[1], [1], [0], [0], [0, 0, 1, 0], [], []>, transpose_lhs_hint = false} : vector<5000x128xf32>, vector<32x128xf32>, vector<5000x32xf32> -> vector<5000x32xf32>
    %get3A_43 = arith.constant 0 : index
    %get3A_44 = arith.constant 0 : index
    %get3A_45 = vector.load %arg9[%get3A_43, %get3A_44] : memref<1x32xf32, #tpu.memory_space<vmem>>, vector<1x32xf32>
    %add3A_46 = vector.broadcast %get3A_45 : vector<1x32xf32> to vector<5000x32xf32>
    %add3A_47 = arith.addf %dot_general3A_42, %add3A_46 : vector<5000x32xf32>
    %mul3A = arith.mulf %add3A_21, %add3A_21 : vector<5000x32xf32>
    %reduce_sum3A = arith.constant dense<0.000000e+00> : vector<5000xf32>
    %reduce_sum3A_48 = vector.multi_reduction <add>, %mul3A, %reduce_sum3A [1] : vector<5000x32xf32> to vector<5000xf32>
    %broadcast_in_dim3A = vector.shape_cast %reduce_sum3A_48 : vector<5000xf32> to vector<5000x1xf32>
    %sqrt3A = math.sqrt %broadcast_in_dim3A : vector<5000x1xf32>
    %mul3A_49 = arith.mulf %add3A_47, %add3A_47 : vector<5000x32xf32>
    %reduce_sum3A_50 = arith.constant dense<0.000000e+00> : vector<5000xf32>
    %reduce_sum3A_51 = vector.multi_reduction <add>, %mul3A_49, %reduce_sum3A_50 [1] : vector<5000x32xf32> to vector<5000xf32>
    %broadcast_in_dim3A_52 = vector.shape_cast %reduce_sum3A_51 : vector<5000xf32> to vector<5000x1xf32>
    %sqrt3A_53 = math.sqrt %broadcast_in_dim3A_52 : vector<5000x1xf32>
    %max3A_54 = arith.constant 9.99999996E-13 : f32
    %max3A_55 = vector.broadcast %max3A_54 : f32 to vector<5000x1xf32>
    %max3A_56 = arith.maximumf %sqrt3A, %max3A_55 : vector<5000x1xf32>
    %div3A = vector.broadcast %max3A_56 : vector<5000x1xf32> to vector<5000x32xf32>
    %div3A_57 = arith.divf %add3A_21, %div3A : vector<5000x32xf32>
    %max3A_58 = arith.constant 9.99999996E-13 : f32
    %max3A_59 = vector.broadcast %max3A_58 : f32 to vector<5000x1xf32>
    %max3A_60 = arith.maximumf %sqrt3A_53, %max3A_59 : vector<5000x1xf32>
    %div3A_61 = vector.broadcast %max3A_60 : vector<5000x1xf32> to vector<5000x32xf32>
    %div3A_62 = arith.divf %add3A_47, %div3A_61 : vector<5000x32xf32>
    %mul3A_63 = arith.mulf %div3A_57, %div3A_62 : vector<5000x32xf32>
    %reduce_sum3A_64 = arith.constant dense<0.000000e+00> : vector<5000xf32>
    %reduce_sum3A_65 = vector.multi_reduction <add>, %mul3A_63, %reduce_sum3A_64 [1] : vector<5000x32xf32> to vector<5000xf32>
    %sub3A = arith.constant 1.000000e+00 : f32
    %sub3A_66 = vector.broadcast %sub3A : f32 to vector<5000xf32>
    %sub3A_67 = arith.subf %reduce_sum3A_65, %sub3A_66 : vector<5000xf32>
    %integer_pow3A = arith.mulf %sub3A_67, %sub3A_67 : vector<5000xf32>
    %reduce_sum3A_68 = vector.shape_cast %integer_pow3A : vector<5000xf32> to vector<1x5000xf32>
    %reduce_sum3A_69 = arith.constant dense<0.000000e+00> : vector<1xf32>
    %reduce_sum3A_70 = vector.multi_reduction <add>, %reduce_sum3A_68, %reduce_sum3A_69 [1] : vector<1x5000xf32> to vector<1xf32>
    %reduce_sum3A_71 = vector.shape_cast %reduce_sum3A_70 : vector<1xf32> to vector<1x1xf32>
    %reduce_sum3A_72 = vector.extract %reduce_sum3A_71[0, 0] : f32 from vector<1x1xf32>
    %div3A_73 = arith.constant 5.000000e+03 : f32
    %div3A_74 = arith.divf %reduce_sum3A_72, %div3A_73 : f32
    %swap3A = arith.constant 0 : index
    %swap3A_75 = arith.constant 0 : index
    %swap3A_76 = memref.load %arg10[%swap3A, %swap3A_75] : memref<1x2xf32, #tpu.memory_space<smem>>
    memref.store %div3A_74, %arg10[%swap3A, %swap3A_75] : memref<1x2xf32, #tpu.memory_space<smem>>
    %get3A_77 = arith.constant 0 : index
    %get3A_78 = arith.constant 0 : index
    %get3A_79 = vector.load %arg2[%get3A_77, %get3A_78] : memref<128x128xf32, #tpu.memory_space<vmem>>, vector<128x128xf32>
    %get3A_80 = arith.constant 0 : index
    %get3A_81 = arith.constant 0 : index
    %get3A_82 = vector.load %arg2[%get3A_80, %get3A_81] : memref<128x128xf32, #tpu.memory_space<vmem>>, vector<128x128xf32>
    %mul3A_83 = arith.mulf %get3A_79, %get3A_82 : vector<128x128xf32>
    %reduce_sum3A_84 = vector.shape_cast %mul3A_83 : vector<128x128xf32> to vector<1x128x128xf32>
    %reduce_sum3A_85 = arith.constant dense<0.000000e+00> : vector<1xf32>
    %reduce_sum3A_86 = vector.multi_reduction <add>, %reduce_sum3A_84, %reduce_sum3A_85 [1, 2] : vector<1x128x128xf32> to vector<1xf32>
    %reduce_sum3A_87 = vector.shape_cast %reduce_sum3A_86 : vector<1xf32> to vector<1x1x1xf32>
    %reduce_sum3A_88 = vector.extract %reduce_sum3A_87[0, 0, 0] : f32 from vector<1x1x1xf32>
    %add3A_89 = arith.constant 0.000000e+00 : f32
    %add3A_90 = arith.addf %add3A_89, %reduce_sum3A_88 : f32
    %get3A_91 = arith.constant 0 : index
    %get3A_92 = arith.constant 0 : index
    %get3A_93 = vector.load %arg3[%get3A_91, %get3A_92] : memref<1x128xf32, #tpu.memory_space<vmem>>, vector<1x128xf32>
    %get3A_94 = arith.constant 0 : index
    %get3A_95 = arith.constant 0 : index
    %get3A_96 = vector.load %arg3[%get3A_94, %get3A_95] : memref<1x128xf32, #tpu.memory_space<vmem>>, vector<1x128xf32>
    %mul3A_97 = arith.mulf %get3A_93, %get3A_96 : vector<1x128xf32>
    %reduce_sum3A_98 = vector.shape_cast %mul3A_97 : vector<1x128xf32> to vector<1x1x128xf32>
    %reduce_sum3A_99 = arith.constant dense<0.000000e+00> : vector<1xf32>
    %reduce_sum3A_100 = vector.multi_reduction <add>, %reduce_sum3A_98, %reduce_sum3A_99 [1, 2] : vector<1x1x128xf32> to vector<1xf32>
    %reduce_sum3A_101 = vector.shape_cast %reduce_sum3A_100 : vector<1xf32> to vector<1x1x1xf32>
    %reduce_sum3A_102 = vector.extract %reduce_sum3A_101[0, 0, 0] : f32 from vector<1x1x1xf32>
    %add3A_103 = arith.addf %add3A_90, %reduce_sum3A_102 : f32
    %get3A_104 = arith.constant 0 : index
    %get3A_105 = arith.constant 0 : index
    %get3A_106 = vector.load %arg4[%get3A_104, %get3A_105] : memref<32x128xf32, #tpu.memory_space<vmem>>, vector<32x128xf32>
    %get3A_107 = arith.constant 0 : index
    %get3A_108 = arith.constant 0 : index
    %get3A_109 = vector.load %arg4[%get3A_107, %get3A_108] : memref<32x128xf32, #tpu.memory_space<vmem>>, vector<32x128xf32>
    %mul3A_110 = arith.mulf %get3A_106, %get3A_109 : vector<32x128xf32>
    %reduce_sum3A_111 = vector.shape_cast %mul3A_110 : vector<32x128xf32> to vector<1x32x128xf32>
    %reduce_sum3A_112 = arith.constant dense<0.000000e+00> : vector<1xf32>
    %reduce_sum3A_113 = vector.multi_reduction <add>, %reduce_sum3A_111, %reduce_sum3A_112 [1, 2] : vector<1x32x128xf32> to vector<1xf32>
    %reduce_sum3A_114 = vector.shape_cast %reduce_sum3A_113 : vector<1xf32> to vector<1x1x1xf32>
    %reduce_sum3A_115 = vector.extract %reduce_sum3A_114[0, 0, 0] : f32 from vector<1x1x1xf32>
    %add3A_116 = arith.addf %add3A_103, %reduce_sum3A_115 : f32
    %get3A_117 = arith.constant 0 : index
    %get3A_118 = arith.constant 0 : index
    %get3A_119 = vector.load %arg5[%get3A_117, %get3A_118] : memref<1x32xf32, #tpu.memory_space<vmem>>, vector<1x32xf32>
    %get3A_120 = arith.constant 0 : index
    %get3A_121 = arith.constant 0 : index
    %get3A_122 = vector.load %arg5[%get3A_120, %get3A_121] : memref<1x32xf32, #tpu.memory_space<vmem>>, vector<1x32xf32>
    %mul3A_123 = arith.mulf %get3A_119, %get3A_122 : vector<1x32xf32>
    %reduce_sum3A_124 = vector.shape_cast %mul3A_123 : vector<1x32xf32> to vector<1x1x32xf32>
    %reduce_sum3A_125 = arith.constant dense<0.000000e+00> : vector<1xf32>
    %reduce_sum3A_126 = vector.multi_reduction <add>, %reduce_sum3A_124, %reduce_sum3A_125 [1, 2] : vector<1x1x32xf32> to vector<1xf32>
    %reduce_sum3A_127 = vector.shape_cast %reduce_sum3A_126 : vector<1xf32> to vector<1x1x1xf32>
    %reduce_sum3A_128 = vector.extract %reduce_sum3A_127[0, 0, 0] : f32 from vector<1x1x1xf32>
    %add3A_129 = arith.addf %add3A_116, %reduce_sum3A_128 : f32
    %get3A_130 = arith.constant 0 : index
    %get3A_131 = arith.constant 0 : index
    %get3A_132 = vector.load %arg6[%get3A_130, %get3A_131] : memref<128x128xf32, #tpu.memory_space<vmem>>, vector<128x128xf32>
    %get3A_133 = arith.constant 0 : index
    %get3A_134 = arith.constant 0 : index
    %get3A_135 = vector.load %arg6[%get3A_133, %get3A_134] : memref<128x128xf32, #tpu.memory_space<vmem>>, vector<128x128xf32>
    %mul3A_136 = arith.mulf %get3A_132, %get3A_135 : vector<128x128xf32>
    %reduce_sum3A_137 = vector.shape_cast %mul3A_136 : vector<128x128xf32> to vector<1x128x128xf32>
    %reduce_sum3A_138 = arith.constant dense<0.000000e+00> : vector<1xf32>
    %reduce_sum3A_139 = vector.multi_reduction <add>, %reduce_sum3A_137, %reduce_sum3A_138 [1, 2] : vector<1x128x128xf32> to vector<1xf32>
    %reduce_sum3A_140 = vector.shape_cast %reduce_sum3A_139 : vector<1xf32> to vector<1x1x1xf32>
    %reduce_sum3A_141 = vector.extract %reduce_sum3A_140[0, 0, 0] : f32 from vector<1x1x1xf32>
    %add3A_142 = arith.addf %add3A_129, %reduce_sum3A_141 : f32
    %get3A_143 = arith.constant 0 : index
    %get3A_144 = arith.constant 0 : index
    %get3A_145 = vector.load %arg7[%get3A_143, %get3A_144] : memref<1x128xf32, #tpu.memory_space<vmem>>, vector<1x128xf32>
    %get3A_146 = arith.constant 0 : index
    %get3A_147 = arith.constant 0 : index
    %get3A_148 = vector.load %arg7[%get3A_146, %get3A_147] : memref<1x128xf32, #tpu.memory_space<vmem>>, vector<1x128xf32>
    %mul3A_149 = arith.mulf %get3A_145, %get3A_148 : vector<1x128xf32>
    %reduce_sum3A_150 = vector.shape_cast %mul3A_149 : vector<1x128xf32> to vector<1x1x128xf32>
    %reduce_sum3A_151 = arith.constant dense<0.000000e+00> : vector<1xf32>
    %reduce_sum3A_152 = vector.multi_reduction <add>, %reduce_sum3A_150, %reduce_sum3A_151 [1, 2] : vector<1x1x128xf32> to vector<1xf32>
    %reduce_sum3A_153 = vector.shape_cast %reduce_sum3A_152 : vector<1xf32> to vector<1x1x1xf32>
    %reduce_sum3A_154 = vector.extract %reduce_sum3A_153[0, 0, 0] : f32 from vector<1x1x1xf32>
    %add3A_155 = arith.addf %add3A_142, %reduce_sum3A_154 : f32
    %get3A_156 = arith.constant 0 : index
    %get3A_157 = arith.constant 0 : index
    %get3A_158 = vector.load %arg8[%get3A_156, %get3A_157] : memref<32x128xf32, #tpu.memory_space<vmem>>, vector<32x128xf32>
    %get3A_159 = arith.constant 0 : index
    %get3A_160 = arith.constant 0 : index
    %get3A_161 = vector.load %arg8[%get3A_159, %get3A_160] : memref<32x128xf32, #tpu.memory_space<vmem>>, vector<32x128xf32>
    %mul3A_162 = arith.mulf %get3A_158, %get3A_161 : vector<32x128xf32>
    %reduce_sum3A_163 = vector.shape_cast %mul3A_162 : vector<32x128xf32> to vector<1x32x128xf32>
    %reduce_sum3A_164 = arith.constant dense<0.000000e+00> : vector<1xf32>
    %reduce_sum3A_165 = vector.multi_reduction <add>, %reduce_sum3A_163, %reduce_sum3A_164 [1, 2] : vector<1x32x128xf32> to vector<1xf32>
    %reduce_sum3A_166 = vector.shape_cast %reduce_sum3A_165 : vector<1xf32> to vector<1x1x1xf32>
    %reduce_sum3A_167 = vector.extract %reduce_sum3A_166[0, 0, 0] : f32 from vector<1x1x1xf32>
    %add3A_168 = arith.addf %add3A_155, %reduce_sum3A_167 : f32
    %get3A_169 = arith.constant 0 : index
    %get3A_170 = arith.constant 0 : index
    %get3A_171 = vector.load %arg9[%get3A_169, %get3A_170] : memref<1x32xf32, #tpu.memory_space<vmem>>, vector<1x32xf32>
    %get3A_172 = arith.constant 0 : index
    %get3A_173 = arith.constant 0 : index
    %get3A_174 = vector.load %arg9[%get3A_172, %get3A_173] : memref<1x32xf32, #tpu.memory_space<vmem>>, vector<1x32xf32>
    %mul3A_175 = arith.mulf %get3A_171, %get3A_174 : vector<1x32xf32>
    %reduce_sum3A_176 = vector.shape_cast %mul3A_175 : vector<1x32xf32> to vector<1x1x32xf32>
    %reduce_sum3A_177 = arith.constant dense<0.000000e+00> : vector<1xf32>
    %reduce_sum3A_178 = vector.multi_reduction <add>, %reduce_sum3A_176, %reduce_sum3A_177 [1, 2] : vector<1x1x32xf32> to vector<1xf32>
    %reduce_sum3A_179 = vector.shape_cast %reduce_sum3A_178 : vector<1xf32> to vector<1x1x1xf32>
    %reduce_sum3A_180 = vector.extract %reduce_sum3A_179[0, 0, 0] : f32 from vector<1x1x1xf32>
    %add3A_181 = arith.addf %add3A_168, %reduce_sum3A_180 : f32
    %swap3A_182 = arith.constant 0 : index
    %swap3A_183 = arith.constant 1 : index
    %swap3A_184 = memref.load %arg10[%swap3A_182, %swap3A_183] : memref<1x2xf32, #tpu.memory_space<smem>>
    memref.store %add3A_181, %arg10[%swap3A_182, %swap3A_183] : memref<1x2xf32, #tpu.memory_space<smem>>
    return
  }
}

module attributes {stable_mosaic.version = 14 : i64} {
  func.func @_contr_body(%arg0: i32, %arg1: memref<512x128xf32, #tpu.memory_space<vmem>>, %arg2: memref<5000x128xf32, #tpu.memory_space<vmem>>, %arg3: memref<512x128xf32, #tpu.memory_space<vmem>>, %arg4: memref<5000x128xf32, #tpu.memory_space<vmem>>, %arg5: memref<512x128xf32, #tpu.memory_space<vmem>>, %arg6: memref<512x128xf32, #tpu.memory_space<vmem>>, %arg7: memref<1x2xf32, #tpu.memory_space<smem>>) attributes {dimension_semantics = [#tpu.dimension_semantics<arbitrary>], iteration_bounds = array<i64: 8>, scalar_prefetch = 0 : i64, scratch_operands = 0 : i64, tpu.core_type = #tpu.core_type<tc>, window_params = [{transform_indices = @transform_0, window_bounds = array<i64: 512, 128>}, {pipeline_mode = #tpu.pipeline_mode<synchronous>, transform_indices = @transform_1, window_bounds = array<i64: 5000, 128>}, {transform_indices = @transform_2, window_bounds = array<i64: 512, 128>}, {pipeline_mode = #tpu.pipeline_mode<synchronous>, transform_indices = @transform_3, window_bounds = array<i64: 5000, 128>}, {transform_indices = @transform_4, window_bounds = array<i64: 512, 128>}, {transform_indices = @transform_5, window_bounds = array<i64: 512, 128>}, {transform_indices = @transform_6, window_bounds = array<i64: 1, 2>}]} {
    %eq3A = arith.constant 0 : i32
    %eq3A_0 = arith.cmpi eq, %arg0, %eq3A : i32
    %convert_element_type3A = arith.extui %eq3A_0 : i1 to i32
    %cond3A = arith.constant 0 : i32
    %cond3A_1 = arith.cmpi ne, %convert_element_type3A, %cond3A : i32
    scf.if %cond3A_1 {
      %swap3A_99 = arith.constant 0.000000e+00 : f32
      %swap3A_100 = arith.constant 0 : index
      %swap3A_101 = arith.constant 0 : index
      %swap3A_102 = memref.load %arg7[%swap3A_100, %swap3A_101] : memref<1x2xf32, #tpu.memory_space<smem>>
      memref.store %swap3A_99, %arg7[%swap3A_100, %swap3A_101] : memref<1x2xf32, #tpu.memory_space<smem>>
      %swap3A_103 = arith.constant 0.000000e+00 : f32
      %swap3A_104 = arith.constant 0 : index
      %swap3A_105 = arith.constant 1 : index
      %swap3A_106 = memref.load %arg7[%swap3A_104, %swap3A_105] : memref<1x2xf32, #tpu.memory_space<smem>>
      memref.store %swap3A_103, %arg7[%swap3A_104, %swap3A_105] : memref<1x2xf32, #tpu.memory_space<smem>>
    } else {
    }
    %get3A = arith.constant 0 : index
    %get3A_2 = arith.constant 0 : index
    %get3A_3 = vector.load %arg1[%get3A, %get3A_2] : memref<512x128xf32, #tpu.memory_space<vmem>>, vector<512x128xf32>
    %get3A_4 = arith.constant 0 : index
    %get3A_5 = arith.constant 0 : index
    %get3A_6 = vector.load %arg2[%get3A_4, %get3A_5] : memref<5000x128xf32, #tpu.memory_space<vmem>>, vector<5000x128xf32>
    %dot_general3A = arith.constant dense<0.000000e+00> : vector<512x5000xf32>
    %dot_general3A_7 = tpu.matmul %get3A_3, %get3A_6, %dot_general3A {dimension_numbers = #tpu.dot_dimension_numbers<[1], [1], [0], [0], [0, 0, 1, 0], [], []>, transpose_lhs_hint = false} : vector<512x128xf32>, vector<5000x128xf32>, vector<512x5000xf32> -> vector<512x5000xf32>
    %mul3A = arith.constant 5.000000e+00 : f32
    %mul3A_8 = vector.broadcast %mul3A : f32 to vector<512x5000xf32>
    %mul3A_9 = arith.mulf %dot_general3A_7, %mul3A_8 : vector<512x5000xf32>
    %exp3A = math.exp %mul3A_9 : vector<512x5000xf32>
    %reduce_sum3A = arith.constant dense<0.000000e+00> : vector<512xf32>
    %reduce_sum3A_10 = vector.multi_reduction <add>, %exp3A, %reduce_sum3A [1] : vector<512x5000xf32> to vector<512xf32>
    %get3A_11 = arith.constant 0 : index
    %get3A_12 = arith.constant 0 : index
    %get3A_13 = vector.load %arg3[%get3A_11, %get3A_12] : memref<512x128xf32, #tpu.memory_space<vmem>>, vector<512x128xf32>
    %get3A_14 = arith.constant 0 : index
    %get3A_15 = arith.constant 0 : index
    %get3A_16 = vector.load %arg4[%get3A_14, %get3A_15] : memref<5000x128xf32, #tpu.memory_space<vmem>>, vector<5000x128xf32>
    %dot_general3A_17 = arith.constant dense<0.000000e+00> : vector<512x5000xf32>
    %dot_general3A_18 = tpu.matmul %get3A_13, %get3A_16, %dot_general3A_17 {dimension_numbers = #tpu.dot_dimension_numbers<[1], [1], [0], [0], [0, 0, 1, 0], [], []>, transpose_lhs_hint = false} : vector<512x128xf32>, vector<5000x128xf32>, vector<512x5000xf32> -> vector<512x5000xf32>
    %mul3A_19 = arith.constant 5.000000e+00 : f32
    %mul3A_20 = vector.broadcast %mul3A_19 : f32 to vector<512x5000xf32>
    %mul3A_21 = arith.mulf %dot_general3A_18, %mul3A_20 : vector<512x5000xf32>
    %exp3A_22 = math.exp %mul3A_21 : vector<512x5000xf32>
    %reduce_sum3A_23 = arith.constant dense<0.000000e+00> : vector<512xf32>
    %reduce_sum3A_24 = vector.multi_reduction <add>, %exp3A_22, %reduce_sum3A_23 [1] : vector<512x5000xf32> to vector<512xf32>
    %add3A = arith.constant 9.99999993E-9 : f32
    %add3A_25 = vector.broadcast %add3A : f32 to vector<512xf32>
    %add3A_26 = arith.addf %reduce_sum3A_10, %add3A_25 : vector<512xf32>
    %log3A = math.log %add3A_26 : vector<512xf32>
    %reduce_sum3A_27 = vector.shape_cast %log3A : vector<512xf32> to vector<1x512xf32>
    %reduce_sum3A_28 = arith.constant dense<0.000000e+00> : vector<1xf32>
    %reduce_sum3A_29 = vector.multi_reduction <add>, %reduce_sum3A_27, %reduce_sum3A_28 [1] : vector<1x512xf32> to vector<1xf32>
    %reduce_sum3A_30 = vector.shape_cast %reduce_sum3A_29 : vector<1xf32> to vector<1x1xf32>
    %reduce_sum3A_31 = vector.extract %reduce_sum3A_30[0, 0] : f32 from vector<1x1xf32>
    %add3A_32 = arith.constant 9.99999993E-9 : f32
    %add3A_33 = vector.broadcast %add3A_32 : f32 to vector<512xf32>
    %add3A_34 = arith.addf %reduce_sum3A_24, %add3A_33 : vector<512xf32>
    %log3A_35 = math.log %add3A_34 : vector<512xf32>
    %reduce_sum3A_36 = vector.shape_cast %log3A_35 : vector<512xf32> to vector<1x512xf32>
    %reduce_sum3A_37 = arith.constant dense<0.000000e+00> : vector<1xf32>
    %reduce_sum3A_38 = vector.multi_reduction <add>, %reduce_sum3A_36, %reduce_sum3A_37 [1] : vector<1x512xf32> to vector<1xf32>
    %reduce_sum3A_39 = vector.shape_cast %reduce_sum3A_38 : vector<1xf32> to vector<1x1xf32>
    %reduce_sum3A_40 = vector.extract %reduce_sum3A_39[0, 0] : f32 from vector<1x1xf32>
    %add3A_41 = arith.addf %reduce_sum3A_31, %reduce_sum3A_40 : f32
    %get3A_42 = arith.constant 0 : index
    %get3A_43 = arith.constant 0 : index
    %get3A_44 = vector.load %arg1[%get3A_42, %get3A_43] : memref<512x128xf32, #tpu.memory_space<vmem>>, vector<512x128xf32>
    %get3A_45 = arith.constant 0 : index
    %get3A_46 = arith.constant 0 : index
    %get3A_47 = vector.load %arg5[%get3A_45, %get3A_46] : memref<512x128xf32, #tpu.memory_space<vmem>>, vector<512x128xf32>
    %mul3A_48 = arith.mulf %get3A_44, %get3A_47 : vector<512x128xf32>
    %reduce_sum3A_49 = arith.constant dense<0.000000e+00> : vector<512xf32>
    %reduce_sum3A_50 = vector.multi_reduction <add>, %mul3A_48, %reduce_sum3A_49 [1] : vector<512x128xf32> to vector<512xf32>
    %mul3A_51 = arith.constant 5.000000e+00 : f32
    %mul3A_52 = vector.broadcast %mul3A_51 : f32 to vector<512xf32>
    %mul3A_53 = arith.mulf %reduce_sum3A_50, %mul3A_52 : vector<512xf32>
    %jit3A = arith.constant -5.000000e+00 : f32
    %jit3A_54 = arith.constant 5.000000e+00 : f32
    %max3A = vector.broadcast %jit3A : f32 to vector<512xf32>
    %max3A_55 = arith.maximumf %max3A, %mul3A_53 : vector<512xf32>
    %min3A = vector.broadcast %jit3A_54 : f32 to vector<512xf32>
    %min3A_56 = arith.minimumf %min3A, %max3A_55 : vector<512xf32>
    %get3A_57 = arith.constant 0 : index
    %get3A_58 = arith.constant 0 : index
    %get3A_59 = vector.load %arg3[%get3A_57, %get3A_58] : memref<512x128xf32, #tpu.memory_space<vmem>>, vector<512x128xf32>
    %get3A_60 = arith.constant 0 : index
    %get3A_61 = arith.constant 0 : index
    %get3A_62 = vector.load %arg6[%get3A_60, %get3A_61] : memref<512x128xf32, #tpu.memory_space<vmem>>, vector<512x128xf32>
    %mul3A_63 = arith.mulf %get3A_59, %get3A_62 : vector<512x128xf32>
    %reduce_sum3A_64 = arith.constant dense<0.000000e+00> : vector<512xf32>
    %reduce_sum3A_65 = vector.multi_reduction <add>, %mul3A_63, %reduce_sum3A_64 [1] : vector<512x128xf32> to vector<512xf32>
    %mul3A_66 = arith.constant 5.000000e+00 : f32
    %mul3A_67 = vector.broadcast %mul3A_66 : f32 to vector<512xf32>
    %mul3A_68 = arith.mulf %reduce_sum3A_65, %mul3A_67 : vector<512xf32>
    %jit3A_69 = arith.constant -5.000000e+00 : f32
    %jit3A_70 = arith.constant 5.000000e+00 : f32
    %max3A_71 = vector.broadcast %jit3A_69 : f32 to vector<512xf32>
    %max3A_72 = arith.maximumf %max3A_71, %mul3A_68 : vector<512xf32>
    %min3A_73 = vector.broadcast %jit3A_70 : f32 to vector<512xf32>
    %min3A_74 = arith.minimumf %min3A_73, %max3A_72 : vector<512xf32>
    %get3A_75 = arith.constant 0 : index
    %get3A_76 = arith.constant 0 : index
    %get3A_77 = memref.load %arg7[%get3A_75, %get3A_76] : memref<1x2xf32, #tpu.memory_space<smem>>
    %add3A_78 = arith.addf %get3A_77, %add3A_41 : f32
    %swap3A = arith.constant 0 : index
    %swap3A_79 = arith.constant 0 : index
    %swap3A_80 = memref.load %arg7[%swap3A, %swap3A_79] : memref<1x2xf32, #tpu.memory_space<smem>>
    memref.store %add3A_78, %arg7[%swap3A, %swap3A_79] : memref<1x2xf32, #tpu.memory_space<smem>>
    %get3A_81 = arith.constant 0 : index
    %get3A_82 = arith.constant 1 : index
    %get3A_83 = memref.load %arg7[%get3A_81, %get3A_82] : memref<1x2xf32, #tpu.memory_space<smem>>
    %reduce_sum3A_84 = vector.shape_cast %min3A_56 : vector<512xf32> to vector<1x512xf32>
    %reduce_sum3A_85 = arith.constant dense<0.000000e+00> : vector<1xf32>
    %reduce_sum3A_86 = vector.multi_reduction <add>, %reduce_sum3A_84, %reduce_sum3A_85 [1] : vector<1x512xf32> to vector<1xf32>
    %reduce_sum3A_87 = vector.shape_cast %reduce_sum3A_86 : vector<1xf32> to vector<1x1xf32>
    %reduce_sum3A_88 = vector.extract %reduce_sum3A_87[0, 0] : f32 from vector<1x1xf32>
    %reduce_sum3A_89 = vector.shape_cast %min3A_74 : vector<512xf32> to vector<1x512xf32>
    %reduce_sum3A_90 = arith.constant dense<0.000000e+00> : vector<1xf32>
    %reduce_sum3A_91 = vector.multi_reduction <add>, %reduce_sum3A_89, %reduce_sum3A_90 [1] : vector<1x512xf32> to vector<1xf32>
    %reduce_sum3A_92 = vector.shape_cast %reduce_sum3A_91 : vector<1xf32> to vector<1x1xf32>
    %reduce_sum3A_93 = vector.extract %reduce_sum3A_92[0, 0] : f32 from vector<1x1xf32>
    %add3A_94 = arith.addf %reduce_sum3A_88, %reduce_sum3A_93 : f32
    %add3A_95 = arith.addf %get3A_83, %add3A_94 : f32
    %swap3A_96 = arith.constant 0 : index
    %swap3A_97 = arith.constant 1 : index
    %swap3A_98 = memref.load %arg7[%swap3A_96, %swap3A_97] : memref<1x2xf32, #tpu.memory_space<smem>>
    memref.store %add3A_95, %arg7[%swap3A_96, %swap3A_97] : memref<1x2xf32, #tpu.memory_space<smem>>
    return
  }
  func.func @transform_0(%arg0: i32) -> (i32, i32) {
    %c0_i32 = arith.constant 0 : i32
    %c0_i32_0 = arith.constant 0 : i32
    return %arg0, %c0_i32 : i32, i32
  }
  func.func @transform_1(%arg0: i32) -> (i32, i32) {
    %c0_i32 = arith.constant 0 : i32
    %c0_i32_0 = arith.constant 0 : i32
    %c0_i32_1 = arith.constant 0 : i32
    return %c0_i32, %c0_i32_0 : i32, i32
  }
  func.func @transform_2(%arg0: i32) -> (i32, i32) {
    %c0_i32 = arith.constant 0 : i32
    %c0_i32_0 = arith.constant 0 : i32
    return %arg0, %c0_i32 : i32, i32
  }
  func.func @transform_3(%arg0: i32) -> (i32, i32) {
    %c0_i32 = arith.constant 0 : i32
    %c0_i32_0 = arith.constant 0 : i32
    %c0_i32_1 = arith.constant 0 : i32
    return %c0_i32, %c0_i32_0 : i32, i32
  }
  func.func @transform_4(%arg0: i32) -> (i32, i32) {
    %c0_i32 = arith.constant 0 : i32
    %c0_i32_0 = arith.constant 0 : i32
    return %arg0, %c0_i32 : i32, i32
  }
  func.func @transform_5(%arg0: i32) -> (i32, i32) {
    %c0_i32 = arith.constant 0 : i32
    %c0_i32_0 = arith.constant 0 : i32
    return %arg0, %c0_i32 : i32, i32
  }
  func.func @transform_6(%arg0: i32) -> (i32, i32) {
    %c0_i32 = arith.constant 0 : i32
    %c0_i32_0 = arith.constant 0 : i32
    %c0_i32_1 = arith.constant 0 : i32
    return %c0_i32, %c0_i32_0 : i32, i32
  }
}

module attributes {stable_mosaic.version = 14 : i64} {
  func.func @_bpr_body(%arg0: memref<4096x128xf32, #tpu.memory_space<vmem>>, %arg1: memref<4096x128xf32, #tpu.memory_space<vmem>>, %arg2: memref<4096x128xf32, #tpu.memory_space<vmem>>, %arg3: memref<128x128xf32, #tpu.memory_space<vmem>>, %arg4: memref<128x128xf32, #tpu.memory_space<vmem>>, %arg5: memref<1x128xf32, #tpu.memory_space<vmem>>, %arg6: memref<128x128xf32, #tpu.memory_space<vmem>>, %arg7: memref<1x128xf32, #tpu.memory_space<vmem>>, %arg8: memref<1x128xf32, #tpu.memory_space<vmem>>, %arg9: memref<1x1xf32, #tpu.memory_space<vmem>>, %arg10: memref<1x2xf32, #tpu.memory_space<smem>>) attributes {dimension_semantics = [], scalar_prefetch = 0 : i64, scratch_operands = 0 : i64, tpu.core_type = #tpu.core_type<tc>} {
    %get3A = arith.constant 0 : index
    %get3A_0 = arith.constant 0 : index
    %get3A_1 = vector.load %arg0[%get3A, %get3A_0] : memref<4096x128xf32, #tpu.memory_space<vmem>>, vector<4096x128xf32>
    %get3A_2 = arith.constant 0 : index
    %get3A_3 = arith.constant 0 : index
    %get3A_4 = vector.load %arg3[%get3A_2, %get3A_3] : memref<128x128xf32, #tpu.memory_space<vmem>>, vector<128x128xf32>
    %dot_general3A = arith.constant dense<0.000000e+00> : vector<4096x128xf32>
    %dot_general3A_5 = tpu.matmul %get3A_1, %get3A_4, %dot_general3A {dimension_numbers = #tpu.dot_dimension_numbers<[1], [1], [0], [0], [0, 0, 1, 0], [], []>, transpose_lhs_hint = false} : vector<4096x128xf32>, vector<128x128xf32>, vector<4096x128xf32> -> vector<4096x128xf32>
    %get3A_6 = arith.constant 0 : index
    %get3A_7 = arith.constant 0 : index
    %get3A_8 = vector.load %arg1[%get3A_6, %get3A_7] : memref<4096x128xf32, #tpu.memory_space<vmem>>, vector<4096x128xf32>
    %get3A_9 = arith.constant 0 : index
    %get3A_10 = arith.constant 0 : index
    %get3A_11 = vector.load %arg4[%get3A_9, %get3A_10] : memref<128x128xf32, #tpu.memory_space<vmem>>, vector<128x128xf32>
    %dot_general3A_12 = arith.constant dense<0.000000e+00> : vector<4096x128xf32>
    %dot_general3A_13 = tpu.matmul %get3A_8, %get3A_11, %dot_general3A_12 {dimension_numbers = #tpu.dot_dimension_numbers<[1], [1], [0], [0], [0, 0, 1, 0], [], []>, transpose_lhs_hint = false} : vector<4096x128xf32>, vector<128x128xf32>, vector<4096x128xf32> -> vector<4096x128xf32>
    %add3A = arith.addf %dot_general3A_5, %dot_general3A_13 : vector<4096x128xf32>
    %get3A_14 = arith.constant 0 : index
    %get3A_15 = arith.constant 0 : index
    %get3A_16 = vector.load %arg5[%get3A_14, %get3A_15] : memref<1x128xf32, #tpu.memory_space<vmem>>, vector<1x128xf32>
    %add3A_17 = vector.broadcast %get3A_16 : vector<1x128xf32> to vector<4096x128xf32>
    %add3A_18 = arith.addf %add3A, %add3A_17 : vector<4096x128xf32>
    %max3A = arith.constant 0.000000e+00 : f32
    %max3A_19 = vector.broadcast %max3A : f32 to vector<4096x128xf32>
    %max3A_20 = arith.maximumf %add3A_18, %max3A_19 : vector<4096x128xf32>
    %get3A_21 = arith.constant 0 : index
    %get3A_22 = arith.constant 0 : index
    %get3A_23 = vector.load %arg6[%get3A_21, %get3A_22] : memref<128x128xf32, #tpu.memory_space<vmem>>, vector<128x128xf32>
    %dot_general3A_24 = arith.constant dense<0.000000e+00> : vector<4096x128xf32>
    %dot_general3A_25 = tpu.matmul %max3A_20, %get3A_23, %dot_general3A_24 {dimension_numbers = #tpu.dot_dimension_numbers<[1], [1], [0], [0], [0, 0, 1, 0], [], []>, transpose_lhs_hint = false} : vector<4096x128xf32>, vector<128x128xf32>, vector<4096x128xf32> -> vector<4096x128xf32>
    %get3A_26 = arith.constant 0 : index
    %get3A_27 = arith.constant 0 : index
    %get3A_28 = vector.load %arg7[%get3A_26, %get3A_27] : memref<1x128xf32, #tpu.memory_space<vmem>>, vector<1x128xf32>
    %add3A_29 = vector.broadcast %get3A_28 : vector<1x128xf32> to vector<4096x128xf32>
    %add3A_30 = arith.addf %dot_general3A_25, %add3A_29 : vector<4096x128xf32>
    %max3A_31 = arith.constant 0.000000e+00 : f32
    %max3A_32 = vector.broadcast %max3A_31 : f32 to vector<4096x128xf32>
    %max3A_33 = arith.maximumf %add3A_30, %max3A_32 : vector<4096x128xf32>
    %get3A_34 = arith.constant 0 : index
    %get3A_35 = arith.constant 0 : index
    %get3A_36 = vector.load %arg8[%get3A_34, %get3A_35] : memref<1x128xf32, #tpu.memory_space<vmem>>, vector<1x128xf32>
    %mul3A = vector.broadcast %get3A_36 : vector<1x128xf32> to vector<4096x128xf32>
    %mul3A_37 = arith.mulf %max3A_33, %mul3A : vector<4096x128xf32>
    %reduce_sum3A = arith.constant dense<0.000000e+00> : vector<4096xf32>
    %reduce_sum3A_38 = vector.multi_reduction <add>, %mul3A_37, %reduce_sum3A [1] : vector<4096x128xf32> to vector<4096xf32>
    %get3A_39 = arith.constant 0 : index
    %get3A_40 = arith.constant 0 : index
    %get3A_41 = vector.load %arg9[%get3A_39, %get3A_40] : memref<1x1xf32, #tpu.memory_space<vmem>>, vector<1x1xf32>
    %get3A_42 = vector.extract %get3A_41[0, 0] : f32 from vector<1x1xf32>
    %add3A_43 = vector.broadcast %get3A_42 : f32 to vector<4096xf32>
    %add3A_44 = arith.addf %reduce_sum3A_38, %add3A_43 : vector<4096xf32>
    %get3A_45 = arith.constant 0 : index
    %get3A_46 = arith.constant 0 : index
    %get3A_47 = vector.load %arg0[%get3A_45, %get3A_46] : memref<4096x128xf32, #tpu.memory_space<vmem>>, vector<4096x128xf32>
    %get3A_48 = arith.constant 0 : index
    %get3A_49 = arith.constant 0 : index
    %get3A_50 = vector.load %arg3[%get3A_48, %get3A_49] : memref<128x128xf32, #tpu.memory_space<vmem>>, vector<128x128xf32>
    %dot_general3A_51 = arith.constant dense<0.000000e+00> : vector<4096x128xf32>
    %dot_general3A_52 = tpu.matmul %get3A_47, %get3A_50, %dot_general3A_51 {dimension_numbers = #tpu.dot_dimension_numbers<[1], [1], [0], [0], [0, 0, 1, 0], [], []>, transpose_lhs_hint = false} : vector<4096x128xf32>, vector<128x128xf32>, vector<4096x128xf32> -> vector<4096x128xf32>
    %get3A_53 = arith.constant 0 : index
    %get3A_54 = arith.constant 0 : index
    %get3A_55 = vector.load %arg2[%get3A_53, %get3A_54] : memref<4096x128xf32, #tpu.memory_space<vmem>>, vector<4096x128xf32>
    %get3A_56 = arith.constant 0 : index
    %get3A_57 = arith.constant 0 : index
    %get3A_58 = vector.load %arg4[%get3A_56, %get3A_57] : memref<128x128xf32, #tpu.memory_space<vmem>>, vector<128x128xf32>
    %dot_general3A_59 = arith.constant dense<0.000000e+00> : vector<4096x128xf32>
    %dot_general3A_60 = tpu.matmul %get3A_55, %get3A_58, %dot_general3A_59 {dimension_numbers = #tpu.dot_dimension_numbers<[1], [1], [0], [0], [0, 0, 1, 0], [], []>, transpose_lhs_hint = false} : vector<4096x128xf32>, vector<128x128xf32>, vector<4096x128xf32> -> vector<4096x128xf32>
    %add3A_61 = arith.addf %dot_general3A_52, %dot_general3A_60 : vector<4096x128xf32>
    %get3A_62 = arith.constant 0 : index
    %get3A_63 = arith.constant 0 : index
    %get3A_64 = vector.load %arg5[%get3A_62, %get3A_63] : memref<1x128xf32, #tpu.memory_space<vmem>>, vector<1x128xf32>
    %add3A_65 = vector.broadcast %get3A_64 : vector<1x128xf32> to vector<4096x128xf32>
    %add3A_66 = arith.addf %add3A_61, %add3A_65 : vector<4096x128xf32>
    %max3A_67 = arith.constant 0.000000e+00 : f32
    %max3A_68 = vector.broadcast %max3A_67 : f32 to vector<4096x128xf32>
    %max3A_69 = arith.maximumf %add3A_66, %max3A_68 : vector<4096x128xf32>
    %get3A_70 = arith.constant 0 : index
    %get3A_71 = arith.constant 0 : index
    %get3A_72 = vector.load %arg6[%get3A_70, %get3A_71] : memref<128x128xf32, #tpu.memory_space<vmem>>, vector<128x128xf32>
    %dot_general3A_73 = arith.constant dense<0.000000e+00> : vector<4096x128xf32>
    %dot_general3A_74 = tpu.matmul %max3A_69, %get3A_72, %dot_general3A_73 {dimension_numbers = #tpu.dot_dimension_numbers<[1], [1], [0], [0], [0, 0, 1, 0], [], []>, transpose_lhs_hint = false} : vector<4096x128xf32>, vector<128x128xf32>, vector<4096x128xf32> -> vector<4096x128xf32>
    %get3A_75 = arith.constant 0 : index
    %get3A_76 = arith.constant 0 : index
    %get3A_77 = vector.load %arg7[%get3A_75, %get3A_76] : memref<1x128xf32, #tpu.memory_space<vmem>>, vector<1x128xf32>
    %add3A_78 = vector.broadcast %get3A_77 : vector<1x128xf32> to vector<4096x128xf32>
    %add3A_79 = arith.addf %dot_general3A_74, %add3A_78 : vector<4096x128xf32>
    %max3A_80 = arith.constant 0.000000e+00 : f32
    %max3A_81 = vector.broadcast %max3A_80 : f32 to vector<4096x128xf32>
    %max3A_82 = arith.maximumf %add3A_79, %max3A_81 : vector<4096x128xf32>
    %get3A_83 = arith.constant 0 : index
    %get3A_84 = arith.constant 0 : index
    %get3A_85 = vector.load %arg8[%get3A_83, %get3A_84] : memref<1x128xf32, #tpu.memory_space<vmem>>, vector<1x128xf32>
    %mul3A_86 = vector.broadcast %get3A_85 : vector<1x128xf32> to vector<4096x128xf32>
    %mul3A_87 = arith.mulf %max3A_82, %mul3A_86 : vector<4096x128xf32>
    %reduce_sum3A_88 = arith.constant dense<0.000000e+00> : vector<4096xf32>
    %reduce_sum3A_89 = vector.multi_reduction <add>, %mul3A_87, %reduce_sum3A_88 [1] : vector<4096x128xf32> to vector<4096xf32>
    %get3A_90 = arith.constant 0 : index
    %get3A_91 = arith.constant 0 : index
    %get3A_92 = vector.load %arg9[%get3A_90, %get3A_91] : memref<1x1xf32, #tpu.memory_space<vmem>>, vector<1x1xf32>
    %get3A_93 = vector.extract %get3A_92[0, 0] : f32 from vector<1x1xf32>
    %add3A_94 = vector.broadcast %get3A_93 : f32 to vector<4096xf32>
    %add3A_95 = arith.addf %reduce_sum3A_89, %add3A_94 : vector<4096xf32>
    %neg3A = arith.constant 0.000000e+00 : f32
    %neg3A_96 = vector.broadcast %neg3A : f32 to vector<4096xf32>
    %neg3A_97 = arith.subf %neg3A_96, %add3A_44 : vector<4096xf32>
    %max3A_98 = arith.constant 0.000000e+00 : f32
    %max3A_99 = vector.broadcast %max3A_98 : f32 to vector<4096xf32>
    %max3A_100 = arith.maximumf %neg3A_97, %max3A_99 : vector<4096xf32>
    %abs3A = math.absf %neg3A_97 : vector<4096xf32>
    %neg3A_101 = arith.constant 0.000000e+00 : f32
    %neg3A_102 = vector.broadcast %neg3A_101 : f32 to vector<4096xf32>
    %neg3A_103 = arith.subf %neg3A_102, %abs3A : vector<4096xf32>
    %exp3A = math.exp %neg3A_103 : vector<4096xf32>
    %log1p3A = math.log1p %exp3A : vector<4096xf32>
    %add3A_104 = arith.addf %max3A_100, %log1p3A : vector<4096xf32>
    %reduce_sum3A_105 = vector.shape_cast %add3A_104 : vector<4096xf32> to vector<1x4096xf32>
    %reduce_sum3A_106 = arith.constant dense<0.000000e+00> : vector<1xf32>
    %reduce_sum3A_107 = vector.multi_reduction <add>, %reduce_sum3A_105, %reduce_sum3A_106 [1] : vector<1x4096xf32> to vector<1xf32>
    %reduce_sum3A_108 = vector.shape_cast %reduce_sum3A_107 : vector<1xf32> to vector<1x1xf32>
    %reduce_sum3A_109 = vector.extract %reduce_sum3A_108[0, 0] : f32 from vector<1x1xf32>
    %max3A_110 = arith.constant 0.000000e+00 : f32
    %max3A_111 = vector.broadcast %max3A_110 : f32 to vector<4096xf32>
    %max3A_112 = arith.maximumf %add3A_95, %max3A_111 : vector<4096xf32>
    %abs3A_113 = math.absf %add3A_95 : vector<4096xf32>
    %neg3A_114 = arith.constant 0.000000e+00 : f32
    %neg3A_115 = vector.broadcast %neg3A_114 : f32 to vector<4096xf32>
    %neg3A_116 = arith.subf %neg3A_115, %abs3A_113 : vector<4096xf32>
    %exp3A_117 = math.exp %neg3A_116 : vector<4096xf32>
    %log1p3A_118 = math.log1p %exp3A_117 : vector<4096xf32>
    %add3A_119 = arith.addf %max3A_112, %log1p3A_118 : vector<4096xf32>
    %reduce_sum3A_120 = vector.shape_cast %add3A_119 : vector<4096xf32> to vector<1x4096xf32>
    %reduce_sum3A_121 = arith.constant dense<0.000000e+00> : vector<1xf32>
    %reduce_sum3A_122 = vector.multi_reduction <add>, %reduce_sum3A_120, %reduce_sum3A_121 [1] : vector<1x4096xf32> to vector<1xf32>
    %reduce_sum3A_123 = vector.shape_cast %reduce_sum3A_122 : vector<1xf32> to vector<1x1xf32>
    %reduce_sum3A_124 = vector.extract %reduce_sum3A_123[0, 0] : f32 from vector<1x1xf32>
    %add3A_125 = arith.addf %reduce_sum3A_109, %reduce_sum3A_124 : f32
    %sub3A = arith.subf %add3A_44, %add3A_95 : vector<4096xf32>
    %neg3A_126 = arith.constant 0.000000e+00 : f32
    %neg3A_127 = vector.broadcast %neg3A_126 : f32 to vector<4096xf32>
    %neg3A_128 = arith.subf %neg3A_127, %sub3A : vector<4096xf32>
    %max3A_129 = arith.constant 0.000000e+00 : f32
    %max3A_130 = vector.broadcast %max3A_129 : f32 to vector<4096xf32>
    %max3A_131 = arith.maximumf %neg3A_128, %max3A_130 : vector<4096xf32>
    %abs3A_132 = math.absf %neg3A_128 : vector<4096xf32>
    %neg3A_133 = arith.constant 0.000000e+00 : f32
    %neg3A_134 = vector.broadcast %neg3A_133 : f32 to vector<4096xf32>
    %neg3A_135 = arith.subf %neg3A_134, %abs3A_132 : vector<4096xf32>
    %exp3A_136 = math.exp %neg3A_135 : vector<4096xf32>
    %log1p3A_137 = math.log1p %exp3A_136 : vector<4096xf32>
    %add3A_138 = arith.addf %max3A_131, %log1p3A_137 : vector<4096xf32>
    %reduce_sum3A_139 = vector.shape_cast %add3A_138 : vector<4096xf32> to vector<1x4096xf32>
    %reduce_sum3A_140 = arith.constant dense<0.000000e+00> : vector<1xf32>
    %reduce_sum3A_141 = vector.multi_reduction <add>, %reduce_sum3A_139, %reduce_sum3A_140 [1] : vector<1x4096xf32> to vector<1xf32>
    %reduce_sum3A_142 = vector.shape_cast %reduce_sum3A_141 : vector<1xf32> to vector<1x1xf32>
    %reduce_sum3A_143 = vector.extract %reduce_sum3A_142[0, 0] : f32 from vector<1x1xf32>
    %add3A_144 = arith.addf %add3A_125, %reduce_sum3A_143 : f32
    %div3A = arith.constant 4.096000e+03 : f32
    %div3A_145 = arith.divf %add3A_144, %div3A : f32
    %swap3A = arith.constant 0 : index
    %swap3A_146 = arith.constant 0 : index
    %swap3A_147 = memref.load %arg10[%swap3A, %swap3A_146] : memref<1x2xf32, #tpu.memory_space<smem>>
    memref.store %div3A_145, %arg10[%swap3A, %swap3A_146] : memref<1x2xf32, #tpu.memory_space<smem>>
    %get3A_148 = arith.constant 0 : index
    %get3A_149 = arith.constant 0 : index
    %get3A_150 = vector.load %arg3[%get3A_148, %get3A_149] : memref<128x128xf32, #tpu.memory_space<vmem>>, vector<128x128xf32>
    %get3A_151 = arith.constant 0 : index
    %get3A_152 = arith.constant 0 : index
    %get3A_153 = vector.load %arg3[%get3A_151, %get3A_152] : memref<128x128xf32, #tpu.memory_space<vmem>>, vector<128x128xf32>
    %mul3A_154 = arith.mulf %get3A_150, %get3A_153 : vector<128x128xf32>
    %reduce_sum3A_155 = vector.shape_cast %mul3A_154 : vector<128x128xf32> to vector<1x128x128xf32>
    %reduce_sum3A_156 = arith.constant dense<0.000000e+00> : vector<1xf32>
    %reduce_sum3A_157 = vector.multi_reduction <add>, %reduce_sum3A_155, %reduce_sum3A_156 [1, 2] : vector<1x128x128xf32> to vector<1xf32>
    %reduce_sum3A_158 = vector.shape_cast %reduce_sum3A_157 : vector<1xf32> to vector<1x1x1xf32>
    %reduce_sum3A_159 = vector.extract %reduce_sum3A_158[0, 0, 0] : f32 from vector<1x1x1xf32>
    %add3A_160 = arith.constant 0.000000e+00 : f32
    %add3A_161 = arith.addf %add3A_160, %reduce_sum3A_159 : f32
    %get3A_162 = arith.constant 0 : index
    %get3A_163 = arith.constant 0 : index
    %get3A_164 = vector.load %arg4[%get3A_162, %get3A_163] : memref<128x128xf32, #tpu.memory_space<vmem>>, vector<128x128xf32>
    %get3A_165 = arith.constant 0 : index
    %get3A_166 = arith.constant 0 : index
    %get3A_167 = vector.load %arg4[%get3A_165, %get3A_166] : memref<128x128xf32, #tpu.memory_space<vmem>>, vector<128x128xf32>
    %mul3A_168 = arith.mulf %get3A_164, %get3A_167 : vector<128x128xf32>
    %reduce_sum3A_169 = vector.shape_cast %mul3A_168 : vector<128x128xf32> to vector<1x128x128xf32>
    %reduce_sum3A_170 = arith.constant dense<0.000000e+00> : vector<1xf32>
    %reduce_sum3A_171 = vector.multi_reduction <add>, %reduce_sum3A_169, %reduce_sum3A_170 [1, 2] : vector<1x128x128xf32> to vector<1xf32>
    %reduce_sum3A_172 = vector.shape_cast %reduce_sum3A_171 : vector<1xf32> to vector<1x1x1xf32>
    %reduce_sum3A_173 = vector.extract %reduce_sum3A_172[0, 0, 0] : f32 from vector<1x1x1xf32>
    %add3A_174 = arith.addf %add3A_161, %reduce_sum3A_173 : f32
    %get3A_175 = arith.constant 0 : index
    %get3A_176 = arith.constant 0 : index
    %get3A_177 = vector.load %arg5[%get3A_175, %get3A_176] : memref<1x128xf32, #tpu.memory_space<vmem>>, vector<1x128xf32>
    %get3A_178 = arith.constant 0 : index
    %get3A_179 = arith.constant 0 : index
    %get3A_180 = vector.load %arg5[%get3A_178, %get3A_179] : memref<1x128xf32, #tpu.memory_space<vmem>>, vector<1x128xf32>
    %mul3A_181 = arith.mulf %get3A_177, %get3A_180 : vector<1x128xf32>
    %reduce_sum3A_182 = vector.shape_cast %mul3A_181 : vector<1x128xf32> to vector<1x1x128xf32>
    %reduce_sum3A_183 = arith.constant dense<0.000000e+00> : vector<1xf32>
    %reduce_sum3A_184 = vector.multi_reduction <add>, %reduce_sum3A_182, %reduce_sum3A_183 [1, 2] : vector<1x1x128xf32> to vector<1xf32>
    %reduce_sum3A_185 = vector.shape_cast %reduce_sum3A_184 : vector<1xf32> to vector<1x1x1xf32>
    %reduce_sum3A_186 = vector.extract %reduce_sum3A_185[0, 0, 0] : f32 from vector<1x1x1xf32>
    %add3A_187 = arith.addf %add3A_174, %reduce_sum3A_186 : f32
    %get3A_188 = arith.constant 0 : index
    %get3A_189 = arith.constant 0 : index
    %get3A_190 = vector.load %arg6[%get3A_188, %get3A_189] : memref<128x128xf32, #tpu.memory_space<vmem>>, vector<128x128xf32>
    %get3A_191 = arith.constant 0 : index
    %get3A_192 = arith.constant 0 : index
    %get3A_193 = vector.load %arg6[%get3A_191, %get3A_192] : memref<128x128xf32, #tpu.memory_space<vmem>>, vector<128x128xf32>
    %mul3A_194 = arith.mulf %get3A_190, %get3A_193 : vector<128x128xf32>
    %reduce_sum3A_195 = vector.shape_cast %mul3A_194 : vector<128x128xf32> to vector<1x128x128xf32>
    %reduce_sum3A_196 = arith.constant dense<0.000000e+00> : vector<1xf32>
    %reduce_sum3A_197 = vector.multi_reduction <add>, %reduce_sum3A_195, %reduce_sum3A_196 [1, 2] : vector<1x128x128xf32> to vector<1xf32>
    %reduce_sum3A_198 = vector.shape_cast %reduce_sum3A_197 : vector<1xf32> to vector<1x1x1xf32>
    %reduce_sum3A_199 = vector.extract %reduce_sum3A_198[0, 0, 0] : f32 from vector<1x1x1xf32>
    %add3A_200 = arith.addf %add3A_187, %reduce_sum3A_199 : f32
    %get3A_201 = arith.constant 0 : index
    %get3A_202 = arith.constant 0 : index
    %get3A_203 = vector.load %arg7[%get3A_201, %get3A_202] : memref<1x128xf32, #tpu.memory_space<vmem>>, vector<1x128xf32>
    %get3A_204 = arith.constant 0 : index
    %get3A_205 = arith.constant 0 : index
    %get3A_206 = vector.load %arg7[%get3A_204, %get3A_205] : memref<1x128xf32, #tpu.memory_space<vmem>>, vector<1x128xf32>
    %mul3A_207 = arith.mulf %get3A_203, %get3A_206 : vector<1x128xf32>
    %reduce_sum3A_208 = vector.shape_cast %mul3A_207 : vector<1x128xf32> to vector<1x1x128xf32>
    %reduce_sum3A_209 = arith.constant dense<0.000000e+00> : vector<1xf32>
    %reduce_sum3A_210 = vector.multi_reduction <add>, %reduce_sum3A_208, %reduce_sum3A_209 [1, 2] : vector<1x1x128xf32> to vector<1xf32>
    %reduce_sum3A_211 = vector.shape_cast %reduce_sum3A_210 : vector<1xf32> to vector<1x1x1xf32>
    %reduce_sum3A_212 = vector.extract %reduce_sum3A_211[0, 0, 0] : f32 from vector<1x1x1xf32>
    %add3A_213 = arith.addf %add3A_200, %reduce_sum3A_212 : f32
    %get3A_214 = arith.constant 0 : index
    %get3A_215 = arith.constant 0 : index
    %get3A_216 = vector.load %arg8[%get3A_214, %get3A_215] : memref<1x128xf32, #tpu.memory_space<vmem>>, vector<1x128xf32>
    %get3A_217 = arith.constant 0 : index
    %get3A_218 = arith.constant 0 : index
    %get3A_219 = vector.load %arg8[%get3A_217, %get3A_218] : memref<1x128xf32, #tpu.memory_space<vmem>>, vector<1x128xf32>
    %mul3A_220 = arith.mulf %get3A_216, %get3A_219 : vector<1x128xf32>
    %reduce_sum3A_221 = vector.shape_cast %mul3A_220 : vector<1x128xf32> to vector<1x1x128xf32>
    %reduce_sum3A_222 = arith.constant dense<0.000000e+00> : vector<1xf32>
    %reduce_sum3A_223 = vector.multi_reduction <add>, %reduce_sum3A_221, %reduce_sum3A_222 [1, 2] : vector<1x1x128xf32> to vector<1xf32>
    %reduce_sum3A_224 = vector.shape_cast %reduce_sum3A_223 : vector<1xf32> to vector<1x1x1xf32>
    %reduce_sum3A_225 = vector.extract %reduce_sum3A_224[0, 0, 0] : f32 from vector<1x1x1xf32>
    %add3A_226 = arith.addf %add3A_213, %reduce_sum3A_225 : f32
    %get3A_227 = arith.constant 0 : index
    %get3A_228 = arith.constant 0 : index
    %get3A_229 = vector.load %arg9[%get3A_227, %get3A_228] : memref<1x1xf32, #tpu.memory_space<vmem>>, vector<1x1xf32>
    %get3A_230 = arith.constant 0 : index
    %get3A_231 = arith.constant 0 : index
    %get3A_232 = vector.load %arg9[%get3A_230, %get3A_231] : memref<1x1xf32, #tpu.memory_space<vmem>>, vector<1x1xf32>
    %mul3A_233 = arith.mulf %get3A_229, %get3A_232 : vector<1x1xf32>
    %reduce_sum3A_234 = vector.shape_cast %mul3A_233 : vector<1x1xf32> to vector<1x1x1xf32>
    %reduce_sum3A_235 = arith.constant dense<0.000000e+00> : vector<1xf32>
    %reduce_sum3A_236 = vector.multi_reduction <add>, %reduce_sum3A_234, %reduce_sum3A_235 [1, 2] : vector<1x1x1xf32> to vector<1xf32>
    %reduce_sum3A_237 = vector.shape_cast %reduce_sum3A_236 : vector<1xf32> to vector<1x1x1xf32>
    %reduce_sum3A_238 = vector.extract %reduce_sum3A_237[0, 0, 0] : f32 from vector<1x1x1xf32>
    %add3A_239 = arith.addf %add3A_226, %reduce_sum3A_238 : f32
    %swap3A_240 = arith.constant 0 : index
    %swap3A_241 = arith.constant 1 : index
    %swap3A_242 = memref.load %arg10[%swap3A_240, %swap3A_241] : memref<1x2xf32, #tpu.memory_space<smem>>
    memref.store %add3A_239, %arg10[%swap3A_240, %swap3A_241] : memref<1x2xf32, #tpu.memory_space<smem>>
    return
  }
}

</mosaic_0001>

<sc_bundles>
// kernel: kernel.12.cloned.1.call-start
scs
__scs_entry_jumppad:
0x0: {  	(pc) =	sbr.rel $0x88, $3  }
0x1: {  	(tag) =	ssettag $0x0;
	lr =	simm.s32 $0x1  }
0x2: {  	[smem:$0x3F6D] =	sst lr;
	_ =	strace $0xD0000000  }
0x3: {  	_ = 	snop  }
0x4: {  	_ = 	snop  }
0x5: {  	_ = 	snop  }
0x6: {  	_ = 	snop  }
0x7: {  	_ = 	snop  }
__scs_overlays_trampoline_lowered:
0x8: {  	[smem:$0x3F7C] =	sst s0  }
0x9: {  	[smem:$0x3F7D] =	sst s1  }
0xa: {  	[smem:$0x3F7E] =	sst s2  }
0xb: {  	[smem:$0x3F7F] =	sst s3  }
0xc: {  	[smem:$0x3F80] =	sst s4  }
0xd: {  	[smem:$0x3F81] =	sst s5  }
0xe: {  	[smem:$0x3F82] =	sst s6  }
0xf: {  	[smem:$0x3F83] =	sst s7  }
0x10: {  	[smem:$0x3F84] =	sst s8  }
0x11: {  	[smem:$0x3F85] =	sst s9;
	s0 =	simm.s32 @!p0 $0x0  }
0x12: {  	s1 =	sld [smem:$0x3F6B];
	s0 =	simm.s32 @p0 $0x1  }
0x13: {  	[smem:$0x3F86] =	sst s0;
	s0 =	simm.s32 @!p1 $0x0  }
0x14: {  	s2 =	sld [smem:$0x3F6A];
	s0 =	simm.s32 @p1 $0x1  }
0x15: {  	[smem:$0x3F87] =	sst s0;
	s0 =	simm.s32 @!p2 $0x0  }
0x16: {  	s3 =	sld [smem:$0x3FDB];
	s0 =	simm.s32 @p2 $0x1  }
0x17: {  	s4 =	simm.s32 $0x1BF5;
	[smem:$0x3F89] =	sst s0  }
0x18: {  	s0 =	sld [smem:$0x3F6C];
	_ =	swait.ge [sflag:s4], $0x0  }
0x19: {  	s7 =	sld [smem:$0x3F6D]  }
0x1a: {  	s8 =	sadd.s32 $0xFFFFE003, lr  }
0x1b: {  	s9 =	sadd.s32 $0xFFFFFEF7, lr;
	s5 =	simm.s32 $0xFFFFFFFF;
	p2 =	slt.u32 s8, $0xFFFFF086  }
0x1c: {  	p1 =	slt.u32 s9, $0xF7A;
	s5 =	simm.s32 @!p2 $0x0  }
0x1d: {  	s5 =	simm.s32 @p1 $0x1;
	p0 =	seq.s32 s7, s2  }
0x1e: {  	s7 =	smul.u32 @!p0 $0xF7A, s2;
	p2 =	seq.s32 @!p0 s5, $0x0  }
0x1f: {  	s9 =	smul.u32 $0xF7A, s1;
	s8 =	simm.s32 @!p0 $0x1BF5;
	p2 =	por !p2, p0  }
0x20: {  	[sflag:s8] =	ssyncset.s32 @!p0 $0xFFFFF086;
	s6 =	sadd.s32 @!p0 s3, s7;
	s7 =	simm.s32 @!p0 $0x108  }
0x21: {  	s3 =	sadd.s32 s3, s9;
	s6 =	sadd.s32 @!p0 $0x88, s6;
	s7 =	simm.s32 @p2 $0x1082  }
0x22: {  	[simem:s7], [sflag:s8] =	dma.local @!p0 [hbm:s6], $0xF7A  }
0x23: {  	s9 =	sor.u32 $0xD0000000, s2;
	s6 =	simm.s32 $0x108;
	_ =	swait.ge @!p0 [sflag:s8], $0x0  }
0x24: {  	s3 =	sadd.s32 $0x88, s3;
	s6 =	simm.s32 @!p1 $0x1082;
	[sflag:s4] =	ssyncset.s32 $0xFFFFF086  }
0x25: {  	[simem:s6], [sflag:s4] =	dma.local [hbm:s3], $0xF7A  }
0x26: {  	[smem:$0x3F6D] =	sst s1;
	(tag) =	ssettag s2;
	_ =	strace s9  }
0x27: {  	s1 =	sld [smem:$0x3F7D]  }
0x28: {  	s2 =	sld [smem:$0x3F7E]  }
0x29: {  	s4 =	sld [smem:$0x3F80]  }
0x2a: {  	p0 =	seq.s32 s5, $0x0;
	s5 =	sld [smem:$0x3F81]  }
0x2b: {  	s6 =	sld [smem:$0x3F82]  }
0x2c: {  	s7 =	sld [smem:$0x3F83]  }
0x2d: {  	s3 =	simm.s32 $0x108;
	s8 =	sld [smem:$0x3F84]  }
0x2e: {  	s3 =	simm.s32 @!p0 $0x1082;
	s9 =	sld [smem:$0x3F85]  }
0x2f: {  	lr =	sadd.s32 s0, s3;
	s0 =	sld [smem:$0x3F7C]  }
0x30: {  	s3 =	sld [smem:$0x3F7F]  }
0x31: {  	[smem:$0x3F88] =	sst s10  }
0x32: {  	s10 =	sld [smem:$0x3F86];
	_ =	sdelay $0x3  }
0x33: {  	p0 =	seq.s32 s10, $0x1;
	s10 =	sld [smem:$0x3F88];
	_ =	sdelay $0x3  }
0x34: {  	[smem:$0x3F88] =	sst s10  }
0x35: {  	s10 =	sld [smem:$0x3F87];
	_ =	sdelay $0x3  }
0x36: {  	p1 =	seq.s32 s10, $0x1;
	s10 =	sld [smem:$0x3F88];
	_ =	sdelay $0x3  }
0x37: {  	[smem:$0x3F88] =	sst s10  }
0x38: {  	s10 =	sld [smem:$0x3F89]  }
0x39: {  	_ = 	snop;
	(pc) =	sbr.ind lr, $3  }
0x3a: {  	_ = 	snop  }
0x3b: {  	_ = 	snop  }
0x3c: {  	p2 =	seq.s32 s10, $0x1;
	s10 =	sld [smem:$0x3F88]  }
0x3d: {  	_ =	shalt  }
0x3e: {  	_ =	shalt  }
0x3f: {  	_ =	shalt  }
0x40: {  	_ =	shalt  }
0x41: {  	_ =	shalt  }
0x42: {  	_ =	shalt  }
0x43: {  	_ =	shalt  }
0x44: {  	_ =	shalt  }
0x45: {  	_ =	shalt  }
0x46: {  	_ =	shalt  }
0x47: {  	_ =	shalt  }
0x48: {  	_ =	shalt  }
0x49: {  	_ =	shalt  }
0x4a: {  	_ =	shalt  }
0x4b: {  	_ =	shalt  }
0x4c: {  	_ =	shalt  }
0x4d: {  	_ =	shalt  }
0x4e: {  	_ =	shalt  }
0x4f: {  	_ =	shalt  }
0x50: {  	_ =	shalt  }
0x51: {  	_ =	shalt  }
0x52: {  	_ =	shalt  }
0x53: {  	_ =	shalt  }
0x54: {  	_ =	shalt  }
0x55: {  	_ =	shalt  }
0x56: {  	_ =	shalt  }
0x57: {  	_ =	shalt  }
0x58: {  	_ =	shalt  }
0x59: {  	_ =	shalt  }
0x5a: {  	_ =	shalt  }
0x5b: {  	_ =	shalt  }
0x5c: {  	_ =	shalt  }
0x5d: {  	_ =	shalt  }
0x5e: {  	_ =	shalt  }
0x5f: {  	_ =	shalt  }
0x60: {  	_ =	shalt  }
0x61: {  	_ =	shalt  }
0x62: {  	_ =	shalt  }
0x63: {  	_ =	shalt  }
0x64: {  	_ =	shalt  }
0x65: {  	_ =	shalt  }
0x66: {  	_ =	shalt  }
0x67: {  	_ =	shalt  }
0x68: {  	_ =	shalt  }
0x69: {  	_ =	shalt  }
0x6a: {  	_ =	shalt  }
0x6b: {  	_ =	shalt  }
0x6c: {  	_ =	shalt  }
0x6d: {  	_ =	shalt  }
0x6e: {  	_ =	shalt  }
0x6f: {  	_ =	shalt  }
0x70: {  	_ =	shalt  }
0x71: {  	_ =	shalt  }
0x72: {  	_ =	shalt  }
0x73: {  	_ =	shalt  }
0x74: {  	_ =	shalt  }
0x75: {  	_ =	shalt  }
0x76: {  	_ =	shalt  }
0x77: {  	_ =	shalt  }
0x78: {  	_ =	shalt  }
0x79: {  	_ =	shalt  }
0x7a: {  	_ =	shalt  }
0x7b: {  	_ =	shalt  }
0x7c: {  	_ =	shalt  }
0x7d: {  	_ =	shalt  }
0x7e: {  	_ =	shalt  }
0x7f: {  	_ =	shalt  }
0x80: {  	_ =	shalt  }
0x81: {  	_ =	shalt  }
0x82: {  	_ =	shalt  }
0x83: {  	_ =	shalt  }
0x84: {  	_ =	shalt  }
0x85: {  	_ =	shalt  }
0x86: {  	_ =	shalt  }
0x87: {  	_ =	shalt  }
.Lfunc_end0:
.L_simem_size_0:
called_computation.1_lowered:
.L_overlay_start_0:
0x88: {  	s2 =	sld [smem:$0x3FD9]  }
0x89: {  	s3 =	sld [smem:$0x3FFE];
	_ =	sdelay $0x1  }
0x8a: {  	s1 =	srdreg.scid  }
0x8b: {  	s0 =	sand.u32 $0x1, s1  }
0x8c: {  	s17 =	sshll.u32 s0, $0xA;
	s2 =	sadd.s32 s3, s2  }
0x8d: {  	s2 =	sadd.s32 s2, s17  }
0x8e: {  	[smem:$0x3F94] =	sst s2  }
0x8f: {  	_ = 	snop  }
0x90: {  	s2 =	sld [smem:$0x3FC9]  }
0x91: {  	s18 =	sld [smem:$0x3FC8]  }
0x92: {  	s4 =	sld [smem:$0x3FC7]  }
0x93: {  	s5 =	sld [smem:$0x3FC6];
	(tm) =	ssettm $0x1  }
0x94: {  	s6 =	sld [smem:$0x3FFB];
	_ =	sdelay $0x3  }
0x95: {  	_ =	strace s6  }
0x96: {  	s6 =	sld [smem:$0x3FFC];
	_ =	sdelay $0x3  }
0x97: {  	_ =	strace s6  }
0x98: {  	s6 =	sld [smem:$0x3FFD];
	_ =	sdelay $0x3  }
0x99: {  	_ =	strace s6  }
0x9a: {  	_ =	strace $0x8FFFFFFF  }
0x9b: {  	s19 =	sld [smem:$0x3FDB];
	_ =	sdelay $0x1  }
0x9c: {  	s7 =	simm.s32 $_scs_section_size  }
0x9d: {  	s8 =	simm.s32 $_size__tile_overlayer_lowered;
	s9 =	simm.s32 $_tile_overlayer_lowered  }
0x9e: {  	s22 =	simm.s32 $0x1BFF;
	s21 =	sshll.u32 s9, $0x1;
	s6 =	sadd.s32 s7, s19  }
0x9f: {  	s10 =	simm.s32 $0x0;
	s20 =	sshll.u32 s8, $0x1;
	s8 =	sadd.s32 s21, s6  }
0xa0: {  	[timem:s10], [sflag:s22] =	dma.local [hbm:s8], s20  }
0xa1: {  	_ =	swait.ge [sflag:s22], s20  }
0xa2: {  	s7 =	ssub.s32 $0x0, s20;
	[sflag:s22] =	ssyncset.done $0x0  }
0xa3: {  	[sflag:s22] =	ssyncadd.s32 s7;
	_ =	sdelay $0x1  }
0xa4: {  	s23 =	simm.s32 $0x1B8B  }
0xa5: {  	_ =	swait.ge [sflag:s23], $0x1  }
0xa6: {  	[sflag:s23] =	ssyncset.done $0x0  }
0xa7: {  	s25 =	simm.s32 $0x1B8E;
	s24 =	sld [smem:$0x3FFE];
	[sflag:s23] =	ssyncadd.s32 $0xFFFFFFFF  }
0xa8: {  	s26 =	simm.s32 $execute0_lowered;
	[smem:$0x3FD2] =	sst s25  }
0xa9: {  	s8 =	sshll.u32 s26, $0x1;
	_ =	strace $0x80000049;
	[dreg:$0x1] =	wrdreg $0xFFFFFFFF  }
0xaa: {  	s28 =	simm.s32 $_size_execute0_lowered;
	s6 =	sadd.s32 s6, s8;
	[dreg:$0x0] =	wrdreg $0x0  }
0xab: {  	s8 =	sshll.u32 s28, $0x1;
	[dreg:$0x2] =	wrdreg s6  }
0xac: {  	[dreg:$0x3] =	wrdreg s8  }
0xad: {  	[dreg:$0x4] =	wrdreg $0xC0  }
0xae: {  	_ =	task [dreg:s10], $0x5FFFF  }
0xaf: {  	[dreg:$0x1] =	wrdreg $0xFFFFFFFF  }
0xb0: {  	[dreg:$0x0] =	wrdreg $0x60  }
0xb1: {  	[dreg:$0x2] =	wrdreg s24  }
0xb2: {  	[dreg:$0x3] =	wrdreg s2  }
0xb3: {  	[dreg:$0x4] =	wrdreg s18  }
0xb4: {  	[dreg:$0x5] =	wrdreg s4  }
0xb5: {  	[dreg:$0x6] =	wrdreg s5  }
0xb6: {  	[dreg:$0x7] =	wrdreg $0x9  }
0xb7: {  	_ =	task.clear_ibuf [dreg:s10], $0x8FFFF;
	_ =	strace $0x90000049  }
0xb8: {  	s29 =	simm.s32 $0x9;
	_ =	strace $0x8000004B  }
0xb9: {  	_ =	swait.ge [sflag:s29], $0x1  }
0xba: {  	[sflag:s29] =	ssyncadd.s32 $0xFFFFFFFF  }
0xbb: {  	_ =	strace $0x9000004B  }
0xbc: {  	_ =	sfence  }
0xbd: {  	s30 =	sld [smem:$0x0];
	_ =	sdelay $0x2  }
0xbe: {  	s31 =	sshll.u32 s1, $0xD;
	s1 =	sshrl.u32 s1, $0x2  }
0xbf: {  	s3 =	sand.u32 $0x4000, s31;
	s1 =	sadd.s32 s1, s30  }
0xc0: {  	s0 =	sor.u32 s3, s0;
	s1 =	sshll.u32 s1, $0x11  }
0xc1: {  	s0 =	sor.u32 s1, s0  }
0xc2: {  	s0 =	sadd.s32 $0x8F2B, s0  }
0xc3: {  	[sflag:s0] =	ssyncadd.remote.s32 $0x1  }
0xc4: {  	_ =	sfence.sel $0xFFFF  }
0xc5: {  	[dreg:$0x0] =	wrdreg $0xFFFFFFFF;
	(pc) =	sbr.abs _section_cstart, $3  }
0xc6: {  	[dreg:$0x1] =	wrdreg $0xFFFFFFFF  }
0xc7: {  	_ =	task.clear_ibuf [dreg:s10], $0x2FFFF;
	_ =	strace $0x9FFFFFFF  }
0xc8: {  	(tm) =	ssettm $0x7FFFFFFF  }
0xc9: {  	_ =	shalt  }
tec
execute0_lowered:
.L_overlay_start_1:
0x0: {  	(tag) =	ssettag $0x1  }
0x1: {  	s17 =	rddreg [dreg:$0x0]  }
0x2: {  	s3 =	rddreg [dreg:$0x1]  }
0x3: {  	s16 =	rddreg [dreg:$0x2];
	s1 =	srdreg.scid  }
0x4: {  	s9 =	rddreg [dreg:$0x3];
	s0 =	stileid.u32;
	s19 =	sand.u32 $0x1, s1  }
0x5: {  	s12 =	rddreg [dreg:$0x4];
	s4 =	sshll.u32 s0, $0x8;
	s5 =	sshll.u32 s19, $0x7  }
0x6: {  	s2 =	simm.s32 $0x0;
	s1 =	rddreg [dreg:$0x5];
	s8 =	sor.u32 s5, s4  }
0x7: {  	[smem:$0x7FF] =	sst s2;
	s18 =	sshrl.u32 s8, $0x3  }
0x8: {  	_ =	strace $0x8000004A;
	s4 =	sadd.s32 s3, s18;
	s3 =	simm.s32 $0x2  }
0x9: {  	[tilespmem:s2], [sflag:$0x2] =	stream.linear.gather [hbm4b:s4+s2], $0x80, $0x38;
	[tilespmem:$0x4080] =	vst v63  }
0xa: {  	_ =	swait.ge [sflag:s3], $0x80  }
0xb: {  	s6 =	simm.s32 $0x80;
	[sflag:s3] =	ssyncset.done $0x0  }
0xc: {  	s7 =	simm.s32 $0x1;
	s5 =	sadd.s32 $0x3F400, s17;
	[sflag:s3] =	ssyncadd.s32 $0xFFFFFF80  }
0xd: {  	[tilespmem:s6], [sflag:$0x1] =	stream.indirect.gather [hbm4b:s5+s6], $0x80, s2, s6, $0xb8;
	[tilespmem:$0x4080] =	vst v63  }
0xe: {  	s8 =	sshll.u32 s8, $0x4;
	_ =	swait.ge [sflag:s7], $0x4000  }
0xf: {  	s20 =	sadd.s32 s8, s17;
	[sflag:s7] =	ssyncset.done $0x0  }
0x10: {  	s8 =	sadd.s32 $0x82E00, s20;
	[sflag:s7] =	ssyncadd.s32 $0xFFFFC000  }
0x11: {  	[hbm4b:s8+s2] =	stream.linear.scatter [tilespmem:s6], [sflag:$0x2], $0x4000, $0x38;
	[tilespmem:$0x4080] =	vst v63  }
0x12: {  	_ =	swait.ge [sflag:s3], $0x4000  }
0x13: {  	[sflag:s3] =	ssyncset.done $0x0  }
0x14: {  	s9 =	sadd.s32 s9, s18;
	[sflag:s3] =	ssyncadd.s32 $0xFFFFC000  }
0x15: {  	[tilespmem:s2], [sflag:$0x2] =	stream.linear.gather [hbm4b:s9+s2], $0x80, $0x38;
	[tilespmem:$0x4080] =	vst v63  }
0x16: {  	_ =	swait.ge [sflag:s3], $0x80  }
0x17: {  	[sflag:s3] =	ssyncset.done $0x0  }
0x18: {  	s10 =	sadd.s32 $0x2BA00, s17;
	[sflag:s3] =	ssyncadd.s32 $0xFFFFFF80  }
0x19: {  	[tilespmem:s6], [sflag:$0x1] =	stream.indirect.gather [hbm4b:s10+s6], $0x80, s2, s6, $0xb8;
	[tilespmem:$0x4080] =	vst v63  }
0x1a: {  	_ =	swait.ge [sflag:s7], $0x4000  }
0x1b: {  	[sflag:s7] =	ssyncset.done $0x0  }
0x1c: {  	s11 =	sadd.s32 $0x92E00, s20;
	[sflag:s7] =	ssyncadd.s32 $0xFFFFC000  }
0x1d: {  	[hbm4b:s11+s2] =	stream.linear.scatter [tilespmem:s6], [sflag:$0x2], $0x4000, $0x38;
	[tilespmem:$0x4080] =	vst v63  }
0x1e: {  	_ =	swait.ge [sflag:s3], $0x4000  }
0x1f: {  	[sflag:s3] =	ssyncset.done $0x0  }
0x20: {  	s12 =	sadd.s32 s12, s18;
	[sflag:s3] =	ssyncadd.s32 $0xFFFFC000  }
0x21: {  	[tilespmem:s2], [sflag:$0x2] =	stream.linear.gather [hbm4b:s12+s2], $0x80, $0x38;
	[tilespmem:$0x4080] =	vst v63  }
0x22: {  	_ =	swait.ge [sflag:s3], $0x80  }
0x23: {  	[sflag:s3] =	ssyncset.done $0x0  }
0x24: {  	[sflag:s3] =	ssyncadd.s32 $0xFFFFFF80  }
0x25: {  	[tilespmem:s6], [sflag:$0x1] =	stream.indirect.gather [hbm4b:s10+s6], $0x80, s2, s6, $0xb8;
	[tilespmem:$0x4080] =	vst v63  }
0x26: {  	_ =	swait.ge [sflag:s7], $0x4000  }
0x27: {  	[sflag:s7] =	ssyncset.done $0x0  }
0x28: {  	s13 =	sadd.s32 $0xA2E00, s20;
	[sflag:s7] =	ssyncadd.s32 $0xFFFFC000  }
0x29: {  	[hbm4b:s13+s2] =	stream.linear.scatter [tilespmem:s6], [sflag:$0x2], $0x4000, $0x38;
	[tilespmem:$0x4080] =	vst v63  }
0x2a: {  	_ =	swait.ge [sflag:s3], $0x4000  }
0x2b: {  	[sflag:s3] =	ssyncset.done $0x0  }
0x2c: {  	[sflag:s3] =	ssyncadd.s32 $0xFFFFC000  }
0x2d: {  	[tilespmem:s2], [sflag:$0x2] =	stream.linear.gather [hbm4b:s4+s2], $0x80, $0x38;
	[tilespmem:$0x4080] =	vst v63  }
0x2e: {  	_ =	swait.ge [sflag:s3], $0x80  }
0x2f: {  	[sflag:s3] =	ssyncset.done $0x0  }
0x30: {  	s14 =	sadd.s32 $0x18000, s17;
	[sflag:s3] =	ssyncadd.s32 $0xFFFFFF80  }
0x31: {  	[tilespmem:s6], [sflag:$0x1] =	stream.indirect.gather [hbm4b:s14+s6], $0x80, s2, s6, $0xb8;
	[tilespmem:$0x4080] =	vst v63  }
0x32: {  	_ =	swait.ge [sflag:s7], $0x4000  }
0x33: {  	[sflag:s7] =	ssyncset.done $0x0  }
0x34: {  	s15 =	sadd.s32 $0x52E00, s20;
	[sflag:s7] =	ssyncadd.s32 $0xFFFFC000  }
0x35: {  	[hbm4b:s15+s2] =	stream.linear.scatter [tilespmem:s6], [sflag:$0x2], $0x4000, $0x38;
	[tilespmem:$0x4080] =	vst v63  }
0x36: {  	_ =	swait.ge [sflag:s3], $0x4000  }
0x37: {  	[sflag:s3] =	ssyncset.done $0x0  }
0x38: {  	s16 =	sadd.s32 s16, s18;
	[sflag:s3] =	ssyncadd.s32 $0xFFFFC000  }
0x39: {  	[tilespmem:s2], [sflag:$0x2] =	stream.linear.gather [hbm4b:s16+s2], $0x80, $0x38;
	[tilespmem:$0x4080] =	vst v63  }
0x3a: {  	_ =	swait.ge [sflag:s3], $0x80  }
0x3b: {  	[sflag:s3] =	ssyncset.done $0x0  }
0x3c: {  	s17 =	sadd.s32 $0x4600, s17;
	[sflag:s3] =	ssyncadd.s32 $0xFFFFFF80  }
0x3d: {  	[tilespmem:s6], [sflag:$0x1] =	stream.indirect.gather [hbm4b:s17+s6], $0x80, s2, s6, $0xb8;
	[tilespmem:$0x4080] =	vst v63  }
0x3e: {  	_ =	swait.ge [sflag:s7], $0x4000  }
0x3f: {  	[sflag:s7] =	ssyncset.done $0x0  }
0x40: {  	s18 =	sadd.s32 $0x62E00, s20;
	[sflag:s7] =	ssyncadd.s32 $0xFFFFC000  }
0x41: {  	[hbm4b:s18+s2] =	stream.linear.scatter [tilespmem:s6], [sflag:$0x2], $0x4000, $0x38;
	[tilespmem:$0x4080] =	vst v63  }
0x42: {  	_ =	swait.ge [sflag:s3], $0x4000  }
0x43: {  	[sflag:s3] =	ssyncset.done $0x0  }
0x44: {  	s19 =	ssub.s32 $0x2, s19;
	[sflag:s3] =	ssyncadd.s32 $0xFFFFC000  }
0x45: {  	[tilespmem:s2], [sflag:$0x2] =	stream.linear.gather [hbm4b:s16+s2], $0x80, $0x38;
	[tilespmem:$0x4080] =	vst v63  }
0x46: {  	s21 =	sshrl.u32 s19, $0x1;
	_ =	swait.ge [sflag:s3], $0x80  }
0x47: {  	s21 =	ssub.s32 s19, s21;
	[sflag:s3] =	ssyncset.done $0x0  }
0x48: {  	s31 =	smax.u32 s21, $0x1;
	[sflag:s3] =	ssyncadd.s32 $0xFFFFFF80  }
0x49: {  	[tilespmem:s6], [sflag:$0x1] =	stream.indirect.gather [hbm4b:s10+s6], $0x80, s2, s6, $0xb8;
	[tilespmem:$0x4080] =	vst v63  }
0x4a: {  	p0 =	sne.s32 s31, $0x1;
	_ =	swait.ge [sflag:s7], $0x4000  }
.Ltmp0:
0x4b: {  	[sflag:s7] =	ssyncset.done $0x0;
	(pc) =	sbr.rel @!p0 .LBB2_2-.Ltmp0, $4  }
0x4c: {  	s19 =	sadd.s32 $0x72E00, s20;
	[sflag:s7] =	ssyncadd.s32 $0xFFFFC000  }
0x4d: {  	[hbm4b:s19+s2] =	stream.linear.scatter [tilespmem:s6], [sflag:$0x2], $0x4000, $0x38;
	[tilespmem:$0x4080] =	vst v63  }
0x4e: {  	_ =	swait.ge [sflag:s3], $0x4000  }
0x4f: {  	s20 =	sadd.s32 $0xFFFFFFFF, s31;
	[sflag:s3] =	ssyncset.done $0x0  }
.LBB2_1:
0x50: {  	p0 =	sne.s32 s20, $0x1;
	s20 =	sadd.s32 $0xFFFFFFFF, s20;
	[sflag:s3] =	ssyncadd.s32 $0xFFFFC000  }
0x51: {  	[tilespmem:s2], [sflag:$0x2] =	stream.linear.gather [hbm4b:s4+s2], $0x80, $0x38;
	[tilespmem:$0x4080] =	vst v63  }
0x52: {  	_ =	swait.ge [sflag:s3], $0x80  }
0x53: {  	[sflag:s3] =	ssyncset.done $0x0  }
0x54: {  	[sflag:s3] =	ssyncadd.s32 $0xFFFFFF80  }
0x55: {  	[tilespmem:s6], [sflag:$0x1] =	stream.indirect.gather [hbm4b:s5+s6], $0x80, s2, s6, $0xb8;
	[tilespmem:$0x4080] =	vst v63  }
0x56: {  	_ =	swait.ge [sflag:s7], $0x4000  }
0x57: {  	[sflag:s7] =	ssyncset.done $0x0  }
0x58: {  	[sflag:s7] =	ssyncadd.s32 $0xFFFFC000  }
0x59: {  	[hbm4b:s8+s2] =	stream.linear.scatter [tilespmem:s6], [sflag:$0x2], $0x4000, $0x38;
	[tilespmem:$0x4080] =	vst v63  }
0x5a: {  	_ =	swait.ge [sflag:s3], $0x4000  }
0x5b: {  	[sflag:s3] =	ssyncset.done $0x0  }
0x5c: {  	[sflag:s3] =	ssyncadd.s32 $0xFFFFC000  }
0x5d: {  	[tilespmem:s2], [sflag:$0x2] =	stream.linear.gather [hbm4b:s9+s2], $0x80, $0x38;
	[tilespmem:$0x4080] =	vst v63  }
0x5e: {  	_ =	swait.ge [sflag:s3], $0x80  }
0x5f: {  	[sflag:s3] =	ssyncset.done $0x0  }
0x60: {  	[sflag:s3] =	ssyncadd.s32 $0xFFFFFF80  }
0x61: {  	[tilespmem:s6], [sflag:$0x1] =	stream.indirect.gather [hbm4b:s10+s6], $0x80, s2, s6, $0xb8;
	[tilespmem:$0x4080] =	vst v63  }
0x62: {  	_ =	swait.ge [sflag:s7], $0x4000  }
0x63: {  	[sflag:s7] =	ssyncset.done $0x0  }
0x64: {  	[sflag:s7] =	ssyncadd.s32 $0xFFFFC000  }
0x65: {  	[hbm4b:s11+s2] =	stream.linear.scatter [tilespmem:s6], [sflag:$0x2], $0x4000, $0x38;
	[tilespmem:$0x4080] =	vst v63  }
0x66: {  	_ =	swait.ge [sflag:s3], $0x4000  }
0x67: {  	[sflag:s3] =	ssyncset.done $0x0  }
0x68: {  	[sflag:s3] =	ssyncadd.s32 $0xFFFFC000  }
0x69: {  	[tilespmem:s2], [sflag:$0x2] =	stream.linear.gather [hbm4b:s12+s2], $0x80, $0x38;
	[tilespmem:$0x4080] =	vst v63  }
0x6a: {  	_ =	swait.ge [sflag:s3], $0x80  }
0x6b: {  	[sflag:s3] =	ssyncset.done $0x0  }
0x6c: {  	[sflag:s3] =	ssyncadd.s32 $0xFFFFFF80  }
0x6d: {  	[tilespmem:s6], [sflag:$0x1] =	stream.indirect.gather [hbm4b:s10+s6], $0x80, s2, s6, $0xb8;
	[tilespmem:$0x4080] =	vst v63  }
0x6e: {  	_ =	swait.ge [sflag:s7], $0x4000  }
0x6f: {  	[sflag:s7] =	ssyncset.done $0x0  }
0x70: {  	[sflag:s7] =	ssyncadd.s32 $0xFFFFC000  }
0x71: {  	[hbm4b:s13+s2] =	stream.linear.scatter [tilespmem:s6], [sflag:$0x2], $0x4000, $0x38;
	[tilespmem:$0x4080] =	vst v63  }
0x72: {  	_ =	swait.ge [sflag:s3], $0x4000  }
0x73: {  	[sflag:s3] =	ssyncset.done $0x0  }
0x74: {  	[sflag:s3] =	ssyncadd.s32 $0xFFFFC000  }
0x75: {  	[tilespmem:s2], [sflag:$0x2] =	stream.linear.gather [hbm4b:s4+s2], $0x80, $0x38;
	[tilespmem:$0x4080] =	vst v63  }
0x76: {  	_ =	swait.ge [sflag:s3], $0x80  }
0x77: {  	[sflag:s3] =	ssyncset.done $0x0  }
0x78: {  	[sflag:s3] =	ssyncadd.s32 $0xFFFFFF80  }
0x79: {  	[tilespmem:s6], [sflag:$0x1] =	stream.indirect.gather [hbm4b:s14+s6], $0x80, s2, s6, $0xb8;
	[tilespmem:$0x4080] =	vst v63  }
0x7a: {  	_ =	swait.ge [sflag:s7], $0x4000  }
0x7b: {  	[sflag:s7] =	ssyncset.done $0x0  }
0x7c: {  	[sflag:s7] =	ssyncadd.s32 $0xFFFFC000  }
0x7d: {  	[hbm4b:s15+s2] =	stream.linear.scatter [tilespmem:s6], [sflag:$0x2], $0x4000, $0x38;
	[tilespmem:$0x4080] =	vst v63  }
0x7e: {  	_ =	swait.ge [sflag:s3], $0x4000  }
0x7f: {  	[sflag:s3] =	ssyncset.done $0x0  }
0x80: {  	[sflag:s3] =	ssyncadd.s32 $0xFFFFC000  }
0x81: {  	[tilespmem:s2], [sflag:$0x2] =	stream.linear.gather [hbm4b:s16+s2], $0x80, $0x38;
	[tilespmem:$0x4080] =	vst v63  }
0x82: {  	_ =	swait.ge [sflag:s3], $0x80  }
0x83: {  	[sflag:s3] =	ssyncset.done $0x0  }
0x84: {  	[sflag:s3] =	ssyncadd.s32 $0xFFFFFF80  }
0x85: {  	[tilespmem:s6], [sflag:$0x1] =	stream.indirect.gather [hbm4b:s17+s6], $0x80, s2, s6, $0xb8;
	[tilespmem:$0x4080] =	vst v63  }
0x86: {  	_ =	swait.ge [sflag:s7], $0x4000  }
0x87: {  	[sflag:s7] =	ssyncset.done $0x0  }
0x88: {  	[sflag:s7] =	ssyncadd.s32 $0xFFFFC000  }
0x89: {  	[hbm4b:s18+s2] =	stream.linear.scatter [tilespmem:s6], [sflag:$0x2], $0x4000, $0x38;
	[tilespmem:$0x4080] =	vst v63  }
0x8a: {  	_ =	swait.ge [sflag:s3], $0x4000  }
0x8b: {  	[sflag:s3] =	ssyncset.done $0x0  }
0x8c: {  	[sflag:s3] =	ssyncadd.s32 $0xFFFFC000  }
0x8d: {  	[tilespmem:s2], [sflag:$0x2] =	stream.linear.gather [hbm4b:s16+s2], $0x80, $0x38;
	[tilespmem:$0x4080] =	vst v63  }
0x8e: {  	_ =	swait.ge [sflag:s3], $0x80  }
0x8f: {  	[sflag:s3] =	ssyncset.done $0x0  }
0x90: {  	[sflag:s3] =	ssyncadd.s32 $0xFFFFFF80  }
0x91: {  	[tilespmem:s6], [sflag:$0x1] =	stream.indirect.gather [hbm4b:s10+s6], $0x80, s2, s6, $0xb8;
	[tilespmem:$0x4080] =	vst v63  }
0x92: {  	_ =	swait.ge [sflag:s7], $0x4000  }
.Ltmp1:
0x93: {  	[sflag:s7] =	ssyncset.done $0x0;
	(pc) =	sbr.rel @p0 .LBB2_1-.Ltmp1, $4  }
0x94: {  	[sflag:s7] =	ssyncadd.s32 $0xFFFFC000  }
0x95: {  	[hbm4b:s19+s2] =	stream.linear.scatter [tilespmem:s6], [sflag:$0x2], $0x4000, $0x38;
	[tilespmem:$0x4080] =	vst v63  }
0x96: {  	_ =	swait.ge [sflag:s3], $0x4000  }
0x97: {  	[sflag:s3] =	ssyncset.done $0x0  }
.LBB2_2:
0x98: {  	[sflag:s3] =	ssyncadd.s32 $0xFFFFC000  }
0x99: {  	_ =	sfence.sel $0x180000  }
0x9a: {  	[bflag:$0x0] =	sbarrier.arrive $0xFFFF  }
0x9b: {  	p0 =	sne.s32 s0, $0x0;
	_ =	strace $0x9000004A  }
0x9c: {  	s0 =	sadd.s32 @!p0 $0x100000, s1;
	[bflag:$0x2] =	sbarrier.arrive $0xFFFF  }
0x9d: {  	[sflag:s0] =	ssyncadd.tile.s32 @!p0 $0x1;
	_ =	shalt  }
.Lfunc_end2:
_tile_overlayer_lowered:
.L_overlay_start_2:
0x9e: {  	(tag) =	ssettag $0x2  }
0x9f: {  	s0 =	rddreg [dreg:$0x0];
	s2 =	stileid.u32  }
0xa0: {  	s1 =	rddreg [dreg:$0x1];
	p0 =	sne.s32 s2, $0x0  }
0xa1: {  	s3 =	rddreg [dreg:$0x2];
	[bflag:$0x3] =	sbarrier.arrive $0xFFFF;
	s2 =	simm.s32 @!p0 $0x1C02  }
0xa2: {  	[timem:s3], [sflag:s2] =	dma.local @!p0 [hbm:s0], s1  }
0xa3: {  	s0 =	simm.s32 @!p0 $0x2  }
0xa4: {  	_ =	swait.ge @!p0 [sflag:s0], s1  }
0xa5: {  	s1 =	ssub.s32 @!p0 $0x0, s1;
	[sflag:s0] =	ssyncset.done @!p0 $0x0  }
0xa6: {  	[sflag:s0] =	ssyncadd.s32 @!p0 s1  }
0xa7: {  	[bflag:$0x3] =	sbarrier.arrive $0xFFFF  }
0xa8: {  	_ =	shalt  }

// kernel: kernel.9.cloned.1.call-start
scs
__scs_entry_jumppad:
0x0: {  	(pc) =	sbr.rel $0x88, $3  }
0x1: {  	(tag) =	ssettag $0x0;
	lr =	simm.s32 $0x1  }
0x2: {  	[smem:$0x3F6D] =	sst lr;
	_ =	strace $0xD0000000  }
0x3: {  	_ = 	snop  }
0x4: {  	_ = 	snop  }
0x5: {  	_ = 	snop  }
0x6: {  	_ = 	snop  }
0x7: {  	_ = 	snop  }
__scs_overlays_trampoline_lowered:
0x8: {  	[smem:$0x3F7C] =	sst s0  }
0x9: {  	[smem:$0x3F7D] =	sst s1  }
0xa: {  	[smem:$0x3F7E] =	sst s2  }
0xb: {  	[smem:$0x3F7F] =	sst s3  }
0xc: {  	[smem:$0x3F80] =	sst s4  }
0xd: {  	[smem:$0x3F81] =	sst s5  }
0xe: {  	[smem:$0x3F82] =	sst s6  }
0xf: {  	[smem:$0x3F83] =	sst s7  }
0x10: {  	[smem:$0x3F84] =	sst s8  }
0x11: {  	[smem:$0x3F85] =	sst s9;
	s0 =	simm.s32 @!p0 $0x0  }
0x12: {  	s1 =	sld [smem:$0x3F6B];
	s0 =	simm.s32 @p0 $0x1  }
0x13: {  	[smem:$0x3F86] =	sst s0;
	s0 =	simm.s32 @!p1 $0x0  }
0x14: {  	s2 =	sld [smem:$0x3F6A];
	s0 =	simm.s32 @p1 $0x1  }
0x15: {  	[smem:$0x3F87] =	sst s0;
	s0 =	simm.s32 @!p2 $0x0  }
0x16: {  	s3 =	sld [smem:$0x3FDB];
	s0 =	simm.s32 @p2 $0x1  }
0x17: {  	s4 =	simm.s32 $0x1BF5;
	[smem:$0x3F89] =	sst s0  }
0x18: {  	s0 =	sld [smem:$0x3F6C];
	_ =	swait.ge [sflag:s4], $0x0  }
0x19: {  	s7 =	sld [smem:$0x3F6D]  }
0x1a: {  	s8 =	sadd.s32 $0xFFFFE003, lr  }
0x1b: {  	s9 =	sadd.s32 $0xFFFFFEF7, lr;
	s5 =	simm.s32 $0xFFFFFFFF;
	p2 =	slt.u32 s8, $0xFFFFF086  }
0x1c: {  	p1 =	slt.u32 s9, $0xF7A;
	s5 =	simm.s32 @!p2 $0x0  }
0x1d: {  	s5 =	simm.s32 @p1 $0x1;
	p0 =	seq.s32 s7, s2  }
0x1e: {  	s7 =	smul.u32 @!p0 $0xF7A, s2;
	p2 =	seq.s32 @!p0 s5, $0x0  }
0x1f: {  	s9 =	smul.u32 $0xF7A, s1;
	s8 =	simm.s32 @!p0 $0x1BF5;
	p2 =	por !p2, p0  }
0x20: {  	[sflag:s8] =	ssyncset.s32 @!p0 $0xFFFFF086;
	s6 =	sadd.s32 @!p0 s3, s7;
	s7 =	simm.s32 @!p0 $0x108  }
0x21: {  	s3 =	sadd.s32 s3, s9;
	s6 =	sadd.s32 @!p0 $0x88, s6;
	s7 =	simm.s32 @p2 $0x1082  }
0x22: {  	[simem:s7], [sflag:s8] =	dma.local @!p0 [hbm:s6], $0xF7A  }
0x23: {  	s9 =	sor.u32 $0xD0000000, s2;
	s6 =	simm.s32 $0x108;
	_ =	swait.ge @!p0 [sflag:s8], $0x0  }
0x24: {  	s3 =	sadd.s32 $0x88, s3;
	s6 =	simm.s32 @!p1 $0x1082;
	[sflag:s4] =	ssyncset.s32 $0xFFFFF086  }
0x25: {  	[simem:s6], [sflag:s4] =	dma.local [hbm:s3], $0xF7A  }
0x26: {  	[smem:$0x3F6D] =	sst s1;
	(tag) =	ssettag s2;
	_ =	strace s9  }
0x27: {  	s1 =	sld [smem:$0x3F7D]  }
0x28: {  	s2 =	sld [smem:$0x3F7E]  }
0x29: {  	s4 =	sld [smem:$0x3F80]  }
0x2a: {  	p0 =	seq.s32 s5, $0x0;
	s5 =	sld [smem:$0x3F81]  }
0x2b: {  	s6 =	sld [smem:$0x3F82]  }
0x2c: {  	s7 =	sld [smem:$0x3F83]  }
0x2d: {  	s3 =	simm.s32 $0x108;
	s8 =	sld [smem:$0x3F84]  }
0x2e: {  	s3 =	simm.s32 @!p0 $0x1082;
	s9 =	sld [smem:$0x3F85]  }
0x2f: {  	lr =	sadd.s32 s0, s3;
	s0 =	sld [smem:$0x3F7C]  }
0x30: {  	s3 =	sld [smem:$0x3F7F]  }
0x31: {  	[smem:$0x3F88] =	sst s10  }
0x32: {  	s10 =	sld [smem:$0x3F86];
	_ =	sdelay $0x3  }
0x33: {  	p0 =	seq.s32 s10, $0x1;
	s10 =	sld [smem:$0x3F88];
	_ =	sdelay $0x3  }
0x34: {  	[smem:$0x3F88] =	sst s10  }
0x35: {  	s10 =	sld [smem:$0x3F87];
	_ =	sdelay $0x3  }
0x36: {  	p1 =	seq.s32 s10, $0x1;
	s10 =	sld [smem:$0x3F88];
	_ =	sdelay $0x3  }
0x37: {  	[smem:$0x3F88] =	sst s10  }
0x38: {  	s10 =	sld [smem:$0x3F89]  }
0x39: {  	_ = 	snop;
	(pc) =	sbr.ind lr, $3  }
0x3a: {  	_ = 	snop  }
0x3b: {  	_ = 	snop  }
0x3c: {  	p2 =	seq.s32 s10, $0x1;
	s10 =	sld [smem:$0x3F88]  }
0x3d: {  	_ =	shalt  }
0x3e: {  	_ =	shalt  }
0x3f: {  	_ =	shalt  }
0x40: {  	_ =	shalt  }
0x41: {  	_ =	shalt  }
0x42: {  	_ =	shalt  }
0x43: {  	_ =	shalt  }
0x44: {  	_ =	shalt  }
0x45: {  	_ =	shalt  }
0x46: {  	_ =	shalt  }
0x47: {  	_ =	shalt  }
0x48: {  	_ =	shalt  }
0x49: {  	_ =	shalt  }
0x4a: {  	_ =	shalt  }
0x4b: {  	_ =	shalt  }
0x4c: {  	_ =	shalt  }
0x4d: {  	_ =	shalt  }
0x4e: {  	_ =	shalt  }
0x4f: {  	_ =	shalt  }
0x50: {  	_ =	shalt  }
0x51: {  	_ =	shalt  }
0x52: {  	_ =	shalt  }
0x53: {  	_ =	shalt  }
0x54: {  	_ =	shalt  }
0x55: {  	_ =	shalt  }
0x56: {  	_ =	shalt  }
0x57: {  	_ =	shalt  }
0x58: {  	_ =	shalt  }
0x59: {  	_ =	shalt  }
0x5a: {  	_ =	shalt  }
0x5b: {  	_ =	shalt  }
0x5c: {  	_ =	shalt  }
0x5d: {  	_ =	shalt  }
0x5e: {  	_ =	shalt  }
0x5f: {  	_ =	shalt  }
0x60: {  	_ =	shalt  }
0x61: {  	_ =	shalt  }
0x62: {  	_ =	shalt  }
0x63: {  	_ =	shalt  }
0x64: {  	_ =	shalt  }
0x65: {  	_ =	shalt  }
0x66: {  	_ =	shalt  }
0x67: {  	_ =	shalt  }
0x68: {  	_ =	shalt  }
0x69: {  	_ =	shalt  }
0x6a: {  	_ =	shalt  }
0x6b: {  	_ =	shalt  }
0x6c: {  	_ =	shalt  }
0x6d: {  	_ =	shalt  }
0x6e: {  	_ =	shalt  }
0x6f: {  	_ =	shalt  }
0x70: {  	_ =	shalt  }
0x71: {  	_ =	shalt  }
0x72: {  	_ =	shalt  }
0x73: {  	_ =	shalt  }
0x74: {  	_ =	shalt  }
0x75: {  	_ =	shalt  }
0x76: {  	_ =	shalt  }
0x77: {  	_ =	shalt  }
0x78: {  	_ =	shalt  }
0x79: {  	_ =	shalt  }
0x7a: {  	_ =	shalt  }
0x7b: {  	_ =	shalt  }
0x7c: {  	_ =	shalt  }
0x7d: {  	_ =	shalt  }
0x7e: {  	_ =	shalt  }
0x7f: {  	_ =	shalt  }
0x80: {  	_ =	shalt  }
0x81: {  	_ =	shalt  }
0x82: {  	_ =	shalt  }
0x83: {  	_ =	shalt  }
0x84: {  	_ =	shalt  }
0x85: {  	_ =	shalt  }
0x86: {  	_ =	shalt  }
0x87: {  	_ =	shalt  }
.Lfunc_end0:
.L_simem_size_0:
called_computation_lowered:
.L_overlay_start_0:
0x88: {  	s2 =	sld [smem:$0x3FD9]  }
0x89: {  	s3 =	sld [smem:$0x3FFE];
	_ =	sdelay $0x1  }
0x8a: {  	s1 =	srdreg.scid  }
0x8b: {  	s0 =	sand.u32 $0x1, s1  }
0x8c: {  	s17 =	sshll.u32 s0, $0xA;
	s2 =	sadd.s32 s3, s2  }
0x8d: {  	s2 =	sadd.s32 s2, s17  }
0x8e: {  	[smem:$0x3F94] =	sst s2  }
0x8f: {  	_ = 	snop  }
0x90: {  	s2 =	sld [smem:$0x3FC4];
	(tm) =	ssettm $0x1  }
0x91: {  	s18 =	sld [smem:$0x3FFB];
	_ =	sdelay $0x3  }
0x92: {  	_ =	strace s18  }
0x93: {  	s3 =	sld [smem:$0x3FFC];
	_ =	sdelay $0x3  }
0x94: {  	_ =	strace s3  }
0x95: {  	s3 =	sld [smem:$0x3FFD];
	_ =	sdelay $0x3  }
0x96: {  	_ =	strace s3  }
0x97: {  	_ =	strace $0x8FFFFFFF  }
0x98: {  	s19 =	sld [smem:$0x3FDB];
	_ =	sdelay $0x1  }
0x99: {  	s4 =	simm.s32 $_scs_section_size  }
0x9a: {  	s5 =	simm.s32 $_size__tile_overlayer_lowered;
	s6 =	simm.s32 $_tile_overlayer_lowered  }
0x9b: {  	s22 =	simm.s32 $0x1BFF;
	s21 =	sshll.u32 s6, $0x1;
	s3 =	sadd.s32 s4, s19  }
0x9c: {  	s7 =	simm.s32 $0x0;
	s20 =	sshll.u32 s5, $0x1;
	s5 =	sadd.s32 s21, s3  }
0x9d: {  	[timem:s7], [sflag:s22] =	dma.local [hbm:s5], s20  }
0x9e: {  	_ =	swait.ge [sflag:s22], s20  }
0x9f: {  	s4 =	ssub.s32 $0x0, s20;
	[sflag:s22] =	ssyncset.done $0x0  }
0xa0: {  	[sflag:s22] =	ssyncadd.s32 s4;
	_ =	sdelay $0x1  }
0xa1: {  	s23 =	simm.s32 $0x1B8B  }
0xa2: {  	_ =	swait.ge [sflag:s23], $0x1  }
0xa3: {  	[sflag:s23] =	ssyncset.done $0x0  }
0xa4: {  	s25 =	simm.s32 $0x1B8E;
	s24 =	sld [smem:$0x3FFE];
	[sflag:s23] =	ssyncadd.s32 $0xFFFFFFFF  }
0xa5: {  	s26 =	simm.s32 $execute0_lowered;
	[smem:$0x3FD2] =	sst s25  }
0xa6: {  	s5 =	sshll.u32 s26, $0x1;
	_ =	strace $0x80000046;
	[dreg:$0x1] =	wrdreg $0xFFFFFFFF  }
0xa7: {  	s28 =	simm.s32 $_size_execute0_lowered;
	s3 =	sadd.s32 s3, s5;
	[dreg:$0x0] =	wrdreg $0x0  }
0xa8: {  	s5 =	sshll.u32 s28, $0x1;
	[dreg:$0x2] =	wrdreg s3  }
0xa9: {  	[dreg:$0x3] =	wrdreg s5  }
0xaa: {  	[dreg:$0x4] =	wrdreg $0xC0  }
0xab: {  	_ =	task [dreg:s7], $0x5FFFF  }
0xac: {  	[dreg:$0x1] =	wrdreg $0xFFFFFFFF  }
0xad: {  	[dreg:$0x0] =	wrdreg $0x60  }
0xae: {  	[dreg:$0x2] =	wrdreg s24  }
0xaf: {  	[dreg:$0x3] =	wrdreg s2  }
0xb0: {  	[dreg:$0x4] =	wrdreg $0x6C800  }
0xb1: {  	[dreg:$0x5] =	wrdreg $0x9  }
0xb2: {  	_ =	task.clear_ibuf [dreg:s7], $0x6FFFF;
	_ =	strace $0x90000046  }
0xb3: {  	s29 =	simm.s32 $0x9;
	_ =	strace $0x80000048  }
0xb4: {  	_ =	swait.ge [sflag:s29], $0x1  }
0xb5: {  	[sflag:s29] =	ssyncadd.s32 $0xFFFFFFFF  }
0xb6: {  	_ =	strace $0x90000048  }
0xb7: {  	_ =	sfence  }
0xb8: {  	s30 =	sld [smem:$0x0];
	_ =	sdelay $0x2  }
0xb9: {  	s31 =	sshll.u32 s1, $0xD;
	s1 =	sshrl.u32 s1, $0x2  }
0xba: {  	s3 =	sand.u32 $0x4000, s31;
	s1 =	sadd.s32 s1, s30  }
0xbb: {  	s0 =	sor.u32 s3, s0;
	s1 =	sshll.u32 s1, $0x11  }
0xbc: {  	s0 =	sor.u32 s1, s0  }
0xbd: {  	s0 =	sadd.s32 $0x8F2B, s0  }
0xbe: {  	[sflag:s0] =	ssyncadd.remote.s32 $0x1  }
0xbf: {  	_ =	sfence.sel $0xFFFF  }
0xc0: {  	[dreg:$0x0] =	wrdreg $0xFFFFFFFF;
	(pc) =	sbr.abs _section_cstart, $3  }
0xc1: {  	[dreg:$0x1] =	wrdreg $0xFFFFFFFF  }
0xc2: {  	_ =	task.clear_ibuf [dreg:s7], $0x2FFFF;
	_ =	strace $0x9FFFFFFF  }
0xc3: {  	(tm) =	ssettm $0x7FFFFFFF  }
tec
execute0_lowered:
.L_overlay_start_1:
0x0: {  	(tag) =	ssettag $0x1  }
0x1: {  	s0 =	rddreg [dreg:$0x0]  }
0x2: {  	s2 =	rddreg [dreg:$0x1]  }
0x3: {  	s3 =	srdreg.scid;
	s10 =	stileid.u32  }
0x4: {  	s1 =	simm.s32 $0x0;
	s29 =	rddreg [dreg:$0x2];
	s21 =	smul.u32 $0x4E20, s10  }
0x5: {  	[smem:$0x7FF] =	sst s1;
	s5 =	sand.u32 $0x1, s3;
	s4 =	sadd.s32 $0xE400, s0  }
0x6: {  	[dreg:$0x4] =	wrdreg s5;
	s5 =	ssub.s32 $0x2, s5;
	s3 =	sshrl.u32 s21, $0x3  }
0x7: {  	s6 =	smul.u32 $0x64000, s10;
	s8 =	sshrl.u32 s5, $0x1;
	s22 =	sadd.s32 $0xFA, s3  }
0x8: {  	s7 =	sadd.s32 $0x4600, s0;
	s8 =	ssub.s32 s5, s8;
	s9 =	sadd.s32 s4, s22  }
0x9: {  	s5 =	sshrl.u32 s6, $0x2;
	s23 =	sadd.s32 s7, s22;
	[dreg:$0x5] =	wrdreg s9  }
0xa: {  	s24 =	sadd.s32 $0x1F4, s3;
	s6 =	sadd.s32 s2, s22;
	[dreg:$0x6] =	wrdreg s23  }
0xb: {  	s25 =	sadd.s32 s4, s24;
	[dreg:$0x7] =	wrdreg s6  }
0xc: {  	s26 =	sadd.s32 $0x2EE, s3;
	s11 =	sadd.s32 s7, s24;
	[dreg:$0x8] =	wrdreg s25  }
0xd: {  	s28 =	sadd.s32 s4, s26;
	[dreg:$0x9] =	wrdreg s11  }
0xe: {  	s14 =	sadd.s32 $0x4E2, s3;
	s30 =	sadd.s32 s7, s26;
	[dreg:$0xb] =	wrdreg s28  }
0xf: {  	s15 =	sadd.s32 s4, s14;
	[dreg:$0xc] =	wrdreg s30  }
0x10: {  	s16 =	sadd.s32 $0x5DC, s3;
	s17 =	sadd.s32 s7, s14;
	[dreg:$0x11] =	wrdreg s15  }
0x11: {  	s18 =	sadd.s32 s4, s16;
	[dreg:$0x12] =	wrdreg s17  }
0x12: {  	s20 =	sadd.s32 $0x6D6, s3;
	s19 =	sadd.s32 s7, s16;
	[dreg:$0x14] =	wrdreg s18  }
0x13: {  	s21 =	sadd.s32 s4, s20;
	[dreg:$0x15] =	wrdreg s19  }
0x14: {  	s22 =	sadd.s32 s7, s20;
	[dreg:$0x17] =	wrdreg s21  }
0x15: {  	s9 =	sadd.s32 s2, s24;
	[dreg:$0x18] =	wrdreg s22  }
0x16: {  	s6 =	sadd.s32 s2, s26;
	[dreg:$0xa] =	wrdreg s9  }
0x17: {  	s28 =	sadd.s32 s4, s3;
	[dreg:$0xd] =	wrdreg s6  }
0x18: {  	s11 =	sadd.s32 $0x3E8, s3;
	s30 =	sadd.s32 s7, s3;
	[dreg:$0x1d] =	wrdreg s28  }
0x19: {  	s12 =	sadd.s32 s4, s11;
	[dreg:$0x1e] =	wrdreg s30  }
0x1a: {  	s13 =	sadd.s32 s7, s11;
	[dreg:$0xe] =	wrdreg s12  }
0x1b: {  	s6 =	sadd.s32 s2, s11;
	[dreg:$0xf] =	wrdreg s13  }
0x1c: {  	s23 =	sadd.s32 $0x7D0, s3;
	s9 =	sadd.s32 s2, s14;
	[dreg:$0x10] =	wrdreg s6  }
0x1d: {  	s24 =	sadd.s32 s4, s23;
	[dreg:$0x13] =	wrdreg s9  }
0x1e: {  	s25 =	sadd.s32 s7, s23;
	[dreg:$0x1a] =	wrdreg s24  }
0x1f: {  	s26 =	sadd.s32 s2, s23;
	[dreg:$0x1b] =	wrdreg s25  }
0x20: {  	s6 =	sadd.s32 s2, s16;
	[dreg:$0x1c] =	wrdreg s26  }
0x21: {  	s9 =	sadd.s32 s2, s3;
	[dreg:$0x16] =	wrdreg s6  }
0x22: {  	s3 =	sadd.s32 $0x8CA, s3;
	s6 =	sadd.s32 s2, s20;
	[dreg:$0x1f] =	wrdreg s9  }
0x23: {  	s4 =	sadd.s32 s4, s3;
	[dreg:$0x19] =	wrdreg s6  }
0x24: {  	s11 =	sadd.s32 s7, s3;
	[smem:$0x7CC] =	sst s4  }
0x25: {  	s14 =	smax.u32 s8, $0x1;
	s2 =	sadd.s32 s2, s3;
	[smem:$0x7CD] =	sst s11  }
0x26: {  	s12 =	sshll.u32 s10, $0x9;
	[smem:$0x7CE] =	sst s2;
	s4 =	sadd.s32 s5, s29  }
0x27: {  	s5 =	sadd.s32 $0x18200, s0;
	s6 =	sand.u32 $0x200, s12;
	_ =	strace $0x80000047  }
0x28: {  	s13 =	sadd.s32 $0x1400, s4;
	[smem:$0x7CF] =	sst s14;
	s3 =	sadd.s32 $0x9600, s4  }
0x29: {  	s16 =	sadd.s32 $0x2800, s4;
	s15 =	sshrl.u32 s13, $0x3;
	[smem:$0x7EA] =	sst s3  }
0x2a: {  	s17 =	sadd.s32 $0x3C00, s4;
	s0 =	sshrl.u32 s16, $0x3;
	[smem:$0x7D0] =	sst s15  }
0x2b: {  	s18 =	sadd.s32 $0x5000, s4;
	s19 =	sshrl.u32 s17, $0x3;
	[smem:$0x7D1] =	sst s0  }
0x2c: {  	s22 =	sadd.s32 $0x8C00, s4;
	s20 =	sshrl.u32 s18, $0x3;
	[smem:$0x7D2] =	sst s19  }
0x2d: {  	s23 =	sadd.s32 $0xA000, s4;
	s24 =	sshrl.u32 s22, $0x3;
	[smem:$0x7D3] =	sst s20  }
0x2e: {  	s28 =	sadd.s32 $0xDC00, s4;
	s25 =	sshrl.u32 s23, $0x3;
	[smem:$0x7D5] =	sst s24  }
0x2f: {  	s30 =	sadd.s32 $0xF000, s4;
	s2 =	sshrl.u32 s28, $0x3;
	[smem:$0x7D6] =	sst s25  }
0x30: {  	s9 =	sadd.s32 $0x11800, s4;
	s7 =	sshrl.u32 s30, $0x3;
	[smem:$0x7D8] =	sst s2  }
0x31: {  	s11 =	sadd.s32 $0x14000, s4;
	s12 =	sshrl.u32 s9, $0x3;
	[smem:$0x7D9] =	sst s7  }
0x32: {  	s13 =	sshrl.u32 s11, $0x3;
	[smem:$0x7DB] =	sst s12  }
0x33: {  	s22 =	sadd.s32 $0x3200, s4;
	[smem:$0x7DC] =	sst s13  }
0x34: {  	s23 =	sadd.s32 $0x3E80, s4;
	[smem:$0x7E3] =	sst s22  }
0x35: {  	s28 =	sadd.s32 $0x7D00, s4;
	[smem:$0x7E4] =	sst s23  }
0x36: {  	s30 =	sadd.s32 $0x8980, s4;
	[smem:$0x7E8] =	sst s28  }
0x37: {  	s9 =	sadd.s32 $0xBB80, s4;
	[smem:$0x7E9] =	sst s30  }
0x38: {  	s21 =	sadd.s32 $0x7800, s4;
	s11 =	sadd.s32 $0xD480, s4;
	[smem:$0x7ED] =	sst s9  }
0x39: {  	s16 =	sadd.s32 $0x17C00, s4;
	s0 =	sshrl.u32 s21, $0x3;
	[smem:$0x7EE] =	sst s11  }
0x3a: {  	s18 =	sshrl.u32 s16, $0x3;
	[smem:$0x7D4] =	sst s0  }
0x3b: {  	s19 =	sadd.s32 $0xC80, s4;
	[smem:$0x7DF] =	sst s18  }
0x3c: {  	s20 =	sadd.s32 $0x1900, s4;
	[smem:$0x7E0] =	sst s19  }
0x3d: {  	s21 =	sadd.s32 $0x2580, s4;
	[smem:$0x7E1] =	sst s20  }
0x3e: {  	s24 =	sadd.s32 $0x4B00, s4;
	[smem:$0x7E2] =	sst s21  }
0x3f: {  	s26 =	sadd.s32 $0xB400, s4;
	s25 =	sadd.s32 $0x5780, s4;
	[smem:$0x7E5] =	sst s24  }
0x40: {  	s8 =	sadd.s32 $0x10400, s4;
	s7 =	sadd.s32 $0xA280, s4;
	[smem:$0x7E6] =	sst s25  }
0x41: {  	s14 =	sadd.s32 $0x15400, s4;
	s13 =	sadd.s32 $0xE100, s4;
	[smem:$0x7EB] =	sst s7  }
0x42: {  	s31 =	sor.u32 $0x80, s6;
	s16 =	sadd.s32 $0x10680, s4;
	[smem:$0x7EF] =	sst s13  }
0x43: {  	s3 =	sor.u32 $0x180, s6;
	s22 =	sadd.s32 $0x15180, s4;
	[smem:$0x7F2] =	sst s16  }
0x44: {  	s15 =	sadd.s32 $0x16800, s4;
	s23 =	sadd.s32 $0x15E00, s4;
	[smem:$0x7F7] =	sst s22  }
0x45: {  	s12 =	sadd.s32 $0xC800, s4;
	s30 =	sor.u32 $0x100, s6;
	[smem:$0x7F8] =	sst s23  }
0x46: {  	s28 =	smul.u32 $0x14, s10;
	s0 =	sshrl.u32 s26, $0x3;
	[smem:$0x7FD] =	sst s30  }
0x47: {  	s9 =	simm.s32 $0x6000;
	s17 =	sshrl.u32 s15, $0x3;
	[smem:$0x7D7] =	sst s0  }
0x48: {  	s10 =	simm.s32 $0x3;
	s26 =	sadd.s32 $0x7080, s4;
	[smem:$0x7DE] =	sst s17  }
0x49: {  	s11 =	simm.s32 $0x1;
	s15 =	sadd.s32 $0xFA00, s4;
	[smem:$0x7E7] =	sst s26  }
0x4a: {  	s18 =	sadd.s32 $0x11F80, s4;
	s20 =	sadd.s32 $0x12C00, s4;
	[smem:$0x7F1] =	sst s15  }
0x4b: {  	s19 =	sadd.s32 $0x13880, s4;
	s21 =	sadd.s32 $0x14500, s4;
	[smem:$0x7F4] =	sst s18  }
0x4c: {  	s24 =	sadd.s32 $0x16A80, s4;
	s25 =	sadd.s32 $0x17700, s4;
	[smem:$0x7F5] =	sst s19  }
0x4d: {  	s7 =	simm.s32 $0x1800;
	s16 =	simm.s32 $0x7D0;
	[smem:$0x7F6] =	sst s21  }
0x4e: {  	s22 =	simm.s32 $0x5000;
	s23 =	simm.s32 $0x2;
	[smem:$0x7F9] =	sst s24  }
0x4f: {  	s13 =	simm.s32 $0x0;
	s0 =	sshrl.u32 s8, $0x3;
	[smem:$0x7FA] =	sst s25  }
0x50: {  	s8 =	sadd.s32 $0xAF00, s4;
	s17 =	sadd.s32 $0x11300, s4;
	[smem:$0x7FC] =	sst s28  }
0x51: {  	s26 =	sadd.s32 $0x18380, s4;
	s19 =	simm.s32 $0x800;
	[smem:$0x7DA] =	sst s0  }
0x52: {  	s15 =	simm.s32 $0x3800;
	s21 =	simm.s32 $0x4000;
	[smem:$0x7EC] =	sst s8  }
0x53: {  	s24 =	simm.s32 $0x5800;
	s25 =	simm.s32 $0x80;
	[smem:$0x7F3] =	sst s17  }
0x54: {  	s0 =	sshrl.u32 s14, $0x3;
	s14 =	sadd.s32 $0xED80, s4;
	[smem:$0x7FB] =	sst s26  }
0x55: {  	s8 =	simm.s32 $0x3000;
	s17 =	simm.s32 $0x4800;
	[smem:$0x7DD] =	sst s0  }
0x56: {  	v0 =	vimm.f32 $0.0e+00;
	s26 =	simm.s32 $0x10;
	s0 =	sadd.s32 $0x6400, s4;
	[smem:$0x7F0] =	sst s14  }
.LBB2_1:
0x57: {  	[smem:$0x7CB] =	sst s13;
	s2 =	simm.s32 $0x0  }
.LBB2_2:
0x58: {  	p0 =	sne.s32 s2, $0x31C0  }
.Ltmp0:
0x59: {  	_ = 	snop;
	(pc) =	sbr.rel @p0 .LBB2_2-.Ltmp0, $3  }
0x5a: {  	_ =	sdelay $0x1  }
0x5b: {  	s13 =	sshra.s32 s2, $0x2  }
0x5c: {  	s2 =	sadd.s32 $0x40, s2;
	[tilespmem:s13+$0x6000] =	vst v0  }
0x5d: {  	s28 =	simm.s32 $0x0  }
.LBB2_4:
0x5e: {  	s2 =	rddreg [dreg:$0x1d]  }
0x5f: {  	[tilespmem:s1], [sflag:$0x1] =	stream.linear.gather [hbm4b:s2+s1], $0x7D0, $0x38;
	[tilespmem:$0x1FCC0] =	vst v63  }
0x60: {  	s13 =	rddreg [dreg:$0x1e]  }
0x61: {  	[tilespmem:s7], [sflag:$0x1] =	stream.linear.gather [hbm4b:s13+s1], $0x7D0, $0x38;
	[tilespmem:$0x1FCC0] =	vst v63  }
0x62: {  	s14 =	rddreg [dreg:$0x1f]  }
0x63: {  	[tilespmem:s8], [sflag:$0x1] =	stream.linear.gather [hbm4b:s14+s1], $0x7D0, $0x38;
	[tilespmem:$0x1FCC0] =	vst v63  }
0x64: {  	s18 =	sld [smem:$0x7E0]  }
0x65: {  	[spmem:s4] =	stream.linear.scatter [tilespmem:s9], [sflag:$0x3], $0xC80, $0x38;
	[tilespmem:$0x1FCC0] =	vst v63  }
0x66: {  	s13 =	sld [smem:$0x7E1]  }
0x67: {  	[spmem:s18] =	stream.linear.scatter [tilespmem:s9], [sflag:$0x3], $0xC80, $0x38;
	[tilespmem:$0x1FCC0] =	vst v63  }
0x68: {  	s14 =	sld [smem:$0x7E2]  }
0x69: {  	[spmem:s13] =	stream.linear.scatter [tilespmem:s9], [sflag:$0x3], $0xC80, $0x38;
	[tilespmem:$0x1FCC0] =	vst v63  }
0x6a: {  	s18 =	sld [smem:$0x7E3]  }
0x6b: {  	[spmem:s14] =	stream.linear.scatter [tilespmem:s9], [sflag:$0x3], $0xC80, $0x38;
	[tilespmem:$0x1FCC0] =	vst v63  }
0x6c: {  	s13 =	sld [smem:$0x7E4]  }
0x6d: {  	[spmem:s18] =	stream.linear.scatter [tilespmem:s9], [sflag:$0x3], $0xC80, $0x38;
	[tilespmem:$0x1FCC0] =	vst v63  }
0x6e: {  	s14 =	sld [smem:$0x7E5]  }
0x6f: {  	[spmem:s13] =	stream.linear.scatter [tilespmem:s9], [sflag:$0x3], $0xC80, $0x38;
	[tilespmem:$0x1FCC0] =	vst v63  }
0x70: {  	s18 =	sld [smem:$0x7E6]  }
0x71: {  	[spmem:s14] =	stream.linear.scatter [tilespmem:s9], [sflag:$0x3], $0xC80, $0x38;
	[tilespmem:$0x1FCC0] =	vst v63  }
0x72: {  	_ = 	snop  }
0x73: {  	[spmem:s18] =	stream.linear.scatter [tilespmem:s9], [sflag:$0x3], $0xC80, $0x38;
	[tilespmem:$0x1FCC0] =	vst v63  }
0x74: {  	s13 =	sld [smem:$0x7E7]  }
0x75: {  	[spmem:s0] =	stream.linear.scatter [tilespmem:s9], [sflag:$0x3], $0xC80, $0x38;
	[tilespmem:$0x1FCC0] =	vst v63  }
0x76: {  	s14 =	sld [smem:$0x7E8]  }
0x77: {  	[spmem:s13] =	stream.linear.scatter [tilespmem:s9], [sflag:$0x3], $0xC80, $0x38;
	[tilespmem:$0x1FCC0] =	vst v63  }
0x78: {  	s18 =	sld [smem:$0x7E9]  }
0x79: {  	[spmem:s14] =	stream.linear.scatter [tilespmem:s9], [sflag:$0x3], $0xC80, $0x38;
	[tilespmem:$0x1FCC0] =	vst v63  }
0x7a: {  	s13 =	sld [smem:$0x7EA]  }
0x7b: {  	[spmem:s18] =	stream.linear.scatter [tilespmem:s9], [sflag:$0x3], $0xC80, $0x38;
	[tilespmem:$0x1FCC0] =	vst v63  }
0x7c: {  	s14 =	sld [smem:$0x7EB]  }
0x7d: {  	[spmem:s13] =	stream.linear.scatter [tilespmem:s9], [sflag:$0x3], $0xC80, $0x38;
	[tilespmem:$0x1FCC0] =	vst v63  }
0x7e: {  	s18 =	sld [smem:$0x7EC]  }
0x7f: {  	[spmem:s14] =	stream.linear.scatter [tilespmem:s9], [sflag:$0x3], $0xC80, $0x38;
	[tilespmem:$0x1FCC0] =	vst v63  }
0x80: {  	s13 =	sld [smem:$0x7ED]  }
0x81: {  	[spmem:s18] =	stream.linear.scatter [tilespmem:s9], [sflag:$0x3], $0xC80, $0x38;
	[tilespmem:$0x1FCC0] =	vst v63  }
0x82: {  	_ = 	snop  }
0x83: {  	[spmem:s13] =	stream.linear.scatter [tilespmem:s9], [sflag:$0x3], $0xC80, $0x38;
	[tilespmem:$0x1FCC0] =	vst v63  }
0x84: {  	s14 =	sld [smem:$0x7EE]  }
0x85: {  	[spmem:s12] =	stream.linear.scatter [tilespmem:s9], [sflag:$0x3], $0xC80, $0x38;
	[tilespmem:$0x1FCC0] =	vst v63  }
0x86: {  	s18 =	sld [smem:$0x7EF]  }
0x87: {  	[spmem:s14] =	stream.linear.scatter [tilespmem:s9], [sflag:$0x3], $0xC80, $0x38;
	[tilespmem:$0x1FCC0] =	vst v63  }
0x88: {  	s13 =	sld [smem:$0x7F0]  }
0x89: {  	[spmem:s18] =	stream.linear.scatter [tilespmem:s9], [sflag:$0x3], $0xC80, $0x38;
	[tilespmem:$0x1FCC0] =	vst v63  }
0x8a: {  	s14 =	sld [smem:$0x7F1]  }
0x8b: {  	[spmem:s13] =	stream.linear.scatter [tilespmem:s9], [sflag:$0x3], $0xC80, $0x38;
	[tilespmem:$0x1FCC0] =	vst v63  }
0x8c: {  	s18 =	sld [smem:$0x7F2]  }
0x8d: {  	[spmem:s14] =	stream.linear.scatter [tilespmem:s9], [sflag:$0x3], $0xC80, $0x38;
	[tilespmem:$0x1FCC0] =	vst v63  }
0x8e: {  	s13 =	sld [smem:$0x7F3]  }
0x8f: {  	[spmem:s18] =	stream.linear.scatter [tilespmem:s9], [sflag:$0x3], $0xC80, $0x38;
	[tilespmem:$0x1FCC0] =	vst v63  }
0x90: {  	s14 =	sld [smem:$0x7F4]  }
0x91: {  	[spmem:s13] =	stream.linear.scatter [tilespmem:s9], [sflag:$0x3], $0xC80, $0x38;
	[tilespmem:$0x1FCC0] =	vst v63  }
0x92: {  	_ = 	snop  }
0x93: {  	[spmem:s14] =	stream.linear.scatter [tilespmem:s9], [sflag:$0x3], $0xC80, $0x38;
	[tilespmem:$0x1FCC0] =	vst v63  }
0x94: {  	s18 =	sld [smem:$0x7F5]  }
0x95: {  	[spmem:s20] =	stream.linear.scatter [tilespmem:s9], [sflag:$0x3], $0xC80, $0x38;
	[tilespmem:$0x1FCC0] =	vst v63  }
0x96: {  	s13 =	sld [smem:$0x7F6]  }
0x97: {  	[spmem:s18] =	stream.linear.scatter [tilespmem:s9], [sflag:$0x3], $0xC80, $0x38;
	[tilespmem:$0x1FCC0] =	vst v63  }
0x98: {  	s14 =	sld [smem:$0x7F7]  }
0x99: {  	[spmem:s13] =	stream.linear.scatter [tilespmem:s9], [sflag:$0x3], $0xC80, $0x38;
	[tilespmem:$0x1FCC0] =	vst v63  }
0x9a: {  	s18 =	sld [smem:$0x7F8]  }
0x9b: {  	[spmem:s14] =	stream.linear.scatter [tilespmem:s9], [sflag:$0x3], $0xC80, $0x38;
	[tilespmem:$0x1FCC0] =	vst v63  }
0x9c: {  	s13 =	sld [smem:$0x7F9]  }
0x9d: {  	[spmem:s18] =	stream.linear.scatter [tilespmem:s9], [sflag:$0x3], $0xC80, $0x38;
	[tilespmem:$0x1FCC0] =	vst v63  }
0x9e: {  	s14 =	sld [smem:$0x7FA]  }
0x9f: {  	[spmem:s13] =	stream.linear.scatter [tilespmem:s9], [sflag:$0x3], $0xC80, $0x38;
	[tilespmem:$0x1FCC0] =	vst v63  }
0xa0: {  	s18 =	sld [smem:$0x7FB]  }
0xa1: {  	[spmem:s14] =	stream.linear.scatter [tilespmem:s9], [sflag:$0x3], $0xC80, $0x38;
	[tilespmem:$0x1FCC0] =	vst v63  }
0xa2: {  	_ = 	snop  }
0xa3: {  	[spmem:s18] =	stream.linear.scatter [tilespmem:s9], [sflag:$0x3], $0xC80, $0x38;
	[tilespmem:$0x1FCC0] =	vst v63  }
0xa4: {  	_ =	swait.ge [sflag:s10], $0xC80  }
0xa5: {  	[sflag:s10] =	ssyncset.done $0x0  }
0xa6: {  	[sflag:s10] =	ssyncadd.s32 $0xFFFFF380  }
0xa7: {  	_ =	swait.ge [sflag:s10], $0xC80  }
0xa8: {  	[sflag:s10] =	ssyncset.done $0x0  }
0xa9: {  	[sflag:s10] =	ssyncadd.s32 $0xFFFFF380  }
0xaa: {  	_ =	swait.ge [sflag:s10], $0xC80  }
0xab: {  	[sflag:s10] =	ssyncset.done $0x0  }
0xac: {  	[sflag:s10] =	ssyncadd.s32 $0xFFFFF380  }
0xad: {  	_ =	swait.ge [sflag:s10], $0xC80  }
0xae: {  	[sflag:s10] =	ssyncset.done $0x0  }
0xaf: {  	[sflag:s10] =	ssyncadd.s32 $0xFFFFF380  }
0xb0: {  	_ =	swait.ge [sflag:s10], $0xC80  }
0xb1: {  	[sflag:s10] =	ssyncset.done $0x0  }
0xb2: {  	[sflag:s10] =	ssyncadd.s32 $0xFFFFF380  }
0xb3: {  	_ =	swait.ge [sflag:s10], $0xC80  }
0xb4: {  	[sflag:s10] =	ssyncset.done $0x0  }
0xb5: {  	[sflag:s10] =	ssyncadd.s32 $0xFFFFF380  }
0xb6: {  	_ =	swait.ge [sflag:s10], $0xC80  }
0xb7: {  	[sflag:s10] =	ssyncset.done $0x0  }
0xb8: {  	[sflag:s10] =	ssyncadd.s32 $0xFFFFF380  }
0xb9: {  	_ =	swait.ge [sflag:s10], $0xC80  }
0xba: {  	[sflag:s10] =	ssyncset.done $0x0  }
0xbb: {  	[sflag:s10] =	ssyncadd.s32 $0xFFFFF380  }
0xbc: {  	_ =	swait.ge [sflag:s10], $0xC80  }
0xbd: {  	[sflag:s10] =	ssyncset.done $0x0  }
0xbe: {  	[sflag:s10] =	ssyncadd.s32 $0xFFFFF380  }
0xbf: {  	_ =	swait.ge [sflag:s10], $0xC80  }
0xc0: {  	[sflag:s10] =	ssyncset.done $0x0  }
0xc1: {  	[sflag:s10] =	ssyncadd.s32 $0xFFFFF380  }
0xc2: {  	_ =	swait.ge [sflag:s10], $0xC80  }
0xc3: {  	[sflag:s10] =	ssyncset.done $0x0  }
0xc4: {  	[sflag:s10] =	ssyncadd.s32 $0xFFFFF380  }
0xc5: {  	_ =	swait.ge [sflag:s10], $0xC80  }
0xc6: {  	[sflag:s10] =	ssyncset.done $0x0  }
0xc7: {  	[sflag:s10] =	ssyncadd.s32 $0xFFFFF380  }
0xc8: {  	_ =	swait.ge [sflag:s10], $0xC80  }
0xc9: {  	[sflag:s10] =	ssyncset.done $0x0  }
0xca: {  	[sflag:s10] =	ssyncadd.s32 $0xFFFFF380  }
0xcb: {  	_ =	swait.ge [sflag:s10], $0xC80  }
0xcc: {  	[sflag:s10] =	ssyncset.done $0x0  }
0xcd: {  	[sflag:s10] =	ssyncadd.s32 $0xFFFFF380  }
0xce: {  	_ =	swait.ge [sflag:s10], $0xC80  }
0xcf: {  	[sflag:s10] =	ssyncset.done $0x0  }
0xd0: {  	[sflag:s10] =	ssyncadd.s32 $0xFFFFF380  }
0xd1: {  	_ =	swait.ge [sflag:s10], $0xC80  }
0xd2: {  	[sflag:s10] =	ssyncset.done $0x0  }
0xd3: {  	[sflag:s10] =	ssyncadd.s32 $0xFFFFF380  }
0xd4: {  	_ =	swait.ge [sflag:s10], $0xC80  }
0xd5: {  	[sflag:s10] =	ssyncset.done $0x0  }
0xd6: {  	[sflag:s10] =	ssyncadd.s32 $0xFFFFF380  }
0xd7: {  	_ =	swait.ge [sflag:s10], $0xC80  }
0xd8: {  	[sflag:s10] =	ssyncset.done $0x0  }
0xd9: {  	[sflag:s10] =	ssyncadd.s32 $0xFFFFF380  }
0xda: {  	_ =	swait.ge [sflag:s10], $0xC80  }
0xdb: {  	[sflag:s10] =	ssyncset.done $0x0  }
0xdc: {  	[sflag:s10] =	ssyncadd.s32 $0xFFFFF380  }
0xdd: {  	_ =	swait.ge [sflag:s10], $0xC80  }
0xde: {  	[sflag:s10] =	ssyncset.done $0x0  }
0xdf: {  	[sflag:s10] =	ssyncadd.s32 $0xFFFFF380  }
0xe0: {  	_ =	swait.ge [sflag:s10], $0xC80  }
0xe1: {  	[sflag:s10] =	ssyncset.done $0x0  }
0xe2: {  	[sflag:s10] =	ssyncadd.s32 $0xFFFFF380  }
0xe3: {  	_ =	swait.ge [sflag:s10], $0xC80  }
0xe4: {  	[sflag:s10] =	ssyncset.done $0x0  }
0xe5: {  	[sflag:s10] =	ssyncadd.s32 $0xFFFFF380  }
0xe6: {  	_ =	swait.ge [sflag:s10], $0xC80  }
0xe7: {  	[sflag:s10] =	ssyncset.done $0x0  }
0xe8: {  	[sflag:s10] =	ssyncadd.s32 $0xFFFFF380  }
0xe9: {  	_ =	swait.ge [sflag:s10], $0xC80  }
0xea: {  	[sflag:s10] =	ssyncset.done $0x0  }
0xeb: {  	[sflag:s10] =	ssyncadd.s32 $0xFFFFF380  }
0xec: {  	_ =	swait.ge [sflag:s10], $0xC80  }
0xed: {  	[sflag:s10] =	ssyncset.done $0x0  }
0xee: {  	[sflag:s10] =	ssyncadd.s32 $0xFFFFF380  }
0xef: {  	_ =	swait.ge [sflag:s10], $0xC80  }
0xf0: {  	[sflag:s10] =	ssyncset.done $0x0  }
0xf1: {  	[sflag:s10] =	ssyncadd.s32 $0xFFFFF380  }
0xf2: {  	_ =	swait.ge [sflag:s10], $0xC80  }
0xf3: {  	[sflag:s10] =	ssyncset.done $0x0  }
0xf4: {  	[sflag:s10] =	ssyncadd.s32 $0xFFFFF380  }
0xf5: {  	_ =	swait.ge [sflag:s10], $0xC80  }
0xf6: {  	[sflag:s10] =	ssyncset.done $0x0  }
0xf7: {  	[sflag:s10] =	ssyncadd.s32 $0xFFFFF380  }
0xf8: {  	_ =	swait.ge [sflag:s10], $0xC80  }
0xf9: {  	[sflag:s10] =	ssyncset.done $0x0  }
0xfa: {  	[sflag:s10] =	ssyncadd.s32 $0xFFFFF380  }
0xfb: {  	_ =	swait.ge [sflag:s10], $0xC80  }
0xfc: {  	[sflag:s10] =	ssyncset.done $0x0  }
0xfd: {  	[sflag:s10] =	ssyncadd.s32 $0xFFFFF380  }
0xfe: {  	_ =	swait.ge [sflag:s10], $0xC80  }
0xff: {  	[sflag:s10] =	ssyncset.done $0x0  }
0x100: {  	[sflag:s10] =	ssyncadd.s32 $0xFFFFF380  }
0x101: {  	_ =	swait.ge [sflag:s10], $0xC80  }
0x102: {  	[sflag:s10] =	ssyncset.done $0x0  }
0x103: {  	[sflag:s10] =	ssyncadd.s32 $0xFFFFF380  }
0x104: {  	[bflag:$0x0] =	sbarrier.arrive $0xFFFF  }
0x105: {  	_ =	swait.ge [sflag:s11], $0x7D0  }
0x106: {  	[sflag:s11] =	ssyncset.done $0x0  }
0x107: {  	[sflag:s11] =	ssyncadd.s32 $0xFFFFF830  }
0x108: {  	_ =	swait.ge [sflag:s11], $0x7D0  }
0x109: {  	[sflag:s11] =	ssyncset.done $0x0  }
0x10a: {  	[sflag:s11] =	ssyncadd.s32 $0xFFFFF830  }
0x10b: {  	_ =	swait.ge [sflag:s11], $0x7D0  }
0x10c: {  	[sflag:s11] =	ssyncset.done $0x0  }
0x10d: {  	s13 =	rddreg [dreg:$0x5];
	[sflag:s11] =	ssyncadd.s32 $0xFFFFF830  }
0x10e: {  	[tilespmem:s19], [sflag:$0x1] =	stream.linear.gather [hbm4b:s13+s1], $0x7D0, $0x38;
	[tilespmem:$0x1FCC0] =	vst v63  }
0x10f: {  	s14 =	rddreg [dreg:$0x6];
	s13 =	simm.s32 $0x2000  }
0x110: {  	[tilespmem:s13], [sflag:$0x1] =	stream.linear.gather [hbm4b:s14+s1], $0x7D0, $0x38;
	[tilespmem:$0x1FCC0] =	vst v63  }
0x111: {  	s18 =	rddreg [dreg:$0x7];
	s14 =	simm.s32 $0x10  }
0x112: {  	[tilespmem:s15], [sflag:$0x1] =	stream.linear.gather [hbm4b:s18+s1], $0x7D0, $0x38;
	[tilespmem:$0x1FCC0] =	vst v63  }
0x113: {  	s13 =	sshll.u32 s28, $0x1;
	s18 =	rddreg [dreg:$0x4];
	v3 =	vld [tilespmem:s14+$0xFFFFFFF0]  }
0x114: {  	s2 =	simm.s32 $0x1810;
	s13 =	sor.u32 s18, s13  }
0x115: {  	v4 =	vld [tilespmem:s2+$0xFFFFFFF0];
	s30 =	smul.u32 $0x140, s13;
	_ =	sdelay $0x1  }
0x116: {  	v1 =	vmov s30  }
0x117: {  	s13 =	sadd.s32 $0x140, s30;
	v5 =	vsub.s32 v3, v1  }
0x118: {  	v2 =	vmov s13;
	v5 =	vmul.u32 $0x1400, v5  }
0x119: {  	vm0 =	vge.s32 v3, v1;
	vm1 =	vlt.s32 v3, v2;
	v3 =	vand.u32 $0x3FF, v4  }
0x11a: {  	vm0 =	vmand vm0, vm1;
	v3 =	vor.u32 $0x190000, v3;
	v4 =	vadd.s32 v4, v5  }
0x11b: {  	s13 =	simm.s32 $0x4810;
	v3 =	vsel vm0, v4, v3  }
0x11c: {  	[tilespmem:s13+$0xFFFFFFF0] =	vst v3  }
0x11d: {  	v3 =	vld [tilespmem:s14+$0x0];
	_ =	sdelay $0x1  }
0x11e: {  	v62 =	vld [tilespmem:s2+$0x0];
	_ =	sdelay $0x2  }
0x11f: {  	v63 =	vsub.s32 v3, v1  }
0x120: {  	v5 =	vmul.u32 $0x1400, v63  }
0x121: {  	vm14 =	vge.s32 v3, v1;
	vm15 =	vlt.s32 v3, v2;
	v3 =	vand.u32 $0x3FF, v62  }
0x122: {  	vm0 =	vmand vm14, vm15;
	v3 =	vor.u32 $0x190000, v3;
	v4 =	vadd.s32 v62, v5  }
0x123: {  	v3 =	vsel vm0, v4, v3  }
0x124: {  	s18 =	simm.s32 $0x30;
	s14 =	simm.s32 $0x0;
	[tilespmem:s13+$0x0] =	vst v3  }
.LBB2_5:
0x125: {  	v3 =	vld [tilespmem:s18+$0xFFFFFFF0];
	s14 =	sadd.s32 $0x2, s14;
	s2 =	sadd.s32 $0x20, s2  }
0x126: {  	v4 =	vld [tilespmem:s2+$0xFFFFFFF0];
	p0 =	slt.u32 s14, $0x7A;
	_ =	sdelay $0x3  }
0x127: {  	v5 =	vsub.s32 v3, v1  }
0x128: {  	v5 =	vmul.u32 $0x1400, v5  }
0x129: {  	vm0 =	vge.s32 v3, v1;
	vm1 =	vlt.s32 v3, v2;
	v3 =	vand.u32 $0x3FF, v4  }
0x12a: {  	vm0 =	vmand vm0, vm1;
	v3 =	vor.u32 $0x190000, v3;
	v4 =	vadd.s32 v4, v5  }
0x12b: {  	s13 =	sadd.s32 $0x20, s13;
	v3 =	vsel vm0, v4, v3  }
0x12c: {  	[tilespmem:s13+$0xFFFFFFF0] =	vst v3  }
0x12d: {  	v3 =	vld [tilespmem:s18+$0x0]  }
0x12e: {  	v4 =	vld [tilespmem:s2+$0x0];
	_ =	sdelay $0x3  }
0x12f: {  	v5 =	vsub.s32 v3, v1  }
.Ltmp1:
0x130: {  	v5 =	vmul.u32 $0x1400, v5;
	(pc) =	sbr.rel @p0 .LBB2_5-.Ltmp1, $4  }
0x131: {  	vm0 =	vge.s32 v3, v1;
	vm1 =	vlt.s32 v3, v2;
	v3 =	vand.u32 $0x3FF, v4  }
0x132: {  	vm0 =	vmand vm0, vm1;
	v3 =	vor.u32 $0x190000, v3;
	v4 =	vadd.s32 v4, v5  }
0x133: {  	v3 =	vsel vm0, v4, v3  }
0x134: {  	s18 =	sadd.s32 $0x20, s18;
	[tilespmem:s13+$0x0] =	vst v3  }
0x135: {  	v3 =	vld [tilespmem:$0x7C0];
	_ =	sdelay $0x1  }
0x136: {  	v4 =	vld [tilespmem:$0x1FC0];
	_ =	sdelay $0x2  }
0x137: {  	v5 =	vsub.s32 v3, v1  }
0x138: {  	v5 =	vmul.u32 $0x1400, v5  }
0x139: {  	vm0 =	vge.s32 v3, v1;
	vm1 =	vlt.s32 v3, v2;
	v3 =	vand.u32 $0x3FF, v4  }
0x13a: {  	vm0 =	vmand vm0, vm1;
	v3 =	vor.u32 $0x190000, v3;
	v4 =	vadd.s32 v4, v5  }
0x13b: {  	v3 =	vsel vm0, v4, v3  }
0x13c: {  	[tilespmem:$0x4FC0] =	vst v3  }
0x13d: {  	[spmem:s29] =	stream.indirect.scatter.add.f32 [tilespmem:s8], [sflag:$0x2], $0x1, s17, s16, $0xb8;
	[tilespmem:$0x1FCC0] =	vst v63  }
0x13e: {  	_ =	swait.ge [sflag:s11], $0x7D0  }
0x13f: {  	[sflag:s11] =	ssyncset.done $0x0  }
0x140: {  	[sflag:s11] =	ssyncadd.s32 $0xFFFFF830  }
0x141: {  	_ =	swait.ge [sflag:s11], $0x7D0  }
0x142: {  	[sflag:s11] =	ssyncset.done $0x0  }
0x143: {  	[sflag:s11] =	ssyncadd.s32 $0xFFFFF830  }
0x144: {  	_ =	swait.ge [sflag:s11], $0x7D0  }
0x145: {  	[sflag:s11] =	ssyncset.done $0x0  }
0x146: {  	s13 =	simm.s32 $0x1000;
	s2 =	rddreg [dreg:$0x8];
	[sflag:s11] =	ssyncadd.s32 $0xFFFFF830  }
0x147: {  	[tilespmem:s13], [sflag:$0x1] =	stream.linear.gather [hbm4b:s2+s1], $0x7D0, $0x38;
	[tilespmem:$0x1FCC0] =	vst v63  }
0x148: {  	s14 =	simm.s32 $0x2800;
	s13 =	rddreg [dreg:$0x9]  }
0x149: {  	[tilespmem:s14], [sflag:$0x1] =	stream.linear.gather [hbm4b:s13+s1], $0x7D0, $0x38;
	[tilespmem:$0x1FCC0] =	vst v63  }
0x14a: {  	s18 =	rddreg [dreg:$0xa];
	s14 =	simm.s32 $0x810  }
0x14b: {  	[tilespmem:s21], [sflag:$0x1] =	stream.linear.gather [hbm4b:s18+s1], $0x7D0, $0x38;
	[tilespmem:$0x1FCC0] =	vst v63  }
0x14c: {  	v3 =	vld [tilespmem:s14+$0xFFFFFFF0]  }
0x14d: {  	s2 =	simm.s32 $0x2010  }
0x14e: {  	v60 =	vld [tilespmem:s2+$0xFFFFFFF0];
	_ =	sdelay $0x2  }
0x14f: {  	v61 =	vsub.s32 v3, v1  }
0x150: {  	v5 =	vmul.u32 $0x1400, v61  }
0x151: {  	vm12 =	vge.s32 v3, v1;
	vm13 =	vlt.s32 v3, v2;
	v3 =	vand.u32 $0x3FF, v60  }
0x152: {  	vm0 =	vmand vm12, vm13;
	v3 =	vor.u32 $0x190000, v3;
	v4 =	vadd.s32 v60, v5  }
0x153: {  	s13 =	simm.s32 $0x5010;
	v3 =	vsel vm0, v4, v3  }
0x154: {  	[tilespmem:s13+$0xFFFFFFF0] =	vst v3  }
0x155: {  	v3 =	vld [tilespmem:s14+$0x0];
	_ =	sdelay $0x1  }
0x156: {  	v62 =	vld [tilespmem:s2+$0x0];
	_ =	sdelay $0x2  }
0x157: {  	v63 =	vsub.s32 v3, v1  }
0x158: {  	v5 =	vmul.u32 $0x1400, v63  }
0x159: {  	vm14 =	vge.s32 v3, v1;
	vm15 =	vlt.s32 v3, v2;
	v3 =	vand.u32 $0x3FF, v62  }
0x15a: {  	vm0 =	vmand vm14, vm15;
	v3 =	vor.u32 $0x190000, v3;
	v4 =	vadd.s32 v62, v5  }
0x15b: {  	v3 =	vsel vm0, v4, v3  }
0x15c: {  	s18 =	simm.s32 $0x830;
	s14 =	simm.s32 $0x0;
	[tilespmem:s13+$0x0] =	vst v3  }
.LBB2_7:
0x15d: {  	v3 =	vld [tilespmem:s18+$0xFFFFFFF0];
	s14 =	sadd.s32 $0x2, s14;
	s2 =	sadd.s32 $0x20, s2  }
0x15e: {  	v4 =	vld [tilespmem:s2+$0xFFFFFFF0];
	p0 =	slt.u32 s14, $0x7A;
	_ =	sdelay $0x3  }
0x15f: {  	v5 =	vsub.s32 v3, v1  }
0x160: {  	v5 =	vmul.u32 $0x1400, v5  }
0x161: {  	vm0 =	vge.s32 v3, v1;
	vm1 =	vlt.s32 v3, v2;
	v3 =	vand.u32 $0x3FF, v4  }
0x162: {  	vm0 =	vmand vm0, vm1;
	v3 =	vor.u32 $0x190000, v3;
	v4 =	vadd.s32 v4, v5  }
0x163: {  	s13 =	sadd.s32 $0x20, s13;
	v3 =	vsel vm0, v4, v3  }
0x164: {  	[tilespmem:s13+$0xFFFFFFF0] =	vst v3  }
0x165: {  	v3 =	vld [tilespmem:s18+$0x0]  }
0x166: {  	v4 =	vld [tilespmem:s2+$0x0];
	_ =	sdelay $0x3  }
0x167: {  	v5 =	vsub.s32 v3, v1  }
.Ltmp2:
0x168: {  	v5 =	vmul.u32 $0x1400, v5;
	(pc) =	sbr.rel @p0 .LBB2_7-.Ltmp2, $4  }
0x169: {  	vm0 =	vge.s32 v3, v1;
	vm1 =	vlt.s32 v3, v2;
	v3 =	vand.u32 $0x3FF, v4  }
0x16a: {  	vm0 =	vmand vm0, vm1;
	v3 =	vor.u32 $0x190000, v3;
	v4 =	vadd.s32 v4, v5  }
0x16b: {  	v3 =	vsel vm0, v4, v3  }
0x16c: {  	s18 =	sadd.s32 $0x20, s18;
	[tilespmem:s13+$0x0] =	vst v3  }
0x16d: {  	v3 =	vld [tilespmem:$0xFC0];
	_ =	sdelay $0x1  }
0x16e: {  	v4 =	vld [tilespmem:$0x27C0];
	_ =	sdelay $0x2  }
0x16f: {  	v5 =	vsub.s32 v3, v1  }
0x170: {  	v5 =	vmul.u32 $0x1400, v5  }
0x171: {  	vm0 =	vge.s32 v3, v1;
	vm1 =	vlt.s32 v3, v2;
	v3 =	vand.u32 $0x3FF, v4  }
0x172: {  	vm0 =	vmand vm0, vm1;
	v3 =	vor.u32 $0x190000, v3;
	v4 =	vadd.s32 v4, v5  }
0x173: {  	v3 =	vsel vm0, v4, v3  }
0x174: {  	[tilespmem:$0x57C0] =	vst v3  }
0x175: {  	[spmem:s29] =	stream.indirect.scatter.add.f32 [tilespmem:s15], [sflag:$0x2], $0x1, s22, s16, $0xb8;
	[tilespmem:$0x1FCC0] =	vst v63  }
0x176: {  	_ =	swait.ge [sflag:s11], $0x7D0  }
0x177: {  	[sflag:s11] =	ssyncset.done $0x0  }
0x178: {  	[sflag:s11] =	ssyncadd.s32 $0xFFFFF830  }
0x179: {  	_ =	swait.ge [sflag:s11], $0x7D0  }
0x17a: {  	[sflag:s11] =	ssyncset.done $0x0  }
0x17b: {  	[sflag:s11] =	ssyncadd.s32 $0xFFFFF830  }
0x17c: {  	_ =	swait.ge [sflag:s11], $0x7D0  }
0x17d: {  	[sflag:s11] =	ssyncset.done $0x0  }
0x17e: {  	[sflag:s11] =	ssyncadd.s32 $0xFFFFF830  }
0x17f: {  	_ =	swait.ge [sflag:s23], $0x7D0  }
0x180: {  	[sflag:s23] =	ssyncset.done $0x0  }
0x181: {  	s2 =	rddreg [dreg:$0xb];
	[sflag:s23] =	ssyncadd.s32 $0xFFFFF830  }
0x182: {  	[tilespmem:s1], [sflag:$0x1] =	stream.linear.gather [hbm4b:s2+s1], $0x7D0, $0x38;
	[tilespmem:$0x1FCC0] =	vst v63  }
0x183: {  	s14 =	rddreg [dreg:$0xc]  }
0x184: {  	[tilespmem:s7], [sflag:$0x1] =	stream.linear.gather [hbm4b:s14+s1], $0x7D0, $0x38;
	[tilespmem:$0x1FCC0] =	vst v63  }
0x185: {  	s18 =	rddreg [dreg:$0xd];
	s14 =	simm.s32 $0x1010  }
0x186: {  	[tilespmem:s8], [sflag:$0x1] =	stream.linear.gather [hbm4b:s18+s1], $0x7D0, $0x38;
	[tilespmem:$0x1FCC0] =	vst v63  }
0x187: {  	v3 =	vld [tilespmem:s14+$0xFFFFFFF0]  }
0x188: {  	s2 =	simm.s32 $0x2810  }
0x189: {  	v60 =	vld [tilespmem:s2+$0xFFFFFFF0];
	_ =	sdelay $0x2  }
0x18a: {  	v61 =	vsub.s32 v3, v1  }
0x18b: {  	v5 =	vmul.u32 $0x1400, v61  }
0x18c: {  	vm12 =	vge.s32 v3, v1;
	vm13 =	vlt.s32 v3, v2;
	v3 =	vand.u32 $0x3FF, v60  }
0x18d: {  	vm0 =	vmand vm12, vm13;
	v3 =	vor.u32 $0x190000, v3;
	v4 =	vadd.s32 v60, v5  }
0x18e: {  	s13 =	simm.s32 $0x5810;
	v3 =	vsel vm0, v4, v3  }
0x18f: {  	[tilespmem:s13+$0xFFFFFFF0] =	vst v3  }
0x190: {  	v3 =	vld [tilespmem:s14+$0x0];
	_ =	sdelay $0x1  }
0x191: {  	v62 =	vld [tilespmem:s2+$0x0];
	_ =	sdelay $0x2  }
0x192: {  	v63 =	vsub.s32 v3, v1  }
0x193: {  	v5 =	vmul.u32 $0x1400, v63  }
0x194: {  	vm14 =	vge.s32 v3, v1;
	vm15 =	vlt.s32 v3, v2;
	v3 =	vand.u32 $0x3FF, v62  }
0x195: {  	vm0 =	vmand vm14, vm15;
	v3 =	vor.u32 $0x190000, v3;
	v4 =	vadd.s32 v62, v5  }
0x196: {  	v3 =	vsel vm0, v4, v3  }
0x197: {  	s18 =	simm.s32 $0x1030;
	s14 =	simm.s32 $0x0;
	[tilespmem:s13+$0x0] =	vst v3  }
.LBB2_9:
0x198: {  	v3 =	vld [tilespmem:s18+$0xFFFFFFF0];
	s14 =	sadd.s32 $0x2, s14;
	s2 =	sadd.s32 $0x20, s2  }
0x199: {  	v4 =	vld [tilespmem:s2+$0xFFFFFFF0];
	p0 =	slt.u32 s14, $0x7A;
	_ =	sdelay $0x3  }
0x19a: {  	v5 =	vsub.s32 v3, v1  }
0x19b: {  	v5 =	vmul.u32 $0x1400, v5  }
0x19c: {  	vm0 =	vge.s32 v3, v1;
	vm1 =	vlt.s32 v3, v2;
	v3 =	vand.u32 $0x3FF, v4  }
0x19d: {  	vm0 =	vmand vm0, vm1;
	v3 =	vor.u32 $0x190000, v3;
	v4 =	vadd.s32 v4, v5  }
0x19e: {  	s13 =	sadd.s32 $0x20, s13;
	v3 =	vsel vm0, v4, v3  }
0x19f: {  	[tilespmem:s13+$0xFFFFFFF0] =	vst v3  }
0x1a0: {  	v3 =	vld [tilespmem:s18+$0x0]  }
0x1a1: {  	v4 =	vld [tilespmem:s2+$0x0];
	_ =	sdelay $0x3  }
0x1a2: {  	v5 =	vsub.s32 v3, v1  }
.Ltmp3:
0x1a3: {  	v5 =	vmul.u32 $0x1400, v5;
	(pc) =	sbr.rel @p0 .LBB2_9-.Ltmp3, $4  }
0x1a4: {  	vm0 =	vge.s32 v3, v1;
	vm1 =	vlt.s32 v3, v2;
	v3 =	vand.u32 $0x3FF, v4  }
0x1a5: {  	vm0 =	vmand vm0, vm1;
	v3 =	vor.u32 $0x190000, v3;
	v4 =	vadd.s32 v4, v5  }
0x1a6: {  	v3 =	vsel vm0, v4, v3  }
0x1a7: {  	s18 =	sadd.s32 $0x20, s18;
	[tilespmem:s13+$0x0] =	vst v3  }
0x1a8: {  	v3 =	vld [tilespmem:$0x17C0];
	_ =	sdelay $0x1  }
0x1a9: {  	v4 =	vld [tilespmem:$0x2FC0];
	_ =	sdelay $0x2  }
0x1aa: {  	v5 =	vsub.s32 v3, v1  }
0x1ab: {  	v5 =	vmul.u32 $0x1400, v5  }
0x1ac: {  	vm0 =	vge.s32 v3, v1;
	vm1 =	vlt.s32 v3, v2;
	v3 =	vand.u32 $0x3FF, v4  }
0x1ad: {  	vm0 =	vmand vm0, vm1;
	v3 =	vor.u32 $0x190000, v3;
	v4 =	vadd.s32 v4, v5  }
0x1ae: {  	v3 =	vsel vm0, v4, v3  }
0x1af: {  	[tilespmem:$0x5FC0] =	vst v3  }
0x1b0: {  	[spmem:s29] =	stream.indirect.scatter.add.f32 [tilespmem:s21], [sflag:$0x2], $0x1, s24, s16, $0xb8;
	[tilespmem:$0x1FCC0] =	vst v63  }
0x1b1: {  	_ =	swait.ge [sflag:s11], $0x7D0  }
0x1b2: {  	[sflag:s11] =	ssyncset.done $0x0  }
0x1b3: {  	[sflag:s11] =	ssyncadd.s32 $0xFFFFF830  }
0x1b4: {  	_ =	swait.ge [sflag:s11], $0x7D0  }
0x1b5: {  	[sflag:s11] =	ssyncset.done $0x0  }
0x1b6: {  	[sflag:s11] =	ssyncadd.s32 $0xFFFFF830  }
0x1b7: {  	_ =	swait.ge [sflag:s11], $0x7D0  }
0x1b8: {  	[sflag:s11] =	ssyncset.done $0x0  }
0x1b9: {  	[sflag:s11] =	ssyncadd.s32 $0xFFFFF830  }
0x1ba: {  	_ =	swait.ge [sflag:s23], $0x7D0  }
0x1bb: {  	[sflag:s23] =	ssyncset.done $0x0  }
0x1bc: {  	s2 =	rddreg [dreg:$0xe];
	[sflag:s23] =	ssyncadd.s32 $0xFFFFF830  }
0x1bd: {  	[tilespmem:s19], [sflag:$0x1] =	stream.linear.gather [hbm4b:s2+s1], $0x7D0, $0x38;
	[tilespmem:$0x1FCC0] =	vst v63  }
0x1be: {  	s13 =	simm.s32 $0x2000;
	s14 =	rddreg [dreg:$0xf]  }
0x1bf: {  	[tilespmem:s13], [sflag:$0x1] =	stream.linear.gather [hbm4b:s14+s1], $0x7D0, $0x38;
	[tilespmem:$0x1FCC0] =	vst v63  }
0x1c0: {  	s18 =	rddreg [dreg:$0x10];
	s14 =	simm.s32 $0x10  }
0x1c1: {  	[tilespmem:s15], [sflag:$0x1] =	stream.linear.gather [hbm4b:s18+s1], $0x7D0, $0x38;
	[tilespmem:$0x1FCC0] =	vst v63  }
0x1c2: {  	v3 =	vld [tilespmem:s14+$0xFFFFFFF0]  }
0x1c3: {  	s2 =	simm.s32 $0x1810  }
0x1c4: {  	v60 =	vld [tilespmem:s2+$0xFFFFFFF0];
	_ =	sdelay $0x2  }
0x1c5: {  	v61 =	vsub.s32 v3, v1  }
0x1c6: {  	v5 =	vmul.u32 $0x1400, v61  }
0x1c7: {  	vm12 =	vge.s32 v3, v1;
	vm13 =	vlt.s32 v3, v2;
	v3 =	vand.u32 $0x3FF, v60  }
0x1c8: {  	vm0 =	vmand vm12, vm13;
	v3 =	vor.u32 $0x190000, v3;
	v4 =	vadd.s32 v60, v5  }
0x1c9: {  	s13 =	simm.s32 $0x4810;
	v3 =	vsel vm0, v4, v3  }
0x1ca: {  	[tilespmem:s13+$0xFFFFFFF0] =	vst v3  }
0x1cb: {  	v3 =	vld [tilespmem:s14+$0x0];
	_ =	sdelay $0x1  }
0x1cc: {  	v62 =	vld [tilespmem:s2+$0x0];
	_ =	sdelay $0x2  }
0x1cd: {  	v63 =	vsub.s32 v3, v1  }
0x1ce: {  	v5 =	vmul.u32 $0x1400, v63  }
0x1cf: {  	vm14 =	vge.s32 v3, v1;
	vm15 =	vlt.s32 v3, v2;
	v3 =	vand.u32 $0x3FF, v62  }
0x1d0: {  	vm0 =	vmand vm14, vm15;
	v3 =	vor.u32 $0x190000, v3;
	v4 =	vadd.s32 v62, v5  }
0x1d1: {  	v3 =	vsel vm0, v4, v3  }
0x1d2: {  	s18 =	simm.s32 $0x30;
	s14 =	simm.s32 $0x0;
	[tilespmem:s13+$0x0] =	vst v3  }
.LBB2_11:
0x1d3: {  	v3 =	vld [tilespmem:s18+$0xFFFFFFF0];
	s14 =	sadd.s32 $0x2, s14;
	s2 =	sadd.s32 $0x20, s2  }
0x1d4: {  	v4 =	vld [tilespmem:s2+$0xFFFFFFF0];
	p0 =	slt.u32 s14, $0x7A;
	_ =	sdelay $0x3  }
0x1d5: {  	v5 =	vsub.s32 v3, v1  }
0x1d6: {  	v5 =	vmul.u32 $0x1400, v5  }
0x1d7: {  	vm0 =	vge.s32 v3, v1;
	vm1 =	vlt.s32 v3, v2;
	v3 =	vand.u32 $0x3FF, v4  }
0x1d8: {  	vm0 =	vmand vm0, vm1;
	v3 =	vor.u32 $0x190000, v3;
	v4 =	vadd.s32 v4, v5  }
0x1d9: {  	s13 =	sadd.s32 $0x20, s13;
	v3 =	vsel vm0, v4, v3  }
0x1da: {  	[tilespmem:s13+$0xFFFFFFF0] =	vst v3  }
0x1db: {  	v3 =	vld [tilespmem:s18+$0x0]  }
0x1dc: {  	v4 =	vld [tilespmem:s2+$0x0];
	_ =	sdelay $0x3  }
0x1dd: {  	v5 =	vsub.s32 v3, v1  }
.Ltmp4:
0x1de: {  	v5 =	vmul.u32 $0x1400, v5;
	(pc) =	sbr.rel @p0 .LBB2_11-.Ltmp4, $4  }
0x1df: {  	vm0 =	vge.s32 v3, v1;
	vm1 =	vlt.s32 v3, v2;
	v3 =	vand.u32 $0x3FF, v4  }
0x1e0: {  	vm0 =	vmand vm0, vm1;
	v3 =	vor.u32 $0x190000, v3;
	v4 =	vadd.s32 v4, v5  }
0x1e1: {  	v3 =	vsel vm0, v4, v3  }
0x1e2: {  	s18 =	sadd.s32 $0x20, s18;
	[tilespmem:s13+$0x0] =	vst v3  }
0x1e3: {  	v3 =	vld [tilespmem:$0x7C0];
	_ =	sdelay $0x1  }
0x1e4: {  	v4 =	vld [tilespmem:$0x1FC0];
	_ =	sdelay $0x2  }
0x1e5: {  	v5 =	vsub.s32 v3, v1  }
0x1e6: {  	v5 =	vmul.u32 $0x1400, v5  }
0x1e7: {  	vm0 =	vge.s32 v3, v1;
	vm1 =	vlt.s32 v3, v2;
	v3 =	vand.u32 $0x3FF, v4  }
0x1e8: {  	vm0 =	vmand vm0, vm1;
	v3 =	vor.u32 $0x190000, v3;
	v4 =	vadd.s32 v4, v5  }
0x1e9: {  	v3 =	vsel vm0, v4, v3  }
0x1ea: {  	[tilespmem:$0x4FC0] =	vst v3  }
0x1eb: {  	[spmem:s29] =	stream.indirect.scatter.add.f32 [tilespmem:s8], [sflag:$0x2], $0x1, s17, s16, $0xb8;
	[tilespmem:$0x1FCC0] =	vst v63  }
0x1ec: {  	_ =	swait.ge [sflag:s11], $0x7D0  }
0x1ed: {  	[sflag:s11] =	ssyncset.done $0x0  }
0x1ee: {  	[sflag:s11] =	ssyncadd.s32 $0xFFFFF830  }
0x1ef: {  	_ =	swait.ge [sflag:s11], $0x7D0  }
0x1f0: {  	[sflag:s11] =	ssyncset.done $0x0  }
0x1f1: {  	[sflag:s11] =	ssyncadd.s32 $0xFFFFF830  }
0x1f2: {  	_ =	swait.ge [sflag:s11], $0x7D0  }
0x1f3: {  	[sflag:s11] =	ssyncset.done $0x0  }
0x1f4: {  	[sflag:s11] =	ssyncadd.s32 $0xFFFFF830  }
0x1f5: {  	_ =	swait.ge [sflag:s23], $0x7D0  }
0x1f6: {  	[sflag:s23] =	ssyncset.done $0x0  }
0x1f7: {  	s13 =	simm.s32 $0x1000;
	s2 =	rddreg [dreg:$0x11];
	[sflag:s23] =	ssyncadd.s32 $0xFFFFF830  }
0x1f8: {  	[tilespmem:s13], [sflag:$0x1] =	stream.linear.gather [hbm4b:s2+s1], $0x7D0, $0x38;
	[tilespmem:$0x1FCC0] =	vst v63  }
0x1f9: {  	s14 =	simm.s32 $0x2800;
	s13 =	rddreg [dreg:$0x12]  }
0x1fa: {  	[tilespmem:s14], [sflag:$0x1] =	stream.linear.gather [hbm4b:s13+s1], $0x7D0, $0x38;
	[tilespmem:$0x1FCC0] =	vst v63  }
0x1fb: {  	s18 =	rddreg [dreg:$0x13];
	s14 =	simm.s32 $0x810  }
0x1fc: {  	[tilespmem:s21], [sflag:$0x1] =	stream.linear.gather [hbm4b:s18+s1], $0x7D0, $0x38;
	[tilespmem:$0x1FCC0] =	vst v63  }
0x1fd: {  	v3 =	vld [tilespmem:s14+$0xFFFFFFF0]  }
0x1fe: {  	s2 =	simm.s32 $0x2010  }
0x1ff: {  	v60 =	vld [tilespmem:s2+$0xFFFFFFF0];
	_ =	sdelay $0x2  }
0x200: {  	v61 =	vsub.s32 v3, v1  }
0x201: {  	v5 =	vmul.u32 $0x1400, v61  }
0x202: {  	vm12 =	vge.s32 v3, v1;
	vm13 =	vlt.s32 v3, v2;
	v3 =	vand.u32 $0x3FF, v60  }
0x203: {  	vm0 =	vmand vm12, vm13;
	v3 =	vor.u32 $0x190000, v3;
	v4 =	vadd.s32 v60, v5  }
0x204: {  	s13 =	simm.s32 $0x5010;
	v3 =	vsel vm0, v4, v3  }
0x205: {  	[tilespmem:s13+$0xFFFFFFF0] =	vst v3  }
0x206: {  	v3 =	vld [tilespmem:s14+$0x0];
	_ =	sdelay $0x1  }
0x207: {  	v62 =	vld [tilespmem:s2+$0x0];
	_ =	sdelay $0x2  }
0x208: {  	v63 =	vsub.s32 v3, v1  }
0x209: {  	v5 =	vmul.u32 $0x1400, v63  }
0x20a: {  	vm14 =	vge.s32 v3, v1;
	vm15 =	vlt.s32 v3, v2;
	v3 =	vand.u32 $0x3FF, v62  }
0x20b: {  	vm0 =	vmand vm14, vm15;
	v3 =	vor.u32 $0x190000, v3;
	v4 =	vadd.s32 v62, v5  }
0x20c: {  	v3 =	vsel vm0, v4, v3  }
0x20d: {  	s18 =	simm.s32 $0x830;
	s14 =	simm.s32 $0x0;
	[tilespmem:s13+$0x0] =	vst v3  }
.LBB2_13:
0x20e: {  	v3 =	vld [tilespmem:s18+$0xFFFFFFF0];
	s14 =	sadd.s32 $0x2, s14;
	s2 =	sadd.s32 $0x20, s2  }
0x20f: {  	v4 =	vld [tilespmem:s2+$0xFFFFFFF0];
	p0 =	slt.u32 s14, $0x7A;
	_ =	sdelay $0x3  }
0x210: {  	v5 =	vsub.s32 v3, v1  }
0x211: {  	v5 =	vmul.u32 $0x1400, v5  }
0x212: {  	vm0 =	vge.s32 v3, v1;
	vm1 =	vlt.s32 v3, v2;
	v3 =	vand.u32 $0x3FF, v4  }
0x213: {  	vm0 =	vmand vm0, vm1;
	v3 =	vor.u32 $0x190000, v3;
	v4 =	vadd.s32 v4, v5  }
0x214: {  	s13 =	sadd.s32 $0x20, s13;
	v3 =	vsel vm0, v4, v3  }
0x215: {  	[tilespmem:s13+$0xFFFFFFF0] =	vst v3  }
0x216: {  	v3 =	vld [tilespmem:s18+$0x0]  }
0x217: {  	v4 =	vld [tilespmem:s2+$0x0];
	_ =	sdelay $0x3  }
0x218: {  	v5 =	vsub.s32 v3, v1  }
.Ltmp5:
0x219: {  	v5 =	vmul.u32 $0x1400, v5;
	(pc) =	sbr.rel @p0 .LBB2_13-.Ltmp5, $4  }
0x21a: {  	vm0 =	vge.s32 v3, v1;
	vm1 =	vlt.s32 v3, v2;
	v3 =	vand.u32 $0x3FF, v4  }
0x21b: {  	vm0 =	vmand vm0, vm1;
	v3 =	vor.u32 $0x190000, v3;
	v4 =	vadd.s32 v4, v5  }
0x21c: {  	v3 =	vsel vm0, v4, v3  }
0x21d: {  	s18 =	sadd.s32 $0x20, s18;
	[tilespmem:s13+$0x0] =	vst v3  }
0x21e: {  	v3 =	vld [tilespmem:$0xFC0];
	_ =	sdelay $0x1  }
0x21f: {  	v4 =	vld [tilespmem:$0x27C0];
	_ =	sdelay $0x2  }
0x220: {  	v5 =	vsub.s32 v3, v1  }
0x221: {  	v5 =	vmul.u32 $0x1400, v5  }
0x222: {  	vm0 =	vge.s32 v3, v1;
	vm1 =	vlt.s32 v3, v2;
	v3 =	vand.u32 $0x3FF, v4  }
0x223: {  	vm0 =	vmand vm0, vm1;
	v3 =	vor.u32 $0x190000, v3;
	v4 =	vadd.s32 v4, v5  }
0x224: {  	v3 =	vsel vm0, v4, v3  }
0x225: {  	[tilespmem:$0x57C0] =	vst v3  }
0x226: {  	[spmem:s29] =	stream.indirect.scatter.add.f32 [tilespmem:s15], [sflag:$0x2], $0x1, s22, s16, $0xb8;
	[tilespmem:$0x1FCC0] =	vst v63  }
0x227: {  	_ =	swait.ge [sflag:s11], $0x7D0  }
0x228: {  	[sflag:s11] =	ssyncset.done $0x0  }
0x229: {  	[sflag:s11] =	ssyncadd.s32 $0xFFFFF830  }
0x22a: {  	_ =	swait.ge [sflag:s11], $0x7D0  }
0x22b: {  	[sflag:s11] =	ssyncset.done $0x0  }
0x22c: {  	[sflag:s11] =	ssyncadd.s32 $0xFFFFF830  }
0x22d: {  	_ =	swait.ge [sflag:s11], $0x7D0  }
0x22e: {  	[sflag:s11] =	ssyncset.done $0x0  }
0x22f: {  	[sflag:s11] =	ssyncadd.s32 $0xFFFFF830  }
0x230: {  	_ =	swait.ge [sflag:s23], $0x7D0  }
0x231: {  	[sflag:s23] =	ssyncset.done $0x0  }
0x232: {  	s2 =	rddreg [dreg:$0x14];
	[sflag:s23] =	ssyncadd.s32 $0xFFFFF830  }
0x233: {  	[tilespmem:s1], [sflag:$0x1] =	stream.linear.gather [hbm4b:s2+s1], $0x7D0, $0x38;
	[tilespmem:$0x1FCC0] =	vst v63  }
0x234: {  	s14 =	rddreg [dreg:$0x15]  }
0x235: {  	[tilespmem:s7], [sflag:$0x1] =	stream.linear.gather [hbm4b:s14+s1], $0x7D0, $0x38;
	[tilespmem:$0x1FCC0] =	vst v63  }
0x236: {  	s18 =	rddreg [dreg:$0x16];
	s14 =	simm.s32 $0x1010  }
0x237: {  	[tilespmem:s8], [sflag:$0x1] =	stream.linear.gather [hbm4b:s18+s1], $0x7D0, $0x38;
	[tilespmem:$0x1FCC0] =	vst v63  }
0x238: {  	v3 =	vld [tilespmem:s14+$0xFFFFFFF0]  }
0x239: {  	s2 =	simm.s32 $0x2810  }
0x23a: {  	v60 =	vld [tilespmem:s2+$0xFFFFFFF0];
	_ =	sdelay $0x2  }
0x23b: {  	v61 =	vsub.s32 v3, v1  }
0x23c: {  	v5 =	vmul.u32 $0x1400, v61  }
0x23d: {  	vm12 =	vge.s32 v3, v1;
	vm13 =	vlt.s32 v3, v2;
	v3 =	vand.u32 $0x3FF, v60  }
0x23e: {  	vm0 =	vmand vm12, vm13;
	v3 =	vor.u32 $0x190000, v3;
	v4 =	vadd.s32 v60, v5  }
0x23f: {  	s13 =	simm.s32 $0x5810;
	v3 =	vsel vm0, v4, v3  }
0x240: {  	[tilespmem:s13+$0xFFFFFFF0] =	vst v3  }
0x241: {  	v3 =	vld [tilespmem:s14+$0x0];
	_ =	sdelay $0x1  }
0x242: {  	v62 =	vld [tilespmem:s2+$0x0];
	_ =	sdelay $0x2  }
0x243: {  	v63 =	vsub.s32 v3, v1  }
0x244: {  	v5 =	vmul.u32 $0x1400, v63  }
0x245: {  	vm14 =	vge.s32 v3, v1;
	vm15 =	vlt.s32 v3, v2;
	v3 =	vand.u32 $0x3FF, v62  }
0x246: {  	vm0 =	vmand vm14, vm15;
	v3 =	vor.u32 $0x190000, v3;
	v4 =	vadd.s32 v62, v5  }
0x247: {  	v3 =	vsel vm0, v4, v3  }
0x248: {  	s18 =	simm.s32 $0x1030;
	s14 =	simm.s32 $0x0;
	[tilespmem:s13+$0x0] =	vst v3  }
.LBB2_15:
0x249: {  	v3 =	vld [tilespmem:s18+$0xFFFFFFF0];
	s14 =	sadd.s32 $0x2, s14;
	s2 =	sadd.s32 $0x20, s2  }
0x24a: {  	v4 =	vld [tilespmem:s2+$0xFFFFFFF0];
	p0 =	slt.u32 s14, $0x7A;
	_ =	sdelay $0x3  }
0x24b: {  	v5 =	vsub.s32 v3, v1  }
0x24c: {  	v5 =	vmul.u32 $0x1400, v5  }
0x24d: {  	vm0 =	vge.s32 v3, v1;
	vm1 =	vlt.s32 v3, v2;
	v3 =	vand.u32 $0x3FF, v4  }
0x24e: {  	vm0 =	vmand vm0, vm1;
	v3 =	vor.u32 $0x190000, v3;
	v4 =	vadd.s32 v4, v5  }
0x24f: {  	s13 =	sadd.s32 $0x20, s13;
	v3 =	vsel vm0, v4, v3  }
0x250: {  	[tilespmem:s13+$0xFFFFFFF0] =	vst v3  }
0x251: {  	v3 =	vld [tilespmem:s18+$0x0]  }
0x252: {  	v4 =	vld [tilespmem:s2+$0x0];
	_ =	sdelay $0x3  }
0x253: {  	v5 =	vsub.s32 v3, v1  }
.Ltmp6:
0x254: {  	v5 =	vmul.u32 $0x1400, v5;
	(pc) =	sbr.rel @p0 .LBB2_15-.Ltmp6, $4  }
0x255: {  	vm0 =	vge.s32 v3, v1;
	vm1 =	vlt.s32 v3, v2;
	v3 =	vand.u32 $0x3FF, v4  }
0x256: {  	vm0 =	vmand vm0, vm1;
	v3 =	vor.u32 $0x190000, v3;
	v4 =	vadd.s32 v4, v5  }
0x257: {  	v3 =	vsel vm0, v4, v3  }
0x258: {  	s18 =	sadd.s32 $0x20, s18;
	[tilespmem:s13+$0x0] =	vst v3  }
0x259: {  	v3 =	vld [tilespmem:$0x17C0];
	_ =	sdelay $0x1  }
0x25a: {  	v4 =	vld [tilespmem:$0x2FC0];
	_ =	sdelay $0x2  }
0x25b: {  	v5 =	vsub.s32 v3, v1  }
0x25c: {  	v5 =	vmul.u32 $0x1400, v5  }
0x25d: {  	vm0 =	vge.s32 v3, v1;
	vm1 =	vlt.s32 v3, v2;
	v3 =	vand.u32 $0x3FF, v4  }
0x25e: {  	vm0 =	vmand vm0, vm1;
	v3 =	vor.u32 $0x190000, v3;
	v4 =	vadd.s32 v4, v5  }
0x25f: {  	v3 =	vsel vm0, v4, v3  }
0x260: {  	[tilespmem:$0x5FC0] =	vst v3  }
0x261: {  	[spmem:s29] =	stream.indirect.scatter.add.f32 [tilespmem:s21], [sflag:$0x2], $0x1, s24, s16, $0xb8;
	[tilespmem:$0x1FCC0] =	vst v63  }
0x262: {  	_ =	swait.ge [sflag:s11], $0x7D0  }
0x263: {  	[sflag:s11] =	ssyncset.done $0x0  }
0x264: {  	[sflag:s11] =	ssyncadd.s32 $0xFFFFF830  }
0x265: {  	_ =	swait.ge [sflag:s11], $0x7D0  }
0x266: {  	[sflag:s11] =	ssyncset.done $0x0  }
0x267: {  	[sflag:s11] =	ssyncadd.s32 $0xFFFFF830  }
0x268: {  	_ =	swait.ge [sflag:s11], $0x7D0  }
0x269: {  	[sflag:s11] =	ssyncset.done $0x0  }
0x26a: {  	[sflag:s11] =	ssyncadd.s32 $0xFFFFF830  }
0x26b: {  	_ =	swait.ge [sflag:s23], $0x7D0  }
0x26c: {  	[sflag:s23] =	ssyncset.done $0x0  }
0x26d: {  	s2 =	rddreg [dreg:$0x17];
	[sflag:s23] =	ssyncadd.s32 $0xFFFFF830  }
0x26e: {  	[tilespmem:s19], [sflag:$0x1] =	stream.linear.gather [hbm4b:s2+s1], $0x7D0, $0x38;
	[tilespmem:$0x1FCC0] =	vst v63  }
0x26f: {  	s13 =	simm.s32 $0x2000;
	s18 =	rddreg [dreg:$0x18]  }
0x270: {  	[tilespmem:s13], [sflag:$0x1] =	stream.linear.gather [hbm4b:s18+s1], $0x7D0, $0x38;
	[tilespmem:$0x1FCC0] =	vst v63  }
0x271: {  	s14 =	simm.s32 $0x10;
	s19 =	rddreg [dreg:$0x19]  }
0x272: {  	[tilespmem:s15], [sflag:$0x1] =	stream.linear.gather [hbm4b:s19+s1], $0x7D0, $0x38;
	[tilespmem:$0x1FCC0] =	vst v63  }
0x273: {  	v3 =	vld [tilespmem:s14+$0xFFFFFFF0]  }
0x274: {  	s2 =	simm.s32 $0x1810  }
0x275: {  	v60 =	vld [tilespmem:s2+$0xFFFFFFF0];
	_ =	sdelay $0x2  }
0x276: {  	v61 =	vsub.s32 v3, v1  }
0x277: {  	v5 =	vmul.u32 $0x1400, v61  }
0x278: {  	vm12 =	vge.s32 v3, v1;
	vm13 =	vlt.s32 v3, v2;
	v3 =	vand.u32 $0x3FF, v60  }
0x279: {  	vm0 =	vmand vm12, vm13;
	v3 =	vor.u32 $0x190000, v3;
	v4 =	vadd.s32 v60, v5  }
0x27a: {  	s13 =	simm.s32 $0x4810;
	v3 =	vsel vm0, v4, v3  }
0x27b: {  	[tilespmem:s13+$0xFFFFFFF0] =	vst v3  }
0x27c: {  	v3 =	vld [tilespmem:s14+$0x0];
	_ =	sdelay $0x1  }
0x27d: {  	v62 =	vld [tilespmem:s2+$0x0];
	_ =	sdelay $0x2  }
0x27e: {  	v63 =	vsub.s32 v3, v1  }
0x27f: {  	v5 =	vmul.u32 $0x1400, v63  }
0x280: {  	vm14 =	vge.s32 v3, v1;
	vm15 =	vlt.s32 v3, v2;
	v3 =	vand.u32 $0x3FF, v62  }
0x281: {  	vm0 =	vmand vm14, vm15;
	v3 =	vor.u32 $0x190000, v3;
	v4 =	vadd.s32 v62, v5  }
0x282: {  	v3 =	vsel vm0, v4, v3  }
0x283: {  	s18 =	simm.s32 $0x30;
	s14 =	simm.s32 $0x0;
	[tilespmem:s13+$0x0] =	vst v3  }
.LBB2_17:
0x284: {  	v3 =	vld [tilespmem:s18+$0xFFFFFFF0];
	s14 =	sadd.s32 $0x2, s14;
	s2 =	sadd.s32 $0x20, s2  }
0x285: {  	v4 =	vld [tilespmem:s2+$0xFFFFFFF0];
	p0 =	slt.u32 s14, $0x7A;
	_ =	sdelay $0x3  }
0x286: {  	v5 =	vsub.s32 v3, v1  }
0x287: {  	v5 =	vmul.u32 $0x1400, v5  }
0x288: {  	vm0 =	vge.s32 v3, v1;
	vm1 =	vlt.s32 v3, v2;
	v3 =	vand.u32 $0x3FF, v4  }
0x289: {  	vm0 =	vmand vm0, vm1;
	v3 =	vor.u32 $0x190000, v3;
	v4 =	vadd.s32 v4, v5  }
0x28a: {  	s13 =	sadd.s32 $0x20, s13;
	v3 =	vsel vm0, v4, v3  }
0x28b: {  	[tilespmem:s13+$0xFFFFFFF0] =	vst v3  }
0x28c: {  	v3 =	vld [tilespmem:s18+$0x0]  }
0x28d: {  	v4 =	vld [tilespmem:s2+$0x0];
	_ =	sdelay $0x3  }
0x28e: {  	v5 =	vsub.s32 v3, v1  }
.Ltmp7:
0x28f: {  	v5 =	vmul.u32 $0x1400, v5;
	(pc) =	sbr.rel @p0 .LBB2_17-.Ltmp7, $4  }
0x290: {  	vm0 =	vge.s32 v3, v1;
	vm1 =	vlt.s32 v3, v2;
	v3 =	vand.u32 $0x3FF, v4  }
0x291: {  	vm0 =	vmand vm0, vm1;
	v3 =	vor.u32 $0x190000, v3;
	v4 =	vadd.s32 v4, v5  }
0x292: {  	v3 =	vsel vm0, v4, v3  }
0x293: {  	s18 =	sadd.s32 $0x20, s18;
	[tilespmem:s13+$0x0] =	vst v3  }
0x294: {  	v3 =	vld [tilespmem:$0x7C0];
	_ =	sdelay $0x1  }
0x295: {  	v4 =	vld [tilespmem:$0x1FC0];
	_ =	sdelay $0x2  }
0x296: {  	v5 =	vsub.s32 v3, v1  }
0x297: {  	v5 =	vmul.u32 $0x1400, v5  }
0x298: {  	vm0 =	vge.s32 v3, v1;
	vm1 =	vlt.s32 v3, v2;
	v3 =	vand.u32 $0x3FF, v4  }
0x299: {  	vm0 =	vmand vm0, vm1;
	v3 =	vor.u32 $0x190000, v3;
	v4 =	vadd.s32 v4, v5  }
0x29a: {  	v3 =	vsel vm0, v4, v3  }
0x29b: {  	[tilespmem:$0x4FC0] =	vst v3  }
0x29c: {  	[spmem:s29] =	stream.indirect.scatter.add.f32 [tilespmem:s8], [sflag:$0x2], $0x1, s17, s16, $0xb8;
	[tilespmem:$0x1FCC0] =	vst v63  }
0x29d: {  	_ =	swait.ge [sflag:s11], $0x7D0  }
0x29e: {  	[sflag:s11] =	ssyncset.done $0x0  }
0x29f: {  	[sflag:s11] =	ssyncadd.s32 $0xFFFFF830  }
0x2a0: {  	_ =	swait.ge [sflag:s11], $0x7D0  }
0x2a1: {  	[sflag:s11] =	ssyncset.done $0x0  }
0x2a2: {  	[sflag:s11] =	ssyncadd.s32 $0xFFFFF830  }
0x2a3: {  	_ =	swait.ge [sflag:s11], $0x7D0  }
0x2a4: {  	[sflag:s11] =	ssyncset.done $0x0  }
0x2a5: {  	[sflag:s11] =	ssyncadd.s32 $0xFFFFF830  }
0x2a6: {  	_ =	swait.ge [sflag:s23], $0x7D0  }
0x2a7: {  	[sflag:s23] =	ssyncset.done $0x0  }
0x2a8: {  	s13 =	simm.s32 $0x1000;
	s2 =	rddreg [dreg:$0x1a];
	[sflag:s23] =	ssyncadd.s32 $0xFFFFF830  }
0x2a9: {  	[tilespmem:s13], [sflag:$0x1] =	stream.linear.gather [hbm4b:s2+s1], $0x7D0, $0x38;
	[tilespmem:$0x1FCC0] =	vst v63  }
0x2aa: {  	s18 =	simm.s32 $0x2800;
	s14 =	rddreg [dreg:$0x1b]  }
0x2ab: {  	[tilespmem:s18], [sflag:$0x1] =	stream.linear.gather [hbm4b:s14+s1], $0x7D0, $0x38;
	[tilespmem:$0x1FCC0] =	vst v63  }
0x2ac: {  	s19 =	rddreg [dreg:$0x1c];
	s14 =	simm.s32 $0x810  }
0x2ad: {  	[tilespmem:s21], [sflag:$0x1] =	stream.linear.gather [hbm4b:s19+s1], $0x7D0, $0x38;
	[tilespmem:$0x1FCC0] =	vst v63  }
0x2ae: {  	v3 =	vld [tilespmem:s14+$0xFFFFFFF0]  }
0x2af: {  	s2 =	simm.s32 $0x2010  }
0x2b0: {  	v60 =	vld [tilespmem:s2+$0xFFFFFFF0];
	_ =	sdelay $0x2  }
0x2b1: {  	v61 =	vsub.s32 v3, v1  }
0x2b2: {  	v5 =	vmul.u32 $0x1400, v61  }
0x2b3: {  	vm12 =	vge.s32 v3, v1;
	vm13 =	vlt.s32 v3, v2;
	v3 =	vand.u32 $0x3FF, v60  }
0x2b4: {  	vm0 =	vmand vm12, vm13;
	v3 =	vor.u32 $0x190000, v3;
	v4 =	vadd.s32 v60, v5  }
0x2b5: {  	s13 =	simm.s32 $0x5010;
	v3 =	vsel vm0, v4, v3  }
0x2b6: {  	[tilespmem:s13+$0xFFFFFFF0] =	vst v3  }
0x2b7: {  	v3 =	vld [tilespmem:s14+$0x0];
	_ =	sdelay $0x1  }
0x2b8: {  	v62 =	vld [tilespmem:s2+$0x0];
	_ =	sdelay $0x2  }
0x2b9: {  	v63 =	vsub.s32 v3, v1  }
0x2ba: {  	v5 =	vmul.u32 $0x1400, v63  }
0x2bb: {  	vm14 =	vge.s32 v3, v1;
	vm15 =	vlt.s32 v3, v2;
	v3 =	vand.u32 $0x3FF, v62  }
0x2bc: {  	vm0 =	vmand vm14, vm15;
	v3 =	vor.u32 $0x190000, v3;
	v4 =	vadd.s32 v62, v5  }
0x2bd: {  	v3 =	vsel vm0, v4, v3  }
0x2be: {  	s18 =	simm.s32 $0x830;
	s14 =	simm.s32 $0x0;
	[tilespmem:s13+$0x0] =	vst v3  }
.LBB2_19:
0x2bf: {  	v3 =	vld [tilespmem:s18+$0xFFFFFFF0];
	s14 =	sadd.s32 $0x2, s14;
	s2 =	sadd.s32 $0x20, s2  }
0x2c0: {  	v4 =	vld [tilespmem:s2+$0xFFFFFFF0];
	p0 =	slt.u32 s14, $0x7A;
	_ =	sdelay $0x3  }
0x2c1: {  	v5 =	vsub.s32 v3, v1  }
0x2c2: {  	v5 =	vmul.u32 $0x1400, v5  }
0x2c3: {  	vm0 =	vge.s32 v3, v1;
	vm1 =	vlt.s32 v3, v2;
	v3 =	vand.u32 $0x3FF, v4  }
0x2c4: {  	vm0 =	vmand vm0, vm1;
	v3 =	vor.u32 $0x190000, v3;
	v4 =	vadd.s32 v4, v5  }
0x2c5: {  	s13 =	sadd.s32 $0x20, s13;
	v3 =	vsel vm0, v4, v3  }
0x2c6: {  	[tilespmem:s13+$0xFFFFFFF0] =	vst v3  }
0x2c7: {  	v3 =	vld [tilespmem:s18+$0x0]  }
0x2c8: {  	v4 =	vld [tilespmem:s2+$0x0];
	_ =	sdelay $0x3  }
0x2c9: {  	v5 =	vsub.s32 v3, v1  }
.Ltmp8:
0x2ca: {  	v5 =	vmul.u32 $0x1400, v5;
	(pc) =	sbr.rel @p0 .LBB2_19-.Ltmp8, $4  }
0x2cb: {  	vm0 =	vge.s32 v3, v1;
	vm1 =	vlt.s32 v3, v2;
	v3 =	vand.u32 $0x3FF, v4  }
0x2cc: {  	vm0 =	vmand vm0, vm1;
	v3 =	vor.u32 $0x190000, v3;
	v4 =	vadd.s32 v4, v5  }
0x2cd: {  	v3 =	vsel vm0, v4, v3  }
0x2ce: {  	s18 =	sadd.s32 $0x20, s18;
	[tilespmem:s13+$0x0] =	vst v3  }
0x2cf: {  	v3 =	vld [tilespmem:$0xFC0];
	_ =	sdelay $0x1  }
0x2d0: {  	v4 =	vld [tilespmem:$0x27C0];
	_ =	sdelay $0x2  }
0x2d1: {  	v5 =	vsub.s32 v3, v1  }
0x2d2: {  	v5 =	vmul.u32 $0x1400, v5  }
0x2d3: {  	vm0 =	vge.s32 v3, v1;
	vm1 =	vlt.s32 v3, v2;
	v3 =	vand.u32 $0x3FF, v4  }
0x2d4: {  	vm0 =	vmand vm0, vm1;
	v3 =	vor.u32 $0x190000, v3;
	v4 =	vadd.s32 v4, v5  }
0x2d5: {  	v3 =	vsel vm0, v4, v3  }
0x2d6: {  	[tilespmem:$0x57C0] =	vst v3  }
0x2d7: {  	[spmem:s29] =	stream.indirect.scatter.add.f32 [tilespmem:s15], [sflag:$0x2], $0x1, s22, s16, $0xb8;
	[tilespmem:$0x1FCC0] =	vst v63  }
0x2d8: {  	_ =	swait.ge [sflag:s11], $0x7D0  }
0x2d9: {  	[sflag:s11] =	ssyncset.done $0x0  }
0x2da: {  	[sflag:s11] =	ssyncadd.s32 $0xFFFFF830  }
0x2db: {  	_ =	swait.ge [sflag:s11], $0x7D0  }
0x2dc: {  	[sflag:s11] =	ssyncset.done $0x0  }
0x2dd: {  	[sflag:s11] =	ssyncadd.s32 $0xFFFFF830  }
0x2de: {  	_ =	swait.ge [sflag:s11], $0x7D0  }
0x2df: {  	[sflag:s11] =	ssyncset.done $0x0  }
0x2e0: {  	[sflag:s11] =	ssyncadd.s32 $0xFFFFF830  }
0x2e1: {  	_ =	swait.ge [sflag:s23], $0x7D0  }
0x2e2: {  	s2 =	sld [smem:$0x7CC]  }
0x2e3: {  	[sflag:s23] =	ssyncset.done $0x0  }
0x2e4: {  	s18 =	sld [smem:$0x7CD];
	[sflag:s23] =	ssyncadd.s32 $0xFFFFF830  }
0x2e5: {  	[tilespmem:s1], [sflag:$0x1] =	stream.linear.gather [hbm4b:s2+s1], $0x7D0, $0x38;
	[tilespmem:$0x1FCC0] =	vst v63  }
0x2e6: {  	s19 =	sld [smem:$0x7CE]  }
0x2e7: {  	[tilespmem:s7], [sflag:$0x1] =	stream.linear.gather [hbm4b:s18+s1], $0x7D0, $0x38;
	[tilespmem:$0x1FCC0] =	vst v63  }
0x2e8: {  	s14 =	simm.s32 $0x1010  }
0x2e9: {  	[tilespmem:s8], [sflag:$0x1] =	stream.linear.gather [hbm4b:s19+s1], $0x7D0, $0x38;
	[tilespmem:$0x1FCC0] =	vst v63  }
0x2ea: {  	v3 =	vld [tilespmem:s14+$0xFFFFFFF0]  }
0x2eb: {  	s2 =	simm.s32 $0x2810  }
0x2ec: {  	v60 =	vld [tilespmem:s2+$0xFFFFFFF0];
	_ =	sdelay $0x2  }
0x2ed: {  	v61 =	vsub.s32 v3, v1  }
0x2ee: {  	v5 =	vmul.u32 $0x1400, v61  }
0x2ef: {  	vm12 =	vge.s32 v3, v1;
	vm13 =	vlt.s32 v3, v2;
	v3 =	vand.u32 $0x3FF, v60  }
0x2f0: {  	vm0 =	vmand vm12, vm13;
	v3 =	vor.u32 $0x190000, v3;
	v4 =	vadd.s32 v60, v5  }
0x2f1: {  	s13 =	simm.s32 $0x5810;
	v3 =	vsel vm0, v4, v3  }
0x2f2: {  	[tilespmem:s13+$0xFFFFFFF0] =	vst v3  }
0x2f3: {  	v3 =	vld [tilespmem:s14+$0x0];
	_ =	sdelay $0x1  }
0x2f4: {  	v62 =	vld [tilespmem:s2+$0x0];
	_ =	sdelay $0x2  }
0x2f5: {  	v63 =	vsub.s32 v3, v1  }
0x2f6: {  	v5 =	vmul.u32 $0x1400, v63  }
0x2f7: {  	vm14 =	vge.s32 v3, v1;
	vm15 =	vlt.s32 v3, v2;
	v3 =	vand.u32 $0x3FF, v62  }
0x2f8: {  	vm0 =	vmand vm14, vm15;
	v3 =	vor.u32 $0x190000, v3;
	v4 =	vadd.s32 v62, v5  }
0x2f9: {  	v3 =	vsel vm0, v4, v3  }
0x2fa: {  	s18 =	simm.s32 $0x1030;
	s14 =	simm.s32 $0x0;
	[tilespmem:s13+$0x0] =	vst v3  }
.LBB2_21:
0x2fb: {  	v3 =	vld [tilespmem:s18+$0xFFFFFFF0];
	s14 =	sadd.s32 $0x2, s14;
	s2 =	sadd.s32 $0x20, s2  }
0x2fc: {  	v4 =	vld [tilespmem:s2+$0xFFFFFFF0];
	p0 =	slt.u32 s14, $0x7A;
	_ =	sdelay $0x3  }
0x2fd: {  	v5 =	vsub.s32 v3, v1  }
0x2fe: {  	v5 =	vmul.u32 $0x1400, v5  }
0x2ff: {  	vm0 =	vge.s32 v3, v1;
	vm1 =	vlt.s32 v3, v2;
	v3 =	vand.u32 $0x3FF, v4  }
0x300: {  	vm0 =	vmand vm0, vm1;
	v3 =	vor.u32 $0x190000, v3;
	v4 =	vadd.s32 v4, v5  }
0x301: {  	s13 =	sadd.s32 $0x20, s13;
	v3 =	vsel vm0, v4, v3  }
0x302: {  	[tilespmem:s13+$0xFFFFFFF0] =	vst v3  }
0x303: {  	v3 =	vld [tilespmem:s18+$0x0]  }
0x304: {  	v4 =	vld [tilespmem:s2+$0x0];
	_ =	sdelay $0x3  }
0x305: {  	v5 =	vsub.s32 v3, v1  }
.Ltmp9:
0x306: {  	v5 =	vmul.u32 $0x1400, v5;
	(pc) =	sbr.rel @p0 .LBB2_21-.Ltmp9, $4  }
0x307: {  	vm0 =	vge.s32 v3, v1;
	vm1 =	vlt.s32 v3, v2;
	v3 =	vand.u32 $0x3FF, v4  }
0x308: {  	vm0 =	vmand vm0, vm1;
	v3 =	vor.u32 $0x190000, v3;
	v4 =	vadd.s32 v4, v5  }
0x309: {  	v3 =	vsel vm0, v4, v3  }
0x30a: {  	s18 =	sadd.s32 $0x20, s18;
	[tilespmem:s13+$0x0] =	vst v3  }
0x30b: {  	v3 =	vld [tilespmem:$0x17C0];
	_ =	sdelay $0x1  }
0x30c: {  	v4 =	vld [tilespmem:$0x2FC0];
	_ =	sdelay $0x2  }
0x30d: {  	v5 =	vsub.s32 v3, v1  }
0x30e: {  	v5 =	vmul.u32 $0x1400, v5  }
0x30f: {  	vm0 =	vge.s32 v3, v1;
	vm1 =	vlt.s32 v3, v2;
	v3 =	vand.u32 $0x3FF, v4  }
0x310: {  	vm0 =	vmand vm0, vm1;
	v3 =	vor.u32 $0x190000, v3;
	v4 =	vadd.s32 v4, v5  }
0x311: {  	v3 =	vsel vm0, v4, v3  }
0x312: {  	[tilespmem:$0x5FC0] =	vst v3  }
0x313: {  	[spmem:s29] =	stream.indirect.scatter.add.f32 [tilespmem:s21], [sflag:$0x2], $0x1, s24, s16, $0xb8;
	[tilespmem:$0x1FCC0] =	vst v63  }
0x314: {  	_ =	swait.ge [sflag:s11], $0x7D0  }
0x315: {  	[sflag:s11] =	ssyncset.done $0x0  }
0x316: {  	[sflag:s11] =	ssyncadd.s32 $0xFFFFF830  }
0x317: {  	_ =	swait.ge [sflag:s11], $0x7D0  }
0x318: {  	[sflag:s11] =	ssyncset.done $0x0  }
0x319: {  	[sflag:s11] =	ssyncadd.s32 $0xFFFFF830  }
0x31a: {  	_ =	swait.ge [sflag:s11], $0x7D0  }
0x31b: {  	[sflag:s11] =	ssyncset.done $0x0  }
0x31c: {  	s14 =	simm.s32 $0x10;
	[sflag:s11] =	ssyncadd.s32 $0xFFFFF830  }
0x31d: {  	v3 =	vld [tilespmem:s14+$0xFFFFFFF0]  }
0x31e: {  	s2 =	simm.s32 $0x1810  }
0x31f: {  	v60 =	vld [tilespmem:s2+$0xFFFFFFF0];
	_ =	sdelay $0x2  }
0x320: {  	v61 =	vsub.s32 v3, v1  }
0x321: {  	v5 =	vmul.u32 $0x1400, v61  }
0x322: {  	vm12 =	vge.s32 v3, v1;
	vm13 =	vlt.s32 v3, v2;
	v3 =	vand.u32 $0x3FF, v60  }
0x323: {  	vm0 =	vmand vm12, vm13;
	v3 =	vor.u32 $0x190000, v3;
	v4 =	vadd.s32 v60, v5  }
0x324: {  	s13 =	simm.s32 $0x4810;
	v3 =	vsel vm0, v4, v3  }
0x325: {  	[tilespmem:s13+$0xFFFFFFF0] =	vst v3  }
0x326: {  	v3 =	vld [tilespmem:s14+$0x0];
	_ =	sdelay $0x1  }
0x327: {  	v62 =	vld [tilespmem:s2+$0x0];
	_ =	sdelay $0x2  }
0x328: {  	v63 =	vsub.s32 v3, v1  }
0x329: {  	v5 =	vmul.u32 $0x1400, v63  }
0x32a: {  	vm14 =	vge.s32 v3, v1;
	vm15 =	vlt.s32 v3, v2;
	v3 =	vand.u32 $0x3FF, v62  }
0x32b: {  	vm0 =	vmand vm14, vm15;
	v3 =	vor.u32 $0x190000, v3;
	v4 =	vadd.s32 v62, v5  }
0x32c: {  	v3 =	vsel vm0, v4, v3  }
0x32d: {  	s18 =	simm.s32 $0x30;
	s14 =	simm.s32 $0x0;
	[tilespmem:s13+$0x0] =	vst v3  }
.LBB2_23:
0x32e: {  	v3 =	vld [tilespmem:s18+$0xFFFFFFF0];
	s14 =	sadd.s32 $0x2, s14;
	s2 =	sadd.s32 $0x20, s2  }
0x32f: {  	v4 =	vld [tilespmem:s2+$0xFFFFFFF0];
	p0 =	slt.u32 s14, $0x7A;
	_ =	sdelay $0x3  }
0x330: {  	v5 =	vsub.s32 v3, v1  }
0x331: {  	v5 =	vmul.u32 $0x1400, v5  }
0x332: {  	vm0 =	vge.s32 v3, v1;
	vm1 =	vlt.s32 v3, v2;
	v3 =	vand.u32 $0x3FF, v4  }
0x333: {  	vm0 =	vmand vm0, vm1;
	v3 =	vor.u32 $0x190000, v3;
	v4 =	vadd.s32 v4, v5  }
0x334: {  	s13 =	sadd.s32 $0x20, s13;
	v3 =	vsel vm0, v4, v3  }
0x335: {  	[tilespmem:s13+$0xFFFFFFF0] =	vst v3  }
0x336: {  	v3 =	vld [tilespmem:s18+$0x0]  }
0x337: {  	v4 =	vld [tilespmem:s2+$0x0];
	_ =	sdelay $0x3  }
0x338: {  	v5 =	vsub.s32 v3, v1  }
.Ltmp10:
0x339: {  	v5 =	vmul.u32 $0x1400, v5;
	(pc) =	sbr.rel @p0 .LBB2_23-.Ltmp10, $4  }
0x33a: {  	vm0 =	vge.s32 v3, v1;
	vm1 =	vlt.s32 v3, v2;
	v3 =	vand.u32 $0x3FF, v4  }
0x33b: {  	vm0 =	vmand vm0, vm1;
	v3 =	vor.u32 $0x190000, v3;
	v4 =	vadd.s32 v4, v5  }
0x33c: {  	v3 =	vsel vm0, v4, v3  }
0x33d: {  	s18 =	sadd.s32 $0x20, s18;
	[tilespmem:s13+$0x0] =	vst v3  }
0x33e: {  	v3 =	vld [tilespmem:$0x7C0];
	_ =	sdelay $0x1  }
0x33f: {  	v4 =	vld [tilespmem:$0x1FC0];
	_ =	sdelay $0x2  }
0x340: {  	v5 =	vsub.s32 v3, v1  }
0x341: {  	v5 =	vmul.u32 $0x1400, v5  }
0x342: {  	vm0 =	vge.s32 v3, v1;
	vm1 =	vlt.s32 v3, v2;
	v1 =	vand.u32 $0x3FF, v4  }
0x343: {  	vm0 =	vmand vm0, vm1;
	v1 =	vor.u32 $0x190000, v1;
	v2 =	vadd.s32 v4, v5  }
0x344: {  	v1 =	vsel vm0, v2, v1  }
0x345: {  	[tilespmem:$0x4FC0] =	vst v1  }
0x346: {  	[spmem:s29] =	stream.indirect.scatter.add.f32 [tilespmem:s8], [sflag:$0x2], $0x1, s17, s16, $0xb8;
	[tilespmem:$0x1FCC0] =	vst v63  }
0x347: {  	_ =	swait.ge [sflag:s23], $0x7D0  }
0x348: {  	[sflag:s23] =	ssyncset.done $0x0  }
0x349: {  	[sflag:s23] =	ssyncadd.s32 $0xFFFFF830  }
0x34a: {  	_ =	swait.ge [sflag:s23], $0x7D0  }
0x34b: {  	s2 =	sld [smem:$0x7FC];
	_ =	sdelay $0x2  }
0x34c: {  	s30 =	sadd.s32 s2, s30  }
0x34d: {  	[sflag:s23] =	ssyncset.done $0x0;
	s2 =	sshrl.u32 s30, $0x3  }
0x34e: {  	[sflag:s23] =	ssyncadd.s32 $0xFFFFF830;
	s13 =	smul.u32 $0xA000, s2  }
0x34f: {  	s14 =	stileid.u32;
	_ =	swait.ge [sflag:s23], $0x7D0  }
0x350: {  	s19 =	sshrl.u32 s4, $0x3;
	[sflag:s23] =	ssyncset.done $0x0;
	s2 =	sor.u32 s6, s13  }
0x351: {  	s14 =	sshll.u32 s14, $0x6;
	[sflag:s23] =	ssyncadd.s32 $0xFFFFF830;
	s2 =	sshrl.u32 s2, $0x3  }
0x352: {  	[bflag:$0x0] =	sbarrier.arrive $0xFFFF;
	s18 =	sadd.s32 s5, s2;
	s2 =	sor.u32 $0x1C03, s14  }
0x353: {  	[hbm:s18@s25], [sflag:s2] =	dma.strided [spmem:s19@s26], $0x280, s11, $0x10   }
0x354: {  	s19 =	sor.u32 s31, s13;
	s18 =	sld [smem:$0x7D0]  }
0x355: {  	s14 =	sshrl.u32 s19, $0x3  }
0x356: {  	s14 =	sadd.s32 s5, s14  }
0x357: {  	[hbm:s14@s25], [sflag:s2] =	dma.strided [spmem:s18@s26], $0x280, s11, $0x10   }
0x358: {  	s14 =	sld [smem:$0x7FD];
	_ =	sdelay $0x2  }
0x359: {  	s18 =	sld [smem:$0x7D1];
	s14 =	sor.u32 s14, s13  }
0x35a: {  	s14 =	sshrl.u32 s14, $0x3  }
0x35b: {  	s14 =	sadd.s32 s5, s14  }
0x35c: {  	[hbm:s14@s25], [sflag:s2] =	dma.strided [spmem:s18@s26], $0x280, s11, $0x10   }
0x35d: {  	s18 =	sor.u32 s3, s13  }
0x35e: {  	s14 =	sshrl.u32 s18, $0x3;
	s18 =	sld [smem:$0x7D2];
	_ =	sdelay $0x1  }
0x35f: {  	s14 =	sadd.s32 s5, s14  }
0x360: {  	[hbm:s14@s25], [sflag:s2] =	dma.strided [spmem:s18@s26], $0x280, s11, $0x10   }
0x361: {  	s14 =	sadd.s32 $0x4, s30  }
0x362: {  	s19 =	sshrl.u32 s14, $0x3  }
0x363: {  	s14 =	sshll.u32 s14, $0x7;
	s18 =	smul.u32 $0xA000, s19  }
0x364: {  	s14 =	sand.u32 $0x200, s14  }
0x365: {  	s19 =	sld [smem:$0x7D3];
	s14 =	sor.u32 s14, s18  }
0x366: {  	s14 =	sshrl.u32 s14, $0x3  }
0x367: {  	s14 =	sadd.s32 s5, s14  }
0x368: {  	[hbm:s14@s25], [sflag:s2] =	dma.strided [spmem:s19@s26], $0x280, s11, $0x10   }
0x369: {  	s14 =	sadd.s32 $0x5, s30  }
0x36a: {  	s19 =	sshrl.u32 s14, $0x3  }
0x36b: {  	s14 =	sshll.u32 s14, $0x7;
	s18 =	smul.u32 $0xA000, s19  }
0x36c: {  	s14 =	sand.u32 $0x280, s14  }
0x36d: {  	s14 =	sor.u32 s14, s18  }
0x36e: {  	s14 =	sshrl.u32 s14, $0x3  }
0x36f: {  	s19 =	sshrl.u32 s0, $0x3;
	s14 =	sadd.s32 s5, s14  }
0x370: {  	[hbm:s14@s25], [sflag:s2] =	dma.strided [spmem:s19@s26], $0x280, s11, $0x10   }
0x371: {  	s14 =	sadd.s32 $0x6, s30  }
0x372: {  	s19 =	sshrl.u32 s14, $0x3  }
0x373: {  	s14 =	sshll.u32 s14, $0x7;
	s18 =	smul.u32 $0xA000, s19  }
0x374: {  	s14 =	sand.u32 $0x300, s14  }
0x375: {  	s19 =	sld [smem:$0x7D4];
	s14 =	sor.u32 s14, s18  }
0x376: {  	s14 =	sshrl.u32 s14, $0x3  }
0x377: {  	s14 =	sadd.s32 s5, s14  }
0x378: {  	[hbm:s14@s25], [sflag:s2] =	dma.strided [spmem:s19@s26], $0x280, s11, $0x10   }
0x379: {  	s14 =	sadd.s32 $0x7, s30  }
0x37a: {  	s19 =	sshrl.u32 s14, $0x3  }
0x37b: {  	s14 =	sshll.u32 s14, $0x7;
	s18 =	smul.u32 $0xA000, s19  }
0x37c: {  	s14 =	sand.u32 $0x380, s14;
	s19 =	sadd.s32 $0x8, s30  }
0x37d: {  	s14 =	sor.u32 s14, s18;
	s18 =	sshrl.u32 s19, $0x3;
	s19 =	sld [smem:$0x7D5]  }
0x37e: {  	s14 =	sshrl.u32 s14, $0x3  }
0x37f: {  	s18 =	smul.u32 $0xA000, s18;
	s14 =	sadd.s32 s5, s14  }
0x380: {  	[hbm:s14@s25], [sflag:s2] =	dma.strided [spmem:s19@s26], $0x280, s11, $0x10   }
0x381: {  	s19 =	sor.u32 s6, s18  }
0x382: {  	s14 =	sshrl.u32 s19, $0x3;
	s19 =	sld [smem:$0x7D6];
	_ =	sdelay $0x1  }
0x383: {  	s14 =	sadd.s32 s5, s14  }
0x384: {  	[hbm:s14@s25], [sflag:s2] =	dma.strided [spmem:s19@s26], $0x280, s11, $0x10   }
0x385: {  	s19 =	sor.u32 s31, s18  }
0x386: {  	s14 =	sshrl.u32 s19, $0x3;
	s19 =	sld [smem:$0x7D7];
	_ =	sdelay $0x1  }
0x387: {  	s14 =	sadd.s32 s5, s14  }
0x388: {  	[hbm:s14@s25], [sflag:s2] =	dma.strided [spmem:s19@s26], $0x280, s11, $0x10   }
0x389: {  	s14 =	sadd.s32 $0xA, s30  }
0x38a: {  	s19 =	sshrl.u32 s14, $0x3  }
0x38b: {  	s14 =	sshll.u32 s14, $0x7;
	s19 =	smul.u32 $0xA000, s19  }
0x38c: {  	s14 =	sand.u32 $0x300, s14  }
0x38d: {  	s14 =	sor.u32 s14, s19  }
0x38e: {  	s14 =	sshrl.u32 s14, $0x3  }
0x38f: {  	s19 =	sshrl.u32 s12, $0x3;
	s14 =	sadd.s32 s5, s14  }
0x390: {  	[hbm:s14@s25], [sflag:s2] =	dma.strided [spmem:s19@s26], $0x280, s11, $0x10   }
0x391: {  	s18 =	sor.u32 s3, s18;
	s19 =	sld [smem:$0x7D8]  }
0x392: {  	s14 =	sshrl.u32 s18, $0x3  }
0x393: {  	s14 =	sadd.s32 s5, s14  }
0x394: {  	[hbm:s14@s25], [sflag:s2] =	dma.strided [spmem:s19@s26], $0x280, s11, $0x10   }
0x395: {  	s14 =	sadd.s32 $0xC, s30  }
0x396: {  	s19 =	sshrl.u32 s14, $0x3  }
0x397: {  	s14 =	sshll.u32 s14, $0x7;
	s18 =	smul.u32 $0xA000, s19  }
0x398: {  	s14 =	sand.u32 $0x200, s14  }
0x399: {  	s19 =	sld [smem:$0x7D9];
	s14 =	sor.u32 s14, s18  }
0x39a: {  	s14 =	sshrl.u32 s14, $0x3  }
0x39b: {  	s14 =	sadd.s32 s5, s14  }
0x39c: {  	[hbm:s14@s25], [sflag:s2] =	dma.strided [spmem:s19@s26], $0x280, s11, $0x10   }
0x39d: {  	s14 =	sadd.s32 $0xD, s30  }
0x39e: {  	s19 =	sshrl.u32 s14, $0x3  }
0x39f: {  	s14 =	sshll.u32 s14, $0x7;
	s18 =	smul.u32 $0xA000, s19  }
0x3a0: {  	s14 =	sand.u32 $0x280, s14  }
0x3a1: {  	s19 =	sld [smem:$0x7DA];
	s14 =	sor.u32 s14, s18  }
0x3a2: {  	s14 =	sshrl.u32 s14, $0x3  }
0x3a3: {  	s14 =	sadd.s32 s5, s14  }
0x3a4: {  	[hbm:s14@s25], [sflag:s2] =	dma.strided [spmem:s19@s26], $0x280, s11, $0x10   }
0x3a5: {  	s14 =	sadd.s32 $0xE, s30  }
0x3a6: {  	s19 =	sshrl.u32 s14, $0x3  }
0x3a7: {  	s14 =	sshll.u32 s14, $0x7;
	s18 =	smul.u32 $0xA000, s19  }
0x3a8: {  	s14 =	sand.u32 $0x300, s14  }
0x3a9: {  	s19 =	sld [smem:$0x7DB];
	s14 =	sor.u32 s14, s18  }
0x3aa: {  	s14 =	sshrl.u32 s14, $0x3  }
0x3ab: {  	s14 =	sadd.s32 s5, s14  }
0x3ac: {  	[hbm:s14@s25], [sflag:s2] =	dma.strided [spmem:s19@s26], $0x280, s11, $0x10   }
0x3ad: {  	s14 =	sadd.s32 $0xF, s30  }
0x3ae: {  	s19 =	sshrl.u32 s14, $0x3  }
0x3af: {  	s14 =	sshll.u32 s14, $0x7;
	s18 =	smul.u32 $0xA000, s19  }
0x3b0: {  	s14 =	sand.u32 $0x380, s14  }
0x3b1: {  	s14 =	sor.u32 s14, s18  }
0x3b2: {  	s13 =	sadd.s32 $0x14000, s13;
	s14 =	sshrl.u32 s14, $0x3  }
0x3b3: {  	s19 =	sshrl.u32 s20, $0x3;
	s18 =	sor.u32 s6, s13;
	s14 =	sadd.s32 s5, s14  }
0x3b4: {  	[hbm:s14@s25], [sflag:s2] =	dma.strided [spmem:s19@s26], $0x280, s11, $0x10   }
0x3b5: {  	s14 =	sshrl.u32 s18, $0x3;
	s18 =	sld [smem:$0x7DC];
	_ =	sdelay $0x1  }
0x3b6: {  	s14 =	sadd.s32 s5, s14  }
0x3b7: {  	[hbm:s14@s25], [sflag:s2] =	dma.strided [spmem:s18@s26], $0x280, s11, $0x10   }
0x3b8: {  	s19 =	sor.u32 s31, s13;
	s18 =	sld [smem:$0x7DD]  }
0x3b9: {  	s30 =	sadd.s32 $0x12, s30;
	s14 =	sshrl.u32 s19, $0x3  }
0x3ba: {  	s19 =	sshrl.u32 s30, $0x3;
	s14 =	sadd.s32 s5, s14  }
0x3bb: {  	[hbm:s14@s25], [sflag:s2] =	dma.strided [spmem:s18@s26], $0x280, s11, $0x10   }
0x3bc: {  	s18 =	smul.u32 $0xA000, s19;
	s14 =	sshll.u32 s30, $0x7  }
0x3bd: {  	s14 =	sand.u32 $0x300, s14  }
0x3be: {  	s30 =	sld [smem:$0x7DE];
	s14 =	sor.u32 s14, s18  }
0x3bf: {  	s14 =	sshrl.u32 s14, $0x3  }
0x3c0: {  	s14 =	sadd.s32 s5, s14  }
0x3c1: {  	[hbm:s14@s25], [sflag:s2] =	dma.strided [spmem:s30@s26], $0x280, s11, $0x10   }
0x3c2: {  	s13 =	sor.u32 s3, s13;
	s14 =	sld [smem:$0x7DF]  }
0x3c3: {  	s13 =	sshrl.u32 s13, $0x3  }
0x3c4: {  	s13 =	sadd.s32 s5, s13  }
0x3c5: {  	[hbm:s13@s25], [sflag:s2] =	dma.strided [spmem:s14@s26], $0x280, s11, $0x10   }
0x3c6: {  	_ =	swait.ge [sflag:s10], $0x280  }
0x3c7: {  	[sflag:s10] =	ssyncset.done $0x0  }
0x3c8: {  	[sflag:s10] =	ssyncadd.s32 $0xFFFFFD80  }
0x3c9: {  	_ =	swait.ge [sflag:s10], $0x280  }
0x3ca: {  	[sflag:s10] =	ssyncset.done $0x0  }
0x3cb: {  	[sflag:s10] =	ssyncadd.s32 $0xFFFFFD80  }
0x3cc: {  	_ =	swait.ge [sflag:s10], $0x280  }
0x3cd: {  	[sflag:s10] =	ssyncset.done $0x0  }
0x3ce: {  	[sflag:s10] =	ssyncadd.s32 $0xFFFFFD80  }
0x3cf: {  	_ =	swait.ge [sflag:s10], $0x280  }
0x3d0: {  	[sflag:s10] =	ssyncset.done $0x0  }
0x3d1: {  	[sflag:s10] =	ssyncadd.s32 $0xFFFFFD80  }
0x3d2: {  	_ =	swait.ge [sflag:s10], $0x280  }
0x3d3: {  	[sflag:s10] =	ssyncset.done $0x0  }
0x3d4: {  	[sflag:s10] =	ssyncadd.s32 $0xFFFFFD80  }
0x3d5: {  	_ =	swait.ge [sflag:s10], $0x280  }
0x3d6: {  	[sflag:s10] =	ssyncset.done $0x0  }
0x3d7: {  	[sflag:s10] =	ssyncadd.s32 $0xFFFFFD80  }
0x3d8: {  	_ =	swait.ge [sflag:s10], $0x280  }
0x3d9: {  	[sflag:s10] =	ssyncset.done $0x0  }
0x3da: {  	[sflag:s10] =	ssyncadd.s32 $0xFFFFFD80  }
0x3db: {  	_ =	swait.ge [sflag:s10], $0x280  }
0x3dc: {  	[sflag:s10] =	ssyncset.done $0x0  }
0x3dd: {  	[sflag:s10] =	ssyncadd.s32 $0xFFFFFD80  }
0x3de: {  	_ =	swait.ge [sflag:s10], $0x280  }
0x3df: {  	[sflag:s10] =	ssyncset.done $0x0  }
0x3e0: {  	[sflag:s10] =	ssyncadd.s32 $0xFFFFFD80  }
0x3e1: {  	_ =	swait.ge [sflag:s10], $0x280  }
0x3e2: {  	[sflag:s10] =	ssyncset.done $0x0  }
0x3e3: {  	[sflag:s10] =	ssyncadd.s32 $0xFFFFFD80  }
0x3e4: {  	_ =	swait.ge [sflag:s10], $0x280  }
0x3e5: {  	[sflag:s10] =	ssyncset.done $0x0  }
0x3e6: {  	[sflag:s10] =	ssyncadd.s32 $0xFFFFFD80  }
0x3e7: {  	_ =	swait.ge [sflag:s10], $0x280  }
0x3e8: {  	[sflag:s10] =	ssyncset.done $0x0  }
0x3e9: {  	[sflag:s10] =	ssyncadd.s32 $0xFFFFFD80  }
0x3ea: {  	_ =	swait.ge [sflag:s10], $0x280  }
0x3eb: {  	[sflag:s10] =	ssyncset.done $0x0  }
0x3ec: {  	[sflag:s10] =	ssyncadd.s32 $0xFFFFFD80  }
0x3ed: {  	_ =	swait.ge [sflag:s10], $0x280  }
0x3ee: {  	[sflag:s10] =	ssyncset.done $0x0  }
0x3ef: {  	[sflag:s10] =	ssyncadd.s32 $0xFFFFFD80  }
0x3f0: {  	_ =	swait.ge [sflag:s10], $0x280  }
0x3f1: {  	[sflag:s10] =	ssyncset.done $0x0  }
0x3f2: {  	[sflag:s10] =	ssyncadd.s32 $0xFFFFFD80  }
0x3f3: {  	_ =	swait.ge [sflag:s10], $0x280  }
0x3f4: {  	[sflag:s10] =	ssyncset.done $0x0  }
0x3f5: {  	[sflag:s10] =	ssyncadd.s32 $0xFFFFFD80  }
0x3f6: {  	_ =	swait.ge [sflag:s10], $0x280  }
0x3f7: {  	[sflag:s10] =	ssyncset.done $0x0  }
0x3f8: {  	[sflag:s10] =	ssyncadd.s32 $0xFFFFFD80  }
0x3f9: {  	_ =	swait.ge [sflag:s10], $0x280  }
0x3fa: {  	[sflag:s10] =	ssyncset.done $0x0  }
0x3fb: {  	[sflag:s10] =	ssyncadd.s32 $0xFFFFFD80  }
0x3fc: {  	_ =	swait.ge [sflag:s10], $0x280  }
0x3fd: {  	s28 =	sadd.s32 $0x1, s28;
	[sflag:s10] =	ssyncset.done $0x0  }
0x3fe: {  	p0 =	sne.s32 s28, $0x8;
	[sflag:s10] =	ssyncadd.s32 $0xFFFFFD80  }
.Ltmp11:
0x3ff: {  	_ =	swait.ge [sflag:s10], $0x280;
	(pc) =	sbr.rel @p0 .LBB2_4-.Ltmp11, $4  }
0x400: {  	[sflag:s10] =	ssyncset.done $0x0  }
0x401: {  	[sflag:s10] =	ssyncadd.s32 $0xFFFFFD80  }
0x402: {  	[bflag:$0x0] =	sbarrier.arrive $0xFFFF  }
0x403: {  	s19 =	simm.s32 $0x800  }
0x404: {  	s13 =	sld [smem:$0x7CB]  }
0x405: {  	s2 =	sld [smem:$0x7CF];
	_ =	sdelay $0x1  }
0x406: {  	s13 =	sadd.s32 $0x1, s13  }
0x407: {  	p0 =	sne.s32 s13, s2  }
.Ltmp12:
0x408: {  	_ = 	snop;
	(pc) =	sbr.rel @p0 .LBB2_1-.Ltmp12, $1  }
0x409: {  	_ =	sdelay $0x3  }
0x40a: {  	_ =	sfence.sel $0x180000  }
0x40b: {  	[bflag:$0x0] =	sbarrier.arrive $0xFFFF  }
0x40c: {  	_ =	strace $0x90000047  }
0x40d: {  	s0 =	stileid.u32;
	[bflag:$0x2] =	sbarrier.arrive $0xFFFF  }
0x40e: {  	p0 =	sne.s32 s0, $0x0;
	s0 =	rddreg [dreg:$0x3]  }
0x40f: {  	s0 =	sadd.s32 @!p0 $0x100000, s0  }
0x410: {  	[sflag:s0] =	ssyncadd.tile.s32 @!p0 $0x1;
	_ =	shalt  }
.Lfunc_end2:
_tile_overlayer_lowered:
.L_overlay_start_2:
0x411: {  	(tag) =	ssettag $0x2  }
0x412: {  	s0 =	rddreg [dreg:$0x0];
	s2 =	stileid.u32  }
0x413: {  	s1 =	rddreg [dreg:$0x1];
	p0 =	sne.s32 s2, $0x0  }
0x414: {  	s3 =	rddreg [dreg:$0x2];
	[bflag:$0x3] =	sbarrier.arrive $0xFFFF;
	s2 =	simm.s32 @!p0 $0x1C04  }
0x415: {  	[timem:s3], [sflag:s2] =	dma.local @!p0 [hbm:s0], s1  }
0x416: {  	s0 =	simm.s32 @!p0 $0x4  }
0x417: {  	_ =	swait.ge @!p0 [sflag:s0], s1  }
0x418: {  	s1 =	ssub.s32 @!p0 $0x0, s1;
	[sflag:s0] =	ssyncset.done @!p0 $0x0  }
0x419: {  	[sflag:s0] =	ssyncadd.s32 @!p0 s1  }
0x41a: {  	[bflag:$0x3] =	sbarrier.arrive $0xFFFF  }
0x41b: {  	_ =	shalt  }

</sc_bundles>
